<compile_context>
chip_gen: v7x
topology: tpu7x:2x2x1
jax: 0.10.2.dev20260603
libtpu: 0.0.44.dev20260713+nightly
codegen_flags: <defaults>
</compile_context>

<pallas_src>
import math
from functools import partial

import jax
import jax.numpy as jnp
from jax import lax
from jax.experimental import pallas as pl
from jax.experimental.pallas import tpu as pltpu
from jax.experimental.pallas import tpu_sc as plsc

N_NODES = 10000
N_GRAPHS = 128
N_EDGES_IN = 160000
NUM_EMB = 64
NUM_HEADS = 2

NC, NS, LANES = 2, 16, 16
NW = NC * NS
NPAD = 10240
ROWS_W = NPAD // NW
EDGE_SLACK = 1280


def _sc_mesh():
    return plsc.VectorSubcoreMesh(core_axis_name="c", subcore_axis_name="s")


def _sc_params():
    return pltpu.CompilerParams(use_tc_tiling_on_sc=False,
                                needs_layout_passes=False)


def _zero_acc(acc, rows, width):
    z = jnp.zeros((LANES,), jnp.float32)

    @pl.loop(0, rows)
    def _(r):
        for f in range(width // LANES):
            acc[r, pl.ds(f * LANES, LANES)] = z


def _pipeline(ch, lo, hi, idx_streams, gath_streams, isems, gsems, compute):
    lo8 = (lo // 8) * 8
    nj = (hi - lo8 + ch - 1) // ch
    npair = (nj + 1) // 2

    def fire_idx(p, base):
        for arr, buf in idx_streams:
            pltpu.make_async_copy(arr.at[pl.ds(base, ch)], buf.at[p], isems[p]).start()

    def wait_idx(p):
        for arr, buf in idx_streams:
            pltpu.make_async_copy(arr.at[pl.ds(0, ch)], buf.at[p], isems[p]).wait()

    def fire_gath(p):
        for tab, ibuf, dbuf in gath_streams:
            pltpu.make_async_copy(tab.at[ibuf.at[p]], dbuf.at[p], gsems[p]).start()

    def wait_gath(p):
        for tab, ibuf, dbuf in gath_streams:
            pltpu.make_async_copy(tab.at[ibuf.at[p]], dbuf.at[p], gsems[p]).wait()

    fire_idx(0, lo8)
    wait_idx(0)
    fire_gath(0)
    fire_idx(1, lo8 + ch)

    @pl.loop(0, npair)
    def _(jj):
        b0 = lo8 + (2 * jj) * ch
        for p in (0, 1):
            base = b0 + p * ch
            wait_idx(1 - p)
            fire_gath(1 - p)
            wait_gath(p)
            compute(p, base, lo, hi)
            fire_idx(p, base + 2 * ch)

    wait_gath(0)
    wait_idx(1)


def _flush_scatter(acc, out_hbm, oon2d, fidx, fsem, base32, n32):
    pltpu.sync_copy(oon2d.at[pl.ds(base32, n32)], fidx)
    cps = [pltpu.make_async_copy(acc.at[pl.ds(t * 32, 32)],
                                 out_hbm.at[fidx.at[t]], fsem)
           for t in range(n32)]
    for cp in cps:
        cp.start()
    for cp in cps:
        cp.wait()


GEN_CH = 256


def _gen_msg_body(o_hbm, es_hbm, src_hbm, dst_hbm, eid_hbm, off_hbm, oon_hbm,
                  out_hbm, sidx, didx, eidx, off_v, fidx, gbuf, ebuf, acc,
                  si0, si1, sg0, sg1, fsem):
    c = lax.axis_index("c")
    s = lax.axis_index("s")
    w = c * NS + s
    row0 = w * ROWS_W

    _zero_acc(acc, ROWS_W, 64)
    pltpu.sync_copy(off_hbm, off_v)
    iota = lax.iota(jnp.int32, LANES)
    ovec = plsc.load_gather(off_v, [w + iota])

    def compute(p, base, lo, hi):
        @pl.loop(0, GEN_CH // LANES)
        def _(g):
            dvec = jnp.clip(didx[p, pl.ds(g * LANES, LANES)] - row0, 0, ROWS_W - 1)
            for i in range(LANES):
                r = g * LANES + i
                pos = base + r
                valid = jnp.logical_and(pos >= lo, pos < hi)
                m = jnp.broadcast_to(valid, (LANES,))
                rowv = jnp.broadcast_to(dvec[i], (LANES,))
                for f in range(4):
                    sl = pl.ds(f * LANES, LANES)
                    vv = jnp.maximum(gbuf[p, r, sl] + ebuf[p, r, sl], 0.0) + 1e-7
                    plsc.addupdate_scatter(acc, [rowv, iota + f * LANES], vv, mask=m)

    _pipeline(GEN_CH, ovec[0], ovec[1],
              [(src_hbm, sidx), (dst_hbm, didx), (eid_hbm, eidx)],
              [(o_hbm, sidx, gbuf), (es_hbm, eidx, ebuf)],
              (si0, si1), (sg0, sg1), compute)

    _flush_scatter(acc, out_hbm, oon_hbm, fidx, fsem, w * 10, 10)


@jax.jit
def _sc_gen_msg(o_pad, e_store, src_s, dst_s, eid_s, offs, oon2d):
    k = pl.kernel(
        _gen_msg_body,
        out_type=jax.ShapeDtypeStruct((NPAD, 64), jnp.float32),
        mesh=_sc_mesh(),
        compiler_params=_sc_params(),
        scratch_types=[
            pltpu.VMEM((2, GEN_CH), jnp.int32),
            pltpu.VMEM((2, GEN_CH), jnp.int32),
            pltpu.VMEM((2, GEN_CH), jnp.int32),
            pltpu.VMEM((48,), jnp.int32),
            pltpu.VMEM((10, 32), jnp.int32),
            pltpu.VMEM((2, GEN_CH, 64), jnp.float32),
            pltpu.VMEM((2, GEN_CH, 64), jnp.float32),
            pltpu.VMEM((ROWS_W, 64), jnp.float32),
            pltpu.SemaphoreType.DMA,
            pltpu.SemaphoreType.DMA,
            pltpu.SemaphoreType.DMA,
            pltpu.SemaphoreType.DMA,
            pltpu.SemaphoreType.DMA,
        ],
    )
    return k(o_pad, e_store, src_s, dst_s, eid_s, offs, oon2d)


BC_CH = 64
HALF_W = ROWS_W // 2


def _attn_body(dtab, stab, es_hbm, src_hbm, dst_hbm, eid_hbm, off_hbm, oon_hbm,
               out_hbm, sidx, didx, eidx, off_v, fidx, dgath, sgath, ebuf, acc,
               si0, si1, sg0, sg1, fsem):
    c = lax.axis_index("c")
    s = lax.axis_index("s")
    w = c * NS + s

    pltpu.sync_copy(off_hbm, off_v)
    iota = lax.iota(jnp.int32, LANES)

    for half in range(2):
        row0 = w * ROWS_W + half * HALF_W
        _zero_acc(acc, HALF_W, 272)
        ovec = plsc.load_gather(off_v, [2 * w + half + iota])

        def compute(p, base, lo, hi):
            @pl.loop(0, BC_CH // LANES)
            def _(g):
                dvec = jnp.clip(didx[p, pl.ds(g * LANES, LANES)] - row0, 0, HALF_W - 1)
                for i in range(LANES):
                    r = g * LANES + i
                    pos = base + r
                    valid = jnp.logical_and(pos >= lo, pos < hi)
                    m = jnp.broadcast_to(valid, (LANES,))
                    rowv = jnp.broadcast_to(dvec[i], (LANES,))
                    qk = [dgath[p, r, pl.ds(f * LANES, LANES)] for f in range(8)]
                    qe = [dgath[p, r, pl.ds(128 + f * LANES, LANES)] for f in range(8)]
                    kv = [sgath[p, r, pl.ds(f * LANES, LANES)] for f in range(8)]
                    vv = [sgath[p, r, pl.ds(128 + f * LANES, LANES)] for f in range(8)]
                    ev = [ebuf[p, r, pl.ds(f * LANES, LANES)] for f in range(4)]
                    svec = dgath[p, r, pl.ds(256, LANES)]
                    m0 = qk[0] * kv[0]
                    m1 = qk[4] * kv[4]
                    for f in range(1, 4):
                        m0 = m0 + qk[f] * kv[f]
                        m1 = m1 + qk[4 + f] * kv[4 + f]
                    for f in range(4):
                        m0 = m0 + qe[f] * ev[f]
                        m1 = m1 + qe[4 + f] * ev[f]
                    a0 = jnp.sum(m0) * 0.125 - svec[0]
                    a1 = jnp.sum(m1) * 0.125 - svec[1]
                    zb0 = jnp.exp(jnp.broadcast_to(a0, (LANES,)))
                    zb1 = jnp.exp(jnp.broadcast_to(a1, (LANES,)))
                    for f in range(4):
                        sl = iota + f * LANES
                        plsc.addupdate_scatter(acc, [rowv, sl], vv[f] * zb0, mask=m)
                        plsc.addupdate_scatter(acc, [rowv, sl + 64], vv[4 + f] * zb1, mask=m)
                        plsc.addupdate_scatter(acc, [rowv, sl + 128], ev[f] * zb0, mask=m)
                        plsc.addupdate_scatter(acc, [rowv, sl + 192], ev[f] * zb1, mask=m)
                    zrow = jnp.where(iota == 0, zb0, jnp.where(iota == 1, zb1, 0.0))
                    plsc.addupdate_scatter(acc, [rowv, iota + 256], zrow, mask=m)

        _pipeline(BC_CH, ovec[0], ovec[1],
                  [(src_hbm, sidx), (dst_hbm, didx), (eid_hbm, eidx)],
                  [(dtab, didx, dgath), (stab, sidx, sgath), (es_hbm, eidx, ebuf)],
                  (si0, si1), (sg0, sg1), compute)

        _flush_scatter(acc, out_hbm, oon_hbm, fidx, fsem, w * 10 + half * 5, 5)


@jax.jit
def _sc_attn(dtab, stab, e_store, src_s, dst_s, eid_s, offs64, oon2d):
    k = pl.kernel(
        _attn_body,
        out_type=jax.ShapeDtypeStruct((NPAD, 272), jnp.float32),
        mesh=_sc_mesh(),
        compiler_params=_sc_params(),
        scratch_types=[
            pltpu.VMEM((2, BC_CH), jnp.int32),
            pltpu.VMEM((2, BC_CH), jnp.int32),
            pltpu.VMEM((2, BC_CH), jnp.int32),
            pltpu.VMEM((80,), jnp.int32),
            pltpu.VMEM((5, 32), jnp.int32),
            pltpu.VMEM((2, BC_CH, 272), jnp.float32),
            pltpu.VMEM((2, BC_CH, 256), jnp.float32),
            pltpu.VMEM((2, BC_CH, 64), jnp.float32),
            pltpu.VMEM((HALF_W, 272), jnp.float32),
            pltpu.SemaphoreType.DMA,
            pltpu.SemaphoreType.DMA,
            pltpu.SemaphoreType.DMA,
            pltpu.SemaphoreType.DMA,
            pltpu.SemaphoreType.DMA,
        ],
    )
    return k(dtab, stab, e_store, src_s, dst_s, eid_s, offs64, oon2d)


LA_CH = 256


def _lattr_body(es_hbm, dst_hbm, eid_hbm, off_hbm, oon_hbm, out_hbm,
                didx, eidx, off_v, fidx, ebuf, acc, si0, si1, sg0, sg1, fsem):
    c = lax.axis_index("c")
    s = lax.axis_index("s")
    w = c * NS + s
    row0 = w * ROWS_W

    _zero_acc(acc, ROWS_W, 80)
    pltpu.sync_copy(off_hbm, off_v)
    iota = lax.iota(jnp.int32, LANES)
    ovec = plsc.load_gather(off_v, [w + iota])
    onerow = jnp.where(iota == 0, 1.0, 0.0)

    def compute(p, base, lo, hi):
        @pl.loop(0, LA_CH // LANES)
        def _(g):
            dvec = jnp.clip(didx[p, pl.ds(g * LANES, LANES)] - row0, 0, ROWS_W - 1)
            evec = eidx[p, pl.ds(g * LANES, LANES)]
            for i in range(LANES):
                r = g * LANES + i
                pos = base + r
                valid = jnp.logical_and(jnp.logical_and(pos >= lo, pos < hi),
                                        evec[i] <= N_EDGES_IN)
                m = jnp.broadcast_to(valid, (LANES,))
                rowv = jnp.broadcast_to(dvec[i], (LANES,))
                for f in range(4):
                    plsc.addupdate_scatter(acc, [rowv, iota + f * LANES],
                                           ebuf[p, r, pl.ds(f * LANES, LANES)], mask=m)
                plsc.addupdate_scatter(acc, [rowv, iota + 64], onerow, mask=m)

    _pipeline(LA_CH, ovec[0], ovec[1],
              [(dst_hbm, didx), (eid_hbm, eidx)],
              [(es_hbm, eidx, ebuf)],
              (si0, si1), (sg0, sg1), compute)

    _flush_scatter(acc, out_hbm, oon_hbm, fidx, fsem, w * 10, 10)


@jax.jit
def _sc_loop_attr(e_store, dst_s, eid_s, offs, oon2d):
    k = pl.kernel(
        _lattr_body,
        out_type=jax.ShapeDtypeStruct((NPAD, 80), jnp.float32),
        mesh=_sc_mesh(),
        compiler_params=_sc_params(),
        scratch_types=[
            pltpu.VMEM((2, LA_CH), jnp.int32),
            pltpu.VMEM((2, LA_CH), jnp.int32),
            pltpu.VMEM((48,), jnp.int32),
            pltpu.VMEM((10, 32), jnp.int32),
            pltpu.VMEM((2, LA_CH, 64), jnp.float32),
            pltpu.VMEM((ROWS_W, 80), jnp.float32),
            pltpu.SemaphoreType.DMA,
            pltpu.SemaphoreType.DMA,
            pltpu.SemaphoreType.DMA,
            pltpu.SemaphoreType.DMA,
            pltpu.SemaphoreType.DMA,
        ],
    )
    return k(e_store, dst_s, eid_s, offs, oon2d)


def _leaky(x):
    return jnp.where(x >= 0, x, 0.01 * x)


def _mlp3_body(a_ref, w1, b1, w2, b2, w3, b3, o_ref):
    a = a_ref[...]
    h = _leaky(jnp.dot(a, w1[...], preferred_element_type=jnp.float32) + b1[...])
    h = _leaky(jnp.dot(h, w2[...], preferred_element_type=jnp.float32) + b2[...])
    h = jnp.dot(h, w3[...], preferred_element_type=jnp.float32) + b3[...]
    o_ref[...] = h


def _mlp3(a, p, bm=2048):
    M, F = a.shape
    D = p["Ws"][2].shape[1]
    grid = (pl.cdiv(M, bm),)
    full = lambda shape: pl.BlockSpec(shape, lambda i: (0,) * len(shape))
    return pl.pallas_call(
        _mlp3_body,
        grid=grid,
        in_specs=[
            pl.BlockSpec((bm, F), lambda i: (i, 0)),
            full(p["Ws"][0].shape), full((1, p["bs"][0].shape[0])),
            full(p["Ws"][1].shape), full((1, p["bs"][1].shape[0])),
            full(p["Ws"][2].shape), full((1, p["bs"][2].shape[0])),
        ],
        out_specs=pl.BlockSpec((bm, D), lambda i: (i, 0)),
        out_shape=jax.ShapeDtypeStruct((M, D), jnp.float32),
    )(a, p["Ws"][0], p["bs"][0][None], p["Ws"][1], p["bs"][1][None],
      p["Ws"][2], p["bs"][2][None])


BM = 1024


def _full(shape):
    return pl.BlockSpec(shape, lambda i: (0,) * len(shape))


def _rows(width):
    return pl.BlockSpec((BM, width), lambda i: (i, 0))


def _t1_body(o_ref, agg_ref, la_ref, genW, genb, wqkvs, bqkvs, weT2, we,
             dtab_ref, stab_ref, skip_ref):
    o = o_ref[...]
    genout = jnp.dot(agg_ref[...] + o, genW[...],
                     preferred_element_type=jnp.float32) + genb[...]
    xc = jnp.concatenate([o, genout], axis=1)
    qkvs = jnp.dot(xc, wqkvs[...], preferred_element_type=jnp.float32) + bqkvs[...]
    q = qkvs[:, 0:128]
    k = qkvs[:, 128:256]
    vv = qkvs[:, 256:384]
    skip_ref[...] = qkvs[:, 384:512]
    qWe = jnp.dot(q, weT2[...], preferred_element_type=jnp.float32)
    elC = jnp.dot(la_ref[...], we[...], preferred_element_type=jnp.float32)
    kc = k + elC
    s0 = (q[:, :64] * kc[:, :64]).sum(axis=1, keepdims=True) * 0.125
    s1 = (q[:, 64:] * kc[:, 64:]).sum(axis=1, keepdims=True) * 0.125
    dtab_ref[...] = jnp.concatenate(
        [q, qWe, s0, s1, jnp.zeros((o.shape[0], 14), jnp.float32)], axis=1)
    stab_ref[...] = jnp.concatenate([k, vv], axis=1)


def _t1(o, agg, la_pad, p):
    wqkvs = jnp.concatenate([p["Wq"], p["Wk"], p["Wv"], p["Wsk"]], axis=1)
    bqkvs = jnp.concatenate([p["bq"], p["bk"], p["bv"], p["bsk"]])[None]
    z64 = jnp.zeros((64, 64), jnp.float32)
    weT2 = jnp.concatenate([
        jnp.concatenate([p["We"][:, :64].T, z64], axis=1),
        jnp.concatenate([z64, p["We"][:, 64:].T], axis=1)], axis=0)
    return pl.pallas_call(
        _t1_body,
        grid=(NPAD // BM,),
        in_specs=[_rows(64), _rows(64), _rows(64),
                  _full((64, 64)), _full((1, 64)), _full((128, 512)),
                  _full((1, 512)), _full((128, 128)), _full((64, 128))],
        out_specs=[_rows(272), _rows(256), _rows(128)],
        out_shape=[jax.ShapeDtypeStruct((NPAD, 272), jnp.float32),
                   jax.ShapeDtypeStruct((NPAD, 256), jnp.float32),
                   jax.ShapeDtypeStruct((NPAD, 128), jnp.float32)],
    )(o, agg, la_pad, p["gen_W"], p["gen_b"][None], wqkvs, bqkvs, weT2, p["We"])


def _t2_body(acc_ref, skip_ref, o_ref, we0, we1, linW, linb, pt_ref,
             y_ref, stats_ref):
    i = pl.program_id(0)
    a = acc_ref[...]
    out0 = (a[:, 0:64] + jnp.dot(a[:, 128:192], we0[...],
                                 preferred_element_type=jnp.float32)) / a[:, 256:257]
    out1 = (a[:, 64:128] + jnp.dot(a[:, 192:256], we1[...],
                                   preferred_element_type=jnp.float32)) / a[:, 257:258]
    t = jnp.concatenate([out0, out1], axis=1) + skip_ref[...]
    y = o_ref[...] + jnp.dot(t, linW[...], preferred_element_type=jnp.float32) + linb[...]
    y_ref[...] = y
    yy = jnp.concatenate([y, y * y, jnp.ones((y.shape[0], 16), jnp.float32)], axis=1)
    st = jnp.dot(pt_ref[...], yy, preferred_element_type=jnp.float32)

    @pl.when(i == 0)
    def _():
        stats_ref[...] = jnp.zeros_like(stats_ref)

    stats_ref[...] += st


def _t2(accA, skip, o, pt, p):
    return pl.pallas_call(
        _t2_body,
        grid=(NPAD // BM,),
        in_specs=[_rows(272), _rows(128), _rows(64),
                  _full((64, 64)), _full((64, 64)), _full((128, 64)),
                  _full((1, 64)), pl.BlockSpec((128, BM), lambda i: (0, i))],
        out_specs=[_rows(64), _full((128, 144))],
        out_shape=[jax.ShapeDtypeStruct((NPAD, 64), jnp.float32),
                   jax.ShapeDtypeStruct((128, 144), jnp.float32)],
    )(accA, skip, o, p["We"][:, :64], p["We"][:, 64:], p["lin_W"],
      p["lin_b"][None], pt)


def _stats_to_mi(stats, eps=1e-5):
    s1 = stats[:, 0:64].sum(axis=1)
    s2 = stats[:, 64:128].sum(axis=1)
    cnt = stats[:, 128]
    norm = jnp.maximum(cnt, 1.0) * 64.0
    mean = s1 / norm
    var = s2 / norm - mean * mean
    inv = 1.0 / jnp.sqrt(var + eps)
    z = jnp.zeros((128, 126), jnp.float32)
    return jnp.concatenate([mean[:, None], inv[:, None], z], axis=1)


def _t3_body(y_ref, stats_ref, pb_ref, pt_ref, w1, b1, w2, b2,
             y2_ref, stats2_ref):
    i = pl.program_id(0)
    mi = jnp.dot(pb_ref[...], _stats_to_mi(stats_ref[...]),
                 preferred_element_type=jnp.float32)
    o1 = (y_ref[...] - mi[:, 0:1]) * mi[:, 1:2]
    h = _leaky(jnp.dot(o1, w1[...], preferred_element_type=jnp.float32) + b1[...])
    y2 = o1 + jnp.dot(h, w2[...], preferred_element_type=jnp.float32) + b2[...]
    y2_ref[...] = y2
    yy = jnp.concatenate([y2, y2 * y2, jnp.ones((y2.shape[0], 16), jnp.float32)], axis=1)
    st = jnp.dot(pt_ref[...], yy, preferred_element_type=jnp.float32)

    @pl.when(i == 0)
    def _():
        stats2_ref[...] = jnp.zeros_like(stats2_ref)

    stats2_ref[...] += st


def _t3(y, stats, pmat, pt, p):
    return pl.pallas_call(
        _t3_body,
        grid=(NPAD // BM,),
        in_specs=[_rows(64), _full((128, 144)), _rows(128),
                  pl.BlockSpec((128, BM), lambda i: (0, i)),
                  _full((64, 256)), _full((1, 256)), _full((256, 64)),
                  _full((1, 64))],
        out_specs=[_rows(64), _full((128, 144))],
        out_shape=[jax.ShapeDtypeStruct((NPAD, 64), jnp.float32),
                   jax.ShapeDtypeStruct((128, 144), jnp.float32)],
    )(y, stats, pmat, pt, p["ff"]["Ws"][0], p["ff"]["bs"][0][None],
      p["ff"]["Ws"][1], p["ff"]["bs"][1][None])


def _t4_body(y2_ref, stats_ref, pb_ref, o_ref):
    mi = jnp.dot(pb_ref[...], _stats_to_mi(stats_ref[...]),
                 preferred_element_type=jnp.float32)
    o_ref[...] = (y2_ref[...] - mi[:, 0:1]) * mi[:, 1:2]


def _t4(y2, stats2, pmat):
    return pl.pallas_call(
        _t4_body,
        grid=(NPAD // BM,),
        in_specs=[_rows(64), _full((128, 144)), _rows(128)],
        out_specs=_rows(64),
        out_shape=jax.ShapeDtypeStruct((NPAD, 64), jnp.float32),
    )(y2, stats2, pmat)


def _tfa_body(o_ref, cr_ref, pt_ref, m_ref):
    i = pl.program_id(0)
    yy = jnp.concatenate([o_ref[...], cr_ref[...]], axis=1)
    st = jnp.dot(pt_ref[...], yy, preferred_element_type=jnp.float32)

    @pl.when(i == 0)
    def _():
        m_ref[...] = jnp.zeros_like(m_ref)

    m_ref[...] += st


def _tfa(o, colreal, pt):
    return pl.pallas_call(
        _tfa_body,
        grid=(NPAD // BM,),
        in_specs=[_rows(64), _rows(16), pl.BlockSpec((128, BM), lambda i: (0, i))],
        out_specs=_full((128, 80)),
        out_shape=jax.ShapeDtypeStruct((128, 80), jnp.float32),
    )(o, colreal, pt)


def _tfb_body(m_ref, ov_ref, c_ref, glob_ref):
    m = m_ref[...]
    ov = ov_ref[...]
    gmp = (m[:, 0:64] - ov) / jnp.maximum(m[:, 64:65], 1.0)
    glob_ref[...] = jnp.concatenate([gmp, ov, c_ref[...]], axis=1)


def _tfb(m, o_virt, c):
    return pl.pallas_call(
        _tfb_body,
        grid=(1,),
        in_specs=[_full((128, 80)), _full((128, 64)), _full((128, 64))],
        out_specs=_full((128, 192)),
        out_shape=jax.ShapeDtypeStruct((128, 192), jnp.float32),
    )(m, o_virt, c)


def _tfc_body(o_ref, pb_ref, c_ref, out_ref):
    cb = jnp.dot(pb_ref[...], c_ref[...], preferred_element_type=jnp.float32)
    out_ref[...] = jnp.concatenate([o_ref[...], cb], axis=1)


def _tfc(o, pmat, c, n):
    bm = 1000
    return pl.pallas_call(
        _tfc_body,
        grid=(n // bm,),
        in_specs=[pl.BlockSpec((bm, 64), lambda i: (i, 0)),
                  pl.BlockSpec((bm, 128), lambda i: (i, 0)),
                  _full((128, 64))],
        out_specs=pl.BlockSpec((bm, 128), lambda i: (i, 0)),
        out_shape=jax.ShapeDtypeStruct((n, 128), jnp.float32),
    )(o, pmat, c)


def _ldiv_body(la_ref, out_ref):
    la = la_ref[...]
    out_ref[...] = la[:, 0:64] / jnp.maximum(la[:, 64:65], 1.0)


def _ldiv(la):
    return pl.pallas_call(
        _ldiv_body,
        grid=(NPAD // BM,),
        in_specs=[_rows(80)],
        out_specs=_rows(64),
        out_shape=jax.ShapeDtypeStruct((NPAD, 64), jnp.float32),
    )(la)


def kernel(x, edge_index, edge_attr, batch, cond, params):
    N, G = x.shape[0], cond.shape[0]
    o = _mlp3(x, params["x2h"])
    e = _mlp3(edge_attr, params["e2h"])
    c = _mlp3(cond, params["c2h"], bm=128)

    u = jnp.arange(N, dtype=edge_index.dtype)
    v = batch.astype(edge_index.dtype) + N
    n_total = N + G
    NE = edge_index.shape[1]
    o = jnp.concatenate([o, c,
                         jnp.zeros((NPAD - n_total, 64), jnp.float32)], axis=0)

    rn = jnp.arange(NPAD)
    batch_pad = jnp.concatenate([
        batch.astype(jnp.int32), jnp.arange(G, dtype=jnp.int32),
        jnp.zeros((NPAD - n_total,), jnp.int32)])
    pmat = ((batch_pad[:, None] == jnp.arange(G, dtype=jnp.int32)[None, :])
            & (rn[:, None] < n_total)).astype(jnp.float32)
    pt = pmat.T
    colreal = ((rn[:, None] < N)
               & (jnp.arange(16)[None, :] == 0)).astype(jnp.float32)

    ar_n = jnp.arange(N, dtype=jnp.int32)
    new_of_old = jnp.concatenate([ar_n + 1 + ar_n // 79,
                                  80 * jnp.arange(G, dtype=jnp.int32)])
    arr = jnp.full((NPAD,), -1, jnp.int32).at[new_of_old].set(
        jnp.arange(n_total, dtype=jnp.int32))
    unused = arr < 0
    old_of_new = jnp.where(unused,
                           n_total + jnp.cumsum(unused.astype(jnp.int32)) - 1,
                           arr)
    oon2d = old_of_new.reshape(NPAD // 32, 32)

    def _sortset(srcs, dsts, eids, grans):
        E = dsts.shape[0]
        E_pad = 128 * pl.cdiv(E, 128) + EDGE_SLACK
        pad_e = E_pad - E
        d32 = dsts.astype(jnp.int32)
        dstsN = jnp.where(d32 < N_NODES, d32 + 1 + d32 // 79,
                          80 * (d32 - N_NODES))
        perm = jnp.argsort(dstsN)

        def _padi(a):
            return jnp.concatenate([a.astype(jnp.int32),
                                    jnp.zeros((pad_e,), jnp.int32)])

        dst_sorted = dstsN[perm]
        offlist = []
        for gran in grans:
            nb = NPAD // gran
            offs = jnp.searchsorted(dst_sorted,
                                    jnp.arange(nb + 1, dtype=jnp.int32) * gran)
            npadofs = 16 * pl.cdiv(nb + 16, 16)
            offlist.append(jnp.concatenate([
                offs.astype(jnp.int32),
                jnp.full((npadofs - nb - 1,), E, jnp.int32)]))
        src_p = _padi(srcs[perm]) if srcs is not None else None
        return src_p, _padi(dst_sorted), _padi(eids[perm]), offlist

    src0 = jnp.concatenate([edge_index[0], u, v])
    dst0 = jnp.concatenate([edge_index[1], v, u])
    eid0 = jnp.concatenate([jnp.arange(NE, dtype=jnp.int32),
                            jnp.full((2 * N,), NE, jnp.int32)])
    sl = jnp.arange(n_total, dtype=edge_index.dtype)
    aug_src = jnp.concatenate([src0, sl])
    aug_dst = jnp.concatenate([dst0, sl])
    eid = jnp.concatenate([eid0, NE + 1 + jnp.arange(n_total, dtype=jnp.int32)])
    src_s, dst_s, eid_s, (offs, offs64) = _sortset(aug_src, aug_dst, eid,
                                                   [ROWS_W, HALF_W])

    e_p_row = jnp.zeros((1, 64), jnp.float32).at[0, 0].set(1.0)
    e_store0 = jnp.concatenate([e, e_p_row,
                                jnp.zeros((n_total + 7, 64), jnp.float32)])
    la = _sc_loop_attr(e_store0, dst_s, eid_s, offs, oon2d)
    loop_attr = _ldiv(la)
    e_store = lax.dynamic_update_slice(e_store0, loop_attr[:n_total], (NE + 1, 0))

    for p in params["layers"]:
        agg = _sc_gen_msg(o, e_store, src_s, dst_s, eid_s, offs, oon2d)
        dtab, stab, skip = _t1(o, agg, loop_attr, p)
        accA = _sc_attn(dtab, stab, e_store, src_s, dst_s, eid_s, offs64, oon2d)
        y, stats = _t2(accA, skip, o, pt, p)
        y2, stats2 = _t3(y, stats, pmat, pt, p)
        o = _t4(y2, stats2, pmat)

    m = _tfa(o, colreal, pt)
    o_virt = o[N:N + G]
    glob = _tfb(m, o_virt, c)
    o_final = _tfc(o, pmat, c, N)
    return (o_final, glob)

# --- scband reference (transcript-rebuilt; emitter-appended) ---
"""Pipeline reference for scband-graph-transformer-8650064134632 (READ-ONLY COPY).

The authoritative reference and input builder live on the scoring server;
editing this copy changes nothing except your own understanding.
"""

import jax, jax.numpy as jnp
import numpy as np
import math

N_NODES = 10000
N_EDGES = 160000
N_GRAPHS = 128
X_DIM = 128
E_DIM = 16
G_DIM = 32
NUM_EMB = 64
NUM_LAYERS = 3
NUM_HEADS = 2


def _lin_init(key, fin, fout):
    k1, k2 = jax.random.split(key)
    lim = 1.0 / math.sqrt(fin)
    W = jax.random.uniform(k1, (fin, fout), minval=-lim, maxval=lim, dtype=jnp.float32)
    b = jax.random.uniform(k2, (fout,), minval=-lim, maxval=lim, dtype=jnp.float32)
    return W, b


def _make_mlp(key, dims):
    Ws, bs = [], []
    for i in range(len(dims) - 1):
        key, sub = jax.random.split(key)
        W, b = _lin_init(sub, dims[i], dims[i + 1])
        Ws.append(W)
        bs.append(b)
    return {"Ws": Ws, "bs": bs}


def make_params(key):
    keys = jax.random.split(key, 4)
    params = {
        "x2h": _make_mlp(keys[0], [X_DIM, NUM_EMB, NUM_EMB, NUM_EMB]),
        "e2h": _make_mlp(keys[1], [E_DIM, NUM_EMB, NUM_EMB, NUM_EMB]),
        "c2h": _make_mlp(keys[2], [G_DIM, NUM_EMB, NUM_EMB, NUM_EMB]),
        "layers": [],
    }
    lk = keys[3]
    for _ in range(NUM_LAYERS):
        lk, k1, k2, k3, k4, k5, k6, k7, k8 = jax.random.split(lk, 9)
        gen_W, gen_b = _lin_init(k1, NUM_EMB, NUM_EMB)
        Wq, bq = _lin_init(k2, 2 * NUM_EMB, NUM_HEADS * NUM_EMB)
        Wk, bk = _lin_init(k3, 2 * NUM_EMB, NUM_HEADS * NUM_EMB)
        Wv, bv = _lin_init(k4, 2 * NUM_EMB, NUM_HEADS * NUM_EMB)
        We, _ = _lin_init(k5, NUM_EMB, NUM_HEADS * NUM_EMB)  # lin_edge has no bias
        Wsk, bsk = _lin_init(k6, 2 * NUM_EMB, NUM_HEADS * NUM_EMB)
        lin_W, lin_b = _lin_init(k7, NUM_HEADS * NUM_EMB, NUM_EMB)
        ff = _make_mlp(k8, [NUM_EMB, 4 * NUM_EMB, NUM_EMB])
        params["layers"].append({"gen_W": gen_W, "gen_b": gen_b, "Wq": Wq, "bq": bq,
                                 "Wk": Wk, "bk": bk, "Wv": Wv, "bv": bv, "We": We,
                                 "Wsk": Wsk, "bsk": bsk, "lin_W": lin_W, "lin_b": lin_b,
                                 "ff": ff})
    return params


def leaky_relu(x):
    return jnp.where(x >= 0, x, 0.01 * x)


def mlp_apply(x, p):
    n = len(p["Ws"])
    for i in range(n):
        x = x @ p["Ws"][i] + p["bs"][i]
        if i < n - 1:
            x = leaky_relu(x)
    return x


def graph_layer_norm(x, batch, num_graphs, eps=1e-5):
    # torch_geometric.nn.LayerNorm(mode='graph', affine=False)
    cnt = jax.ops.segment_sum(jnp.ones((x.shape[0],), jnp.float32), batch, num_graphs)
    norm = jnp.clip(cnt, 1.0, None) * x.shape[1]
    mean = jax.ops.segment_sum(x, batch, num_graphs).sum(axis=-1) / norm
    x = x - mean[batch][:, None]
    var = jax.ops.segment_sum(x * x, batch, num_graphs).sum(axis=-1) / norm
    return x / jnp.sqrt(var + eps)[batch][:, None]


def gen_conv(o, src, dst, e, p, n_total):
    # GENConv(aggr='add', norm=None, num_layers=1): msg = relu(x_j + e) + eps; out = Linear(agg + x)
    msg = jax.nn.relu(o[src] + e) + 1e-7
    agg = jax.ops.segment_sum(msg, dst, n_total)
    return (agg + o) @ p["gen_W"] + p["gen_b"]


def transformer_conv(x, src, dst, e, p, n_total):
    H, C = NUM_HEADS, NUM_EMB
    q = (x @ p["Wq"] + p["bq"]).reshape(-1, H, C)
    k = (x @ p["Wk"] + p["bk"]).reshape(-1, H, C)
    v = (x @ p["Wv"] + p["bv"]).reshape(-1, H, C)
    ee = (e @ p["We"]).reshape(-1, H, C)
    k_j = k[src] + ee
    v_j = v[src] + ee
    alpha = (q[dst] * k_j).sum(axis=-1) / math.sqrt(C)  # [E, H]
    amax = jax.ops.segment_max(alpha, dst, n_total)
    amax = jnp.where(jnp.isfinite(amax), amax, 0.0)
    ae = jnp.exp(alpha - amax[dst])
    asum = jax.ops.segment_sum(ae, dst, n_total)
    alpha = ae / (asum[dst] + 1e-16)
    out = jax.ops.segment_sum(v_j * alpha[..., None], dst, n_total).reshape(-1, H * C)
    return out + (x @ p["Wsk"] + p["bsk"])  # root_weight skip


def forward(x, edge_index, edge_attr, batch, cond, params):
    N, G = x.shape[0], cond.shape[0]
    o = mlp_apply(x, params["x2h"])
    e = mlp_apply(edge_attr, params["e2h"])
    c = mlp_apply(cond, params["c2h"])
    u = jnp.arange(N, dtype=edge_index.dtype)
    v = batch.astype(edge_index.dtype) + N
    aug_src = jnp.concatenate([edge_index[0], u, v])
    aug_dst = jnp.concatenate([edge_index[1], v, u])
    e_p = jnp.zeros((2 * N, e.shape[1]), jnp.float32).at[:, 0].set(1.0)
    aug_e = jnp.concatenate([e, e_p], axis=0)
    n_total = N + G
    # add_self_loops with fill_value='mean' (mean of incoming edge_attr per node)
    cnt = jax.ops.segment_sum(jnp.ones((aug_dst.shape[0],), jnp.float32), aug_dst, n_total)
    loop_attr = jax.ops.segment_sum(aug_e, aug_dst, n_total) / jnp.clip(cnt, 1.0, None)[:, None]
    sl = jnp.arange(n_total, dtype=edge_index.dtype)
    aug_src = jnp.concatenate([aug_src, sl])
    aug_dst = jnp.concatenate([aug_dst, sl])
    aug_e = jnp.concatenate([aug_e, loop_attr], axis=0)
    aug_batch = jnp.concatenate([batch, jnp.arange(G, dtype=batch.dtype)])
    o = jnp.concatenate([o, c], axis=0)
    for p in params["layers"]:
        agg = gen_conv(o, aug_src, aug_dst, aug_e, p, n_total)
        t = transformer_conv(jnp.concatenate([o, agg], axis=1), aug_src, aug_dst, aug_e, p, n_total)
        o = graph_layer_norm(o + (t @ p["lin_W"] + p["lin_b"]), aug_batch, G)
        o = graph_layer_norm(o + mlp_apply(o, p["ff"]), aug_batch, G)
    node_cnt = jax.ops.segment_sum(jnp.ones((N,), jnp.float32), batch, G)
    gmp = jax.ops.segment_sum(o[:N], batch, G) / jnp.clip(node_cnt, 1.0, None)[:, None]
    glob = jnp.concatenate([gmp, o[N:], c], axis=1)
    o_final = jnp.concatenate([o[:N], c[batch]], axis=1)
    return (o_final, glob)


def setup_inputs(seed: int = 0):
    key = jax.random.key(seed)
    ks = jax.random.split(key, 6)
    x = jax.random.normal(ks[0], (N_NODES, X_DIM), dtype=jnp.float32)
    edge_index = jax.random.randint(ks[1], (2, N_EDGES), 0, N_NODES)
    edge_attr = jax.random.normal(ks[2], (N_EDGES, E_DIM), dtype=jnp.float32)
    batch = jnp.sort(jax.random.randint(ks[3], (N_NODES,), 0, N_GRAPHS))
    cond = jax.random.normal(ks[4], (N_GRAPHS, G_DIM), dtype=jnp.float32)
    params = make_params(ks[5])
    return {"x": x, "edge_index": edge_index, "edge_attr": edge_attr,
            "batch": batch, "cond": cond, "params": params}


def reference(x, edge_index, edge_attr, batch, cond, params):
    return forward(x, edge_index, edge_attr, batch, cond, params)

if __name__ == "__main__":
    import jax
    _d = setup_inputs()
    print(jax.jit(kernel)(*tuple(_d.values())))

</pallas_src>

<mosaic_0001>
#map = affine_map<(d0, d1) -> (0, 0)>
#map1 = affine_map<(d0, d1) -> (0)>
module attributes {stable_mosaic.version = 14 : i64} {
  func.func @_lattr_body(%arg0: i32, %arg1: i32, %arg2: memref<170136x64xf32, #tpu.memory_space<hbm>>, %arg3: memref<191488xi32, #tpu.memory_space<hbm>>, %arg4: memref<191488xi32, #tpu.memory_space<hbm>>, %arg5: memref<48xi32, #tpu.memory_space<hbm>>, %arg6: memref<320x32xi32, #tpu.memory_space<hbm>>, %arg7: memref<10240x80xf32, #tpu.memory_space<hbm>>, %arg8: memref<2x256xi32, #tpu.memory_space<vmem>>, %arg9: memref<2x256xi32, #tpu.memory_space<vmem>>, %arg10: memref<48xi32, #tpu.memory_space<vmem>>, %arg11: memref<10x32xi32, #tpu.memory_space<vmem>>, %arg12: memref<2x256x64xf32, #tpu.memory_space<vmem>>, %arg13: memref<320x80xf32, #tpu.memory_space<vmem>>, %arg14: memref<!tpu.dma_semaphore, #tpu.memory_space<semaphore_mem>>, %arg15: memref<!tpu.dma_semaphore, #tpu.memory_space<semaphore_mem>>, %arg16: memref<!tpu.dma_semaphore, #tpu.memory_space<semaphore_mem>>, %arg17: memref<!tpu.dma_semaphore, #tpu.memory_space<semaphore_mem>>, %arg18: memref<!tpu.dma_semaphore, #tpu.memory_space<semaphore_mem>>) attributes {dimension_semantics = [#tpu.dimension_semantics<core_parallel>, #tpu.dimension_semantics<subcore_parallel>], iteration_bounds = array<i64: 2, 16>, scalar_prefetch = 0 : i64, scratch_operands = 11 : i64, tpu.core_type = #tpu.core_type<sc_vector_subcore>, window_params = [{transform_indices = #map}, {transform_indices = #map1}, {transform_indices = #map1}, {transform_indices = #map1}, {transform_indices = #map}, {transform_indices = #map}]} {
    %mul3A = arith.constant 16 : i32
    %mul3A_0 = arith.muli %arg0, %mul3A : i32
    %add3A = arith.addi %mul3A_0, %arg1 : i32
    %mul3A_1 = arith.constant 320 : i32
    %mul3A_2 = arith.muli %add3A, %mul3A_1 : i32
    %broadcast_in_dim3A = arith.constant 0.000000e+00 : f32
    %broadcast_in_dim3A_3 = vector.broadcast %broadcast_in_dim3A : f32 to vector<16xf32>
    %scan3A = arith.constant 0 : i32
    %scan3A_4 = arith.constant 320 : i32
    %scan3A_5 = arith.addi %scan3A, %scan3A_4 : i32
    %scan3A_6 = arith.constant 1 : i32
    scf.for %scan3A_416 = %scan3A to %scan3A_5 step %scan3A_6  : i32 {
      %mul3A_417 = arith.constant 1 : i32
      %mul3A_418 = arith.muli %scan3A_416, %mul3A_417 : i32
      %add3A_419 = arith.constant 0 : i32
      %add3A_420 = arith.addi %add3A_419, %mul3A_418 : i32
      %swap3A = arith.index_cast %add3A_420 : i32 to index
      %swap3A_421 = arith.constant 0 : index
      %swap3A_422 = tpu.vector_load %arg13[%swap3A, %swap3A_421] {strides = array<i32>} : memref<320x80xf32, #tpu.memory_space<vmem>>, vector<16xf32>,
      tpu.vector_store %arg13[%swap3A, %swap3A_421], %broadcast_in_dim3A_3 {strides = array<i32>} : memref<320x80xf32, #tpu.memory_space<vmem>>, vector<16xf32>,
      %swap3A_423 = arith.index_cast %add3A_420 : i32 to index
      %swap3A_424 = arith.constant 16 : index
      %swap3A_425 = tpu.vector_load %arg13[%swap3A_423, %swap3A_424] {strides = array<i32>} : memref<320x80xf32, #tpu.memory_space<vmem>>, vector<16xf32>,
      tpu.vector_store %arg13[%swap3A_423, %swap3A_424], %broadcast_in_dim3A_3 {strides = array<i32>} : memref<320x80xf32, #tpu.memory_space<vmem>>, vector<16xf32>,
      %swap3A_426 = arith.index_cast %add3A_420 : i32 to index
      %swap3A_427 = arith.constant 32 : index
      %swap3A_428 = tpu.vector_load %arg13[%swap3A_426, %swap3A_427] {strides = array<i32>} : memref<320x80xf32, #tpu.memory_space<vmem>>, vector<16xf32>,
      tpu.vector_store %arg13[%swap3A_426, %swap3A_427], %broadcast_in_dim3A_3 {strides = array<i32>} : memref<320x80xf32, #tpu.memory_space<vmem>>, vector<16xf32>,
      %swap3A_429 = arith.index_cast %add3A_420 : i32 to index
      %swap3A_430 = arith.constant 48 : index
      %swap3A_431 = tpu.vector_load %arg13[%swap3A_429, %swap3A_430] {strides = array<i32>} : memref<320x80xf32, #tpu.memory_space<vmem>>, vector<16xf32>,
      tpu.vector_store %arg13[%swap3A_429, %swap3A_430], %broadcast_in_dim3A_3 {strides = array<i32>} : memref<320x80xf32, #tpu.memory_space<vmem>>, vector<16xf32>,
      %swap3A_432 = arith.index_cast %add3A_420 : i32 to index
      %swap3A_433 = arith.constant 64 : index
      %swap3A_434 = tpu.vector_load %arg13[%swap3A_432, %swap3A_433] {strides = array<i32>} : memref<320x80xf32, #tpu.memory_space<vmem>>, vector<16xf32>,
      tpu.vector_store %arg13[%swap3A_432, %swap3A_433], %broadcast_in_dim3A_3 {strides = array<i32>} : memref<320x80xf32, #tpu.memory_space<vmem>>, vector<16xf32>,
    }
    %scan3A_7 = arith.constant 320 : i32
    "tpu.region"() ({
      %run_scoped3A = tpu.sem_alloc : memref<!tpu.dma_semaphore, #tpu.memory_space<semaphore_mem>>
      tpu.enqueue_dma source(%arg5 : memref<48xi32, #tpu.memory_space<hbm>>) target(%arg10 : memref<48xi32, #tpu.memory_space<vmem>>) target_semaphore(%run_scoped3A : memref<!tpu.dma_semaphore, #tpu.memory_space<semaphore_mem>>)
      tpu.wait_dma2 semaphore(%run_scoped3A : memref<!tpu.dma_semaphore, #tpu.memory_space<semaphore_mem>>) src(%arg5 : memref<48xi32, #tpu.memory_space<hbm>>) dst(%arg10 : memref<48xi32, #tpu.memory_space<vmem>>)
      tpu.yield
    }) : () -> ()
    %iota3A = tpu.iota {dimensions = array<i32: 0>} : vector<16xi32>
    %add3A_8 = vector.broadcast %add3A : i32 to vector<16xi32>
    %add3A_9 = arith.addi %add3A_8, %iota3A : vector<16xi32>
    %gather3A = tpu.vector_load_idx %arg10[%add3A_9] : memref<48xi32, #tpu.memory_space<vmem>>[vector<16xi32>], vector<16xi32>,
    %eq3A = arith.constant 0 : i32
    %eq3A_10 = vector.broadcast %eq3A : i32 to vector<16xi32>
    %eq3A_11 = arith.cmpi eq, %iota3A, %eq3A_10 : vector<16xi32>
    %jit3A = arith.constant 1.000000e+00 : f32
    %jit3A_12 = arith.constant 0.000000e+00 : f32
    %broadcast_in_dim3A_13 = vector.broadcast %jit3A : f32 to vector<16xf32>
    %broadcast_in_dim3A_14 = vector.broadcast %jit3A_12 : f32 to vector<16xf32>
    %select_n3A = arith.select %eq3A_11, %broadcast_in_dim3A_13, %broadcast_in_dim3A_14 : vector<16xi1>, vector<16xf32>
    %slice3A = vector.extract_strided_slice %gather3A {offsets = [0], sizes = [1], strides = [1]} : vector<16xi32> to vector<1xi32>
    %squeeze3A = vector.extract %slice3A[0] : i32 from vector<1xi32>
    %slice3A_15 = vector.extract_strided_slice %gather3A {offsets = [1], sizes = [1], strides = [1]} : vector<16xi32> to vector<1xi32>
    %squeeze3A_16 = vector.extract %slice3A_15[0] : i32 from vector<1xi32>
    %jit3A_17 = arith.constant 8 : i32
    %div3A = arith.divsi %squeeze3A, %jit3A_17 : i32
    %sign3A = arith.constant 0 : i32
    %sign3A_18 = arith.cmpi sgt, %squeeze3A, %sign3A : i32
    %sign3A_19 = arith.extui %sign3A_18 : i1 to i32
    %sign3A_20 = arith.constant 0 : i32
    %sign3A_21 = arith.cmpi slt, %squeeze3A, %sign3A_20 : i32
    %sign3A_22 = arith.extui %sign3A_21 : i1 to i32
    %sign3A_23 = arith.subi %sign3A_19, %sign3A_22 : i32
    %sign3A_24 = arith.constant 0 : i32
    %sign3A_25 = arith.cmpi sgt, %jit3A_17, %sign3A_24 : i32
    %sign3A_26 = arith.extui %sign3A_25 : i1 to i32
    %sign3A_27 = arith.constant 0 : i32
    %sign3A_28 = arith.cmpi slt, %jit3A_17, %sign3A_27 : i32
    %sign3A_29 = arith.extui %sign3A_28 : i1 to i32
    %sign3A_30 = arith.subi %sign3A_26, %sign3A_29 : i32
    %ne3A = arith.cmpi ne, %sign3A_23, %sign3A_30 : i32
    %rem3A = arith.remsi %squeeze3A, %jit3A_17 : i32
    %ne3A_31 = arith.constant 0 : i32
    %ne3A_32 = arith.cmpi ne, %rem3A, %ne3A_31 : i32
    %and3A = arith.andi %ne3A, %ne3A_32 : i1
    %sub3A = arith.constant 1 : i32
    %sub3A_33 = arith.subi %div3A, %sub3A : i32
    %select_n3A_34 = arith.select %and3A, %sub3A_33, %div3A : i32
    %mul3A_35 = arith.constant 8 : i32
    %mul3A_36 = arith.muli %select_n3A_34, %mul3A_35 : i32
    %sub3A_37 = arith.subi %squeeze3A_16, %mul3A_36 : i32
    %add3A_38 = arith.constant 256 : i32
    %add3A_39 = arith.addi %sub3A_37, %add3A_38 : i32
    %sub3A_40 = arith.constant 1 : i32
    %sub3A_41 = arith.subi %add3A_39, %sub3A_40 : i32
    %jit3A_42 = arith.constant 256 : i32
    %div3A_43 = arith.divsi %sub3A_41, %jit3A_42 : i32
    %sign3A_44 = arith.constant 0 : i32
    %sign3A_45 = arith.cmpi sgt, %sub3A_41, %sign3A_44 : i32
    %sign3A_46 = arith.extui %sign3A_45 : i1 to i32
    %sign3A_47 = arith.constant 0 : i32
    %sign3A_48 = arith.cmpi slt, %sub3A_41, %sign3A_47 : i32
    %sign3A_49 = arith.extui %sign3A_48 : i1 to i32
    %sign3A_50 = arith.subi %sign3A_46, %sign3A_49 : i32
    %sign3A_51 = arith.constant 0 : i32
    %sign3A_52 = arith.cmpi sgt, %jit3A_42, %sign3A_51 : i32
    %sign3A_53 = arith.extui %sign3A_52 : i1 to i32
    %sign3A_54 = arith.constant 0 : i32
    %sign3A_55 = arith.cmpi slt, %jit3A_42, %sign3A_54 : i32
    %sign3A_56 = arith.extui %sign3A_55 : i1 to i32
    %sign3A_57 = arith.subi %sign3A_53, %sign3A_56 : i32
    %ne3A_58 = arith.cmpi ne, %sign3A_50, %sign3A_57 : i32
    %rem3A_59 = arith.remsi %sub3A_41, %jit3A_42 : i32
    %ne3A_60 = arith.constant 0 : i32
    %ne3A_61 = arith.cmpi ne, %rem3A_59, %ne3A_60 : i32
    %and3A_62 = arith.andi %ne3A_58, %ne3A_61 : i1
    %sub3A_63 = arith.constant 1 : i32
    %sub3A_64 = arith.subi %div3A_43, %sub3A_63 : i32
    %select_n3A_65 = arith.select %and3A_62, %sub3A_64, %div3A_43 : i32
    %add3A_66 = arith.constant 1 : i32
    %add3A_67 = arith.addi %select_n3A_65, %add3A_66 : i32
    %jit3A_68 = arith.constant 2 : i32
    %div3A_69 = arith.divsi %add3A_67, %jit3A_68 : i32
    %sign3A_70 = arith.constant 0 : i32
    %sign3A_71 = arith.cmpi sgt, %add3A_67, %sign3A_70 : i32
    %sign3A_72 = arith.extui %sign3A_71 : i1 to i32
    %sign3A_73 = arith.constant 0 : i32
    %sign3A_74 = arith.cmpi slt, %add3A_67, %sign3A_73 : i32
    %sign3A_75 = arith.extui %sign3A_74 : i1 to i32
    %sign3A_76 = arith.subi %sign3A_72, %sign3A_75 : i32
    %sign3A_77 = arith.constant 0 : i32
    %sign3A_78 = arith.cmpi sgt, %jit3A_68, %sign3A_77 : i32
    %sign3A_79 = arith.extui %sign3A_78 : i1 to i32
    %sign3A_80 = arith.constant 0 : i32
    %sign3A_81 = arith.cmpi slt, %jit3A_68, %sign3A_80 : i32
    %sign3A_82 = arith.extui %sign3A_81 : i1 to i32
    %sign3A_83 = arith.subi %sign3A_79, %sign3A_82 : i32
    %ne3A_84 = arith.cmpi ne, %sign3A_76, %sign3A_83 : i32
    %rem3A_85 = arith.remsi %add3A_67, %jit3A_68 : i32
    %ne3A_86 = arith.constant 0 : i32
    %ne3A_87 = arith.cmpi ne, %rem3A_85, %ne3A_86 : i32
    %and3A_88 = arith.andi %ne3A_84, %ne3A_87 : i1
    %sub3A_89 = arith.constant 1 : i32
    %sub3A_90 = arith.subi %div3A_69, %sub3A_89 : i32
    %select_n3A_91 = arith.select %and3A_88, %sub3A_90, %div3A_69 : i32
    %dma_start3A = arith.constant 0 : i32
    %dma_start3A_92 = arith.constant 0 : i32
    %dma_start3A_93 = tpu.memref_slice %arg8[%dma_start3A, %dma_start3A_92] : memref<2x256xi32, #tpu.memory_space<vmem>> -> memref<1x256xi32, #tpu.memory_space<vmem>>
    %dma_start3A_94 = tpu.memref_squeeze %dma_start3A_93 : memref<1x256xi32, #tpu.memory_space<vmem>> -> memref<256xi32, #tpu.memory_space<vmem>>
    %dma_start3A_95 = tpu.memref_slice %arg3[%mul3A_36] : memref<191488xi32, #tpu.memory_space<hbm>> -> memref<256xi32, #tpu.memory_space<hbm>>
    %dma_start3A_96 = arith.constant 0 : i32
    %dma_start3A_97 = tpu.memref_slice %arg8[%dma_start3A, %dma_start3A_96] : memref<2x256xi32, #tpu.memory_space<vmem>> -> memref<1x256xi32, #tpu.memory_space<vmem>>
    %dma_start3A_98 = tpu.memref_squeeze %dma_start3A_97 : memref<1x256xi32, #tpu.memory_space<vmem>> -> memref<256xi32, #tpu.memory_space<vmem>>
    %dma_start3A_99 = tpu.memref_slice %arg3[%mul3A_36] : memref<191488xi32, #tpu.memory_space<hbm>> -> memref<256xi32, #tpu.memory_space<hbm>>
    tpu.enqueue_dma source(%dma_start3A_99 : memref<256xi32, #tpu.memory_space<hbm>>) target(%dma_start3A_98 : memref<256xi32, #tpu.memory_space<vmem>>) target_semaphore(%arg14 : memref<!tpu.dma_semaphore, #tpu.memory_space<semaphore_mem>>)
    %dma_start3A_100 = arith.constant 0 : i32
    %dma_start3A_101 = arith.constant 0 : i32
    %dma_start3A_102 = tpu.memref_slice %arg9[%dma_start3A_100, %dma_start3A_101] : memref<2x256xi32, #tpu.memory_space<vmem>> -> memref<1x256xi32, #tpu.memory_space<vmem>>
    %dma_start3A_103 = tpu.memref_squeeze %dma_start3A_102 : memref<1x256xi32, #tpu.memory_space<vmem>> -> memref<256xi32, #tpu.memory_space<vmem>>
    %dma_start3A_104 = tpu.memref_slice %arg4[%mul3A_36] : memref<191488xi32, #tpu.memory_space<hbm>> -> memref<256xi32, #tpu.memory_space<hbm>>
    %dma_start3A_105 = arith.constant 0 : i32
    %dma_start3A_106 = tpu.memref_slice %arg9[%dma_start3A_100, %dma_start3A_105] : memref<2x256xi32, #tpu.memory_space<vmem>> -> memref<1x256xi32, #tpu.memory_space<vmem>>
    %dma_start3A_107 = tpu.memref_squeeze %dma_start3A_106 : memref<1x256xi32, #tpu.memory_space<vmem>> -> memref<256xi32, #tpu.memory_space<vmem>>
    %dma_start3A_108 = tpu.memref_slice %arg4[%mul3A_36] : memref<191488xi32, #tpu.memory_space<hbm>> -> memref<256xi32, #tpu.memory_space<hbm>>
    tpu.enqueue_dma source(%dma_start3A_108 : memref<256xi32, #tpu.memory_space<hbm>>) target(%dma_start3A_107 : memref<256xi32, #tpu.memory_space<vmem>>) target_semaphore(%arg14 : memref<!tpu.dma_semaphore, #tpu.memory_space<semaphore_mem>>)
    %dma_wait3A = arith.constant 0 : i32
    %dma_wait3A_109 = arith.constant 0 : i32
    %dma_wait3A_110 = tpu.memref_slice %arg8[%dma_wait3A, %dma_wait3A_109] : memref<2x256xi32, #tpu.memory_space<vmem>> -> memref<1x256xi32, #tpu.memory_space<vmem>>
    %dma_wait3A_111 = tpu.memref_squeeze %dma_wait3A_110 : memref<1x256xi32, #tpu.memory_space<vmem>> -> memref<256xi32, #tpu.memory_space<vmem>>
    %dma_wait3A_112 = arith.constant 0 : i32
    %dma_wait3A_113 = tpu.memref_slice %arg3[%dma_wait3A_112] : memref<191488xi32, #tpu.memory_space<hbm>> -> memref<256xi32, #tpu.memory_space<hbm>>
    %dma_wait3A_114 = arith.constant 0 : i32
    %dma_wait3A_115 = tpu.memref_slice %arg8[%dma_wait3A, %dma_wait3A_114] : memref<2x256xi32, #tpu.memory_space<vmem>> -> memref<1x256xi32, #tpu.memory_space<vmem>>
    %dma_wait3A_116 = tpu.memref_squeeze %dma_wait3A_115 : memref<1x256xi32, #tpu.memory_space<vmem>> -> memref<256xi32, #tpu.memory_space<vmem>>
    %dma_wait3A_117 = arith.constant 0 : i32
    %dma_wait3A_118 = tpu.memref_slice %arg3[%dma_wait3A_117] : memref<191488xi32, #tpu.memory_space<hbm>> -> memref<256xi32, #tpu.memory_space<hbm>>
    tpu.wait_dma2 semaphore(%arg14 : memref<!tpu.dma_semaphore, #tpu.memory_space<semaphore_mem>>) src(%dma_wait3A_118 : memref<256xi32, #tpu.memory_space<hbm>>) dst(%dma_wait3A_116 : memref<256xi32, #tpu.memory_space<vmem>>)
    %dma_wait3A_119 = arith.constant 0 : i32
    %dma_wait3A_120 = arith.constant 0 : i32
    %dma_wait3A_121 = tpu.memref_slice %arg9[%dma_wait3A_119, %dma_wait3A_120] : memref<2x256xi32, #tpu.memory_space<vmem>> -> memref<1x256xi32, #tpu.memory_space<vmem>>
    %dma_wait3A_122 = tpu.memref_squeeze %dma_wait3A_121 : memref<1x256xi32, #tpu.memory_space<vmem>> -> memref<256xi32, #tpu.memory_space<vmem>>
    %dma_wait3A_123 = arith.constant 0 : i32
    %dma_wait3A_124 = tpu.memref_slice %arg4[%dma_wait3A_123] : memref<191488xi32, #tpu.memory_space<hbm>> -> memref<256xi32, #tpu.memory_space<hbm>>
    %dma_wait3A_125 = arith.constant 0 : i32
    %dma_wait3A_126 = tpu.memref_slice %arg9[%dma_wait3A_119, %dma_wait3A_125] : memref<2x256xi32, #tpu.memory_space<vmem>> -> memref<1x256xi32, #tpu.memory_space<vmem>>
    %dma_wait3A_127 = tpu.memref_squeeze %dma_wait3A_126 : memref<1x256xi32, #tpu.memory_space<vmem>> -> memref<256xi32, #tpu.memory_space<vmem>>
    %dma_wait3A_128 = arith.constant 0 : i32
    %dma_wait3A_129 = tpu.memref_slice %arg4[%dma_wait3A_128] : memref<191488xi32, #tpu.memory_space<hbm>> -> memref<256xi32, #tpu.memory_space<hbm>>
    tpu.wait_dma2 semaphore(%arg14 : memref<!tpu.dma_semaphore, #tpu.memory_space<semaphore_mem>>) src(%dma_wait3A_129 : memref<256xi32, #tpu.memory_space<hbm>>) dst(%dma_wait3A_127 : memref<256xi32, #tpu.memory_space<vmem>>)
    %dma_start3A_130 = arith.constant 0 : i32
    %dma_start3A_131 = arith.constant 0 : i32
    %dma_start3A_132 = arith.constant 0 : i32
    %dma_start3A_133 = arith.constant 0 : i32
    %dma_start3A_134 = tpu.memref_slice %arg12[%dma_start3A_131, %dma_start3A_132, %dma_start3A_133] : memref<2x256x64xf32, #tpu.memory_space<vmem>> -> memref<1x256x64xf32, #tpu.memory_space<vmem>>
    %dma_start3A_135 = tpu.memref_squeeze %dma_start3A_134 : memref<1x256x64xf32, #tpu.memory_space<vmem>> -> memref<256x64xf32, #tpu.memory_space<vmem>>
    %dma_start3A_136 = arith.constant 0 : i32
    %dma_start3A_137 = tpu.memref_slice %arg9[%dma_start3A_130, %dma_start3A_136] : memref<2x256xi32, #tpu.memory_space<vmem>> -> memref<1x256xi32, #tpu.memory_space<vmem>>
    %dma_start3A_138 = tpu.memref_squeeze %dma_start3A_137 : memref<1x256xi32, #tpu.memory_space<vmem>> -> memref<256xi32, #tpu.memory_space<vmem>>
    %dma_start3A_139 = arith.constant 0 : i32
    %dma_start3A_140 = arith.constant 0 : i32
    %dma_start3A_141 = tpu.memref_slice %arg2[%dma_start3A_139, %dma_start3A_140] : memref<170136x64xf32, #tpu.memory_space<hbm>> -> memref<170136x64xf32, #tpu.memory_space<hbm>>
    tpu.enqueue_indirect_dma source(%dma_start3A_141 : memref<170136x64xf32, #tpu.memory_space<hbm>>) target(%dma_start3A_135 : memref<256x64xf32, #tpu.memory_space<vmem>>) offsets(%dma_start3A_138 : memref<256xi32, #tpu.memory_space<vmem>>) semaphore(%arg16 : memref<!tpu.dma_semaphore, #tpu.memory_space<semaphore_mem>>)
    %add3A_142 = arith.constant 256 : i32
    %add3A_143 = arith.addi %mul3A_36, %add3A_142 : i32
    %dma_start3A_144 = arith.constant 1 : i32
    %dma_start3A_145 = arith.constant 0 : i32
    %dma_start3A_146 = tpu.memref_slice %arg8[%dma_start3A_144, %dma_start3A_145] : memref<2x256xi32, #tpu.memory_space<vmem>> -> memref<1x256xi32, #tpu.memory_space<vmem>>
    %dma_start3A_147 = tpu.memref_squeeze %dma_start3A_146 : memref<1x256xi32, #tpu.memory_space<vmem>> -> memref<256xi32, #tpu.memory_space<vmem>>
    %dma_start3A_148 = tpu.memref_slice %arg3[%add3A_143] : memref<191488xi32, #tpu.memory_space<hbm>> -> memref<256xi32, #tpu.memory_space<hbm>>
    %dma_start3A_149 = arith.constant 0 : i32
    %dma_start3A_150 = tpu.memref_slice %arg8[%dma_start3A_144, %dma_start3A_149] : memref<2x256xi32, #tpu.memory_space<vmem>> -> memref<1x256xi32, #tpu.memory_space<vmem>>
    %dma_start3A_151 = tpu.memref_squeeze %dma_start3A_150 : memref<1x256xi32, #tpu.memory_space<vmem>> -> memref<256xi32, #tpu.memory_space<vmem>>
    %dma_start3A_152 = tpu.memref_slice %arg3[%add3A_143] : memref<191488xi32, #tpu.memory_space<hbm>> -> memref<256xi32, #tpu.memory_space<hbm>>
    tpu.enqueue_dma source(%dma_start3A_152 : memref<256xi32, #tpu.memory_space<hbm>>) target(%dma_start3A_151 : memref<256xi32, #tpu.memory_space<vmem>>) target_semaphore(%arg15 : memref<!tpu.dma_semaphore, #tpu.memory_space<semaphore_mem>>)
    %dma_start3A_153 = arith.constant 1 : i32
    %dma_start3A_154 = arith.constant 0 : i32
    %dma_start3A_155 = tpu.memref_slice %arg9[%dma_start3A_153, %dma_start3A_154] : memref<2x256xi32, #tpu.memory_space<vmem>> -> memref<1x256xi32, #tpu.memory_space<vmem>>
    %dma_start3A_156 = tpu.memref_squeeze %dma_start3A_155 : memref<1x256xi32, #tpu.memory_space<vmem>> -> memref<256xi32, #tpu.memory_space<vmem>>
    %dma_start3A_157 = tpu.memref_slice %arg4[%add3A_143] : memref<191488xi32, #tpu.memory_space<hbm>> -> memref<256xi32, #tpu.memory_space<hbm>>
    %dma_start3A_158 = arith.constant 0 : i32
    %dma_start3A_159 = tpu.memref_slice %arg9[%dma_start3A_153, %dma_start3A_158] : memref<2x256xi32, #tpu.memory_space<vmem>> -> memref<1x256xi32, #tpu.memory_space<vmem>>
    %dma_start3A_160 = tpu.memref_squeeze %dma_start3A_159 : memref<1x256xi32, #tpu.memory_space<vmem>> -> memref<256xi32, #tpu.memory_space<vmem>>
    %dma_start3A_161 = tpu.memref_slice %arg4[%add3A_143] : memref<191488xi32, #tpu.memory_space<hbm>> -> memref<256xi32, #tpu.memory_space<hbm>>
    tpu.enqueue_dma source(%dma_start3A_161 : memref<256xi32, #tpu.memory_space<hbm>>) target(%dma_start3A_160 : memref<256xi32, #tpu.memory_space<vmem>>) target_semaphore(%arg15 : memref<!tpu.dma_semaphore, #tpu.memory_space<semaphore_mem>>)
    %sub3A_162 = arith.constant 0 : i32
    %sub3A_163 = arith.subi %select_n3A_91, %sub3A_162 : i32
    %sub3A_164 = arith.constant 1 : i32
    %sub3A_165 = arith.constant 1 : i32
    %sub3A_166 = arith.subi %sub3A_164, %sub3A_165 : i32
    %add3A_167 = arith.addi %sub3A_163, %sub3A_166 : i32
    %div3A_168 = arith.constant 1 : i32
    %div3A_169 = arith.divsi %add3A_167, %div3A_168 : i32
    %while3A = arith.constant 1 : i32
    %while3A_170 = arith.constant 0 : i32
    %while3A_171 = arith.constant 0 : i32
    %while3A_172 = arith.subi %div3A_169, %while3A_171 : i32
    %while3A_173 = arith.addi %while3A_171, %while3A_172 : i32
    %while3A_174 = arith.constant 1 : i32
    %while3A_175 = arith.divsi %while3A_172, %while3A_174 : i32
    %while3A_176 = arith.muli %while3A_175, %while3A_174 : i32
    %while3A_177 = arith.addi %while3A_171, %while3A_176 : i32
    %while3A_178 = arith.constant 1 : i32
    scf.for %while3A_416 = %while3A_171 to %while3A_177 step %while3A_178  : i32 {
      %mul3A_417 = arith.muli %while3A_416, %while3A : i32
      %add3A_418 = arith.addi %while3A_170, %mul3A_417 : i32
      %mul3A_419 = arith.constant 2 : i32
      %mul3A_420 = arith.muli %mul3A_419, %add3A_418 : i32
      %mul3A_421 = arith.constant 256 : i32
      %mul3A_422 = arith.muli %mul3A_420, %mul3A_421 : i32
      %add3A_423 = arith.addi %mul3A_36, %mul3A_422 : i32
      %add3A_424 = arith.constant 0 : i32
      %add3A_425 = arith.addi %add3A_423, %add3A_424 : i32
      %dma_wait3A_426 = arith.constant 1 : i32
      %dma_wait3A_427 = arith.constant 0 : i32
      %dma_wait3A_428 = tpu.memref_slice %arg8[%dma_wait3A_426, %dma_wait3A_427] : memref<2x256xi32, #tpu.memory_space<vmem>> -> memref<1x256xi32, #tpu.memory_space<vmem>>
      %dma_wait3A_429 = tpu.memref_squeeze %dma_wait3A_428 : memref<1x256xi32, #tpu.memory_space<vmem>> -> memref<256xi32, #tpu.memory_space<vmem>>
      %dma_wait3A_430 = arith.constant 0 : i32
      %dma_wait3A_431 = tpu.memref_slice %arg3[%dma_wait3A_430] : memref<191488xi32, #tpu.memory_space<hbm>> -> memref<256xi32, #tpu.memory_space<hbm>>
      %dma_wait3A_432 = arith.constant 0 : i32
      %dma_wait3A_433 = tpu.memref_slice %arg8[%dma_wait3A_426, %dma_wait3A_432] : memref<2x256xi32, #tpu.memory_space<vmem>> -> memref<1x256xi32, #tpu.memory_space<vmem>>
      %dma_wait3A_434 = tpu.memref_squeeze %dma_wait3A_433 : memref<1x256xi32, #tpu.memory_space<vmem>> -> memref<256xi32, #tpu.memory_space<vmem>>
      %dma_wait3A_435 = arith.constant 0 : i32
      %dma_wait3A_436 = tpu.memref_slice %arg3[%dma_wait3A_435] : memref<191488xi32, #tpu.memory_space<hbm>> -> memref<256xi32, #tpu.memory_space<hbm>>
      tpu.wait_dma2 semaphore(%arg15 : memref<!tpu.dma_semaphore, #tpu.memory_space<semaphore_mem>>) src(%dma_wait3A_436 : memref<256xi32, #tpu.memory_space<hbm>>) dst(%dma_wait3A_434 : memref<256xi32, #tpu.memory_space<vmem>>)
      %dma_wait3A_437 = arith.constant 1 : i32
      %dma_wait3A_438 = arith.constant 0 : i32
      %dma_wait3A_439 = tpu.memref_slice %arg9[%dma_wait3A_437, %dma_wait3A_438] : memref<2x256xi32, #tpu.memory_space<vmem>> -> memref<1x256xi32, #tpu.memory_space<vmem>>
      %dma_wait3A_440 = tpu.memref_squeeze %dma_wait3A_439 : memref<1x256xi32, #tpu.memory_space<vmem>> -> memref<256xi32, #tpu.memory_space<vmem>>
      %dma_wait3A_441 = arith.constant 0 : i32
      %dma_wait3A_442 = tpu.memref_slice %arg4[%dma_wait3A_441] : memref<191488xi32, #tpu.memory_space<hbm>> -> memref<256xi32, #tpu.memory_space<hbm>>
      %dma_wait3A_443 = arith.constant 0 : i32
      %dma_wait3A_444 = tpu.memref_slice %arg9[%dma_wait3A_437, %dma_wait3A_443] : memref<2x256xi32, #tpu.memory_space<vmem>> -> memref<1x256xi32, #tpu.memory_space<vmem>>
      %dma_wait3A_445 = tpu.memref_squeeze %dma_wait3A_444 : memref<1x256xi32, #tpu.memory_space<vmem>> -> memref<256xi32, #tpu.memory_space<vmem>>
      %dma_wait3A_446 = arith.constant 0 : i32
      %dma_wait3A_447 = tpu.memref_slice %arg4[%dma_wait3A_446] : memref<191488xi32, #tpu.memory_space<hbm>> -> memref<256xi32, #tpu.memory_space<hbm>>
      tpu.wait_dma2 semaphore(%arg15 : memref<!tpu.dma_semaphore, #tpu.memory_space<semaphore_mem>>) src(%dma_wait3A_447 : memref<256xi32, #tpu.memory_space<hbm>>) dst(%dma_wait3A_445 : memref<256xi32, #tpu.memory_space<vmem>>)
      %dma_start3A_448 = arith.constant 1 : i32
      %dma_start3A_449 = arith.constant 1 : i32
      %dma_start3A_450 = arith.constant 0 : i32
      %dma_start3A_451 = arith.constant 0 : i32
      %dma_start3A_452 = tpu.memref_slice %arg12[%dma_start3A_449, %dma_start3A_450, %dma_start3A_451] : memref<2x256x64xf32, #tpu.memory_space<vmem>> -> memref<1x256x64xf32, #tpu.memory_space<vmem>>
      %dma_start3A_453 = tpu.memref_squeeze %dma_start3A_452 : memref<1x256x64xf32, #tpu.memory_space<vmem>> -> memref<256x64xf32, #tpu.memory_space<vmem>>
      %dma_start3A_454 = arith.constant 0 : i32
      %dma_start3A_455 = tpu.memref_slice %arg9[%dma_start3A_448, %dma_start3A_454] : memref<2x256xi32, #tpu.memory_space<vmem>> -> memref<1x256xi32, #tpu.memory_space<vmem>>
      %dma_start3A_456 = tpu.memref_squeeze %dma_start3A_455 : memref<1x256xi32, #tpu.memory_space<vmem>> -> memref<256xi32, #tpu.memory_space<vmem>>
      %dma_start3A_457 = arith.constant 0 : i32
      %dma_start3A_458 = arith.constant 0 : i32
      %dma_start3A_459 = tpu.memref_slice %arg2[%dma_start3A_457, %dma_start3A_458] : memref<170136x64xf32, #tpu.memory_space<hbm>> -> memref<170136x64xf32, #tpu.memory_space<hbm>>
      tpu.enqueue_indirect_dma source(%dma_start3A_459 : memref<170136x64xf32, #tpu.memory_space<hbm>>) target(%dma_start3A_453 : memref<256x64xf32, #tpu.memory_space<vmem>>) offsets(%dma_start3A_456 : memref<256xi32, #tpu.memory_space<vmem>>) semaphore(%arg17 : memref<!tpu.dma_semaphore, #tpu.memory_space<semaphore_mem>>)
      %dma_wait3A_460 = arith.constant 0 : i32
      %dma_wait3A_461 = arith.constant 0 : i32
      %dma_wait3A_462 = arith.constant 0 : i32
      %dma_wait3A_463 = arith.constant 0 : i32
      %dma_wait3A_464 = tpu.memref_slice %arg12[%dma_wait3A_461, %dma_wait3A_462, %dma_wait3A_463] : memref<2x256x64xf32, #tpu.memory_space<vmem>> -> memref<1x256x64xf32, #tpu.memory_space<vmem>>
      %dma_wait3A_465 = tpu.memref_squeeze %dma_wait3A_464 : memref<1x256x64xf32, #tpu.memory_space<vmem>> -> memref<256x64xf32, #tpu.memory_space<vmem>>
      %dma_wait3A_466 = arith.constant 0 : i32
      %dma_wait3A_467 = tpu.memref_slice %arg9[%dma_wait3A_460, %dma_wait3A_466] : memref<2x256xi32, #tpu.memory_space<vmem>> -> memref<1x256xi32, #tpu.memory_space<vmem>>
      %dma_wait3A_468 = tpu.memref_squeeze %dma_wait3A_467 : memref<1x256xi32, #tpu.memory_space<vmem>> -> memref<256xi32, #tpu.memory_space<vmem>>
      %dma_wait3A_469 = arith.constant 0 : i32
      %dma_wait3A_470 = arith.constant 0 : i32
      %dma_wait3A_471 = tpu.memref_slice %arg2[%dma_wait3A_469, %dma_wait3A_470] : memref<170136x64xf32, #tpu.memory_space<hbm>> -> memref<170136x64xf32, #tpu.memory_space<hbm>>
      tpu.wait_indirect_dma semaphore(%arg16 : memref<!tpu.dma_semaphore, #tpu.memory_space<semaphore_mem>>) src(%dma_wait3A_471 : memref<170136x64xf32, #tpu.memory_space<hbm>>) dst(%dma_wait3A_465 : memref<256x64xf32, #tpu.memory_space<vmem>>)
      %scan3A_472 = arith.constant 0 : i32
      %scan3A_473 = arith.constant 16 : i32
      %scan3A_474 = arith.addi %scan3A_472, %scan3A_473 : i32
      %scan3A_475 = arith.constant 1 : i32
      scf.for %scan3A_570 = %scan3A_472 to %scan3A_474 step %scan3A_475  : i32 {
        %mul3A_571 = arith.constant 1 : i32
        %mul3A_572 = arith.muli %scan3A_570, %mul3A_571 : i32
        %add3A_573 = arith.constant 0 : i32
        %add3A_574 = arith.addi %add3A_573, %mul3A_572 : i32
        %mul3A_575 = arith.constant 16 : i32
        %mul3A_576 = arith.muli %add3A_574, %mul3A_575 : i32
        %get3A = arith.constant 0 : i32
        %get3A_577 = arith.index_cast %get3A : i32 to index
        %get3A_578 = arith.index_cast %mul3A_576 : i32 to index
        %get3A_579 = tpu.vector_load %arg8[%get3A_577, %get3A_578] {strides = array<i32>} : memref<2x256xi32, #tpu.memory_space<vmem>>, vector<16xi32>,
        %sub3A_580 = vector.broadcast %mul3A_2 : i32 to vector<16xi32>
        %sub3A_581 = arith.subi %get3A_579, %sub3A_580 : vector<16xi32>
        %jit3A_582 = arith.constant 0 : i32
        %jit3A_583 = arith.constant 319 : i32
        %max3A = vector.broadcast %jit3A_582 : i32 to vector<16xi32>
        %max3A_584 = arith.maxsi %max3A, %sub3A_581 : vector<16xi32>
        %min3A = vector.broadcast %jit3A_583 : i32 to vector<16xi32>
        %min3A_585 = arith.minsi %min3A, %max3A_584 : vector<16xi32>
        %mul3A_586 = arith.constant 16 : i32
        %mul3A_587 = arith.muli %add3A_574, %mul3A_586 : i32
        %get3A_588 = arith.constant 0 : i32
        %get3A_589 = arith.index_cast %get3A_588 : i32 to index
        %get3A_590 = arith.index_cast %mul3A_587 : i32 to index
        %get3A_591 = tpu.vector_load %arg9[%get3A_589, %get3A_590] {strides = array<i32>} : memref<2x256xi32, #tpu.memory_space<vmem>>, vector<16xi32>,
        %mul3A_592 = arith.constant 16 : i32
        %mul3A_593 = arith.muli %add3A_574, %mul3A_592 : i32
        %add3A_594 = arith.constant 0 : i32
        %add3A_595 = arith.addi %mul3A_593, %add3A_594 : i32
        %add3A_596 = arith.addi %add3A_425, %add3A_595 : i32
        %ge3A = arith.cmpi sge, %add3A_596, %squeeze3A : i32
        %lt3A = arith.cmpi slt, %add3A_596, %squeeze3A_16 : i32
        %and3A_597 = arith.andi %ge3A, %lt3A : i1
        %slice3A_598 = vector.extract_strided_slice %get3A_591 {offsets = [0], sizes = [1], strides = [1]} : vector<16xi32> to vector<1xi32>
        %squeeze3A_599 = vector.extract %slice3A_598[0] : i32 from vector<1xi32>
        %le3A = arith.constant 160000 : i32
        %le3A_600 = arith.cmpi sle, %squeeze3A_599, %le3A : i32
        %and3A_601 = arith.andi %and3A_597, %le3A_600 : i1
        %broadcast_in_dim3A_602 = vector.broadcast %and3A_601 : i1 to vector<16xi1>
        %slice3A_603 = vector.extract_strided_slice %min3A_585 {offsets = [0], sizes = [1], strides = [1]} : vector<16xi32> to vector<1xi32>
        %squeeze3A_604 = vector.extract %slice3A_603[0] : i32 from vector<1xi32>
        %broadcast_in_dim3A_605 = vector.broadcast %squeeze3A_604 : i32 to vector<16xi32>
        %add3A_606 = arith.constant 0 : i32
        %add3A_607 = vector.broadcast %add3A_606 : i32 to vector<16xi32>
        %add3A_608 = arith.addi %iota3A, %add3A_607 : vector<16xi32>
        %get3A_609 = arith.constant 0 : i32
        %get3A_610 = arith.index_cast %get3A_609 : i32 to index
        %get3A_611 = arith.index_cast %add3A_595 : i32 to index
        %get3A_612 = arith.constant 0 : index
        %get3A_613 = tpu.vector_load %arg12[%get3A_610, %get3A_611, %get3A_612] {strides = array<i32>} : memref<2x256x64xf32, #tpu.memory_space<vmem>>, vector<16xf32>,
        tpu.vector_store_idx %arg13[%broadcast_in_dim3A_605, %add3A_608], %get3A_613 masked %broadcast_in_dim3A_602 {add = true} : memref<320x80xf32, #tpu.memory_space<vmem>>[vector<16xi32>, vector<16xi32>], vector<16xf32>, vector<16xi1>
        %add3A_614 = arith.constant 16 : i32
        %add3A_615 = vector.broadcast %add3A_614 : i32 to vector<16xi32>
        %add3A_616 = arith.addi %iota3A, %add3A_615 : vector<16xi32>
        %get3A_617 = arith.constant 0 : i32
        %get3A_618 = arith.index_cast %get3A_617 : i32 to index
        %get3A_619 = arith.index_cast %add3A_595 : i32 to index
        %get3A_620 = arith.constant 16 : index
        %get3A_621 = tpu.vector_load %arg12[%get3A_618, %get3A_619, %get3A_620] {strides = array<i32>} : memref<2x256x64xf32, #tpu.memory_space<vmem>>, vector<16xf32>,
        tpu.vector_store_idx %arg13[%broadcast_in_dim3A_605, %add3A_616], %get3A_621 masked %broadcast_in_dim3A_602 {add = true} : memref<320x80xf32, #tpu.memory_space<vmem>>[vector<16xi32>, vector<16xi32>], vector<16xf32>, vector<16xi1>
        %add3A_622 = arith.constant 32 : i32
        %add3A_623 = vector.broadcast %add3A_622 : i32 to vector<16xi32>
        %add3A_624 = arith.addi %iota3A, %add3A_623 : vector<16xi32>
        %get3A_625 = arith.constant 0 : i32
        %get3A_626 = arith.index_cast %get3A_625 : i32 to index
        %get3A_627 = arith.index_cast %add3A_595 : i32 to index
        %get3A_628 = arith.constant 32 : index
        %get3A_629 = tpu.vector_load %arg12[%get3A_626, %get3A_627, %get3A_628] {strides = array<i32>} : memref<2x256x64xf32, #tpu.memory_space<vmem>>, vector<16xf32>,
        tpu.vector_store_idx %arg13[%broadcast_in_dim3A_605, %add3A_624], %get3A_629 masked %broadcast_in_dim3A_602 {add = true} : memref<320x80xf32, #tpu.memory_space<vmem>>[vector<16xi32>, vector<16xi32>], vector<16xf32>, vector<16xi1>
        %add3A_630 = arith.constant 48 : i32
        %add3A_631 = vector.broadcast %add3A_630 : i32 to vector<16xi32>
        %add3A_632 = arith.addi %iota3A, %add3A_631 : vector<16xi32>
        %get3A_633 = arith.constant 0 : i32
        %get3A_634 = arith.index_cast %get3A_633 : i32 to index
        %get3A_635 = arith.index_cast %add3A_595 : i32 to index
        %get3A_636 = arith.constant 48 : index
        %get3A_637 = tpu.vector_load %arg12[%get3A_634, %get3A_635, %get3A_636] {strides = array<i32>} : memref<2x256x64xf32, #tpu.memory_space<vmem>>, vector<16xf32>,
        tpu.vector_store_idx %arg13[%broadcast_in_dim3A_605, %add3A_632], %get3A_637 masked %broadcast_in_dim3A_602 {add = true} : memref<320x80xf32, #tpu.memory_space<vmem>>[vector<16xi32>, vector<16xi32>], vector<16xf32>, vector<16xi1>
        %add3A_638 = arith.constant 64 : i32
        %add3A_639 = vector.broadcast %add3A_638 : i32 to vector<16xi32>
        %add3A_640 = arith.addi %iota3A, %add3A_639 : vector<16xi32>
        tpu.vector_store_idx %arg13[%broadcast_in_dim3A_605, %add3A_640], %select_n3A masked %broadcast_in_dim3A_602 {add = true} : memref<320x80xf32, #tpu.memory_space<vmem>>[vector<16xi32>, vector<16xi32>], vector<16xf32>, vector<16xi1>
        %mul3A_641 = arith.constant 16 : i32
        %mul3A_642 = arith.muli %add3A_574, %mul3A_641 : i32
        %add3A_643 = arith.constant 1 : i32
        %add3A_644 = arith.addi %mul3A_642, %add3A_643 : i32
        %add3A_645 = arith.addi %add3A_425, %add3A_644 : i32
        %ge3A_646 = arith.cmpi sge, %add3A_645, %squeeze3A : i32
        %lt3A_647 = arith.cmpi slt, %add3A_645, %squeeze3A_16 : i32
        %and3A_648 = arith.andi %ge3A_646, %lt3A_647 : i1
        %slice3A_649 = vector.extract_strided_slice %get3A_591 {offsets = [1], sizes = [1], strides = [1]} : vector<16xi32> to vector<1xi32>
        %squeeze3A_650 = vector.extract %slice3A_649[0] : i32 from vector<1xi32>
        %le3A_651 = arith.constant 160000 : i32
        %le3A_652 = arith.cmpi sle, %squeeze3A_650, %le3A_651 : i32
        %and3A_653 = arith.andi %and3A_648, %le3A_652 : i1
        %broadcast_in_dim3A_654 = vector.broadcast %and3A_653 : i1 to vector<16xi1>
        %slice3A_655 = vector.extract_strided_slice %min3A_585 {offsets = [1], sizes = [1], strides = [1]} : vector<16xi32> to vector<1xi32>
        %squeeze3A_656 = vector.extract %slice3A_655[0] : i32 from vector<1xi32>
        %broadcast_in_dim3A_657 = vector.broadcast %squeeze3A_656 : i32 to vector<16xi32>
        %add3A_658 = arith.constant 0 : i32
        %add3A_659 = vector.broadcast %add3A_658 : i32 to vector<16xi32>
        %add3A_660 = arith.addi %iota3A, %add3A_659 : vector<16xi32>
        %get3A_661 = arith.constant 0 : i32
        %get3A_662 = arith.index_cast %get3A_661 : i32 to index
        %get3A_663 = arith.index_cast %add3A_644 : i32 to index
        %get3A_664 = arith.constant 0 : index
        %get3A_665 = tpu.vector_load %arg12[%get3A_662, %get3A_663, %get3A_664] {strides = array<i32>} : memref<2x256x64xf32, #tpu.memory_space<vmem>>, vector<16xf32>,
        tpu.vector_store_idx %arg13[%broadcast_in_dim3A_657, %add3A_660], %get3A_665 masked %broadcast_in_dim3A_654 {add = true} : memref<320x80xf32, #tpu.memory_space<vmem>>[vector<16xi32>, vector<16xi32>], vector<16xf32>, vector<16xi1>
        %add3A_666 = arith.constant 16 : i32
        %add3A_667 = vector.broadcast %add3A_666 : i32 to vector<16xi32>
        %add3A_668 = arith.addi %iota3A, %add3A_667 : vector<16xi32>
        %get3A_669 = arith.constant 0 : i32
        %get3A_670 = arith.index_cast %get3A_669 : i32 to index
        %get3A_671 = arith.index_cast %add3A_644 : i32 to index
        %get3A_672 = arith.constant 16 : index
        %get3A_673 = tpu.vector_load %arg12[%get3A_670, %get3A_671, %get3A_672] {strides = array<i32>} : memref<2x256x64xf32, #tpu.memory_space<vmem>>, vector<16xf32>,
        tpu.vector_store_idx %arg13[%broadcast_in_dim3A_657, %add3A_668], %get3A_673 masked %broadcast_in_dim3A_654 {add = true} : memref<320x80xf32, #tpu.memory_space<vmem>>[vector<16xi32>, vector<16xi32>], vector<16xf32>, vector<16xi1>
        %add3A_674 = arith.constant 32 : i32
        %add3A_675 = vector.broadcast %add3A_674 : i32 to vector<16xi32>
        %add3A_676 = arith.addi %iota3A, %add3A_675 : vector<16xi32>
        %get3A_677 = arith.constant 0 : i32
        %get3A_678 = arith.index_cast %get3A_677 : i32 to index
        %get3A_679 = arith.index_cast %add3A_644 : i32 to index
        %get3A_680 = arith.constant 32 : index
        %get3A_681 = tpu.vector_load %arg12[%get3A_678, %get3A_679, %get3A_680] {strides = array<i32>} : memref<2x256x64xf32, #tpu.memory_space<vmem>>, vector<16xf32>,
        tpu.vector_store_idx %arg13[%broadcast_in_dim3A_657, %add3A_676], %get3A_681 masked %broadcast_in_dim3A_654 {add = true} : memref<320x80xf32, #tpu.memory_space<vmem>>[vector<16xi32>, vector<16xi32>], vector<16xf32>, vector<16xi1>
        %add3A_682 = arith.constant 48 : i32
        %add3A_683 = vector.broadcast %add3A_682 : i32 to vector<16xi32>
        %add3A_684 = arith.addi %iota3A, %add3A_683 : vector<16xi32>
        %get3A_685 = arith.constant 0 : i32
        %get3A_686 = arith.index_cast %get3A_685 : i32 to index
        %get3A_687 = arith.index_cast %add3A_644 : i32 to index
        %get3A_688 = arith.constant 48 : index
        %get3A_689 = tpu.vector_load %arg12[%get3A_686, %get3A_687, %get3A_688] {strides = array<i32>} : memref<2x256x64xf32, #tpu.memory_space<vmem>>, vector<16xf32>,
        tpu.vector_store_idx %arg13[%broadcast_in_dim3A_657, %add3A_684], %get3A_689 masked %broadcast_in_dim3A_654 {add = true} : memref<320x80xf32, #tpu.memory_space<vmem>>[vector<16xi32>, vector<16xi32>], vector<16xf32>, vector<16xi1>
        %add3A_690 = arith.constant 64 : i32
        %add3A_691 = vector.broadcast %add3A_690 : i32 to vector<16xi32>
        %add3A_692 = arith.addi %iota3A, %add3A_691 : vector<16xi32>
        tpu.vector_store_idx %arg13[%broadcast_in_dim3A_657, %add3A_692], %select_n3A masked %broadcast_in_dim3A_654 {add = true} : memref<320x80xf32, #tpu.memory_space<vmem>>[vector<16xi32>, vector<16xi32>], vector<16xf32>, vector<16xi1>
        %mul3A_693 = arith.constant 16 : i32
        %mul3A_694 = arith.muli %add3A_574, %mul3A_693 : i32
        %add3A_695 = arith.constant 2 : i32
        %add3A_696 = arith.addi %mul3A_694, %add3A_695 : i32
        %add3A_697 = arith.addi %add3A_425, %add3A_696 : i32
        %ge3A_698 = arith.cmpi sge, %add3A_697, %squeeze3A : i32
        %lt3A_699 = arith.cmpi slt, %add3A_697, %squeeze3A_16 : i32
        %and3A_700 = arith.andi %ge3A_698, %lt3A_699 : i1
        %slice3A_701 = vector.extract_strided_slice %get3A_591 {offsets = [2], sizes = [1], strides = [1]} : vector<16xi32> to vector<1xi32>
        %squeeze3A_702 = vector.extract %slice3A_701[0] : i32 from vector<1xi32>
        %le3A_703 = arith.constant 160000 : i32
        %le3A_704 = arith.cmpi sle, %squeeze3A_702, %le3A_703 : i32
        %and3A_705 = arith.andi %and3A_700, %le3A_704 : i1
        %broadcast_in_dim3A_706 = vector.broadcast %and3A_705 : i1 to vector<16xi1>
        %slice3A_707 = vector.extract_strided_slice %min3A_585 {offsets = [2], sizes = [1], strides = [1]} : vector<16xi32> to vector<1xi32>
        %squeeze3A_708 = vector.extract %slice3A_707[0] : i32 from vector<1xi32>
        %broadcast_in_dim3A_709 = vector.broadcast %squeeze3A_708 : i32 to vector<16xi32>
        %add3A_710 = arith.constant 0 : i32
        %add3A_711 = vector.broadcast %add3A_710 : i32 to vector<16xi32>
        %add3A_712 = arith.addi %iota3A, %add3A_711 : vector<16xi32>
        %get3A_713 = arith.constant 0 : i32
        %get3A_714 = arith.index_cast %get3A_713 : i32 to index
        %get3A_715 = arith.index_cast %add3A_696 : i32 to index
        %get3A_716 = arith.constant 0 : index
        %get3A_717 = tpu.vector_load %arg12[%get3A_714, %get3A_715, %get3A_716] {strides = array<i32>} : memref<2x256x64xf32, #tpu.memory_space<vmem>>, vector<16xf32>,
        tpu.vector_store_idx %arg13[%broadcast_in_dim3A_709, %add3A_712], %get3A_717 masked %broadcast_in_dim3A_706 {add = true} : memref<320x80xf32, #tpu.memory_space<vmem>>[vector<16xi32>, vector<16xi32>], vector<16xf32>, vector<16xi1>
        %add3A_718 = arith.constant 16 : i32
        %add3A_719 = vector.broadcast %add3A_718 : i32 to vector<16xi32>
        %add3A_720 = arith.addi %iota3A, %add3A_719 : vector<16xi32>
        %get3A_721 = arith.constant 0 : i32
        %get3A_722 = arith.index_cast %get3A_721 : i32 to index
        %get3A_723 = arith.index_cast %add3A_696 : i32 to index
        %get3A_724 = arith.constant 16 : index
        %get3A_725 = tpu.vector_load %arg12[%get3A_722, %get3A_723, %get3A_724] {strides = array<i32>} : memref<2x256x64xf32, #tpu.memory_space<vmem>>, vector<16xf32>,
        tpu.vector_store_idx %arg13[%broadcast_in_dim3A_709, %add3A_720], %get3A_725 masked %broadcast_in_dim3A_706 {add = true} : memref<320x80xf32, #tpu.memory_space<vmem>>[vector<16xi32>, vector<16xi32>], vector<16xf32>, vector<16xi1>
        %add3A_726 = arith.constant 32 : i32
        %add3A_727 = vector.broadcast %add3A_726 : i32 to vector<16xi32>
        %add3A_728 = arith.addi %iota3A, %add3A_727 : vector<16xi32>
        %get3A_729 = arith.constant 0 : i32
        %get3A_730 = arith.index_cast %get3A_729 : i32 to index
        %get3A_731 = arith.index_cast %add3A_696 : i32 to index
        %get3A_732 = arith.constant 32 : index
        %get3A_733 = tpu.vector_load %arg12[%get3A_730, %get3A_731, %get3A_732] {strides = array<i32>} : memref<2x256x64xf32, #tpu.memory_space<vmem>>, vector<16xf32>,
        tpu.vector_store_idx %arg13[%broadcast_in_dim3A_709, %add3A_728], %get3A_733 masked %broadcast_in_dim3A_706 {add = true} : memref<320x80xf32, #tpu.memory_space<vmem>>[vector<16xi32>, vector<16xi32>], vector<16xf32>, vector<16xi1>
        %add3A_734 = arith.constant 48 : i32
        %add3A_735 = vector.broadcast %add3A_734 : i32 to vector<16xi32>
        %add3A_736 = arith.addi %iota3A, %add3A_735 : vector<16xi32>
        %get3A_737 = arith.constant 0 : i32
        %get3A_738 = arith.index_cast %get3A_737 : i32 to index
        %get3A_739 = arith.index_cast %add3A_696 : i32 to index
        %get3A_740 = arith.constant 48 : index
        %get3A_741 = tpu.vector_load %arg12[%get3A_738, %get3A_739, %get3A_740] {strides = array<i32>} : memref<2x256x64xf32, #tpu.memory_space<vmem>>, vector<16xf32>,
        tpu.vector_store_idx %arg13[%broadcast_in_dim3A_709, %add3A_736], %get3A_741 masked %broadcast_in_dim3A_706 {add = true} : memref<320x80xf32, #tpu.memory_space<vmem>>[vector<16xi32>, vector<16xi32>], vector<16xf32>, vector<16xi1>
        %add3A_742 = arith.constant 64 : i32
        %add3A_743 = vector.broadcast %add3A_742 : i32 to vector<16xi32>
        %add3A_744 = arith.addi %iota3A, %add3A_743 : vector<16xi32>
        tpu.vector_store_idx %arg13[%broadcast_in_dim3A_709, %add3A_744], %select_n3A masked %broadcast_in_dim3A_706 {add = true} : memref<320x80xf32, #tpu.memory_space<vmem>>[vector<16xi32>, vector<16xi32>], vector<16xf32>, vector<16xi1>
        %mul3A_745 = arith.constant 16 : i32
        %mul3A_746 = arith.muli %add3A_574, %mul3A_745 : i32
        %add3A_747 = arith.constant 3 : i32
        %add3A_748 = arith.addi %mul3A_746, %add3A_747 : i32
        %add3A_749 = arith.addi %add3A_425, %add3A_748 : i32
        %ge3A_750 = arith.cmpi sge, %add3A_749, %squeeze3A : i32
        %lt3A_751 = arith.cmpi slt, %add3A_749, %squeeze3A_16 : i32
        %and3A_752 = arith.andi %ge3A_750, %lt3A_751 : i1
        %slice3A_753 = vector.extract_strided_slice %get3A_591 {offsets = [3], sizes = [1], strides = [1]} : vector<16xi32> to vector<1xi32>
        %squeeze3A_754 = vector.extract %slice3A_753[0] : i32 from vector<1xi32>
        %le3A_755 = arith.constant 160000 : i32
        %le3A_756 = arith.cmpi sle, %squeeze3A_754, %le3A_755 : i32
        %and3A_757 = arith.andi %and3A_752, %le3A_756 : i1
        %broadcast_in_dim3A_758 = vector.broadcast %and3A_757 : i1 to vector<16xi1>
        %slice3A_759 = vector.extract_strided_slice %min3A_585 {offsets = [3], sizes = [1], strides = [1]} : vector<16xi32> to vector<1xi32>
        %squeeze3A_760 = vector.extract %slice3A_759[0] : i32 from vector<1xi32>
        %broadcast_in_dim3A_761 = vector.broadcast %squeeze3A_760 : i32 to vector<16xi32>
        %add3A_762 = arith.constant 0 : i32
        %add3A_763 = vector.broadcast %add3A_762 : i32 to vector<16xi32>
        %add3A_764 = arith.addi %iota3A, %add3A_763 : vector<16xi32>
        %get3A_765 = arith.constant 0 : i32
        %get3A_766 = arith.index_cast %get3A_765 : i32 to index
        %get3A_767 = arith.index_cast %add3A_748 : i32 to index
        %get3A_768 = arith.constant 0 : index
        %get3A_769 = tpu.vector_load %arg12[%get3A_766, %get3A_767, %get3A_768] {strides = array<i32>} : memref<2x256x64xf32, #tpu.memory_space<vmem>>, vector<16xf32>,
        tpu.vector_store_idx %arg13[%broadcast_in_dim3A_761, %add3A_764], %get3A_769 masked %broadcast_in_dim3A_758 {add = true} : memref<320x80xf32, #tpu.memory_space<vmem>>[vector<16xi32>, vector<16xi32>], vector<16xf32>, vector<16xi1>
        %add3A_770 = arith.constant 16 : i32
        %add3A_771 = vector.broadcast %add3A_770 : i32 to vector<16xi32>
        %add3A_772 = arith.addi %iota3A, %add3A_771 : vector<16xi32>
        %get3A_773 = arith.constant 0 : i32
        %get3A_774 = arith.index_cast %get3A_773 : i32 to index
        %get3A_775 = arith.index_cast %add3A_748 : i32 to index
        %get3A_776 = arith.constant 16 : index
        %get3A_777 = tpu.vector_load %arg12[%get3A_774, %get3A_775, %get3A_776] {strides = array<i32>} : memref<2x256x64xf32, #tpu.memory_space<vmem>>, vector<16xf32>,
        tpu.vector_store_idx %arg13[%broadcast_in_dim3A_761, %add3A_772], %get3A_777 masked %broadcast_in_dim3A_758 {add = true} : memref<320x80xf32, #tpu.memory_space<vmem>>[vector<16xi32>, vector<16xi32>], vector<16xf32>, vector<16xi1>
        %add3A_778 = arith.constant 32 : i32
        %add3A_779 = vector.broadcast %add3A_778 : i32 to vector<16xi32>
        %add3A_780 = arith.addi %iota3A, %add3A_779 : vector<16xi32>
        %get3A_781 = arith.constant 0 : i32
        %get3A_782 = arith.index_cast %get3A_781 : i32 to index
        %get3A_783 = arith.index_cast %add3A_748 : i32 to index
        %get3A_784 = arith.constant 32 : index
        %get3A_785 = tpu.vector_load %arg12[%get3A_782, %get3A_783, %get3A_784] {strides = array<i32>} : memref<2x256x64xf32, #tpu.memory_space<vmem>>, vector<16xf32>,
        tpu.vector_store_idx %arg13[%broadcast_in_dim3A_761, %add3A_780], %get3A_785 masked %broadcast_in_dim3A_758 {add = true} : memref<320x80xf32, #tpu.memory_space<vmem>>[vector<16xi32>, vector<16xi32>], vector<16xf32>, vector<16xi1>
        %add3A_786 = arith.constant 48 : i32
        %add3A_787 = vector.broadcast %add3A_786 : i32 to vector<16xi32>
        %add3A_788 = arith.addi %iota3A, %add3A_787 : vector<16xi32>
        %get3A_789 = arith.constant 0 : i32
        %get3A_790 = arith.index_cast %get3A_789 : i32 to index
        %get3A_791 = arith.index_cast %add3A_748 : i32 to index
        %get3A_792 = arith.constant 48 : index
        %get3A_793 = tpu.vector_load %arg12[%get3A_790, %get3A_791, %get3A_792] {strides = array<i32>} : memref<2x256x64xf32, #tpu.memory_space<vmem>>, vector<16xf32>,
        tpu.vector_store_idx %arg13[%broadcast_in_dim3A_761, %add3A_788], %get3A_793 masked %broadcast_in_dim3A_758 {add = true} : memref<320x80xf32, #tpu.memory_space<vmem>>[vector<16xi32>, vector<16xi32>], vector<16xf32>, vector<16xi1>
        %add3A_794 = arith.constant 64 : i32
        %add3A_795 = vector.broadcast %add3A_794 : i32 to vector<16xi32>
        %add3A_796 = arith.addi %iota3A, %add3A_795 : vector<16xi32>
        tpu.vector_store_idx %arg13[%broadcast_in_dim3A_761, %add3A_796], %select_n3A masked %broadcast_in_dim3A_758 {add = true} : memref<320x80xf32, #tpu.memory_space<vmem>>[vector<16xi32>, vector<16xi32>], vector<16xf32>, vector<16xi1>
        %mul3A_797 = arith.constant 16 : i32
        %mul3A_798 = arith.muli %add3A_574, %mul3A_797 : i32
        %add3A_799 = arith.constant 4 : i32
        %add3A_800 = arith.addi %mul3A_798, %add3A_799 : i32
        %add3A_801 = arith.addi %add3A_425, %add3A_800 : i32
        %ge3A_802 = arith.cmpi sge, %add3A_801, %squeeze3A : i32
        %lt3A_803 = arith.cmpi slt, %add3A_801, %squeeze3A_16 : i32
        %and3A_804 = arith.andi %ge3A_802, %lt3A_803 : i1
        %slice3A_805 = vector.extract_strided_slice %get3A_591 {offsets = [4], sizes = [1], strides = [1]} : vector<16xi32> to vector<1xi32>
        %squeeze3A_806 = vector.extract %slice3A_805[0] : i32 from vector<1xi32>
        %le3A_807 = arith.constant 160000 : i32
        %le3A_808 = arith.cmpi sle, %squeeze3A_806, %le3A_807 : i32
        %and3A_809 = arith.andi %and3A_804, %le3A_808 : i1
        %broadcast_in_dim3A_810 = vector.broadcast %and3A_809 : i1 to vector<16xi1>
        %slice3A_811 = vector.extract_strided_slice %min3A_585 {offsets = [4], sizes = [1], strides = [1]} : vector<16xi32> to vector<1xi32>
        %squeeze3A_812 = vector.extract %slice3A_811[0] : i32 from vector<1xi32>
        %broadcast_in_dim3A_813 = vector.broadcast %squeeze3A_812 : i32 to vector<16xi32>
        %add3A_814 = arith.constant 0 : i32
        %add3A_815 = vector.broadcast %add3A_814 : i32 to vector<16xi32>
        %add3A_816 = arith.addi %iota3A, %add3A_815 : vector<16xi32>
        %get3A_817 = arith.constant 0 : i32
        %get3A_818 = arith.index_cast %get3A_817 : i32 to index
        %get3A_819 = arith.index_cast %add3A_800 : i32 to index
        %get3A_820 = arith.constant 0 : index
        %get3A_821 = tpu.vector_load %arg12[%get3A_818, %get3A_819, %get3A_820] {strides = array<i32>} : memref<2x256x64xf32, #tpu.memory_space<vmem>>, vector<16xf32>,
        tpu.vector_store_idx %arg13[%broadcast_in_dim3A_813, %add3A_816], %get3A_821 masked %broadcast_in_dim3A_810 {add = true} : memref<320x80xf32, #tpu.memory_space<vmem>>[vector<16xi32>, vector<16xi32>], vector<16xf32>, vector<16xi1>
        %add3A_822 = arith.constant 16 : i32
        %add3A_823 = vector.broadcast %add3A_822 : i32 to vector<16xi32>
        %add3A_824 = arith.addi %iota3A, %add3A_823 : vector<16xi32>
        %get3A_825 = arith.constant 0 : i32
        %get3A_826 = arith.index_cast %get3A_825 : i32 to index
        %get3A_827 = arith.index_cast %add3A_800 : i32 to index
        %get3A_828 = arith.constant 16 : index
        %get3A_829 = tpu.vector_load %arg12[%get3A_826, %get3A_827, %get3A_828] {strides = array<i32>} : memref<2x256x64xf32, #tpu.memory_space<vmem>>, vector<16xf32>,
        tpu.vector_store_idx %arg13[%broadcast_in_dim3A_813, %add3A_824], %get3A_829 masked %broadcast_in_dim3A_810 {add = true} : memref<320x80xf32, #tpu.memory_space<vmem>>[vector<16xi32>, vector<16xi32>], vector<16xf32>, vector<16xi1>
        %add3A_830 = arith.constant 32 : i32
        %add3A_831 = vector.broadcast %add3A_830 : i32 to vector<16xi32>
        %add3A_832 = arith.addi %iota3A, %add3A_831 : vector<16xi32>
        %get3A_833 = arith.constant 0 : i32
        %get3A_834 = arith.index_cast %get3A_833 : i32 to index
        %get3A_835 = arith.index_cast %add3A_800 : i32 to index
        %get3A_836 = arith.constant 32 : index
        %get3A_837 = tpu.vector_load %arg12[%get3A_834, %get3A_835, %get3A_836] {strides = array<i32>} : memref<2x256x64xf32, #tpu.memory_space<vmem>>, vector<16xf32>,
        tpu.vector_store_idx %arg13[%broadcast_in_dim3A_813, %add3A_832], %get3A_837 masked %broadcast_in_dim3A_810 {add = true} : memref<320x80xf32, #tpu.memory_space<vmem>>[vector<16xi32>, vector<16xi32>], vector<16xf32>, vector<16xi1>
        %add3A_838 = arith.constant 48 : i32
        %add3A_839 = vector.broadcast %add3A_838 : i32 to vector<16xi32>
        %add3A_840 = arith.addi %iota3A, %add3A_839 : vector<16xi32>
        %get3A_841 = arith.constant 0 : i32
        %get3A_842 = arith.index_cast %get3A_841 : i32 to index
        %get3A_843 = arith.index_cast %add3A_800 : i32 to index
        %get3A_844 = arith.constant 48 : index
        %get3A_845 = tpu.vector_load %arg12[%get3A_842, %get3A_843, %get3A_844] {strides = array<i32>} : memref<2x256x64xf32, #tpu.memory_space<vmem>>, vector<16xf32>,
        tpu.vector_store_idx %arg13[%broadcast_in_dim3A_813, %add3A_840], %get3A_845 masked %broadcast_in_dim3A_810 {add = true} : memref<320x80xf32, #tpu.memory_space<vmem>>[vector<16xi32>, vector<16xi32>], vector<16xf32>, vector<16xi1>
        %add3A_846 = arith.constant 64 : i32
        %add3A_847 = vector.broadcast %add3A_846 : i32 to vector<16xi32>
        %add3A_848 = arith.addi %iota3A, %add3A_847 : vector<16xi32>
        tpu.vector_store_idx %arg13[%broadcast_in_dim3A_813, %add3A_848], %select_n3A masked %broadcast_in_dim3A_810 {add = true} : memref<320x80xf32, #tpu.memory_space<vmem>>[vector<16xi32>, vector<16xi32>], vector<16xf32>, vector<16xi1>
        %mul3A_849 = arith.constant 16 : i32
        %mul3A_850 = arith.muli %add3A_574, %mul3A_849 : i32
        %add3A_851 = arith.constant 5 : i32
        %add3A_852 = arith.addi %mul3A_850, %add3A_851 : i32
        %add3A_853 = arith.addi %add3A_425, %add3A_852 : i32
        %ge3A_854 = arith.cmpi sge, %add3A_853, %squeeze3A : i32
        %lt3A_855 = arith.cmpi slt, %add3A_853, %squeeze3A_16 : i32
        %and3A_856 = arith.andi %ge3A_854, %lt3A_855 : i1
        %slice3A_857 = vector.extract_strided_slice %get3A_591 {offsets = [5], sizes = [1], strides = [1]} : vector<16xi32> to vector<1xi32>
        %squeeze3A_858 = vector.extract %slice3A_857[0] : i32 from vector<1xi32>
        %le3A_859 = arith.constant 160000 : i32
        %le3A_860 = arith.cmpi sle, %squeeze3A_858, %le3A_859 : i32
        %and3A_861 = arith.andi %and3A_856, %le3A_860 : i1
        %broadcast_in_dim3A_862 = vector.broadcast %and3A_861 : i1 to vector<16xi1>
        %slice3A_863 = vector.extract_strided_slice %min3A_585 {offsets = [5], sizes = [1], strides = [1]} : vector<16xi32> to vector<1xi32>
        %squeeze3A_864 = vector.extract %slice3A_863[0] : i32 from vector<1xi32>
        %broadcast_in_dim3A_865 = vector.broadcast %squeeze3A_864 : i32 to vector<16xi32>
        %add3A_866 = arith.constant 0 : i32
        %add3A_867 = vector.broadcast %add3A_866 : i32 to vector<16xi32>
        %add3A_868 = arith.addi %iota3A, %add3A_867 : vector<16xi32>
        %get3A_869 = arith.constant 0 : i32
        %get3A_870 = arith.index_cast %get3A_869 : i32 to index
        %get3A_871 = arith.index_cast %add3A_852 : i32 to index
        %get3A_872 = arith.constant 0 : index
        %get3A_873 = tpu.vector_load %arg12[%get3A_870, %get3A_871, %get3A_872] {strides = array<i32>} : memref<2x256x64xf32, #tpu.memory_space<vmem>>, vector<16xf32>,
        tpu.vector_store_idx %arg13[%broadcast_in_dim3A_865, %add3A_868], %get3A_873 masked %broadcast_in_dim3A_862 {add = true} : memref<320x80xf32, #tpu.memory_space<vmem>>[vector<16xi32>, vector<16xi32>], vector<16xf32>, vector<16xi1>
        %add3A_874 = arith.constant 16 : i32
        %add3A_875 = vector.broadcast %add3A_874 : i32 to vector<16xi32>
        %add3A_876 = arith.addi %iota3A, %add3A_875 : vector<16xi32>
        %get3A_877 = arith.constant 0 : i32
        %get3A_878 = arith.index_cast %get3A_877 : i32 to index
        %get3A_879 = arith.index_cast %add3A_852 : i32 to index
        %get3A_880 = arith.constant 16 : index
        %get3A_881 = tpu.vector_load %arg12[%get3A_878, %get3A_879, %get3A_880] {strides = array<i32>} : memref<2x256x64xf32, #tpu.memory_space<vmem>>, vector<16xf32>,
        tpu.vector_store_idx %arg13[%broadcast_in_dim3A_865, %add3A_876], %get3A_881 masked %broadcast_in_dim3A_862 {add = true} : memref<320x80xf32, #tpu.memory_space<vmem>>[vector<16xi32>, vector<16xi32>], vector<16xf32>, vector<16xi1>
        %add3A_882 = arith.constant 32 : i32
        %add3A_883 = vector.broadcast %add3A_882 : i32 to vector<16xi32>
        %add3A_884 = arith.addi %iota3A, %add3A_883 : vector<16xi32>
        %get3A_885 = arith.constant 0 : i32
        %get3A_886 = arith.index_cast %get3A_885 : i32 to index
        %get3A_887 = arith.index_cast %add3A_852 : i32 to index
        %get3A_888 = arith.constant 32 : index
        %get3A_889 = tpu.vector_load %arg12[%get3A_886, %get3A_887, %get3A_888] {strides = array<i32>} : memref<2x256x64xf32, #tpu.memory_space<vmem>>, vector<16xf32>,
        tpu.vector_store_idx %arg13[%broadcast_in_dim3A_865, %add3A_884], %get3A_889 masked %broadcast_in_dim3A_862 {add = true} : memref<320x80xf32, #tpu.memory_space<vmem>>[vector<16xi32>, vector<16xi32>], vector<16xf32>, vector<16xi1>
        %add3A_890 = arith.constant 48 : i32
        %add3A_891 = vector.broadcast %add3A_890 : i32 to vector<16xi32>
        %add3A_892 = arith.addi %iota3A, %add3A_891 : vector<16xi32>
        %get3A_893 = arith.constant 0 : i32
        %get3A_894 = arith.index_cast %get3A_893 : i32 to index
        %get3A_895 = arith.index_cast %add3A_852 : i32 to index
        %get3A_896 = arith.constant 48 : index
        %get3A_897 = tpu.vector_load %arg12[%get3A_894, %get3A_895, %get3A_896] {strides = array<i32>} : memref<2x256x64xf32, #tpu.memory_space<vmem>>, vector<16xf32>,
        tpu.vector_store_idx %arg13[%broadcast_in_dim3A_865, %add3A_892], %get3A_897 masked %broadcast_in_dim3A_862 {add = true} : memref<320x80xf32, #tpu.memory_space<vmem>>[vector<16xi32>, vector<16xi32>], vector<16xf32>, vector<16xi1>
        %add3A_898 = arith.constant 64 : i32
        %add3A_899 = vector.broadcast %add3A_898 : i32 to vector<16xi32>
        %add3A_900 = arith.addi %iota3A, %add3A_899 : vector<16xi32>
        tpu.vector_store_idx %arg13[%broadcast_in_dim3A_865, %add3A_900], %select_n3A masked %broadcast_in_dim3A_862 {add = true} : memref<320x80xf32, #tpu.memory_space<vmem>>[vector<16xi32>, vector<16xi32>], vector<16xf32>, vector<16xi1>
        %mul3A_901 = arith.constant 16 : i32
        %mul3A_902 = arith.muli %add3A_574, %mul3A_901 : i32
        %add3A_903 = arith.constant 6 : i32
        %add3A_904 = arith.addi %mul3A_902, %add3A_903 : i32
        %add3A_905 = arith.addi %add3A_425, %add3A_904 : i32
        %ge3A_906 = arith.cmpi sge, %add3A_905, %squeeze3A : i32
        %lt3A_907 = arith.cmpi slt, %add3A_905, %squeeze3A_16 : i32
        %and3A_908 = arith.andi %ge3A_906, %lt3A_907 : i1
        %slice3A_909 = vector.extract_strided_slice %get3A_591 {offsets = [6], sizes = [1], strides = [1]} : vector<16xi32> to vector<1xi32>
        %squeeze3A_910 = vector.extract %slice3A_909[0] : i32 from vector<1xi32>
        %le3A_911 = arith.constant 160000 : i32
        %le3A_912 = arith.cmpi sle, %squeeze3A_910, %le3A_911 : i32
        %and3A_913 = arith.andi %and3A_908, %le3A_912 : i1
        %broadcast_in_dim3A_914 = vector.broadcast %and3A_913 : i1 to vector<16xi1>
        %slice3A_915 = vector.extract_strided_slice %min3A_585 {offsets = [6], sizes = [1], strides = [1]} : vector<16xi32> to vector<1xi32>
        %squeeze3A_916 = vector.extract %slice3A_915[0] : i32 from vector<1xi32>
        %broadcast_in_dim3A_917 = vector.broadcast %squeeze3A_916 : i32 to vector<16xi32>
        %add3A_918 = arith.constant 0 : i32
        %add3A_919 = vector.broadcast %add3A_918 : i32 to vector<16xi32>
        %add3A_920 = arith.addi %iota3A, %add3A_919 : vector<16xi32>
        %get3A_921 = arith.constant 0 : i32
        %get3A_922 = arith.index_cast %get3A_921 : i32 to index
        %get3A_923 = arith.index_cast %add3A_904 : i32 to index
        %get3A_924 = arith.constant 0 : index
        %get3A_925 = tpu.vector_load %arg12[%get3A_922, %get3A_923, %get3A_924] {strides = array<i32>} : memref<2x256x64xf32, #tpu.memory_space<vmem>>, vector<16xf32>,
        tpu.vector_store_idx %arg13[%broadcast_in_dim3A_917, %add3A_920], %get3A_925 masked %broadcast_in_dim3A_914 {add = true} : memref<320x80xf32, #tpu.memory_space<vmem>>[vector<16xi32>, vector<16xi32>], vector<16xf32>, vector<16xi1>
        %add3A_926 = arith.constant 16 : i32
        %add3A_927 = vector.broadcast %add3A_926 : i32 to vector<16xi32>
        %add3A_928 = arith.addi %iota3A, %add3A_927 : vector<16xi32>
        %get3A_929 = arith.constant 0 : i32
        %get3A_930 = arith.index_cast %get3A_929 : i32 to index
        %get3A_931 = arith.index_cast %add3A_904 : i32 to index
        %get3A_932 = arith.constant 16 : index
        %get3A_933 = tpu.vector_load %arg12[%get3A_930, %get3A_931, %get3A_932] {strides = array<i32>} : memref<2x256x64xf32, #tpu.memory_space<vmem>>, vector<16xf32>,
        tpu.vector_store_idx %arg13[%broadcast_in_dim3A_917, %add3A_928], %get3A_933 masked %broadcast_in_dim3A_914 {add = true} : memref<320x80xf32, #tpu.memory_space<vmem>>[vector<16xi32>, vector<16xi32>], vector<16xf32>, vector<16xi1>
        %add3A_934 = arith.constant 32 : i32
        %add3A_935 = vector.broadcast %add3A_934 : i32 to vector<16xi32>
        %add3A_936 = arith.addi %iota3A, %add3A_935 : vector<16xi32>
        %get3A_937 = arith.constant 0 : i32
        %get3A_938 = arith.index_cast %get3A_937 : i32 to index
        %get3A_939 = arith.index_cast %add3A_904 : i32 to index
        %get3A_940 = arith.constant 32 : index
        %get3A_941 = tpu.vector_load %arg12[%get3A_938, %get3A_939, %get3A_940] {strides = array<i32>} : memref<2x256x64xf32, #tpu.memory_space<vmem>>, vector<16xf32>,
        tpu.vector_store_idx %arg13[%broadcast_in_dim3A_917, %add3A_936], %get3A_941 masked %broadcast_in_dim3A_914 {add = true} : memref<320x80xf32, #tpu.memory_space<vmem>>[vector<16xi32>, vector<16xi32>], vector<16xf32>, vector<16xi1>
        %add3A_942 = arith.constant 48 : i32
        %add3A_943 = vector.broadcast %add3A_942 : i32 to vector<16xi32>
        %add3A_944 = arith.addi %iota3A, %add3A_943 : vector<16xi32>
        %get3A_945 = arith.constant 0 : i32
        %get3A_946 = arith.index_cast %get3A_945 : i32 to index
        %get3A_947 = arith.index_cast %add3A_904 : i32 to index
        %get3A_948 = arith.constant 48 : index
        %get3A_949 = tpu.vector_load %arg12[%get3A_946, %get3A_947, %get3A_948] {strides = array<i32>} : memref<2x256x64xf32, #tpu.memory_space<vmem>>, vector<16xf32>,
        tpu.vector_store_idx %arg13[%broadcast_in_dim3A_917, %add3A_944], %get3A_949 masked %broadcast_in_dim3A_914 {add = true} : memref<320x80xf32, #tpu.memory_space<vmem>>[vector<16xi32>, vector<16xi32>], vector<16xf32>, vector<16xi1>
        %add3A_950 = arith.constant 64 : i32
        %add3A_951 = vector.broadcast %add3A_950 : i32 to vector<16xi32>
        %add3A_952 = arith.addi %iota3A, %add3A_951 : vector<16xi32>
        tpu.vector_store_idx %arg13[%broadcast_in_dim3A_917, %add3A_952], %select_n3A masked %broadcast_in_dim3A_914 {add = true} : memref<320x80xf32, #tpu.memory_space<vmem>>[vector<16xi32>, vector<16xi32>], vector<16xf32>, vector<16xi1>
        %mul3A_953 = arith.constant 16 : i32
        %mul3A_954 = arith.muli %add3A_574, %mul3A_953 : i32
        %add3A_955 = arith.constant 7 : i32
        %add3A_956 = arith.addi %mul3A_954, %add3A_955 : i32
        %add3A_957 = arith.addi %add3A_425, %add3A_956 : i32
        %ge3A_958 = arith.cmpi sge, %add3A_957, %squeeze3A : i32
        %lt3A_959 = arith.cmpi slt, %add3A_957, %squeeze3A_16 : i32
        %and3A_960 = arith.andi %ge3A_958, %lt3A_959 : i1
        %slice3A_961 = vector.extract_strided_slice %get3A_591 {offsets = [7], sizes = [1], strides = [1]} : vector<16xi32> to vector<1xi32>
        %squeeze3A_962 = vector.extract %slice3A_961[0] : i32 from vector<1xi32>
        %le3A_963 = arith.constant 160000 : i32
        %le3A_964 = arith.cmpi sle, %squeeze3A_962, %le3A_963 : i32
        %and3A_965 = arith.andi %and3A_960, %le3A_964 : i1
        %broadcast_in_dim3A_966 = vector.broadcast %and3A_965 : i1 to vector<16xi1>
        %slice3A_967 = vector.extract_strided_slice %min3A_585 {offsets = [7], sizes = [1], strides = [1]} : vector<16xi32> to vector<1xi32>
        %squeeze3A_968 = vector.extract %slice3A_967[0] : i32 from vector<1xi32>
        %broadcast_in_dim3A_969 = vector.broadcast %squeeze3A_968 : i32 to vector<16xi32>
        %add3A_970 = arith.constant 0 : i32
        %add3A_971 = vector.broadcast %add3A_970 : i32 to vector<16xi32>
        %add3A_972 = arith.addi %iota3A, %add3A_971 : vector<16xi32>
        %get3A_973 = arith.constant 0 : i32
        %get3A_974 = arith.index_cast %get3A_973 : i32 to index
        %get3A_975 = arith.index_cast %add3A_956 : i32 to index
        %get3A_976 = arith.constant 0 : index
        %get3A_977 = tpu.vector_load %arg12[%get3A_974, %get3A_975, %get3A_976] {strides = array<i32>} : memref<2x256x64xf32, #tpu.memory_space<vmem>>, vector<16xf32>,
        tpu.vector_store_idx %arg13[%broadcast_in_dim3A_969, %add3A_972], %get3A_977 masked %broadcast_in_dim3A_966 {add = true} : memref<320x80xf32, #tpu.memory_space<vmem>>[vector<16xi32>, vector<16xi32>], vector<16xf32>, vector<16xi1>
        %add3A_978 = arith.constant 16 : i32
        %add3A_979 = vector.broadcast %add3A_978 : i32 to vector<16xi32>
        %add3A_980 = arith.addi %iota3A, %add3A_979 : vector<16xi32>
        %get3A_981 = arith.constant 0 : i32
        %get3A_982 = arith.index_cast %get3A_981 : i32 to index
        %get3A_983 = arith.index_cast %add3A_956 : i32 to index
        %get3A_984 = arith.constant 16 : index
        %get3A_985 = tpu.vector_load %arg12[%get3A_982, %get3A_983, %get3A_984] {strides = array<i32>} : memref<2x256x64xf32, #tpu.memory_space<vmem>>, vector<16xf32>,
        tpu.vector_store_idx %arg13[%broadcast_in_dim3A_969, %add3A_980], %get3A_985 masked %broadcast_in_dim3A_966 {add = true} : memref<320x80xf32, #tpu.memory_space<vmem>>[vector<16xi32>, vector<16xi32>], vector<16xf32>, vector<16xi1>
        %add3A_986 = arith.constant 32 : i32
        %add3A_987 = vector.broadcast %add3A_986 : i32 to vector<16xi32>
        %add3A_988 = arith.addi %iota3A, %add3A_987 : vector<16xi32>
        %get3A_989 = arith.constant 0 : i32
        %get3A_990 = arith.index_cast %get3A_989 : i32 to index
        %get3A_991 = arith.index_cast %add3A_956 : i32 to index
        %get3A_992 = arith.constant 32 : index
        %get3A_993 = tpu.vector_load %arg12[%get3A_990, %get3A_991, %get3A_992] {strides = array<i32>} : memref<2x256x64xf32, #tpu.memory_space<vmem>>, vector<16xf32>,
        tpu.vector_store_idx %arg13[%broadcast_in_dim3A_969, %add3A_988], %get3A_993 masked %broadcast_in_dim3A_966 {add = true} : memref<320x80xf32, #tpu.memory_space<vmem>>[vector<16xi32>, vector<16xi32>], vector<16xf32>, vector<16xi1>
        %add3A_994 = arith.constant 48 : i32
        %add3A_995 = vector.broadcast %add3A_994 : i32 to vector<16xi32>
        %add3A_996 = arith.addi %iota3A, %add3A_995 : vector<16xi32>
        %get3A_997 = arith.constant 0 : i32
        %get3A_998 = arith.index_cast %get3A_997 : i32 to index
        %get3A_999 = arith.index_cast %add3A_956 : i32 to index
        %get3A_1000 = arith.constant 48 : index
        %get3A_1001 = tpu.vector_load %arg12[%get3A_998, %get3A_999, %get3A_1000] {strides = array<i32>} : memref<2x256x64xf32, #tpu.memory_space<vmem>>, vector<16xf32>,
        tpu.vector_store_idx %arg13[%broadcast_in_dim3A_969, %add3A_996], %get3A_1001 masked %broadcast_in_dim3A_966 {add = true} : memref<320x80xf32, #tpu.memory_space<vmem>>[vector<16xi32>, vector<16xi32>], vector<16xf32>, vector<16xi1>
        %add3A_1002 = arith.constant 64 : i32
        %add3A_1003 = vector.broadcast %add3A_1002 : i32 to vector<16xi32>
        %add3A_1004 = arith.addi %iota3A, %add3A_1003 : vector<16xi32>
        tpu.vector_store_idx %arg13[%broadcast_in_dim3A_969, %add3A_1004], %select_n3A masked %broadcast_in_dim3A_966 {add = true} : memref<320x80xf32, #tpu.memory_space<vmem>>[vector<16xi32>, vector<16xi32>], vector<16xf32>, vector<16xi1>
        %mul3A_1005 = arith.constant 16 : i32
        %mul3A_1006 = arith.muli %add3A_574, %mul3A_1005 : i32
        %add3A_1007 = arith.constant 8 : i32
        %add3A_1008 = arith.addi %mul3A_1006, %add3A_1007 : i32
        %add3A_1009 = arith.addi %add3A_425, %add3A_1008 : i32
        %ge3A_1010 = arith.cmpi sge, %add3A_1009, %squeeze3A : i32
        %lt3A_1011 = arith.cmpi slt, %add3A_1009, %squeeze3A_16 : i32
        %and3A_1012 = arith.andi %ge3A_1010, %lt3A_1011 : i1
        %slice3A_1013 = vector.extract_strided_slice %get3A_591 {offsets = [8], sizes = [1], strides = [1]} : vector<16xi32> to vector<1xi32>
        %squeeze3A_1014 = vector.extract %slice3A_1013[0] : i32 from vector<1xi32>
        %le3A_1015 = arith.constant 160000 : i32
        %le3A_1016 = arith.cmpi sle, %squeeze3A_1014, %le3A_1015 : i32
        %and3A_1017 = arith.andi %and3A_1012, %le3A_1016 : i1
        %broadcast_in_dim3A_1018 = vector.broadcast %and3A_1017 : i1 to vector<16xi1>
        %slice3A_1019 = vector.extract_strided_slice %min3A_585 {offsets = [8], sizes = [1], strides = [1]} : vector<16xi32> to vector<1xi32>
        %squeeze3A_1020 = vector.extract %slice3A_1019[0] : i32 from vector<1xi32>
        %broadcast_in_dim3A_1021 = vector.broadcast %squeeze3A_1020 : i32 to vector<16xi32>
        %add3A_1022 = arith.constant 0 : i32
        %add3A_1023 = vector.broadcast %add3A_1022 : i32 to vector<16xi32>
        %add3A_1024 = arith.addi %iota3A, %add3A_1023 : vector<16xi32>
        %get3A_1025 = arith.constant 0 : i32
        %get3A_1026 = arith.index_cast %get3A_1025 : i32 to index
        %get3A_1027 = arith.index_cast %add3A_1008 : i32 to index
        %get3A_1028 = arith.constant 0 : index
        %get3A_1029 = tpu.vector_load %arg12[%get3A_1026, %get3A_1027, %get3A_1028] {strides = array<i32>} : memref<2x256x64xf32, #tpu.memory_space<vmem>>, vector<16xf32>,
        tpu.vector_store_idx %arg13[%broadcast_in_dim3A_1021, %add3A_1024], %get3A_1029 masked %broadcast_in_dim3A_1018 {add = true} : memref<320x80xf32, #tpu.memory_space<vmem>>[vector<16xi32>, vector<16xi32>], vector<16xf32>, vector<16xi1>
        %add3A_1030 = arith.constant 16 : i32
        %add3A_1031 = vector.broadcast %add3A_1030 : i32 to vector<16xi32>
        %add3A_1032 = arith.addi %iota3A, %add3A_1031 : vector<16xi32>
        %get3A_1033 = arith.constant 0 : i32
        %get3A_1034 = arith.index_cast %get3A_1033 : i32 to index
        %get3A_1035 = arith.index_cast %add3A_1008 : i32 to index
        %get3A_1036 = arith.constant 16 : index
        %get3A_1037 = tpu.vector_load %arg12[%get3A_1034, %get3A_1035, %get3A_1036] {strides = array<i32>} : memref<2x256x64xf32, #tpu.memory_space<vmem>>, vector<16xf32>,
        tpu.vector_store_idx %arg13[%broadcast_in_dim3A_1021, %add3A_1032], %get3A_1037 masked %broadcast_in_dim3A_1018 {add = true} : memref<320x80xf32, #tpu.memory_space<vmem>>[vector<16xi32>, vector<16xi32>], vector<16xf32>, vector<16xi1>
        %add3A_1038 = arith.constant 32 : i32
        %add3A_1039 = vector.broadcast %add3A_1038 : i32 to vector<16xi32>
        %add3A_1040 = arith.addi %iota3A, %add3A_1039 : vector<16xi32>
        %get3A_1041 = arith.constant 0 : i32
        %get3A_1042 = arith.index_cast %get3A_1041 : i32 to index
        %get3A_1043 = arith.index_cast %add3A_1008 : i32 to index
        %get3A_1044 = arith.constant 32 : index
        %get3A_1045 = tpu.vector_load %arg12[%get3A_1042, %get3A_1043, %get3A_1044] {strides = array<i32>} : memref<2x256x64xf32, #tpu.memory_space<vmem>>, vector<16xf32>,
        tpu.vector_store_idx %arg13[%broadcast_in_dim3A_1021, %add3A_1040], %get3A_1045 masked %broadcast_in_dim3A_1018 {add = true} : memref<320x80xf32, #tpu.memory_space<vmem>>[vector<16xi32>, vector<16xi32>], vector<16xf32>, vector<16xi1>
        %add3A_1046 = arith.constant 48 : i32
        %add3A_1047 = vector.broadcast %add3A_1046 : i32 to vector<16xi32>
        %add3A_1048 = arith.addi %iota3A, %add3A_1047 : vector<16xi32>
        %get3A_1049 = arith.constant 0 : i32
        %get3A_1050 = arith.index_cast %get3A_1049 : i32 to index
        %get3A_1051 = arith.index_cast %add3A_1008 : i32 to index
        %get3A_1052 = arith.constant 48 : index
        %get3A_1053 = tpu.vector_load %arg12[%get3A_1050, %get3A_1051, %get3A_1052] {strides = array<i32>} : memref<2x256x64xf32, #tpu.memory_space<vmem>>, vector<16xf32>,
        tpu.vector_store_idx %arg13[%broadcast_in_dim3A_1021, %add3A_1048], %get3A_1053 masked %broadcast_in_dim3A_1018 {add = true} : memref<320x80xf32, #tpu.memory_space<vmem>>[vector<16xi32>, vector<16xi32>], vector<16xf32>, vector<16xi1>
        %add3A_1054 = arith.constant 64 : i32
        %add3A_1055 = vector.broadcast %add3A_1054 : i32 to vector<16xi32>
        %add3A_1056 = arith.addi %iota3A, %add3A_1055 : vector<16xi32>
        tpu.vector_store_idx %arg13[%broadcast_in_dim3A_1021, %add3A_1056], %select_n3A masked %broadcast_in_dim3A_1018 {add = true} : memref<320x80xf32, #tpu.memory_space<vmem>>[vector<16xi32>, vector<16xi32>], vector<16xf32>, vector<16xi1>
        %mul3A_1057 = arith.constant 16 : i32
        %mul3A_1058 = arith.muli %add3A_574, %mul3A_1057 : i32
        %add3A_1059 = arith.constant 9 : i32
        %add3A_1060 = arith.addi %mul3A_1058, %add3A_1059 : i32
        %add3A_1061 = arith.addi %add3A_425, %add3A_1060 : i32
        %ge3A_1062 = arith.cmpi sge, %add3A_1061, %squeeze3A : i32
        %lt3A_1063 = arith.cmpi slt, %add3A_1061, %squeeze3A_16 : i32
        %and3A_1064 = arith.andi %ge3A_1062, %lt3A_1063 : i1
        %slice3A_1065 = vector.extract_strided_slice %get3A_591 {offsets = [9], sizes = [1], strides = [1]} : vector<16xi32> to vector<1xi32>
        %squeeze3A_1066 = vector.extract %slice3A_1065[0] : i32 from vector<1xi32>
        %le3A_1067 = arith.constant 160000 : i32
        %le3A_1068 = arith.cmpi sle, %squeeze3A_1066, %le3A_1067 : i32
        %and3A_1069 = arith.andi %and3A_1064, %le3A_1068 : i1
        %broadcast_in_dim3A_1070 = vector.broadcast %and3A_1069 : i1 to vector<16xi1>
        %slice3A_1071 = vector.extract_strided_slice %min3A_585 {offsets = [9], sizes = [1], strides = [1]} : vector<16xi32> to vector<1xi32>
        %squeeze3A_1072 = vector.extract %slice3A_1071[0] : i32 from vector<1xi32>
        %broadcast_in_dim3A_1073 = vector.broadcast %squeeze3A_1072 : i32 to vector<16xi32>
        %add3A_1074 = arith.constant 0 : i32
        %add3A_1075 = vector.broadcast %add3A_1074 : i32 to vector<16xi32>
        %add3A_1076 = arith.addi %iota3A, %add3A_1075 : vector<16xi32>
        %get3A_1077 = arith.constant 0 : i32
        %get3A_1078 = arith.index_cast %get3A_1077 : i32 to index
        %get3A_1079 = arith.index_cast %add3A_1060 : i32 to index
        %get3A_1080 = arith.constant 0 : index
        %get3A_1081 = tpu.vector_load %arg12[%get3A_1078, %get3A_1079, %get3A_1080] {strides = array<i32>} : memref<2x256x64xf32, #tpu.memory_space<vmem>>, vector<16xf32>,
        tpu.vector_store_idx %arg13[%broadcast_in_dim3A_1073, %add3A_1076], %get3A_1081 masked %broadcast_in_dim3A_1070 {add = true} : memref<320x80xf32, #tpu.memory_space<vmem>>[vector<16xi32>, vector<16xi32>], vector<16xf32>, vector<16xi1>
        %add3A_1082 = arith.constant 16 : i32
        %add3A_1083 = vector.broadcast %add3A_1082 : i32 to vector<16xi32>
        %add3A_1084 = arith.addi %iota3A, %add3A_1083 : vector<16xi32>
        %get3A_1085 = arith.constant 0 : i32
        %get3A_1086 = arith.index_cast %get3A_1085 : i32 to index
        %get3A_1087 = arith.index_cast %add3A_1060 : i32 to index
        %get3A_1088 = arith.constant 16 : index
        %get3A_1089 = tpu.vector_load %arg12[%get3A_1086, %get3A_1087, %get3A_1088] {strides = array<i32>} : memref<2x256x64xf32, #tpu.memory_space<vmem>>, vector<16xf32>,
        tpu.vector_store_idx %arg13[%broadcast_in_dim3A_1073, %add3A_1084], %get3A_1089 masked %broadcast_in_dim3A_1070 {add = true} : memref<320x80xf32, #tpu.memory_space<vmem>>[vector<16xi32>, vector<16xi32>], vector<16xf32>, vector<16xi1>
        %add3A_1090 = arith.constant 32 : i32
        %add3A_1091 = vector.broadcast %add3A_1090 : i32 to vector<16xi32>
        %add3A_1092 = arith.addi %iota3A, %add3A_1091 : vector<16xi32>
        %get3A_1093 = arith.constant 0 : i32
        %get3A_1094 = arith.index_cast %get3A_1093 : i32 to index
        %get3A_1095 = arith.index_cast %add3A_1060 : i32 to index
        %get3A_1096 = arith.constant 32 : index
        %get3A_1097 = tpu.vector_load %arg12[%get3A_1094, %get3A_1095, %get3A_1096] {strides = array<i32>} : memref<2x256x64xf32, #tpu.memory_space<vmem>>, vector<16xf32>,
        tpu.vector_store_idx %arg13[%broadcast_in_dim3A_1073, %add3A_1092], %get3A_1097 masked %broadcast_in_dim3A_1070 {add = true} : memref<320x80xf32, #tpu.memory_space<vmem>>[vector<16xi32>, vector<16xi32>], vector<16xf32>, vector<16xi1>
        %add3A_1098 = arith.constant 48 : i32
        %add3A_1099 = vector.broadcast %add3A_1098 : i32 to vector<16xi32>
        %add3A_1100 = arith.addi %iota3A, %add3A_1099 : vector<16xi32>
        %get3A_1101 = arith.constant 0 : i32
        %get3A_1102 = arith.index_cast %get3A_1101 : i32 to index
        %get3A_1103 = arith.index_cast %add3A_1060 : i32 to index
        %get3A_1104 = arith.constant 48 : index
        %get3A_1105 = tpu.vector_load %arg12[%get3A_1102, %get3A_1103, %get3A_1104] {strides = array<i32>} : memref<2x256x64xf32, #tpu.memory_space<vmem>>, vector<16xf32>,
        tpu.vector_store_idx %arg13[%broadcast_in_dim3A_1073, %add3A_1100], %get3A_1105 masked %broadcast_in_dim3A_1070 {add = true} : memref<320x80xf32, #tpu.memory_space<vmem>>[vector<16xi32>, vector<16xi32>], vector<16xf32>, vector<16xi1>
        %add3A_1106 = arith.constant 64 : i32
        %add3A_1107 = vector.broadcast %add3A_1106 : i32 to vector<16xi32>
        %add3A_1108 = arith.addi %iota3A, %add3A_1107 : vector<16xi32>
        tpu.vector_store_idx %arg13[%broadcast_in_dim3A_1073, %add3A_1108], %select_n3A masked %broadcast_in_dim3A_1070 {add = true} : memref<320x80xf32, #tpu.memory_space<vmem>>[vector<16xi32>, vector<16xi32>], vector<16xf32>, vector<16xi1>
        %mul3A_1109 = arith.constant 16 : i32
        %mul3A_1110 = arith.muli %add3A_574, %mul3A_1109 : i32
        %add3A_1111 = arith.constant 10 : i32
        %add3A_1112 = arith.addi %mul3A_1110, %add3A_1111 : i32
        %add3A_1113 = arith.addi %add3A_425, %add3A_1112 : i32
        %ge3A_1114 = arith.cmpi sge, %add3A_1113, %squeeze3A : i32
        %lt3A_1115 = arith.cmpi slt, %add3A_1113, %squeeze3A_16 : i32
        %and3A_1116 = arith.andi %ge3A_1114, %lt3A_1115 : i1
        %slice3A_1117 = vector.extract_strided_slice %get3A_591 {offsets = [10], sizes = [1], strides = [1]} : vector<16xi32> to vector<1xi32>
        %squeeze3A_1118 = vector.extract %slice3A_1117[0] : i32 from vector<1xi32>
        %le3A_1119 = arith.constant 160000 : i32
        %le3A_1120 = arith.cmpi sle, %squeeze3A_1118, %le3A_1119 : i32
        %and3A_1121 = arith.andi %and3A_1116, %le3A_1120 : i1
        %broadcast_in_dim3A_1122 = vector.broadcast %and3A_1121 : i1 to vector<16xi1>
        %slice3A_1123 = vector.extract_strided_slice %min3A_585 {offsets = [10], sizes = [1], strides = [1]} : vector<16xi32> to vector<1xi32>
        %squeeze3A_1124 = vector.extract %slice3A_1123[0] : i32 from vector<1xi32>
        %broadcast_in_dim3A_1125 = vector.broadcast %squeeze3A_1124 : i32 to vector<16xi32>
        %add3A_1126 = arith.constant 0 : i32
        %add3A_1127 = vector.broadcast %add3A_1126 : i32 to vector<16xi32>
        %add3A_1128 = arith.addi %iota3A, %add3A_1127 : vector<16xi32>
        %get3A_1129 = arith.constant 0 : i32
        %get3A_1130 = arith.index_cast %get3A_1129 : i32 to index
        %get3A_1131 = arith.index_cast %add3A_1112 : i32 to index
        %get3A_1132 = arith.constant 0 : index
        %get3A_1133 = tpu.vector_load %arg12[%get3A_1130, %get3A_1131, %get3A_1132] {strides = array<i32>} : memref<2x256x64xf32, #tpu.memory_space<vmem>>, vector<16xf32>,
        tpu.vector_store_idx %arg13[%broadcast_in_dim3A_1125, %add3A_1128], %get3A_1133 masked %broadcast_in_dim3A_1122 {add = true} : memref<320x80xf32, #tpu.memory_space<vmem>>[vector<16xi32>, vector<16xi32>], vector<16xf32>, vector<16xi1>
        %add3A_1134 = arith.constant 16 : i32
        %add3A_1135 = vector.broadcast %add3A_1134 : i32 to vector<16xi32>
        %add3A_1136 = arith.addi %iota3A, %add3A_1135 : vector<16xi32>
        %get3A_1137 = arith.constant 0 : i32
        %get3A_1138 = arith.index_cast %get3A_1137 : i32 to index
        %get3A_1139 = arith.index_cast %add3A_1112 : i32 to index
        %get3A_1140 = arith.constant 16 : index
        %get3A_1141 = tpu.vector_load %arg12[%get3A_1138, %get3A_1139, %get3A_1140] {strides = array<i32>} : memref<2x256x64xf32, #tpu.memory_space<vmem>>, vector<16xf32>,
        tpu.vector_store_idx %arg13[%broadcast_in_dim3A_1125, %add3A_1136], %get3A_1141 masked %broadcast_in_dim3A_1122 {add = true} : memref<320x80xf32, #tpu.memory_space<vmem>>[vector<16xi32>, vector<16xi32>], vector<16xf32>, vector<16xi1>
        %add3A_1142 = arith.constant 32 : i32
        %add3A_1143 = vector.broadcast %add3A_1142 : i32 to vector<16xi32>
        %add3A_1144 = arith.addi %iota3A, %add3A_1143 : vector<16xi32>
        %get3A_1145 = arith.constant 0 : i32
        %get3A_1146 = arith.index_cast %get3A_1145 : i32 to index
        %get3A_1147 = arith.index_cast %add3A_1112 : i32 to index
        %get3A_1148 = arith.constant 32 : index
        %get3A_1149 = tpu.vector_load %arg12[%get3A_1146, %get3A_1147, %get3A_1148] {strides = array<i32>} : memref<2x256x64xf32, #tpu.memory_space<vmem>>, vector<16xf32>,
        tpu.vector_store_idx %arg13[%broadcast_in_dim3A_1125, %add3A_1144], %get3A_1149 masked %broadcast_in_dim3A_1122 {add = true} : memref<320x80xf32, #tpu.memory_space<vmem>>[vector<16xi32>, vector<16xi32>], vector<16xf32>, vector<16xi1>
        %add3A_1150 = arith.constant 48 : i32
        %add3A_1151 = vector.broadcast %add3A_1150 : i32 to vector<16xi32>
        %add3A_1152 = arith.addi %iota3A, %add3A_1151 : vector<16xi32>
        %get3A_1153 = arith.constant 0 : i32
        %get3A_1154 = arith.index_cast %get3A_1153 : i32 to index
        %get3A_1155 = arith.index_cast %add3A_1112 : i32 to index
        %get3A_1156 = arith.constant 48 : index
        %get3A_1157 = tpu.vector_load %arg12[%get3A_1154, %get3A_1155, %get3A_1156] {strides = array<i32>} : memref<2x256x64xf32, #tpu.memory_space<vmem>>, vector<16xf32>,
        tpu.vector_store_idx %arg13[%broadcast_in_dim3A_1125, %add3A_1152], %get3A_1157 masked %broadcast_in_dim3A_1122 {add = true} : memref<320x80xf32, #tpu.memory_space<vmem>>[vector<16xi32>, vector<16xi32>], vector<16xf32>, vector<16xi1>
        %add3A_1158 = arith.constant 64 : i32
        %add3A_1159 = vector.broadcast %add3A_1158 : i32 to vector<16xi32>
        %add3A_1160 = arith.addi %iota3A, %add3A_1159 : vector<16xi32>
        tpu.vector_store_idx %arg13[%broadcast_in_dim3A_1125, %add3A_1160], %select_n3A masked %broadcast_in_dim3A_1122 {add = true} : memref<320x80xf32, #tpu.memory_space<vmem>>[vector<16xi32>, vector<16xi32>], vector<16xf32>, vector<16xi1>
        %mul3A_1161 = arith.constant 16 : i32
        %mul3A_1162 = arith.muli %add3A_574, %mul3A_1161 : i32
        %add3A_1163 = arith.constant 11 : i32
        %add3A_1164 = arith.addi %mul3A_1162, %add3A_1163 : i32
        %add3A_1165 = arith.addi %add3A_425, %add3A_1164 : i32
        %ge3A_1166 = arith.cmpi sge, %add3A_1165, %squeeze3A : i32
        %lt3A_1167 = arith.cmpi slt, %add3A_1165, %squeeze3A_16 : i32
        %and3A_1168 = arith.andi %ge3A_1166, %lt3A_1167 : i1
        %slice3A_1169 = vector.extract_strided_slice %get3A_591 {offsets = [11], sizes = [1], strides = [1]} : vector<16xi32> to vector<1xi32>
        %squeeze3A_1170 = vector.extract %slice3A_1169[0] : i32 from vector<1xi32>
        %le3A_1171 = arith.constant 160000 : i32
        %le3A_1172 = arith.cmpi sle, %squeeze3A_1170, %le3A_1171 : i32
        %and3A_1173 = arith.andi %and3A_1168, %le3A_1172 : i1
        %broadcast_in_dim3A_1174 = vector.broadcast %and3A_1173 : i1 to vector<16xi1>
        %slice3A_1175 = vector.extract_strided_slice %min3A_585 {offsets = [11], sizes = [1], strides = [1]} : vector<16xi32> to vector<1xi32>
        %squeeze3A_1176 = vector.extract %slice3A_1175[0] : i32 from vector<1xi32>
        %broadcast_in_dim3A_1177 = vector.broadcast %squeeze3A_1176 : i32 to vector<16xi32>
        %add3A_1178 = arith.constant 0 : i32
        %add3A_1179 = vector.broadcast %add3A_1178 : i32 to vector<16xi32>
        %add3A_1180 = arith.addi %iota3A, %add3A_1179 : vector<16xi32>
        %get3A_1181 = arith.constant 0 : i32
        %get3A_1182 = arith.index_cast %get3A_1181 : i32 to index
        %get3A_1183 = arith.index_cast %add3A_1164 : i32 to index
        %get3A_1184 = arith.constant 0 : index
        %get3A_1185 = tpu.vector_load %arg12[%get3A_1182, %get3A_1183, %get3A_1184] {strides = array<i32>} : memref<2x256x64xf32, #tpu.memory_space<vmem>>, vector<16xf32>,
        tpu.vector_store_idx %arg13[%broadcast_in_dim3A_1177, %add3A_1180], %get3A_1185 masked %broadcast_in_dim3A_1174 {add = true} : memref<320x80xf32, #tpu.memory_space<vmem>>[vector<16xi32>, vector<16xi32>], vector<16xf32>, vector<16xi1>
        %add3A_1186 = arith.constant 16 : i32
        %add3A_1187 = vector.broadcast %add3A_1186 : i32 to vector<16xi32>
        %add3A_1188 = arith.addi %iota3A, %add3A_1187 : vector<16xi32>
        %get3A_1189 = arith.constant 0 : i32
        %get3A_1190 = arith.index_cast %get3A_1189 : i32 to index
        %get3A_1191 = arith.index_cast %add3A_1164 : i32 to index
        %get3A_1192 = arith.constant 16 : index
        %get3A_1193 = tpu.vector_load %arg12[%get3A_1190, %get3A_1191, %get3A_1192] {strides = array<i32>} : memref<2x256x64xf32, #tpu.memory_space<vmem>>, vector<16xf32>,
        tpu.vector_store_idx %arg13[%broadcast_in_dim3A_1177, %add3A_1188], %get3A_1193 masked %broadcast_in_dim3A_1174 {add = true} : memref<320x80xf32, #tpu.memory_space<vmem>>[vector<16xi32>, vector<16xi32>], vector<16xf32>, vector<16xi1>
        %add3A_1194 = arith.constant 32 : i32
        %add3A_1195 = vector.broadcast %add3A_1194 : i32 to vector<16xi32>
        %add3A_1196 = arith.addi %iota3A, %add3A_1195 : vector<16xi32>
        %get3A_1197 = arith.constant 0 : i32
        %get3A_1198 = arith.index_cast %get3A_1197 : i32 to index
        %get3A_1199 = arith.index_cast %add3A_1164 : i32 to index
        %get3A_1200 = arith.constant 32 : index
        %get3A_1201 = tpu.vector_load %arg12[%get3A_1198, %get3A_1199, %get3A_1200] {strides = array<i32>} : memref<2x256x64xf32, #tpu.memory_space<vmem>>, vector<16xf32>,
        tpu.vector_store_idx %arg13[%broadcast_in_dim3A_1177, %add3A_1196], %get3A_1201 masked %broadcast_in_dim3A_1174 {add = true} : memref<320x80xf32, #tpu.memory_space<vmem>>[vector<16xi32>, vector<16xi32>], vector<16xf32>, vector<16xi1>
        %add3A_1202 = arith.constant 48 : i32
        %add3A_1203 = vector.broadcast %add3A_1202 : i32 to vector<16xi32>
        %add3A_1204 = arith.addi %iota3A, %add3A_1203 : vector<16xi32>
        %get3A_1205 = arith.constant 0 : i32
        %get3A_1206 = arith.index_cast %get3A_1205 : i32 to index
        %get3A_1207 = arith.index_cast %add3A_1164 : i32 to index
        %get3A_1208 = arith.constant 48 : index
        %get3A_1209 = tpu.vector_load %arg12[%get3A_1206, %get3A_1207, %get3A_1208] {strides = array<i32>} : memref<2x256x64xf32, #tpu.memory_space<vmem>>, vector<16xf32>,
        tpu.vector_store_idx %arg13[%broadcast_in_dim3A_1177, %add3A_1204], %get3A_1209 masked %broadcast_in_dim3A_1174 {add = true} : memref<320x80xf32, #tpu.memory_space<vmem>>[vector<16xi32>, vector<16xi32>], vector<16xf32>, vector<16xi1>
        %add3A_1210 = arith.constant 64 : i32
        %add3A_1211 = vector.broadcast %add3A_1210 : i32 to vector<16xi32>
        %add3A_1212 = arith.addi %iota3A, %add3A_1211 : vector<16xi32>
        tpu.vector_store_idx %arg13[%broadcast_in_dim3A_1177, %add3A_1212], %select_n3A masked %broadcast_in_dim3A_1174 {add = true} : memref<320x80xf32, #tpu.memory_space<vmem>>[vector<16xi32>, vector<16xi32>], vector<16xf32>, vector<16xi1>
        %mul3A_1213 = arith.constant 16 : i32
        %mul3A_1214 = arith.muli %add3A_574, %mul3A_1213 : i32
        %add3A_1215 = arith.constant 12 : i32
        %add3A_1216 = arith.addi %mul3A_1214, %add3A_1215 : i32
        %add3A_1217 = arith.addi %add3A_425, %add3A_1216 : i32
        %ge3A_1218 = arith.cmpi sge, %add3A_1217, %squeeze3A : i32
        %lt3A_1219 = arith.cmpi slt, %add3A_1217, %squeeze3A_16 : i32
        %and3A_1220 = arith.andi %ge3A_1218, %lt3A_1219 : i1
        %slice3A_1221 = vector.extract_strided_slice %get3A_591 {offsets = [12], sizes = [1], strides = [1]} : vector<16xi32> to vector<1xi32>
        %squeeze3A_1222 = vector.extract %slice3A_1221[0] : i32 from vector<1xi32>
        %le3A_1223 = arith.constant 160000 : i32
        %le3A_1224 = arith.cmpi sle, %squeeze3A_1222, %le3A_1223 : i32
        %and3A_1225 = arith.andi %and3A_1220, %le3A_1224 : i1
        %broadcast_in_dim3A_1226 = vector.broadcast %and3A_1225 : i1 to vector<16xi1>
        %slice3A_1227 = vector.extract_strided_slice %min3A_585 {offsets = [12], sizes = [1], strides = [1]} : vector<16xi32> to vector<1xi32>
        %squeeze3A_1228 = vector.extract %slice3A_1227[0] : i32 from vector<1xi32>
        %broadcast_in_dim3A_1229 = vector.broadcast %squeeze3A_1228 : i32 to vector<16xi32>
        %add3A_1230 = arith.constant 0 : i32
        %add3A_1231 = vector.broadcast %add3A_1230 : i32 to vector<16xi32>
        %add3A_1232 = arith.addi %iota3A, %add3A_1231 : vector<16xi32>
        %get3A_1233 = arith.constant 0 : i32
        %get3A_1234 = arith.index_cast %get3A_1233 : i32 to index
        %get3A_1235 = arith.index_cast %add3A_1216 : i32 to index
        %get3A_1236 = arith.constant 0 : index
        %get3A_1237 = tpu.vector_load %arg12[%get3A_1234, %get3A_1235, %get3A_1236] {strides = array<i32>} : memref<2x256x64xf32, #tpu.memory_space<vmem>>, vector<16xf32>,
        tpu.vector_store_idx %arg13[%broadcast_in_dim3A_1229, %add3A_1232], %get3A_1237 masked %broadcast_in_dim3A_1226 {add = true} : memref<320x80xf32, #tpu.memory_space<vmem>>[vector<16xi32>, vector<16xi32>], vector<16xf32>, vector<16xi1>
        %add3A_1238 = arith.constant 16 : i32
        %add3A_1239 = vector.broadcast %add3A_1238 : i32 to vector<16xi32>
        %add3A_1240 = arith.addi %iota3A, %add3A_1239 : vector<16xi32>
        %get3A_1241 = arith.constant 0 : i32
        %get3A_1242 = arith.index_cast %get3A_1241 : i32 to index
        %get3A_1243 = arith.index_cast %add3A_1216 : i32 to index
        %get3A_1244 = arith.constant 16 : index
        %get3A_1245 = tpu.vector_load %arg12[%get3A_1242, %get3A_1243, %get3A_1244] {strides = array<i32>} : memref<2x256x64xf32, #tpu.memory_space<vmem>>, vector<16xf32>,
        tpu.vector_store_idx %arg13[%broadcast_in_dim3A_1229, %add3A_1240], %get3A_1245 masked %broadcast_in_dim3A_1226 {add = true} : memref<320x80xf32, #tpu.memory_space<vmem>>[vector<16xi32>, vector<16xi32>], vector<16xf32>, vector<16xi1>
        %add3A_1246 = arith.constant 32 : i32
        %add3A_1247 = vector.broadcast %add3A_1246 : i32 to vector<16xi32>
        %add3A_1248 = arith.addi %iota3A, %add3A_1247 : vector<16xi32>
        %get3A_1249 = arith.constant 0 : i32
        %get3A_1250 = arith.index_cast %get3A_1249 : i32 to index
        %get3A_1251 = arith.index_cast %add3A_1216 : i32 to index
        %get3A_1252 = arith.constant 32 : index
        %get3A_1253 = tpu.vector_load %arg12[%get3A_1250, %get3A_1251, %get3A_1252] {strides = array<i32>} : memref<2x256x64xf32, #tpu.memory_space<vmem>>, vector<16xf32>,
        tpu.vector_store_idx %arg13[%broadcast_in_dim3A_1229, %add3A_1248], %get3A_1253 masked %broadcast_in_dim3A_1226 {add = true} : memref<320x80xf32, #tpu.memory_space<vmem>>[vector<16xi32>, vector<16xi32>], vector<16xf32>, vector<16xi1>
        %add3A_1254 = arith.constant 48 : i32
        %add3A_1255 = vector.broadcast %add3A_1254 : i32 to vector<16xi32>
        %add3A_1256 = arith.addi %iota3A, %add3A_1255 : vector<16xi32>
        %get3A_1257 = arith.constant 0 : i32
        %get3A_1258 = arith.index_cast %get3A_1257 : i32 to index
        %get3A_1259 = arith.index_cast %add3A_1216 : i32 to index
        %get3A_1260 = arith.constant 48 : index
        %get3A_1261 = tpu.vector_load %arg12[%get3A_1258, %get3A_1259, %get3A_1260] {strides = array<i32>} : memref<2x256x64xf32, #tpu.memory_space<vmem>>, vector<16xf32>,
        tpu.vector_store_idx %arg13[%broadcast_in_dim3A_1229, %add3A_1256], %get3A_1261 masked %broadcast_in_dim3A_1226 {add = true} : memref<320x80xf32, #tpu.memory_space<vmem>>[vector<16xi32>, vector<16xi32>], vector<16xf32>, vector<16xi1>
        %add3A_1262 = arith.constant 64 : i32
        %add3A_1263 = vector.broadcast %add3A_1262 : i32 to vector<16xi32>
        %add3A_1264 = arith.addi %iota3A, %add3A_1263 : vector<16xi32>
        tpu.vector_store_idx %arg13[%broadcast_in_dim3A_1229, %add3A_1264], %select_n3A masked %broadcast_in_dim3A_1226 {add = true} : memref<320x80xf32, #tpu.memory_space<vmem>>[vector<16xi32>, vector<16xi32>], vector<16xf32>, vector<16xi1>
        %mul3A_1265 = arith.constant 16 : i32
        %mul3A_1266 = arith.muli %add3A_574, %mul3A_1265 : i32
        %add3A_1267 = arith.constant 13 : i32
        %add3A_1268 = arith.addi %mul3A_1266, %add3A_1267 : i32
        %add3A_1269 = arith.addi %add3A_425, %add3A_1268 : i32
        %ge3A_1270 = arith.cmpi sge, %add3A_1269, %squeeze3A : i32
        %lt3A_1271 = arith.cmpi slt, %add3A_1269, %squeeze3A_16 : i32
        %and3A_1272 = arith.andi %ge3A_1270, %lt3A_1271 : i1
        %slice3A_1273 = vector.extract_strided_slice %get3A_591 {offsets = [13], sizes = [1], strides = [1]} : vector<16xi32> to vector<1xi32>
        %squeeze3A_1274 = vector.extract %slice3A_1273[0] : i32 from vector<1xi32>
        %le3A_1275 = arith.constant 160000 : i32
        %le3A_1276 = arith.cmpi sle, %squeeze3A_1274, %le3A_1275 : i32
        %and3A_1277 = arith.andi %and3A_1272, %le3A_1276 : i1
        %broadcast_in_dim3A_1278 = vector.broadcast %and3A_1277 : i1 to vector<16xi1>
        %slice3A_1279 = vector.extract_strided_slice %min3A_585 {offsets = [13], sizes = [1], strides = [1]} : vector<16xi32> to vector<1xi32>
        %squeeze3A_1280 = vector.extract %slice3A_1279[0] : i32 from vector<1xi32>
        %broadcast_in_dim3A_1281 = vector.broadcast %squeeze3A_1280 : i32 to vector<16xi32>
        %add3A_1282 = arith.constant 0 : i32
        %add3A_1283 = vector.broadcast %add3A_1282 : i32 to vector<16xi32>
        %add3A_1284 = arith.addi %iota3A, %add3A_1283 : vector<16xi32>
        %get3A_1285 = arith.constant 0 : i32
        %get3A_1286 = arith.index_cast %get3A_1285 : i32 to index
        %get3A_1287 = arith.index_cast %add3A_1268 : i32 to index
        %get3A_1288 = arith.constant 0 : index
        %get3A_1289 = tpu.vector_load %arg12[%get3A_1286, %get3A_1287, %get3A_1288] {strides = array<i32>} : memref<2x256x64xf32, #tpu.memory_space<vmem>>, vector<16xf32>,
        tpu.vector_store_idx %arg13[%broadcast_in_dim3A_1281, %add3A_1284], %get3A_1289 masked %broadcast_in_dim3A_1278 {add = true} : memref<320x80xf32, #tpu.memory_space<vmem>>[vector<16xi32>, vector<16xi32>], vector<16xf32>, vector<16xi1>
        %add3A_1290 = arith.constant 16 : i32
        %add3A_1291 = vector.broadcast %add3A_1290 : i32 to vector<16xi32>
        %add3A_1292 = arith.addi %iota3A, %add3A_1291 : vector<16xi32>
        %get3A_1293 = arith.constant 0 : i32
        %get3A_1294 = arith.index_cast %get3A_1293 : i32 to index
        %get3A_1295 = arith.index_cast %add3A_1268 : i32 to index
        %get3A_1296 = arith.constant 16 : index
        %get3A_1297 = tpu.vector_load %arg12[%get3A_1294, %get3A_1295, %get3A_1296] {strides = array<i32>} : memref<2x256x64xf32, #tpu.memory_space<vmem>>, vector<16xf32>,
        tpu.vector_store_idx %arg13[%broadcast_in_dim3A_1281, %add3A_1292], %get3A_1297 masked %broadcast_in_dim3A_1278 {add = true} : memref<320x80xf32, #tpu.memory_space<vmem>>[vector<16xi32>, vector<16xi32>], vector<16xf32>, vector<16xi1>
        %add3A_1298 = arith.constant 32 : i32
        %add3A_1299 = vector.broadcast %add3A_1298 : i32 to vector<16xi32>
        %add3A_1300 = arith.addi %iota3A, %add3A_1299 : vector<16xi32>
        %get3A_1301 = arith.constant 0 : i32
        %get3A_1302 = arith.index_cast %get3A_1301 : i32 to index
        %get3A_1303 = arith.index_cast %add3A_1268 : i32 to index
        %get3A_1304 = arith.constant 32 : index
        %get3A_1305 = tpu.vector_load %arg12[%get3A_1302, %get3A_1303, %get3A_1304] {strides = array<i32>} : memref<2x256x64xf32, #tpu.memory_space<vmem>>, vector<16xf32>,
        tpu.vector_store_idx %arg13[%broadcast_in_dim3A_1281, %add3A_1300], %get3A_1305 masked %broadcast_in_dim3A_1278 {add = true} : memref<320x80xf32, #tpu.memory_space<vmem>>[vector<16xi32>, vector<16xi32>], vector<16xf32>, vector<16xi1>
        %add3A_1306 = arith.constant 48 : i32
        %add3A_1307 = vector.broadcast %add3A_1306 : i32 to vector<16xi32>
        %add3A_1308 = arith.addi %iota3A, %add3A_1307 : vector<16xi32>
        %get3A_1309 = arith.constant 0 : i32
        %get3A_1310 = arith.index_cast %get3A_1309 : i32 to index
        %get3A_1311 = arith.index_cast %add3A_1268 : i32 to index
        %get3A_1312 = arith.constant 48 : index
        %get3A_1313 = tpu.vector_load %arg12[%get3A_1310, %get3A_1311, %get3A_1312] {strides = array<i32>} : memref<2x256x64xf32, #tpu.memory_space<vmem>>, vector<16xf32>,
        tpu.vector_store_idx %arg13[%broadcast_in_dim3A_1281, %add3A_1308], %get3A_1313 masked %broadcast_in_dim3A_1278 {add = true} : memref<320x80xf32, #tpu.memory_space<vmem>>[vector<16xi32>, vector<16xi32>], vector<16xf32>, vector<16xi1>
        %add3A_1314 = arith.constant 64 : i32
        %add3A_1315 = vector.broadcast %add3A_1314 : i32 to vector<16xi32>
        %add3A_1316 = arith.addi %iota3A, %add3A_1315 : vector<16xi32>
        tpu.vector_store_idx %arg13[%broadcast_in_dim3A_1281, %add3A_1316], %select_n3A masked %broadcast_in_dim3A_1278 {add = true} : memref<320x80xf32, #tpu.memory_space<vmem>>[vector<16xi32>, vector<16xi32>], vector<16xf32>, vector<16xi1>
        %mul3A_1317 = arith.constant 16 : i32
        %mul3A_1318 = arith.muli %add3A_574, %mul3A_1317 : i32
        %add3A_1319 = arith.constant 14 : i32
        %add3A_1320 = arith.addi %mul3A_1318, %add3A_1319 : i32
        %add3A_1321 = arith.addi %add3A_425, %add3A_1320 : i32
        %ge3A_1322 = arith.cmpi sge, %add3A_1321, %squeeze3A : i32
        %lt3A_1323 = arith.cmpi slt, %add3A_1321, %squeeze3A_16 : i32
        %and3A_1324 = arith.andi %ge3A_1322, %lt3A_1323 : i1
        %slice3A_1325 = vector.extract_strided_slice %get3A_591 {offsets = [14], sizes = [1], strides = [1]} : vector<16xi32> to vector<1xi32>
        %squeeze3A_1326 = vector.extract %slice3A_1325[0] : i32 from vector<1xi32>
        %le3A_1327 = arith.constant 160000 : i32
        %le3A_1328 = arith.cmpi sle, %squeeze3A_1326, %le3A_1327 : i32
        %and3A_1329 = arith.andi %and3A_1324, %le3A_1328 : i1
        %broadcast_in_dim3A_1330 = vector.broadcast %and3A_1329 : i1 to vector<16xi1>
        %slice3A_1331 = vector.extract_strided_slice %min3A_585 {offsets = [14], sizes = [1], strides = [1]} : vector<16xi32> to vector<1xi32>
        %squeeze3A_1332 = vector.extract %slice3A_1331[0] : i32 from vector<1xi32>
        %broadcast_in_dim3A_1333 = vector.broadcast %squeeze3A_1332 : i32 to vector<16xi32>
        %add3A_1334 = arith.constant 0 : i32
        %add3A_1335 = vector.broadcast %add3A_1334 : i32 to vector<16xi32>
        %add3A_1336 = arith.addi %iota3A, %add3A_1335 : vector<16xi32>
        %get3A_1337 = arith.constant 0 : i32
        %get3A_1338 = arith.index_cast %get3A_1337 : i32 to index
        %get3A_1339 = arith.index_cast %add3A_1320 : i32 to index
        %get3A_1340 = arith.constant 0 : index
        %get3A_1341 = tpu.vector_load %arg12[%get3A_1338, %get3A_1339, %get3A_1340] {strides = array<i32>} : memref<2x256x64xf32, #tpu.memory_space<vmem>>, vector<16xf32>,
        tpu.vector_store_idx %arg13[%broadcast_in_dim3A_1333, %add3A_1336], %get3A_1341 masked %broadcast_in_dim3A_1330 {add = true} : memref<320x80xf32, #tpu.memory_space<vmem>>[vector<16xi32>, vector<16xi32>], vector<16xf32>, vector<16xi1>
        %add3A_1342 = arith.constant 16 : i32
        %add3A_1343 = vector.broadcast %add3A_1342 : i32 to vector<16xi32>
        %add3A_1344 = arith.addi %iota3A, %add3A_1343 : vector<16xi32>
        %get3A_1345 = arith.constant 0 : i32
        %get3A_1346 = arith.index_cast %get3A_1345 : i32 to index
        %get3A_1347 = arith.index_cast %add3A_1320 : i32 to index
        %get3A_1348 = arith.constant 16 : index
        %get3A_1349 = tpu.vector_load %arg12[%get3A_1346, %get3A_1347, %get3A_1348] {strides = array<i32>} : memref<2x256x64xf32, #tpu.memory_space<vmem>>, vector<16xf32>,
        tpu.vector_store_idx %arg13[%broadcast_in_dim3A_1333, %add3A_1344], %get3A_1349 masked %broadcast_in_dim3A_1330 {add = true} : memref<320x80xf32, #tpu.memory_space<vmem>>[vector<16xi32>, vector<16xi32>], vector<16xf32>, vector<16xi1>
        %add3A_1350 = arith.constant 32 : i32
        %add3A_1351 = vector.broadcast %add3A_1350 : i32 to vector<16xi32>
        %add3A_1352 = arith.addi %iota3A, %add3A_1351 : vector<16xi32>
        %get3A_1353 = arith.constant 0 : i32
        %get3A_1354 = arith.index_cast %get3A_1353 : i32 to index
        %get3A_1355 = arith.index_cast %add3A_1320 : i32 to index
        %get3A_1356 = arith.constant 32 : index
        %get3A_1357 = tpu.vector_load %arg12[%get3A_1354, %get3A_1355, %get3A_1356] {strides = array<i32>} : memref<2x256x64xf32, #tpu.memory_space<vmem>>, vector<16xf32>,
        tpu.vector_store_idx %arg13[%broadcast_in_dim3A_1333, %add3A_1352], %get3A_1357 masked %broadcast_in_dim3A_1330 {add = true} : memref<320x80xf32, #tpu.memory_space<vmem>>[vector<16xi32>, vector<16xi32>], vector<16xf32>, vector<16xi1>
        %add3A_1358 = arith.constant 48 : i32
        %add3A_1359 = vector.broadcast %add3A_1358 : i32 to vector<16xi32>
        %add3A_1360 = arith.addi %iota3A, %add3A_1359 : vector<16xi32>
        %get3A_1361 = arith.constant 0 : i32
        %get3A_1362 = arith.index_cast %get3A_1361 : i32 to index
        %get3A_1363 = arith.index_cast %add3A_1320 : i32 to index
        %get3A_1364 = arith.constant 48 : index
        %get3A_1365 = tpu.vector_load %arg12[%get3A_1362, %get3A_1363, %get3A_1364] {strides = array<i32>} : memref<2x256x64xf32, #tpu.memory_space<vmem>>, vector<16xf32>,
        tpu.vector_store_idx %arg13[%broadcast_in_dim3A_1333, %add3A_1360], %get3A_1365 masked %broadcast_in_dim3A_1330 {add = true} : memref<320x80xf32, #tpu.memory_space<vmem>>[vector<16xi32>, vector<16xi32>], vector<16xf32>, vector<16xi1>
        %add3A_1366 = arith.constant 64 : i32
        %add3A_1367 = vector.broadcast %add3A_1366 : i32 to vector<16xi32>
        %add3A_1368 = arith.addi %iota3A, %add3A_1367 : vector<16xi32>
        tpu.vector_store_idx %arg13[%broadcast_in_dim3A_1333, %add3A_1368], %select_n3A masked %broadcast_in_dim3A_1330 {add = true} : memref<320x80xf32, #tpu.memory_space<vmem>>[vector<16xi32>, vector<16xi32>], vector<16xf32>, vector<16xi1>
        %mul3A_1369 = arith.constant 16 : i32
        %mul3A_1370 = arith.muli %add3A_574, %mul3A_1369 : i32
        %add3A_1371 = arith.constant 15 : i32
        %add3A_1372 = arith.addi %mul3A_1370, %add3A_1371 : i32
        %add3A_1373 = arith.addi %add3A_425, %add3A_1372 : i32
        %ge3A_1374 = arith.cmpi sge, %add3A_1373, %squeeze3A : i32
        %lt3A_1375 = arith.cmpi slt, %add3A_1373, %squeeze3A_16 : i32
        %and3A_1376 = arith.andi %ge3A_1374, %lt3A_1375 : i1
        %slice3A_1377 = vector.extract_strided_slice %get3A_591 {offsets = [15], sizes = [1], strides = [1]} : vector<16xi32> to vector<1xi32>
        %squeeze3A_1378 = vector.extract %slice3A_1377[0] : i32 from vector<1xi32>
        %le3A_1379 = arith.constant 160000 : i32
        %le3A_1380 = arith.cmpi sle, %squeeze3A_1378, %le3A_1379 : i32
        %and3A_1381 = arith.andi %and3A_1376, %le3A_1380 : i1
        %broadcast_in_dim3A_1382 = vector.broadcast %and3A_1381 : i1 to vector<16xi1>
        %slice3A_1383 = vector.extract_strided_slice %min3A_585 {offsets = [15], sizes = [1], strides = [1]} : vector<16xi32> to vector<1xi32>
        %squeeze3A_1384 = vector.extract %slice3A_1383[0] : i32 from vector<1xi32>
        %broadcast_in_dim3A_1385 = vector.broadcast %squeeze3A_1384 : i32 to vector<16xi32>
        %add3A_1386 = arith.constant 0 : i32
        %add3A_1387 = vector.broadcast %add3A_1386 : i32 to vector<16xi32>
        %add3A_1388 = arith.addi %iota3A, %add3A_1387 : vector<16xi32>
        %get3A_1389 = arith.constant 0 : i32
        %get3A_1390 = arith.index_cast %get3A_1389 : i32 to index
        %get3A_1391 = arith.index_cast %add3A_1372 : i32 to index
        %get3A_1392 = arith.constant 0 : index
        %get3A_1393 = tpu.vector_load %arg12[%get3A_1390, %get3A_1391, %get3A_1392] {strides = array<i32>} : memref<2x256x64xf32, #tpu.memory_space<vmem>>, vector<16xf32>,
        tpu.vector_store_idx %arg13[%broadcast_in_dim3A_1385, %add3A_1388], %get3A_1393 masked %broadcast_in_dim3A_1382 {add = true} : memref<320x80xf32, #tpu.memory_space<vmem>>[vector<16xi32>, vector<16xi32>], vector<16xf32>, vector<16xi1>
        %add3A_1394 = arith.constant 16 : i32
        %add3A_1395 = vector.broadcast %add3A_1394 : i32 to vector<16xi32>
        %add3A_1396 = arith.addi %iota3A, %add3A_1395 : vector<16xi32>
        %get3A_1397 = arith.constant 0 : i32
        %get3A_1398 = arith.index_cast %get3A_1397 : i32 to index
        %get3A_1399 = arith.index_cast %add3A_1372 : i32 to index
        %get3A_1400 = arith.constant 16 : index
        %get3A_1401 = tpu.vector_load %arg12[%get3A_1398, %get3A_1399, %get3A_1400] {strides = array<i32>} : memref<2x256x64xf32, #tpu.memory_space<vmem>>, vector<16xf32>,
        tpu.vector_store_idx %arg13[%broadcast_in_dim3A_1385, %add3A_1396], %get3A_1401 masked %broadcast_in_dim3A_1382 {add = true} : memref<320x80xf32, #tpu.memory_space<vmem>>[vector<16xi32>, vector<16xi32>], vector<16xf32>, vector<16xi1>
        %add3A_1402 = arith.constant 32 : i32
        %add3A_1403 = vector.broadcast %add3A_1402 : i32 to vector<16xi32>
        %add3A_1404 = arith.addi %iota3A, %add3A_1403 : vector<16xi32>
        %get3A_1405 = arith.constant 0 : i32
        %get3A_1406 = arith.index_cast %get3A_1405 : i32 to index
        %get3A_1407 = arith.index_cast %add3A_1372 : i32 to index
        %get3A_1408 = arith.constant 32 : index
        %get3A_1409 = tpu.vector_load %arg12[%get3A_1406, %get3A_1407, %get3A_1408] {strides = array<i32>} : memref<2x256x64xf32, #tpu.memory_space<vmem>>, vector<16xf32>,
        tpu.vector_store_idx %arg13[%broadcast_in_dim3A_1385, %add3A_1404], %get3A_1409 masked %broadcast_in_dim3A_1382 {add = true} : memref<320x80xf32, #tpu.memory_space<vmem>>[vector<16xi32>, vector<16xi32>], vector<16xf32>, vector<16xi1>
        %add3A_1410 = arith.constant 48 : i32
        %add3A_1411 = vector.broadcast %add3A_1410 : i32 to vector<16xi32>
        %add3A_1412 = arith.addi %iota3A, %add3A_1411 : vector<16xi32>
        %get3A_1413 = arith.constant 0 : i32
        %get3A_1414 = arith.index_cast %get3A_1413 : i32 to index
        %get3A_1415 = arith.index_cast %add3A_1372 : i32 to index
        %get3A_1416 = arith.constant 48 : index
        %get3A_1417 = tpu.vector_load %arg12[%get3A_1414, %get3A_1415, %get3A_1416] {strides = array<i32>} : memref<2x256x64xf32, #tpu.memory_space<vmem>>, vector<16xf32>,
        tpu.vector_store_idx %arg13[%broadcast_in_dim3A_1385, %add3A_1412], %get3A_1417 masked %broadcast_in_dim3A_1382 {add = true} : memref<320x80xf32, #tpu.memory_space<vmem>>[vector<16xi32>, vector<16xi32>], vector<16xf32>, vector<16xi1>
        %add3A_1418 = arith.constant 64 : i32
        %add3A_1419 = vector.broadcast %add3A_1418 : i32 to vector<16xi32>
        %add3A_1420 = arith.addi %iota3A, %add3A_1419 : vector<16xi32>
        tpu.vector_store_idx %arg13[%broadcast_in_dim3A_1385, %add3A_1420], %select_n3A masked %broadcast_in_dim3A_1382 {add = true} : memref<320x80xf32, #tpu.memory_space<vmem>>[vector<16xi32>, vector<16xi32>], vector<16xf32>, vector<16xi1>
      }
      %scan3A_476 = arith.constant 16 : i32
      %add3A_477 = arith.constant 512 : i32
      %add3A_478 = arith.addi %add3A_425, %add3A_477 : i32
      %dma_start3A_479 = arith.constant 0 : i32
      %dma_start3A_480 = arith.constant 0 : i32
      %dma_start3A_481 = tpu.memref_slice %arg8[%dma_start3A_479, %dma_start3A_480] : memref<2x256xi32, #tpu.memory_space<vmem>> -> memref<1x256xi32, #tpu.memory_space<vmem>>
      %dma_start3A_482 = tpu.memref_squeeze %dma_start3A_481 : memref<1x256xi32, #tpu.memory_space<vmem>> -> memref<256xi32, #tpu.memory_space<vmem>>
      %dma_start3A_483 = tpu.memref_slice %arg3[%add3A_478] : memref<191488xi32, #tpu.memory_space<hbm>> -> memref<256xi32, #tpu.memory_space<hbm>>
      %dma_start3A_484 = arith.constant 0 : i32
      %dma_start3A_485 = tpu.memref_slice %arg8[%dma_start3A_479, %dma_start3A_484] : memref<2x256xi32, #tpu.memory_space<vmem>> -> memref<1x256xi32, #tpu.memory_space<vmem>>
      %dma_start3A_486 = tpu.memref_squeeze %dma_start3A_485 : memref<1x256xi32, #tpu.memory_space<vmem>> -> memref<256xi32, #tpu.memory_space<vmem>>
      %dma_start3A_487 = tpu.memref_slice %arg3[%add3A_478] : memref<191488xi32, #tpu.memory_space<hbm>> -> memref<256xi32, #tpu.memory_space<hbm>>
      tpu.enqueue_dma source(%dma_start3A_487 : memref<256xi32, #tpu.memory_space<hbm>>) target(%dma_start3A_486 : memref<256xi32, #tpu.memory_space<vmem>>) target_semaphore(%arg14 : memref<!tpu.dma_semaphore, #tpu.memory_space<semaphore_mem>>)
      %dma_start3A_488 = arith.constant 0 : i32
      %dma_start3A_489 = arith.constant 0 : i32
      %dma_start3A_490 = tpu.memref_slice %arg9[%dma_start3A_488, %dma_start3A_489] : memref<2x256xi32, #tpu.memory_space<vmem>> -> memref<1x256xi32, #tpu.memory_space<vmem>>
      %dma_start3A_491 = tpu.memref_squeeze %dma_start3A_490 : memref<1x256xi32, #tpu.memory_space<vmem>> -> memref<256xi32, #tpu.memory_space<vmem>>
      %dma_start3A_492 = tpu.memref_slice %arg4[%add3A_478] : memref<191488xi32, #tpu.memory_space<hbm>> -> memref<256xi32, #tpu.memory_space<hbm>>
      %dma_start3A_493 = arith.constant 0 : i32
      %dma_start3A_494 = tpu.memref_slice %arg9[%dma_start3A_488, %dma_start3A_493] : memref<2x256xi32, #tpu.memory_space<vmem>> -> memref<1x256xi32, #tpu.memory_space<vmem>>
      %dma_start3A_495 = tpu.memref_squeeze %dma_start3A_494 : memref<1x256xi32, #tpu.memory_space<vmem>> -> memref<256xi32, #tpu.memory_space<vmem>>
      %dma_start3A_496 = tpu.memref_slice %arg4[%add3A_478] : memref<191488xi32, #tpu.memory_space<hbm>> -> memref<256xi32, #tpu.memory_space<hbm>>
      tpu.enqueue_dma source(%dma_start3A_496 : memref<256xi32, #tpu.memory_space<hbm>>) target(%dma_start3A_495 : memref<256xi32, #tpu.memory_space<vmem>>) target_semaphore(%arg14 : memref<!tpu.dma_semaphore, #tpu.memory_space<semaphore_mem>>)
      %add3A_497 = arith.constant 256 : i32
      %add3A_498 = arith.addi %add3A_423, %add3A_497 : i32
      %dma_wait3A_499 = arith.constant 0 : i32
      %dma_wait3A_500 = arith.constant 0 : i32
      %dma_wait3A_501 = tpu.memref_slice %arg8[%dma_wait3A_499, %dma_wait3A_500] : memref<2x256xi32, #tpu.memory_space<vmem>> -> memref<1x256xi32, #tpu.memory_space<vmem>>
      %dma_wait3A_502 = tpu.memref_squeeze %dma_wait3A_501 : memref<1x256xi32, #tpu.memory_space<vmem>> -> memref<256xi32, #tpu.memory_space<vmem>>
      %dma_wait3A_503 = arith.constant 0 : i32
      %dma_wait3A_504 = tpu.memref_slice %arg3[%dma_wait3A_503] : memref<191488xi32, #tpu.memory_space<hbm>> -> memref<256xi32, #tpu.memory_space<hbm>>
      %dma_wait3A_505 = arith.constant 0 : i32
      %dma_wait3A_506 = tpu.memref_slice %arg8[%dma_wait3A_499, %dma_wait3A_505] : memref<2x256xi32, #tpu.memory_space<vmem>> -> memref<1x256xi32, #tpu.memory_space<vmem>>
      %dma_wait3A_507 = tpu.memref_squeeze %dma_wait3A_506 : memref<1x256xi32, #tpu.memory_space<vmem>> -> memref<256xi32, #tpu.memory_space<vmem>>
      %dma_wait3A_508 = arith.constant 0 : i32
      %dma_wait3A_509 = tpu.memref_slice %arg3[%dma_wait3A_508] : memref<191488xi32, #tpu.memory_space<hbm>> -> memref<256xi32, #tpu.memory_space<hbm>>
      tpu.wait_dma2 semaphore(%arg14 : memref<!tpu.dma_semaphore, #tpu.memory_space<semaphore_mem>>) src(%dma_wait3A_509 : memref<256xi32, #tpu.memory_space<hbm>>) dst(%dma_wait3A_507 : memref<256xi32, #tpu.memory_space<vmem>>)
      %dma_wait3A_510 = arith.constant 0 : i32
      %dma_wait3A_511 = arith.constant 0 : i32
      %dma_wait3A_512 = tpu.memref_slice %arg9[%dma_wait3A_510, %dma_wait3A_511] : memref<2x256xi32, #tpu.memory_space<vmem>> -> memref<1x256xi32, #tpu.memory_space<vmem>>
      %dma_wait3A_513 = tpu.memref_squeeze %dma_wait3A_512 : memref<1x256xi32, #tpu.memory_space<vmem>> -> memref<256xi32, #tpu.memory_space<vmem>>
      %dma_wait3A_514 = arith.constant 0 : i32
      %dma_wait3A_515 = tpu.memref_slice %arg4[%dma_wait3A_514] : memref<191488xi32, #tpu.memory_space<hbm>> -> memref<256xi32, #tpu.memory_space<hbm>>
      %dma_wait3A_516 = arith.constant 0 : i32
      %dma_wait3A_517 = tpu.memref_slice %arg9[%dma_wait3A_510, %dma_wait3A_516] : memref<2x256xi32, #tpu.memory_space<vmem>> -> memref<1x256xi32, #tpu.memory_space<vmem>>
      %dma_wait3A_518 = tpu.memref_squeeze %dma_wait3A_517 : memref<1x256xi32, #tpu.memory_space<vmem>> -> memref<256xi32, #tpu.memory_space<vmem>>
      %dma_wait3A_519 = arith.constant 0 : i32
      %dma_wait3A_520 = tpu.memref_slice %arg4[%dma_wait3A_519] : memref<191488xi32, #tpu.memory_space<hbm>> -> memref<256xi32, #tpu.memory_space<hbm>>
      tpu.wait_dma2 semaphore(%arg14 : memref<!tpu.dma_semaphore, #tpu.memory_space<semaphore_mem>>) src(%dma_wait3A_520 : memref<256xi32, #tpu.memory_space<hbm>>) dst(%dma_wait3A_518 : memref<256xi32, #tpu.memory_space<vmem>>)
      %dma_start3A_521 = arith.constant 0 : i32
      %dma_start3A_522 = arith.constant 0 : i32
      %dma_start3A_523 = arith.constant 0 : i32
      %dma_start3A_524 = arith.constant 0 : i32
      %dma_start3A_525 = tpu.memref_slice %arg12[%dma_start3A_522, %dma_start3A_523, %dma_start3A_524] : memref<2x256x64xf32, #tpu.memory_space<vmem>> -> memref<1x256x64xf32, #tpu.memory_space<vmem>>
      %dma_start3A_526 = tpu.memref_squeeze %dma_start3A_525 : memref<1x256x64xf32, #tpu.memory_space<vmem>> -> memref<256x64xf32, #tpu.memory_space<vmem>>
      %dma_start3A_527 = arith.constant 0 : i32
      %dma_start3A_528 = tpu.memref_slice %arg9[%dma_start3A_521, %dma_start3A_527] : memref<2x256xi32, #tpu.memory_space<vmem>> -> memref<1x256xi32, #tpu.memory_space<vmem>>
      %dma_start3A_529 = tpu.memref_squeeze %dma_start3A_528 : memref<1x256xi32, #tpu.memory_space<vmem>> -> memref<256xi32, #tpu.memory_space<vmem>>
      %dma_start3A_530 = arith.constant 0 : i32
      %dma_start3A_531 = arith.constant 0 : i32
      %dma_start3A_532 = tpu.memref_slice %arg2[%dma_start3A_530, %dma_start3A_531] : memref<170136x64xf32, #tpu.memory_space<hbm>> -> memref<170136x64xf32, #tpu.memory_space<hbm>>
      tpu.enqueue_indirect_dma source(%dma_start3A_532 : memref<170136x64xf32, #tpu.memory_space<hbm>>) target(%dma_start3A_526 : memref<256x64xf32, #tpu.memory_space<vmem>>) offsets(%dma_start3A_529 : memref<256xi32, #tpu.memory_space<vmem>>) semaphore(%arg16 : memref<!tpu.dma_semaphore, #tpu.memory_space<semaphore_mem>>)
      %dma_wait3A_533 = arith.constant 1 : i32
      %dma_wait3A_534 = arith.constant 1 : i32
      %dma_wait3A_535 = arith.constant 0 : i32
      %dma_wait3A_536 = arith.constant 0 : i32
      %dma_wait3A_537 = tpu.memref_slice %arg12[%dma_wait3A_534, %dma_wait3A_535, %dma_wait3A_536] : memref<2x256x64xf32, #tpu.memory_space<vmem>> -> memref<1x256x64xf32, #tpu.memory_space<vmem>>
      %dma_wait3A_538 = tpu.memref_squeeze %dma_wait3A_537 : memref<1x256x64xf32, #tpu.memory_space<vmem>> -> memref<256x64xf32, #tpu.memory_space<vmem>>
      %dma_wait3A_539 = arith.constant 0 : i32
      %dma_wait3A_540 = tpu.memref_slice %arg9[%dma_wait3A_533, %dma_wait3A_539] : memref<2x256xi32, #tpu.memory_space<vmem>> -> memref<1x256xi32, #tpu.memory_space<vmem>>
      %dma_wait3A_541 = tpu.memref_squeeze %dma_wait3A_540 : memref<1x256xi32, #tpu.memory_space<vmem>> -> memref<256xi32, #tpu.memory_space<vmem>>
      %dma_wait3A_542 = arith.constant 0 : i32
      %dma_wait3A_543 = arith.constant 0 : i32
      %dma_wait3A_544 = tpu.memref_slice %arg2[%dma_wait3A_542, %dma_wait3A_543] : memref<170136x64xf32, #tpu.memory_space<hbm>> -> memref<170136x64xf32, #tpu.memory_space<hbm>>
      tpu.wait_indirect_dma semaphore(%arg17 : memref<!tpu.dma_semaphore, #tpu.memory_space<semaphore_mem>>) src(%dma_wait3A_544 : memref<170136x64xf32, #tpu.memory_space<hbm>>) dst(%dma_wait3A_538 : memref<256x64xf32, #tpu.memory_space<vmem>>)
      %scan3A_545 = arith.constant 0 : i32
      %scan3A_546 = arith.constant 16 : i32
      %scan3A_547 = arith.addi %scan3A_545, %scan3A_546 : i32
      %scan3A_548 = arith.constant 1 : i32
      scf.for %scan3A_570 = %scan3A_545 to %scan3A_547 step %scan3A_548  : i32 {
        %mul3A_571 = arith.constant 1 : i32
        %mul3A_572 = arith.muli %scan3A_570, %mul3A_571 : i32
        %add3A_573 = arith.constant 0 : i32
        %add3A_574 = arith.addi %add3A_573, %mul3A_572 : i32
        %mul3A_575 = arith.constant 16 : i32
        %mul3A_576 = arith.muli %add3A_574, %mul3A_575 : i32
        %get3A = arith.constant 1 : i32
        %get3A_577 = arith.index_cast %get3A : i32 to index
        %get3A_578 = arith.index_cast %mul3A_576 : i32 to index
        %get3A_579 = tpu.vector_load %arg8[%get3A_577, %get3A_578] {strides = array<i32>} : memref<2x256xi32, #tpu.memory_space<vmem>>, vector<16xi32>,
        %sub3A_580 = vector.broadcast %mul3A_2 : i32 to vector<16xi32>
        %sub3A_581 = arith.subi %get3A_579, %sub3A_580 : vector<16xi32>
        %jit3A_582 = arith.constant 0 : i32
        %jit3A_583 = arith.constant 319 : i32
        %max3A = vector.broadcast %jit3A_582 : i32 to vector<16xi32>
        %max3A_584 = arith.maxsi %max3A, %sub3A_581 : vector<16xi32>
        %min3A = vector.broadcast %jit3A_583 : i32 to vector<16xi32>
        %min3A_585 = arith.minsi %min3A, %max3A_584 : vector<16xi32>
        %mul3A_586 = arith.constant 16 : i32
        %mul3A_587 = arith.muli %add3A_574, %mul3A_586 : i32
        %get3A_588 = arith.constant 1 : i32
        %get3A_589 = arith.index_cast %get3A_588 : i32 to index
        %get3A_590 = arith.index_cast %mul3A_587 : i32 to index
        %get3A_591 = tpu.vector_load %arg9[%get3A_589, %get3A_590] {strides = array<i32>} : memref<2x256xi32, #tpu.memory_space<vmem>>, vector<16xi32>,
        %mul3A_592 = arith.constant 16 : i32
        %mul3A_593 = arith.muli %add3A_574, %mul3A_592 : i32
        %add3A_594 = arith.constant 0 : i32
        %add3A_595 = arith.addi %mul3A_593, %add3A_594 : i32
        %add3A_596 = arith.addi %add3A_498, %add3A_595 : i32
        %ge3A = arith.cmpi sge, %add3A_596, %squeeze3A : i32
        %lt3A = arith.cmpi slt, %add3A_596, %squeeze3A_16 : i32
        %and3A_597 = arith.andi %ge3A, %lt3A : i1
        %slice3A_598 = vector.extract_strided_slice %get3A_591 {offsets = [0], sizes = [1], strides = [1]} : vector<16xi32> to vector<1xi32>
        %squeeze3A_599 = vector.extract %slice3A_598[0] : i32 from vector<1xi32>
        %le3A = arith.constant 160000 : i32
        %le3A_600 = arith.cmpi sle, %squeeze3A_599, %le3A : i32
        %and3A_601 = arith.andi %and3A_597, %le3A_600 : i1
        %broadcast_in_dim3A_602 = vector.broadcast %and3A_601 : i1 to vector<16xi1>
        %slice3A_603 = vector.extract_strided_slice %min3A_585 {offsets = [0], sizes = [1], strides = [1]} : vector<16xi32> to vector<1xi32>
        %squeeze3A_604 = vector.extract %slice3A_603[0] : i32 from vector<1xi32>
        %broadcast_in_dim3A_605 = vector.broadcast %squeeze3A_604 : i32 to vector<16xi32>
        %add3A_606 = arith.constant 0 : i32
        %add3A_607 = vector.broadcast %add3A_606 : i32 to vector<16xi32>
        %add3A_608 = arith.addi %iota3A, %add3A_607 : vector<16xi32>
        %get3A_609 = arith.constant 1 : i32
        %get3A_610 = arith.index_cast %get3A_609 : i32 to index
        %get3A_611 = arith.index_cast %add3A_595 : i32 to index
        %get3A_612 = arith.constant 0 : index
        %get3A_613 = tpu.vector_load %arg12[%get3A_610, %get3A_611, %get3A_612] {strides = array<i32>} : memref<2x256x64xf32, #tpu.memory_space<vmem>>, vector<16xf32>,
        tpu.vector_store_idx %arg13[%broadcast_in_dim3A_605, %add3A_608], %get3A_613 masked %broadcast_in_dim3A_602 {add = true} : memref<320x80xf32, #tpu.memory_space<vmem>>[vector<16xi32>, vector<16xi32>], vector<16xf32>, vector<16xi1>
        %add3A_614 = arith.constant 16 : i32
        %add3A_615 = vector.broadcast %add3A_614 : i32 to vector<16xi32>
        %add3A_616 = arith.addi %iota3A, %add3A_615 : vector<16xi32>
        %get3A_617 = arith.constant 1 : i32
        %get3A_618 = arith.index_cast %get3A_617 : i32 to index
        %get3A_619 = arith.index_cast %add3A_595 : i32 to index
        %get3A_620 = arith.constant 16 : index
        %get3A_621 = tpu.vector_load %arg12[%get3A_618, %get3A_619, %get3A_620] {strides = array<i32>} : memref<2x256x64xf32, #tpu.memory_space<vmem>>, vector<16xf32>,
        tpu.vector_store_idx %arg13[%broadcast_in_dim3A_605, %add3A_616], %get3A_621 masked %broadcast_in_dim3A_602 {add = true} : memref<320x80xf32, #tpu.memory_space<vmem>>[vector<16xi32>, vector<16xi32>], vector<16xf32>, vector<16xi1>
        %add3A_622 = arith.constant 32 : i32
        %add3A_623 = vector.broadcast %add3A_622 : i32 to vector<16xi32>
        %add3A_624 = arith.addi %iota3A, %add3A_623 : vector<16xi32>
        %get3A_625 = arith.constant 1 : i32
        %get3A_626 = arith.index_cast %get3A_625 : i32 to index
        %get3A_627 = arith.index_cast %add3A_595 : i32 to index
        %get3A_628 = arith.constant 32 : index
        %get3A_629 = tpu.vector_load %arg12[%get3A_626, %get3A_627, %get3A_628] {strides = array<i32>} : memref<2x256x64xf32, #tpu.memory_space<vmem>>, vector<16xf32>,
        tpu.vector_store_idx %arg13[%broadcast_in_dim3A_605, %add3A_624], %get3A_629 masked %broadcast_in_dim3A_602 {add = true} : memref<320x80xf32, #tpu.memory_space<vmem>>[vector<16xi32>, vector<16xi32>], vector<16xf32>, vector<16xi1>
        %add3A_630 = arith.constant 48 : i32
        %add3A_631 = vector.broadcast %add3A_630 : i32 to vector<16xi32>
        %add3A_632 = arith.addi %iota3A, %add3A_631 : vector<16xi32>
        %get3A_633 = arith.constant 1 : i32
        %get3A_634 = arith.index_cast %get3A_633 : i32 to index
        %get3A_635 = arith.index_cast %add3A_595 : i32 to index
        %get3A_636 = arith.constant 48 : index
        %get3A_637 = tpu.vector_load %arg12[%get3A_634, %get3A_635, %get3A_636] {strides = array<i32>} : memref<2x256x64xf32, #tpu.memory_space<vmem>>, vector<16xf32>,
        tpu.vector_store_idx %arg13[%broadcast_in_dim3A_605, %add3A_632], %get3A_637 masked %broadcast_in_dim3A_602 {add = true} : memref<320x80xf32, #tpu.memory_space<vmem>>[vector<16xi32>, vector<16xi32>], vector<16xf32>, vector<16xi1>
        %add3A_638 = arith.constant 64 : i32
        %add3A_639 = vector.broadcast %add3A_638 : i32 to vector<16xi32>
        %add3A_640 = arith.addi %iota3A, %add3A_639 : vector<16xi32>
        tpu.vector_store_idx %arg13[%broadcast_in_dim3A_605, %add3A_640], %select_n3A masked %broadcast_in_dim3A_602 {add = true} : memref<320x80xf32, #tpu.memory_space<vmem>>[vector<16xi32>, vector<16xi32>], vector<16xf32>, vector<16xi1>
        %mul3A_641 = arith.constant 16 : i32
        %mul3A_642 = arith.muli %add3A_574, %mul3A_641 : i32
        %add3A_643 = arith.constant 1 : i32
        %add3A_644 = arith.addi %mul3A_642, %add3A_643 : i32
        %add3A_645 = arith.addi %add3A_498, %add3A_644 : i32
        %ge3A_646 = arith.cmpi sge, %add3A_645, %squeeze3A : i32
        %lt3A_647 = arith.cmpi slt, %add3A_645, %squeeze3A_16 : i32
        %and3A_648 = arith.andi %ge3A_646, %lt3A_647 : i1
        %slice3A_649 = vector.extract_strided_slice %get3A_591 {offsets = [1], sizes = [1], strides = [1]} : vector<16xi32> to vector<1xi32>
        %squeeze3A_650 = vector.extract %slice3A_649[0] : i32 from vector<1xi32>
        %le3A_651 = arith.constant 160000 : i32
        %le3A_652 = arith.cmpi sle, %squeeze3A_650, %le3A_651 : i32
        %and3A_653 = arith.andi %and3A_648, %le3A_652 : i1
        %broadcast_in_dim3A_654 = vector.broadcast %and3A_653 : i1 to vector<16xi1>
        %slice3A_655 = vector.extract_strided_slice %min3A_585 {offsets = [1], sizes = [1], strides = [1]} : vector<16xi32> to vector<1xi32>
        %squeeze3A_656 = vector.extract %slice3A_655[0] : i32 from vector<1xi32>
        %broadcast_in_dim3A_657 = vector.broadcast %squeeze3A_656 : i32 to vector<16xi32>
        %add3A_658 = arith.constant 0 : i32
        %add3A_659 = vector.broadcast %add3A_658 : i32 to vector<16xi32>
        %add3A_660 = arith.addi %iota3A, %add3A_659 : vector<16xi32>
        %get3A_661 = arith.constant 1 : i32
        %get3A_662 = arith.index_cast %get3A_661 : i32 to index
        %get3A_663 = arith.index_cast %add3A_644 : i32 to index
        %get3A_664 = arith.constant 0 : index
        %get3A_665 = tpu.vector_load %arg12[%get3A_662, %get3A_663, %get3A_664] {strides = array<i32>} : memref<2x256x64xf32, #tpu.memory_space<vmem>>, vector<16xf32>,
        tpu.vector_store_idx %arg13[%broadcast_in_dim3A_657, %add3A_660], %get3A_665 masked %broadcast_in_dim3A_654 {add = true} : memref<320x80xf32, #tpu.memory_space<vmem>>[vector<16xi32>, vector<16xi32>], vector<16xf32>, vector<16xi1>
        %add3A_666 = arith.constant 16 : i32
        %add3A_667 = vector.broadcast %add3A_666 : i32 to vector<16xi32>
        %add3A_668 = arith.addi %iota3A, %add3A_667 : vector<16xi32>
        %get3A_669 = arith.constant 1 : i32
        %get3A_670 = arith.index_cast %get3A_669 : i32 to index
        %get3A_671 = arith.index_cast %add3A_644 : i32 to index
        %get3A_672 = arith.constant 16 : index
        %get3A_673 = tpu.vector_load %arg12[%get3A_670, %get3A_671, %get3A_672] {strides = array<i32>} : memref<2x256x64xf32, #tpu.memory_space<vmem>>, vector<16xf32>,
        tpu.vector_store_idx %arg13[%broadcast_in_dim3A_657, %add3A_668], %get3A_673 masked %broadcast_in_dim3A_654 {add = true} : memref<320x80xf32, #tpu.memory_space<vmem>>[vector<16xi32>, vector<16xi32>], vector<16xf32>, vector<16xi1>
        %add3A_674 = arith.constant 32 : i32
        %add3A_675 = vector.broadcast %add3A_674 : i32 to vector<16xi32>
        %add3A_676 = arith.addi %iota3A, %add3A_675 : vector<16xi32>
        %get3A_677 = arith.constant 1 : i32
        %get3A_678 = arith.index_cast %get3A_677 : i32 to index
        %get3A_679 = arith.index_cast %add3A_644 : i32 to index
        %get3A_680 = arith.constant 32 : index
        %get3A_681 = tpu.vector_load %arg12[%get3A_678, %get3A_679, %get3A_680] {strides = array<i32>} : memref<2x256x64xf32, #tpu.memory_space<vmem>>, vector<16xf32>,
        tpu.vector_store_idx %arg13[%broadcast_in_dim3A_657, %add3A_676], %get3A_681 masked %broadcast_in_dim3A_654 {add = true} : memref<320x80xf32, #tpu.memory_space<vmem>>[vector<16xi32>, vector<16xi32>], vector<16xf32>, vector<16xi1>
        %add3A_682 = arith.constant 48 : i32
        %add3A_683 = vector.broadcast %add3A_682 : i32 to vector<16xi32>
        %add3A_684 = arith.addi %iota3A, %add3A_683 : vector<16xi32>
        %get3A_685 = arith.constant 1 : i32
        %get3A_686 = arith.index_cast %get3A_685 : i32 to index
        %get3A_687 = arith.index_cast %add3A_644 : i32 to index
        %get3A_688 = arith.constant 48 : index
        %get3A_689 = tpu.vector_load %arg12[%get3A_686, %get3A_687, %get3A_688] {strides = array<i32>} : memref<2x256x64xf32, #tpu.memory_space<vmem>>, vector<16xf32>,
        tpu.vector_store_idx %arg13[%broadcast_in_dim3A_657, %add3A_684], %get3A_689 masked %broadcast_in_dim3A_654 {add = true} : memref<320x80xf32, #tpu.memory_space<vmem>>[vector<16xi32>, vector<16xi32>], vector<16xf32>, vector<16xi1>
        %add3A_690 = arith.constant 64 : i32
        %add3A_691 = vector.broadcast %add3A_690 : i32 to vector<16xi32>
        %add3A_692 = arith.addi %iota3A, %add3A_691 : vector<16xi32>
        tpu.vector_store_idx %arg13[%broadcast_in_dim3A_657, %add3A_692], %select_n3A masked %broadcast_in_dim3A_654 {add = true} : memref<320x80xf32, #tpu.memory_space<vmem>>[vector<16xi32>, vector<16xi32>], vector<16xf32>, vector<16xi1>
        %mul3A_693 = arith.constant 16 : i32
        %mul3A_694 = arith.muli %add3A_574, %mul3A_693 : i32
        %add3A_695 = arith.constant 2 : i32
        %add3A_696 = arith.addi %mul3A_694, %add3A_695 : i32
        %add3A_697 = arith.addi %add3A_498, %add3A_696 : i32
        %ge3A_698 = arith.cmpi sge, %add3A_697, %squeeze3A : i32
        %lt3A_699 = arith.cmpi slt, %add3A_697, %squeeze3A_16 : i32
        %and3A_700 = arith.andi %ge3A_698, %lt3A_699 : i1
        %slice3A_701 = vector.extract_strided_slice %get3A_591 {offsets = [2], sizes = [1], strides = [1]} : vector<16xi32> to vector<1xi32>
        %squeeze3A_702 = vector.extract %slice3A_701[0] : i32 from vector<1xi32>
        %le3A_703 = arith.constant 160000 : i32
        %le3A_704 = arith.cmpi sle, %squeeze3A_702, %le3A_703 : i32
        %and3A_705 = arith.andi %and3A_700, %le3A_704 : i1
        %broadcast_in_dim3A_706 = vector.broadcast %and3A_705 : i1 to vector<16xi1>
        %slice3A_707 = vector.extract_strided_slice %min3A_585 {offsets = [2], sizes = [1], strides = [1]} : vector<16xi32> to vector<1xi32>
        %squeeze3A_708 = vector.extract %slice3A_707[0] : i32 from vector<1xi32>
        %broadcast_in_dim3A_709 = vector.broadcast %squeeze3A_708 : i32 to vector<16xi32>
        %add3A_710 = arith.constant 0 : i32
        %add3A_711 = vector.broadcast %add3A_710 : i32 to vector<16xi32>
        %add3A_712 = arith.addi %iota3A, %add3A_711 : vector<16xi32>
        %get3A_713 = arith.constant 1 : i32
        %get3A_714 = arith.index_cast %get3A_713 : i32 to index
        %get3A_715 = arith.index_cast %add3A_696 : i32 to index
        %get3A_716 = arith.constant 0 : index
        %get3A_717 = tpu.vector_load %arg12[%get3A_714, %get3A_715, %get3A_716] {strides = array<i32>} : memref<2x256x64xf32, #tpu.memory_space<vmem>>, vector<16xf32>,
        tpu.vector_store_idx %arg13[%broadcast_in_dim3A_709, %add3A_712], %get3A_717 masked %broadcast_in_dim3A_706 {add = true} : memref<320x80xf32, #tpu.memory_space<vmem>>[vector<16xi32>, vector<16xi32>], vector<16xf32>, vector<16xi1>
        %add3A_718 = arith.constant 16 : i32
        %add3A_719 = vector.broadcast %add3A_718 : i32 to vector<16xi32>
        %add3A_720 = arith.addi %iota3A, %add3A_719 : vector<16xi32>
        %get3A_721 = arith.constant 1 : i32
        %get3A_722 = arith.index_cast %get3A_721 : i32 to index
        %get3A_723 = arith.index_cast %add3A_696 : i32 to index
        %get3A_724 = arith.constant 16 : index
        %get3A_725 = tpu.vector_load %arg12[%get3A_722, %get3A_723, %get3A_724] {strides = array<i32>} : memref<2x256x64xf32, #tpu.memory_space<vmem>>, vector<16xf32>,
        tpu.vector_store_idx %arg13[%broadcast_in_dim3A_709, %add3A_720], %get3A_725 masked %broadcast_in_dim3A_706 {add = true} : memref<320x80xf32, #tpu.memory_space<vmem>>[vector<16xi32>, vector<16xi32>], vector<16xf32>, vector<16xi1>
        %add3A_726 = arith.constant 32 : i32
        %add3A_727 = vector.broadcast %add3A_726 : i32 to vector<16xi32>
        %add3A_728 = arith.addi %iota3A, %add3A_727 : vector<16xi32>
        %get3A_729 = arith.constant 1 : i32
        %get3A_730 = arith.index_cast %get3A_729 : i32 to index
        %get3A_731 = arith.index_cast %add3A_696 : i32 to index
        %get3A_732 = arith.constant 32 : index
        %get3A_733 = tpu.vector_load %arg12[%get3A_730, %get3A_731, %get3A_732] {strides = array<i32>} : memref<2x256x64xf32, #tpu.memory_space<vmem>>, vector<16xf32>,
        tpu.vector_store_idx %arg13[%broadcast_in_dim3A_709, %add3A_728], %get3A_733 masked %broadcast_in_dim3A_706 {add = true} : memref<320x80xf32, #tpu.memory_space<vmem>>[vector<16xi32>, vector<16xi32>], vector<16xf32>, vector<16xi1>
        %add3A_734 = arith.constant 48 : i32
        %add3A_735 = vector.broadcast %add3A_734 : i32 to vector<16xi32>
        %add3A_736 = arith.addi %iota3A, %add3A_735 : vector<16xi32>
        %get3A_737 = arith.constant 1 : i32
        %get3A_738 = arith.index_cast %get3A_737 : i32 to index
        %get3A_739 = arith.index_cast %add3A_696 : i32 to index
        %get3A_740 = arith.constant 48 : index
        %get3A_741 = tpu.vector_load %arg12[%get3A_738, %get3A_739, %get3A_740] {strides = array<i32>} : memref<2x256x64xf32, #tpu.memory_space<vmem>>, vector<16xf32>,
        tpu.vector_store_idx %arg13[%broadcast_in_dim3A_709, %add3A_736], %get3A_741 masked %broadcast_in_dim3A_706 {add = true} : memref<320x80xf32, #tpu.memory_space<vmem>>[vector<16xi32>, vector<16xi32>], vector<16xf32>, vector<16xi1>
        %add3A_742 = arith.constant 64 : i32
        %add3A_743 = vector.broadcast %add3A_742 : i32 to vector<16xi32>
        %add3A_744 = arith.addi %iota3A, %add3A_743 : vector<16xi32>
        tpu.vector_store_idx %arg13[%broadcast_in_dim3A_709, %add3A_744], %select_n3A masked %broadcast_in_dim3A_706 {add = true} : memref<320x80xf32, #tpu.memory_space<vmem>>[vector<16xi32>, vector<16xi32>], vector<16xf32>, vector<16xi1>
        %mul3A_745 = arith.constant 16 : i32
        %mul3A_746 = arith.muli %add3A_574, %mul3A_745 : i32
        %add3A_747 = arith.constant 3 : i32
        %add3A_748 = arith.addi %mul3A_746, %add3A_747 : i32
        %add3A_749 = arith.addi %add3A_498, %add3A_748 : i32
        %ge3A_750 = arith.cmpi sge, %add3A_749, %squeeze3A : i32
        %lt3A_751 = arith.cmpi slt, %add3A_749, %squeeze3A_16 : i32
        %and3A_752 = arith.andi %ge3A_750, %lt3A_751 : i1
        %slice3A_753 = vector.extract_strided_slice %get3A_591 {offsets = [3], sizes = [1], strides = [1]} : vector<16xi32> to vector<1xi32>
        %squeeze3A_754 = vector.extract %slice3A_753[0] : i32 from vector<1xi32>
        %le3A_755 = arith.constant 160000 : i32
        %le3A_756 = arith.cmpi sle, %squeeze3A_754, %le3A_755 : i32
        %and3A_757 = arith.andi %and3A_752, %le3A_756 : i1
        %broadcast_in_dim3A_758 = vector.broadcast %and3A_757 : i1 to vector<16xi1>
        %slice3A_759 = vector.extract_strided_slice %min3A_585 {offsets = [3], sizes = [1], strides = [1]} : vector<16xi32> to vector<1xi32>
        %squeeze3A_760 = vector.extract %slice3A_759[0] : i32 from vector<1xi32>
        %broadcast_in_dim3A_761 = vector.broadcast %squeeze3A_760 : i32 to vector<16xi32>
        %add3A_762 = arith.constant 0 : i32
        %add3A_763 = vector.broadcast %add3A_762 : i32 to vector<16xi32>
        %add3A_764 = arith.addi %iota3A, %add3A_763 : vector<16xi32>
        %get3A_765 = arith.constant 1 : i32
        %get3A_766 = arith.index_cast %get3A_765 : i32 to index
        %get3A_767 = arith.index_cast %add3A_748 : i32 to index
        %get3A_768 = arith.constant 0 : index
        %get3A_769 = tpu.vector_load %arg12[%get3A_766, %get3A_767, %get3A_768] {strides = array<i32>} : memref<2x256x64xf32, #tpu.memory_space<vmem>>, vector<16xf32>,
        tpu.vector_store_idx %arg13[%broadcast_in_dim3A_761, %add3A_764], %get3A_769 masked %broadcast_in_dim3A_758 {add = true} : memref<320x80xf32, #tpu.memory_space<vmem>>[vector<16xi32>, vector<16xi32>], vector<16xf32>, vector<16xi1>
        %add3A_770 = arith.constant 16 : i32
        %add3A_771 = vector.broadcast %add3A_770 : i32 to vector<16xi32>
        %add3A_772 = arith.addi %iota3A, %add3A_771 : vector<16xi32>
        %get3A_773 = arith.constant 1 : i32
        %get3A_774 = arith.index_cast %get3A_773 : i32 to index
        %get3A_775 = arith.index_cast %add3A_748 : i32 to index
        %get3A_776 = arith.constant 16 : index
        %get3A_777 = tpu.vector_load %arg12[%get3A_774, %get3A_775, %get3A_776] {strides = array<i32>} : memref<2x256x64xf32, #tpu.memory_space<vmem>>, vector<16xf32>,
        tpu.vector_store_idx %arg13[%broadcast_in_dim3A_761, %add3A_772], %get3A_777 masked %broadcast_in_dim3A_758 {add = true} : memref<320x80xf32, #tpu.memory_space<vmem>>[vector<16xi32>, vector<16xi32>], vector<16xf32>, vector<16xi1>
        %add3A_778 = arith.constant 32 : i32
        %add3A_779 = vector.broadcast %add3A_778 : i32 to vector<16xi32>
        %add3A_780 = arith.addi %iota3A, %add3A_779 : vector<16xi32>
        %get3A_781 = arith.constant 1 : i32
        %get3A_782 = arith.index_cast %get3A_781 : i32 to index
        %get3A_783 = arith.index_cast %add3A_748 : i32 to index
        %get3A_784 = arith.constant 32 : index
        %get3A_785 = tpu.vector_load %arg12[%get3A_782, %get3A_783, %get3A_784] {strides = array<i32>} : memref<2x256x64xf32, #tpu.memory_space<vmem>>, vector<16xf32>,
        tpu.vector_store_idx %arg13[%broadcast_in_dim3A_761, %add3A_780], %get3A_785 masked %broadcast_in_dim3A_758 {add = true} : memref<320x80xf32, #tpu.memory_space<vmem>>[vector<16xi32>, vector<16xi32>], vector<16xf32>, vector<16xi1>
        %add3A_786 = arith.constant 48 : i32
        %add3A_787 = vector.broadcast %add3A_786 : i32 to vector<16xi32>
        %add3A_788 = arith.addi %iota3A, %add3A_787 : vector<16xi32>
        %get3A_789 = arith.constant 1 : i32
        %get3A_790 = arith.index_cast %get3A_789 : i32 to index
        %get3A_791 = arith.index_cast %add3A_748 : i32 to index
        %get3A_792 = arith.constant 48 : index
        %get3A_793 = tpu.vector_load %arg12[%get3A_790, %get3A_791, %get3A_792] {strides = array<i32>} : memref<2x256x64xf32, #tpu.memory_space<vmem>>, vector<16xf32>,
        tpu.vector_store_idx %arg13[%broadcast_in_dim3A_761, %add3A_788], %get3A_793 masked %broadcast_in_dim3A_758 {add = true} : memref<320x80xf32, #tpu.memory_space<vmem>>[vector<16xi32>, vector<16xi32>], vector<16xf32>, vector<16xi1>
        %add3A_794 = arith.constant 64 : i32
        %add3A_795 = vector.broadcast %add3A_794 : i32 to vector<16xi32>
        %add3A_796 = arith.addi %iota3A, %add3A_795 : vector<16xi32>
        tpu.vector_store_idx %arg13[%broadcast_in_dim3A_761, %add3A_796], %select_n3A masked %broadcast_in_dim3A_758 {add = true} : memref<320x80xf32, #tpu.memory_space<vmem>>[vector<16xi32>, vector<16xi32>], vector<16xf32>, vector<16xi1>
        %mul3A_797 = arith.constant 16 : i32
        %mul3A_798 = arith.muli %add3A_574, %mul3A_797 : i32
        %add3A_799 = arith.constant 4 : i32
        %add3A_800 = arith.addi %mul3A_798, %add3A_799 : i32
        %add3A_801 = arith.addi %add3A_498, %add3A_800 : i32
        %ge3A_802 = arith.cmpi sge, %add3A_801, %squeeze3A : i32
        %lt3A_803 = arith.cmpi slt, %add3A_801, %squeeze3A_16 : i32
        %and3A_804 = arith.andi %ge3A_802, %lt3A_803 : i1
        %slice3A_805 = vector.extract_strided_slice %get3A_591 {offsets = [4], sizes = [1], strides = [1]} : vector<16xi32> to vector<1xi32>
        %squeeze3A_806 = vector.extract %slice3A_805[0] : i32 from vector<1xi32>
        %le3A_807 = arith.constant 160000 : i32
        %le3A_808 = arith.cmpi sle, %squeeze3A_806, %le3A_807 : i32
        %and3A_809 = arith.andi %and3A_804, %le3A_808 : i1
        %broadcast_in_dim3A_810 = vector.broadcast %and3A_809 : i1 to vector<16xi1>
        %slice3A_811 = vector.extract_strided_slice %min3A_585 {offsets = [4], sizes = [1], strides = [1]} : vector<16xi32> to vector<1xi32>
        %squeeze3A_812 = vector.extract %slice3A_811[0] : i32 from vector<1xi32>
        %broadcast_in_dim3A_813 = vector.broadcast %squeeze3A_812 : i32 to vector<16xi32>
        %add3A_814 = arith.constant 0 : i32
        %add3A_815 = vector.broadcast %add3A_814 : i32 to vector<16xi32>
        %add3A_816 = arith.addi %iota3A, %add3A_815 : vector<16xi32>
        %get3A_817 = arith.constant 1 : i32
        %get3A_818 = arith.index_cast %get3A_817 : i32 to index
        %get3A_819 = arith.index_cast %add3A_800 : i32 to index
        %get3A_820 = arith.constant 0 : index
        %get3A_821 = tpu.vector_load %arg12[%get3A_818, %get3A_819, %get3A_820] {strides = array<i32>} : memref<2x256x64xf32, #tpu.memory_space<vmem>>, vector<16xf32>,
        tpu.vector_store_idx %arg13[%broadcast_in_dim3A_813, %add3A_816], %get3A_821 masked %broadcast_in_dim3A_810 {add = true} : memref<320x80xf32, #tpu.memory_space<vmem>>[vector<16xi32>, vector<16xi32>], vector<16xf32>, vector<16xi1>
        %add3A_822 = arith.constant 16 : i32
        %add3A_823 = vector.broadcast %add3A_822 : i32 to vector<16xi32>
        %add3A_824 = arith.addi %iota3A, %add3A_823 : vector<16xi32>
        %get3A_825 = arith.constant 1 : i32
        %get3A_826 = arith.index_cast %get3A_825 : i32 to index
        %get3A_827 = arith.index_cast %add3A_800 : i32 to index
        %get3A_828 = arith.constant 16 : index
        %get3A_829 = tpu.vector_load %arg12[%get3A_826, %get3A_827, %get3A_828] {strides = array<i32>} : memref<2x256x64xf32, #tpu.memory_space<vmem>>, vector<16xf32>,
        tpu.vector_store_idx %arg13[%broadcast_in_dim3A_813, %add3A_824], %get3A_829 masked %broadcast_in_dim3A_810 {add = true} : memref<320x80xf32, #tpu.memory_space<vmem>>[vector<16xi32>, vector<16xi32>], vector<16xf32>, vector<16xi1>
        %add3A_830 = arith.constant 32 : i32
        %add3A_831 = vector.broadcast %add3A_830 : i32 to vector<16xi32>
        %add3A_832 = arith.addi %iota3A, %add3A_831 : vector<16xi32>
        %get3A_833 = arith.constant 1 : i32
        %get3A_834 = arith.index_cast %get3A_833 : i32 to index
        %get3A_835 = arith.index_cast %add3A_800 : i32 to index
        %get3A_836 = arith.constant 32 : index
        %get3A_837 = tpu.vector_load %arg12[%get3A_834, %get3A_835, %get3A_836] {strides = array<i32>} : memref<2x256x64xf32, #tpu.memory_space<vmem>>, vector<16xf32>,
        tpu.vector_store_idx %arg13[%broadcast_in_dim3A_813, %add3A_832], %get3A_837 masked %broadcast_in_dim3A_810 {add = true} : memref<320x80xf32, #tpu.memory_space<vmem>>[vector<16xi32>, vector<16xi32>], vector<16xf32>, vector<16xi1>
        %add3A_838 = arith.constant 48 : i32
        %add3A_839 = vector.broadcast %add3A_838 : i32 to vector<16xi32>
        %add3A_840 = arith.addi %iota3A, %add3A_839 : vector<16xi32>
        %get3A_841 = arith.constant 1 : i32
        %get3A_842 = arith.index_cast %get3A_841 : i32 to index
        %get3A_843 = arith.index_cast %add3A_800 : i32 to index
        %get3A_844 = arith.constant 48 : index
        %get3A_845 = tpu.vector_load %arg12[%get3A_842, %get3A_843, %get3A_844] {strides = array<i32>} : memref<2x256x64xf32, #tpu.memory_space<vmem>>, vector<16xf32>,
        tpu.vector_store_idx %arg13[%broadcast_in_dim3A_813, %add3A_840], %get3A_845 masked %broadcast_in_dim3A_810 {add = true} : memref<320x80xf32, #tpu.memory_space<vmem>>[vector<16xi32>, vector<16xi32>], vector<16xf32>, vector<16xi1>
        %add3A_846 = arith.constant 64 : i32
        %add3A_847 = vector.broadcast %add3A_846 : i32 to vector<16xi32>
        %add3A_848 = arith.addi %iota3A, %add3A_847 : vector<16xi32>
        tpu.vector_store_idx %arg13[%broadcast_in_dim3A_813, %add3A_848], %select_n3A masked %broadcast_in_dim3A_810 {add = true} : memref<320x80xf32, #tpu.memory_space<vmem>>[vector<16xi32>, vector<16xi32>], vector<16xf32>, vector<16xi1>
        %mul3A_849 = arith.constant 16 : i32
        %mul3A_850 = arith.muli %add3A_574, %mul3A_849 : i32
        %add3A_851 = arith.constant 5 : i32
        %add3A_852 = arith.addi %mul3A_850, %add3A_851 : i32
        %add3A_853 = arith.addi %add3A_498, %add3A_852 : i32
        %ge3A_854 = arith.cmpi sge, %add3A_853, %squeeze3A : i32
        %lt3A_855 = arith.cmpi slt, %add3A_853, %squeeze3A_16 : i32
        %and3A_856 = arith.andi %ge3A_854, %lt3A_855 : i1
        %slice3A_857 = vector.extract_strided_slice %get3A_591 {offsets = [5], sizes = [1], strides = [1]} : vector<16xi32> to vector<1xi32>
        %squeeze3A_858 = vector.extract %slice3A_857[0] : i32 from vector<1xi32>
        %le3A_859 = arith.constant 160000 : i32
        %le3A_860 = arith.cmpi sle, %squeeze3A_858, %le3A_859 : i32
        %and3A_861 = arith.andi %and3A_856, %le3A_860 : i1
        %broadcast_in_dim3A_862 = vector.broadcast %and3A_861 : i1 to vector<16xi1>
        %slice3A_863 = vector.extract_strided_slice %min3A_585 {offsets = [5], sizes = [1], strides = [1]} : vector<16xi32> to vector<1xi32>
        %squeeze3A_864 = vector.extract %slice3A_863[0] : i32 from vector<1xi32>
        %broadcast_in_dim3A_865 = vector.broadcast %squeeze3A_864 : i32 to vector<16xi32>
        %add3A_866 = arith.constant 0 : i32
        %add3A_867 = vector.broadcast %add3A_866 : i32 to vector<16xi32>
        %add3A_868 = arith.addi %iota3A, %add3A_867 : vector<16xi32>
        %get3A_869 = arith.constant 1 : i32
        %get3A_870 = arith.index_cast %get3A_869 : i32 to index
        %get3A_871 = arith.index_cast %add3A_852 : i32 to index
        %get3A_872 = arith.constant 0 : index
        %get3A_873 = tpu.vector_load %arg12[%get3A_870, %get3A_871, %get3A_872] {strides = array<i32>} : memref<2x256x64xf32, #tpu.memory_space<vmem>>, vector<16xf32>,
        tpu.vector_store_idx %arg13[%broadcast_in_dim3A_865, %add3A_868], %get3A_873 masked %broadcast_in_dim3A_862 {add = true} : memref<320x80xf32, #tpu.memory_space<vmem>>[vector<16xi32>, vector<16xi32>], vector<16xf32>, vector<16xi1>
        %add3A_874 = arith.constant 16 : i32
        %add3A_875 = vector.broadcast %add3A_874 : i32 to vector<16xi32>
        %add3A_876 = arith.addi %iota3A, %add3A_875 : vector<16xi32>
        %get3A_877 = arith.constant 1 : i32
        %get3A_878 = arith.index_cast %get3A_877 : i32 to index
        %get3A_879 = arith.index_cast %add3A_852 : i32 to index
        %get3A_880 = arith.constant 16 : index
        %get3A_881 = tpu.vector_load %arg12[%get3A_878, %get3A_879, %get3A_880] {strides = array<i32>} : memref<2x256x64xf32, #tpu.memory_space<vmem>>, vector<16xf32>,
        tpu.vector_store_idx %arg13[%broadcast_in_dim3A_865, %add3A_876], %get3A_881 masked %broadcast_in_dim3A_862 {add = true} : memref<320x80xf32, #tpu.memory_space<vmem>>[vector<16xi32>, vector<16xi32>], vector<16xf32>, vector<16xi1>
        %add3A_882 = arith.constant 32 : i32
        %add3A_883 = vector.broadcast %add3A_882 : i32 to vector<16xi32>
        %add3A_884 = arith.addi %iota3A, %add3A_883 : vector<16xi32>
        %get3A_885 = arith.constant 1 : i32
        %get3A_886 = arith.index_cast %get3A_885 : i32 to index
        %get3A_887 = arith.index_cast %add3A_852 : i32 to index
        %get3A_888 = arith.constant 32 : index
        %get3A_889 = tpu.vector_load %arg12[%get3A_886, %get3A_887, %get3A_888] {strides = array<i32>} : memref<2x256x64xf32, #tpu.memory_space<vmem>>, vector<16xf32>,
        tpu.vector_store_idx %arg13[%broadcast_in_dim3A_865, %add3A_884], %get3A_889 masked %broadcast_in_dim3A_862 {add = true} : memref<320x80xf32, #tpu.memory_space<vmem>>[vector<16xi32>, vector<16xi32>], vector<16xf32>, vector<16xi1>
        %add3A_890 = arith.constant 48 : i32
        %add3A_891 = vector.broadcast %add3A_890 : i32 to vector<16xi32>
        %add3A_892 = arith.addi %iota3A, %add3A_891 : vector<16xi32>
        %get3A_893 = arith.constant 1 : i32
        %get3A_894 = arith.index_cast %get3A_893 : i32 to index
        %get3A_895 = arith.index_cast %add3A_852 : i32 to index
        %get3A_896 = arith.constant 48 : index
        %get3A_897 = tpu.vector_load %arg12[%get3A_894, %get3A_895, %get3A_896] {strides = array<i32>} : memref<2x256x64xf32, #tpu.memory_space<vmem>>, vector<16xf32>,
        tpu.vector_store_idx %arg13[%broadcast_in_dim3A_865, %add3A_892], %get3A_897 masked %broadcast_in_dim3A_862 {add = true} : memref<320x80xf32, #tpu.memory_space<vmem>>[vector<16xi32>, vector<16xi32>], vector<16xf32>, vector<16xi1>
        %add3A_898 = arith.constant 64 : i32
        %add3A_899 = vector.broadcast %add3A_898 : i32 to vector<16xi32>
        %add3A_900 = arith.addi %iota3A, %add3A_899 : vector<16xi32>
        tpu.vector_store_idx %arg13[%broadcast_in_dim3A_865, %add3A_900], %select_n3A masked %broadcast_in_dim3A_862 {add = true} : memref<320x80xf32, #tpu.memory_space<vmem>>[vector<16xi32>, vector<16xi32>], vector<16xf32>, vector<16xi1>
        %mul3A_901 = arith.constant 16 : i32
        %mul3A_902 = arith.muli %add3A_574, %mul3A_901 : i32
        %add3A_903 = arith.constant 6 : i32
        %add3A_904 = arith.addi %mul3A_902, %add3A_903 : i32
        %add3A_905 = arith.addi %add3A_498, %add3A_904 : i32
        %ge3A_906 = arith.cmpi sge, %add3A_905, %squeeze3A : i32
        %lt3A_907 = arith.cmpi slt, %add3A_905, %squeeze3A_16 : i32
        %and3A_908 = arith.andi %ge3A_906, %lt3A_907 : i1
        %slice3A_909 = vector.extract_strided_slice %get3A_591 {offsets = [6], sizes = [1], strides = [1]} : vector<16xi32> to vector<1xi32>
        %squeeze3A_910 = vector.extract %slice3A_909[0] : i32 from vector<1xi32>
        %le3A_911 = arith.constant 160000 : i32
        %le3A_912 = arith.cmpi sle, %squeeze3A_910, %le3A_911 : i32
        %and3A_913 = arith.andi %and3A_908, %le3A_912 : i1
        %broadcast_in_dim3A_914 = vector.broadcast %and3A_913 : i1 to vector<16xi1>
        %slice3A_915 = vector.extract_strided_slice %min3A_585 {offsets = [6], sizes = [1], strides = [1]} : vector<16xi32> to vector<1xi32>
        %squeeze3A_916 = vector.extract %slice3A_915[0] : i32 from vector<1xi32>
        %broadcast_in_dim3A_917 = vector.broadcast %squeeze3A_916 : i32 to vector<16xi32>
        %add3A_918 = arith.constant 0 : i32
        %add3A_919 = vector.broadcast %add3A_918 : i32 to vector<16xi32>
        %add3A_920 = arith.addi %iota3A, %add3A_919 : vector<16xi32>
        %get3A_921 = arith.constant 1 : i32
        %get3A_922 = arith.index_cast %get3A_921 : i32 to index
        %get3A_923 = arith.index_cast %add3A_904 : i32 to index
        %get3A_924 = arith.constant 0 : index
        %get3A_925 = tpu.vector_load %arg12[%get3A_922, %get3A_923, %get3A_924] {strides = array<i32>} : memref<2x256x64xf32, #tpu.memory_space<vmem>>, vector<16xf32>,
        tpu.vector_store_idx %arg13[%broadcast_in_dim3A_917, %add3A_920], %get3A_925 masked %broadcast_in_dim3A_914 {add = true} : memref<320x80xf32, #tpu.memory_space<vmem>>[vector<16xi32>, vector<16xi32>], vector<16xf32>, vector<16xi1>
        %add3A_926 = arith.constant 16 : i32
        %add3A_927 = vector.broadcast %add3A_926 : i32 to vector<16xi32>
        %add3A_928 = arith.addi %iota3A, %add3A_927 : vector<16xi32>
        %get3A_929 = arith.constant 1 : i32
        %get3A_930 = arith.index_cast %get3A_929 : i32 to index
        %get3A_931 = arith.index_cast %add3A_904 : i32 to index
        %get3A_932 = arith.constant 16 : index
        %get3A_933 = tpu.vector_load %arg12[%get3A_930, %get3A_931, %get3A_932] {strides = array<i32>} : memref<2x256x64xf32, #tpu.memory_space<vmem>>, vector<16xf32>,
        tpu.vector_store_idx %arg13[%broadcast_in_dim3A_917, %add3A_928], %get3A_933 masked %broadcast_in_dim3A_914 {add = true} : memref<320x80xf32, #tpu.memory_space<vmem>>[vector<16xi32>, vector<16xi32>], vector<16xf32>, vector<16xi1>
        %add3A_934 = arith.constant 32 : i32
        %add3A_935 = vector.broadcast %add3A_934 : i32 to vector<16xi32>
        %add3A_936 = arith.addi %iota3A, %add3A_935 : vector<16xi32>
        %get3A_937 = arith.constant 1 : i32
        %get3A_938 = arith.index_cast %get3A_937 : i32 to index
        %get3A_939 = arith.index_cast %add3A_904 : i32 to index
        %get3A_940 = arith.constant 32 : index
        %get3A_941 = tpu.vector_load %arg12[%get3A_938, %get3A_939, %get3A_940] {strides = array<i32>} : memref<2x256x64xf32, #tpu.memory_space<vmem>>, vector<16xf32>,
        tpu.vector_store_idx %arg13[%broadcast_in_dim3A_917, %add3A_936], %get3A_941 masked %broadcast_in_dim3A_914 {add = true} : memref<320x80xf32, #tpu.memory_space<vmem>>[vector<16xi32>, vector<16xi32>], vector<16xf32>, vector<16xi1>
        %add3A_942 = arith.constant 48 : i32
        %add3A_943 = vector.broadcast %add3A_942 : i32 to vector<16xi32>
        %add3A_944 = arith.addi %iota3A, %add3A_943 : vector<16xi32>
        %get3A_945 = arith.constant 1 : i32
        %get3A_946 = arith.index_cast %get3A_945 : i32 to index
        %get3A_947 = arith.index_cast %add3A_904 : i32 to index
        %get3A_948 = arith.constant 48 : index
        %get3A_949 = tpu.vector_load %arg12[%get3A_946, %get3A_947, %get3A_948] {strides = array<i32>} : memref<2x256x64xf32, #tpu.memory_space<vmem>>, vector<16xf32>,
        tpu.vector_store_idx %arg13[%broadcast_in_dim3A_917, %add3A_944], %get3A_949 masked %broadcast_in_dim3A_914 {add = true} : memref<320x80xf32, #tpu.memory_space<vmem>>[vector<16xi32>, vector<16xi32>], vector<16xf32>, vector<16xi1>
        %add3A_950 = arith.constant 64 : i32
        %add3A_951 = vector.broadcast %add3A_950 : i32 to vector<16xi32>
        %add3A_952 = arith.addi %iota3A, %add3A_951 : vector<16xi32>
        tpu.vector_store_idx %arg13[%broadcast_in_dim3A_917, %add3A_952], %select_n3A masked %broadcast_in_dim3A_914 {add = true} : memref<320x80xf32, #tpu.memory_space<vmem>>[vector<16xi32>, vector<16xi32>], vector<16xf32>, vector<16xi1>
        %mul3A_953 = arith.constant 16 : i32
        %mul3A_954 = arith.muli %add3A_574, %mul3A_953 : i32
        %add3A_955 = arith.constant 7 : i32
        %add3A_956 = arith.addi %mul3A_954, %add3A_955 : i32
        %add3A_957 = arith.addi %add3A_498, %add3A_956 : i32
        %ge3A_958 = arith.cmpi sge, %add3A_957, %squeeze3A : i32
        %lt3A_959 = arith.cmpi slt, %add3A_957, %squeeze3A_16 : i32
        %and3A_960 = arith.andi %ge3A_958, %lt3A_959 : i1
        %slice3A_961 = vector.extract_strided_slice %get3A_591 {offsets = [7], sizes = [1], strides = [1]} : vector<16xi32> to vector<1xi32>
        %squeeze3A_962 = vector.extract %slice3A_961[0] : i32 from vector<1xi32>
        %le3A_963 = arith.constant 160000 : i32
        %le3A_964 = arith.cmpi sle, %squeeze3A_962, %le3A_963 : i32
        %and3A_965 = arith.andi %and3A_960, %le3A_964 : i1
        %broadcast_in_dim3A_966 = vector.broadcast %and3A_965 : i1 to vector<16xi1>
        %slice3A_967 = vector.extract_strided_slice %min3A_585 {offsets = [7], sizes = [1], strides = [1]} : vector<16xi32> to vector<1xi32>
        %squeeze3A_968 = vector.extract %slice3A_967[0] : i32 from vector<1xi32>
        %broadcast_in_dim3A_969 = vector.broadcast %squeeze3A_968 : i32 to vector<16xi32>
        %add3A_970 = arith.constant 0 : i32
        %add3A_971 = vector.broadcast %add3A_970 : i32 to vector<16xi32>
        %add3A_972 = arith.addi %iota3A, %add3A_971 : vector<16xi32>
        %get3A_973 = arith.constant 1 : i32
        %get3A_974 = arith.index_cast %get3A_973 : i32 to index
        %get3A_975 = arith.index_cast %add3A_956 : i32 to index
        %get3A_976 = arith.constant 0 : index
        %get3A_977 = tpu.vector_load %arg12[%get3A_974, %get3A_975, %get3A_976] {strides = array<i32>} : memref<2x256x64xf32, #tpu.memory_space<vmem>>, vector<16xf32>,
        tpu.vector_store_idx %arg13[%broadcast_in_dim3A_969, %add3A_972], %get3A_977 masked %broadcast_in_dim3A_966 {add = true} : memref<320x80xf32, #tpu.memory_space<vmem>>[vector<16xi32>, vector<16xi32>], vector<16xf32>, vector<16xi1>
        %add3A_978 = arith.constant 16 : i32
        %add3A_979 = vector.broadcast %add3A_978 : i32 to vector<16xi32>
        %add3A_980 = arith.addi %iota3A, %add3A_979 : vector<16xi32>
        %get3A_981 = arith.constant 1 : i32
        %get3A_982 = arith.index_cast %get3A_981 : i32 to index
        %get3A_983 = arith.index_cast %add3A_956 : i32 to index
        %get3A_984 = arith.constant 16 : index
        %get3A_985 = tpu.vector_load %arg12[%get3A_982, %get3A_983, %get3A_984] {strides = array<i32>} : memref<2x256x64xf32, #tpu.memory_space<vmem>>, vector<16xf32>,
        tpu.vector_store_idx %arg13[%broadcast_in_dim3A_969, %add3A_980], %get3A_985 masked %broadcast_in_dim3A_966 {add = true} : memref<320x80xf32, #tpu.memory_space<vmem>>[vector<16xi32>, vector<16xi32>], vector<16xf32>, vector<16xi1>
        %add3A_986 = arith.constant 32 : i32
        %add3A_987 = vector.broadcast %add3A_986 : i32 to vector<16xi32>
        %add3A_988 = arith.addi %iota3A, %add3A_987 : vector<16xi32>
        %get3A_989 = arith.constant 1 : i32
        %get3A_990 = arith.index_cast %get3A_989 : i32 to index
        %get3A_991 = arith.index_cast %add3A_956 : i32 to index
        %get3A_992 = arith.constant 32 : index
        %get3A_993 = tpu.vector_load %arg12[%get3A_990, %get3A_991, %get3A_992] {strides = array<i32>} : memref<2x256x64xf32, #tpu.memory_space<vmem>>, vector<16xf32>,
        tpu.vector_store_idx %arg13[%broadcast_in_dim3A_969, %add3A_988], %get3A_993 masked %broadcast_in_dim3A_966 {add = true} : memref<320x80xf32, #tpu.memory_space<vmem>>[vector<16xi32>, vector<16xi32>], vector<16xf32>, vector<16xi1>
        %add3A_994 = arith.constant 48 : i32
        %add3A_995 = vector.broadcast %add3A_994 : i32 to vector<16xi32>
        %add3A_996 = arith.addi %iota3A, %add3A_995 : vector<16xi32>
        %get3A_997 = arith.constant 1 : i32
        %get3A_998 = arith.index_cast %get3A_997 : i32 to index
        %get3A_999 = arith.index_cast %add3A_956 : i32 to index
        %get3A_1000 = arith.constant 48 : index
        %get3A_1001 = tpu.vector_load %arg12[%get3A_998, %get3A_999, %get3A_1000] {strides = array<i32>} : memref<2x256x64xf32, #tpu.memory_space<vmem>>, vector<16xf32>,
        tpu.vector_store_idx %arg13[%broadcast_in_dim3A_969, %add3A_996], %get3A_1001 masked %broadcast_in_dim3A_966 {add = true} : memref<320x80xf32, #tpu.memory_space<vmem>>[vector<16xi32>, vector<16xi32>], vector<16xf32>, vector<16xi1>
        %add3A_1002 = arith.constant 64 : i32
        %add3A_1003 = vector.broadcast %add3A_1002 : i32 to vector<16xi32>
        %add3A_1004 = arith.addi %iota3A, %add3A_1003 : vector<16xi32>
        tpu.vector_store_idx %arg13[%broadcast_in_dim3A_969, %add3A_1004], %select_n3A masked %broadcast_in_dim3A_966 {add = true} : memref<320x80xf32, #tpu.memory_space<vmem>>[vector<16xi32>, vector<16xi32>], vector<16xf32>, vector<16xi1>
        %mul3A_1005 = arith.constant 16 : i32
        %mul3A_1006 = arith.muli %add3A_574, %mul3A_1005 : i32
        %add3A_1007 = arith.constant 8 : i32
        %add3A_1008 = arith.addi %mul3A_1006, %add3A_1007 : i32
        %add3A_1009 = arith.addi %add3A_498, %add3A_1008 : i32
        %ge3A_1010 = arith.cmpi sge, %add3A_1009, %squeeze3A : i32
        %lt3A_1011 = arith.cmpi slt, %add3A_1009, %squeeze3A_16 : i32
        %and3A_1012 = arith.andi %ge3A_1010, %lt3A_1011 : i1
        %slice3A_1013 = vector.extract_strided_slice %get3A_591 {offsets = [8], sizes = [1], strides = [1]} : vector<16xi32> to vector<1xi32>
        %squeeze3A_1014 = vector.extract %slice3A_1013[0] : i32 from vector<1xi32>
        %le3A_1015 = arith.constant 160000 : i32
        %le3A_1016 = arith.cmpi sle, %squeeze3A_1014, %le3A_1015 : i32
        %and3A_1017 = arith.andi %and3A_1012, %le3A_1016 : i1
        %broadcast_in_dim3A_1018 = vector.broadcast %and3A_1017 : i1 to vector<16xi1>
        %slice3A_1019 = vector.extract_strided_slice %min3A_585 {offsets = [8], sizes = [1], strides = [1]} : vector<16xi32> to vector<1xi32>
        %squeeze3A_1020 = vector.extract %slice3A_1019[0] : i32 from vector<1xi32>
        %broadcast_in_dim3A_1021 = vector.broadcast %squeeze3A_1020 : i32 to vector<16xi32>
        %add3A_1022 = arith.constant 0 : i32
        %add3A_1023 = vector.broadcast %add3A_1022 : i32 to vector<16xi32>
        %add3A_1024 = arith.addi %iota3A, %add3A_1023 : vector<16xi32>
        %get3A_1025 = arith.constant 1 : i32
        %get3A_1026 = arith.index_cast %get3A_1025 : i32 to index
        %get3A_1027 = arith.index_cast %add3A_1008 : i32 to index
        %get3A_1028 = arith.constant 0 : index
        %get3A_1029 = tpu.vector_load %arg12[%get3A_1026, %get3A_1027, %get3A_1028] {strides = array<i32>} : memref<2x256x64xf32, #tpu.memory_space<vmem>>, vector<16xf32>,
        tpu.vector_store_idx %arg13[%broadcast_in_dim3A_1021, %add3A_1024], %get3A_1029 masked %broadcast_in_dim3A_1018 {add = true} : memref<320x80xf32, #tpu.memory_space<vmem>>[vector<16xi32>, vector<16xi32>], vector<16xf32>, vector<16xi1>
        %add3A_1030 = arith.constant 16 : i32
        %add3A_1031 = vector.broadcast %add3A_1030 : i32 to vector<16xi32>
        %add3A_1032 = arith.addi %iota3A, %add3A_1031 : vector<16xi32>
        %get3A_1033 = arith.constant 1 : i32
        %get3A_1034 = arith.index_cast %get3A_1033 : i32 to index
        %get3A_1035 = arith.index_cast %add3A_1008 : i32 to index
        %get3A_1036 = arith.constant 16 : index
        %get3A_1037 = tpu.vector_load %arg12[%get3A_1034, %get3A_1035, %get3A_1036] {strides = array<i32>} : memref<2x256x64xf32, #tpu.memory_space<vmem>>, vector<16xf32>,
        tpu.vector_store_idx %arg13[%broadcast_in_dim3A_1021, %add3A_1032], %get3A_1037 masked %broadcast_in_dim3A_1018 {add = true} : memref<320x80xf32, #tpu.memory_space<vmem>>[vector<16xi32>, vector<16xi32>], vector<16xf32>, vector<16xi1>
        %add3A_1038 = arith.constant 32 : i32
        %add3A_1039 = vector.broadcast %add3A_1038 : i32 to vector<16xi32>
        %add3A_1040 = arith.addi %iota3A, %add3A_1039 : vector<16xi32>
        %get3A_1041 = arith.constant 1 : i32
        %get3A_1042 = arith.index_cast %get3A_1041 : i32 to index
        %get3A_1043 = arith.index_cast %add3A_1008 : i32 to index
        %get3A_1044 = arith.constant 32 : index
        %get3A_1045 = tpu.vector_load %arg12[%get3A_1042, %get3A_1043, %get3A_1044] {strides = array<i32>} : memref<2x256x64xf32, #tpu.memory_space<vmem>>, vector<16xf32>,
        tpu.vector_store_idx %arg13[%broadcast_in_dim3A_1021, %add3A_1040], %get3A_1045 masked %broadcast_in_dim3A_1018 {add = true} : memref<320x80xf32, #tpu.memory_space<vmem>>[vector<16xi32>, vector<16xi32>], vector<16xf32>, vector<16xi1>
        %add3A_1046 = arith.constant 48 : i32
        %add3A_1047 = vector.broadcast %add3A_1046 : i32 to vector<16xi32>
        %add3A_1048 = arith.addi %iota3A, %add3A_1047 : vector<16xi32>
        %get3A_1049 = arith.constant 1 : i32
        %get3A_1050 = arith.index_cast %get3A_1049 : i32 to index
        %get3A_1051 = arith.index_cast %add3A_1008 : i32 to index
        %get3A_1052 = arith.constant 48 : index
        %get3A_1053 = tpu.vector_load %arg12[%get3A_1050, %get3A_1051, %get3A_1052] {strides = array<i32>} : memref<2x256x64xf32, #tpu.memory_space<vmem>>, vector<16xf32>,
        tpu.vector_store_idx %arg13[%broadcast_in_dim3A_1021, %add3A_1048], %get3A_1053 masked %broadcast_in_dim3A_1018 {add = true} : memref<320x80xf32, #tpu.memory_space<vmem>>[vector<16xi32>, vector<16xi32>], vector<16xf32>, vector<16xi1>
        %add3A_1054 = arith.constant 64 : i32
        %add3A_1055 = vector.broadcast %add3A_1054 : i32 to vector<16xi32>
        %add3A_1056 = arith.addi %iota3A, %add3A_1055 : vector<16xi32>
        tpu.vector_store_idx %arg13[%broadcast_in_dim3A_1021, %add3A_1056], %select_n3A masked %broadcast_in_dim3A_1018 {add = true} : memref<320x80xf32, #tpu.memory_space<vmem>>[vector<16xi32>, vector<16xi32>], vector<16xf32>, vector<16xi1>
        %mul3A_1057 = arith.constant 16 : i32
        %mul3A_1058 = arith.muli %add3A_574, %mul3A_1057 : i32
        %add3A_1059 = arith.constant 9 : i32
        %add3A_1060 = arith.addi %mul3A_1058, %add3A_1059 : i32
        %add3A_1061 = arith.addi %add3A_498, %add3A_1060 : i32
        %ge3A_1062 = arith.cmpi sge, %add3A_1061, %squeeze3A : i32
        %lt3A_1063 = arith.cmpi slt, %add3A_1061, %squeeze3A_16 : i32
        %and3A_1064 = arith.andi %ge3A_1062, %lt3A_1063 : i1
        %slice3A_1065 = vector.extract_strided_slice %get3A_591 {offsets = [9], sizes = [1], strides = [1]} : vector<16xi32> to vector<1xi32>
        %squeeze3A_1066 = vector.extract %slice3A_1065[0] : i32 from vector<1xi32>
        %le3A_1067 = arith.constant 160000 : i32
        %le3A_1068 = arith.cmpi sle, %squeeze3A_1066, %le3A_1067 : i32
        %and3A_1069 = arith.andi %and3A_1064, %le3A_1068 : i1
        %broadcast_in_dim3A_1070 = vector.broadcast %and3A_1069 : i1 to vector<16xi1>
        %slice3A_1071 = vector.extract_strided_slice %min3A_585 {offsets = [9], sizes = [1], strides = [1]} : vector<16xi32> to vector<1xi32>
        %squeeze3A_1072 = vector.extract %slice3A_1071[0] : i32 from vector<1xi32>
        %broadcast_in_dim3A_1073 = vector.broadcast %squeeze3A_1072 : i32 to vector<16xi32>
        %add3A_1074 = arith.constant 0 : i32
        %add3A_1075 = vector.broadcast %add3A_1074 : i32 to vector<16xi32>
        %add3A_1076 = arith.addi %iota3A, %add3A_1075 : vector<16xi32>
        %get3A_1077 = arith.constant 1 : i32
        %get3A_1078 = arith.index_cast %get3A_1077 : i32 to index
        %get3A_1079 = arith.index_cast %add3A_1060 : i32 to index
        %get3A_1080 = arith.constant 0 : index
        %get3A_1081 = tpu.vector_load %arg12[%get3A_1078, %get3A_1079, %get3A_1080] {strides = array<i32>} : memref<2x256x64xf32, #tpu.memory_space<vmem>>, vector<16xf32>,
        tpu.vector_store_idx %arg13[%broadcast_in_dim3A_1073, %add3A_1076], %get3A_1081 masked %broadcast_in_dim3A_1070 {add = true} : memref<320x80xf32, #tpu.memory_space<vmem>>[vector<16xi32>, vector<16xi32>], vector<16xf32>, vector<16xi1>
        %add3A_1082 = arith.constant 16 : i32
        %add3A_1083 = vector.broadcast %add3A_1082 : i32 to vector<16xi32>
        %add3A_1084 = arith.addi %iota3A, %add3A_1083 : vector<16xi32>
        %get3A_1085 = arith.constant 1 : i32
        %get3A_1086 = arith.index_cast %get3A_1085 : i32 to index
        %get3A_1087 = arith.index_cast %add3A_1060 : i32 to index
        %get3A_1088 = arith.constant 16 : index
        %get3A_1089 = tpu.vector_load %arg12[%get3A_1086, %get3A_1087, %get3A_1088] {strides = array<i32>} : memref<2x256x64xf32, #tpu.memory_space<vmem>>, vector<16xf32>,
        tpu.vector_store_idx %arg13[%broadcast_in_dim3A_1073, %add3A_1084], %get3A_1089 masked %broadcast_in_dim3A_1070 {add = true} : memref<320x80xf32, #tpu.memory_space<vmem>>[vector<16xi32>, vector<16xi32>], vector<16xf32>, vector<16xi1>
        %add3A_1090 = arith.constant 32 : i32
        %add3A_1091 = vector.broadcast %add3A_1090 : i32 to vector<16xi32>
        %add3A_1092 = arith.addi %iota3A, %add3A_1091 : vector<16xi32>
        %get3A_1093 = arith.constant 1 : i32
        %get3A_1094 = arith.index_cast %get3A_1093 : i32 to index
        %get3A_1095 = arith.index_cast %add3A_1060 : i32 to index
        %get3A_1096 = arith.constant 32 : index
        %get3A_1097 = tpu.vector_load %arg12[%get3A_1094, %get3A_1095, %get3A_1096] {strides = array<i32>} : memref<2x256x64xf32, #tpu.memory_space<vmem>>, vector<16xf32>,
        tpu.vector_store_idx %arg13[%broadcast_in_dim3A_1073, %add3A_1092], %get3A_1097 masked %broadcast_in_dim3A_1070 {add = true} : memref<320x80xf32, #tpu.memory_space<vmem>>[vector<16xi32>, vector<16xi32>], vector<16xf32>, vector<16xi1>
        %add3A_1098 = arith.constant 48 : i32
        %add3A_1099 = vector.broadcast %add3A_1098 : i32 to vector<16xi32>
        %add3A_1100 = arith.addi %iota3A, %add3A_1099 : vector<16xi32>
        %get3A_1101 = arith.constant 1 : i32
        %get3A_1102 = arith.index_cast %get3A_1101 : i32 to index
        %get3A_1103 = arith.index_cast %add3A_1060 : i32 to index
        %get3A_1104 = arith.constant 48 : index
        %get3A_1105 = tpu.vector_load %arg12[%get3A_1102, %get3A_1103, %get3A_1104] {strides = array<i32>} : memref<2x256x64xf32, #tpu.memory_space<vmem>>, vector<16xf32>,
        tpu.vector_store_idx %arg13[%broadcast_in_dim3A_1073, %add3A_1100], %get3A_1105 masked %broadcast_in_dim3A_1070 {add = true} : memref<320x80xf32, #tpu.memory_space<vmem>>[vector<16xi32>, vector<16xi32>], vector<16xf32>, vector<16xi1>
        %add3A_1106 = arith.constant 64 : i32
        %add3A_1107 = vector.broadcast %add3A_1106 : i32 to vector<16xi32>
        %add3A_1108 = arith.addi %iota3A, %add3A_1107 : vector<16xi32>
        tpu.vector_store_idx %arg13[%broadcast_in_dim3A_1073, %add3A_1108], %select_n3A masked %broadcast_in_dim3A_1070 {add = true} : memref<320x80xf32, #tpu.memory_space<vmem>>[vector<16xi32>, vector<16xi32>], vector<16xf32>, vector<16xi1>
        %mul3A_1109 = arith.constant 16 : i32
        %mul3A_1110 = arith.muli %add3A_574, %mul3A_1109 : i32
        %add3A_1111 = arith.constant 10 : i32
        %add3A_1112 = arith.addi %mul3A_1110, %add3A_1111 : i32
        %add3A_1113 = arith.addi %add3A_498, %add3A_1112 : i32
        %ge3A_1114 = arith.cmpi sge, %add3A_1113, %squeeze3A : i32
        %lt3A_1115 = arith.cmpi slt, %add3A_1113, %squeeze3A_16 : i32
        %and3A_1116 = arith.andi %ge3A_1114, %lt3A_1115 : i1
        %slice3A_1117 = vector.extract_strided_slice %get3A_591 {offsets = [10], sizes = [1], strides = [1]} : vector<16xi32> to vector<1xi32>
        %squeeze3A_1118 = vector.extract %slice3A_1117[0] : i32 from vector<1xi32>
        %le3A_1119 = arith.constant 160000 : i32
        %le3A_1120 = arith.cmpi sle, %squeeze3A_1118, %le3A_1119 : i32
        %and3A_1121 = arith.andi %and3A_1116, %le3A_1120 : i1
        %broadcast_in_dim3A_1122 = vector.broadcast %and3A_1121 : i1 to vector<16xi1>
        %slice3A_1123 = vector.extract_strided_slice %min3A_585 {offsets = [10], sizes = [1], strides = [1]} : vector<16xi32> to vector<1xi32>
        %squeeze3A_1124 = vector.extract %slice3A_1123[0] : i32 from vector<1xi32>
        %broadcast_in_dim3A_1125 = vector.broadcast %squeeze3A_1124 : i32 to vector<16xi32>
        %add3A_1126 = arith.constant 0 : i32
        %add3A_1127 = vector.broadcast %add3A_1126 : i32 to vector<16xi32>
        %add3A_1128 = arith.addi %iota3A, %add3A_1127 : vector<16xi32>
        %get3A_1129 = arith.constant 1 : i32
        %get3A_1130 = arith.index_cast %get3A_1129 : i32 to index
        %get3A_1131 = arith.index_cast %add3A_1112 : i32 to index
        %get3A_1132 = arith.constant 0 : index
        %get3A_1133 = tpu.vector_load %arg12[%get3A_1130, %get3A_1131, %get3A_1132] {strides = array<i32>} : memref<2x256x64xf32, #tpu.memory_space<vmem>>, vector<16xf32>,
        tpu.vector_store_idx %arg13[%broadcast_in_dim3A_1125, %add3A_1128], %get3A_1133 masked %broadcast_in_dim3A_1122 {add = true} : memref<320x80xf32, #tpu.memory_space<vmem>>[vector<16xi32>, vector<16xi32>], vector<16xf32>, vector<16xi1>
        %add3A_1134 = arith.constant 16 : i32
        %add3A_1135 = vector.broadcast %add3A_1134 : i32 to vector<16xi32>
        %add3A_1136 = arith.addi %iota3A, %add3A_1135 : vector<16xi32>
        %get3A_1137 = arith.constant 1 : i32
        %get3A_1138 = arith.index_cast %get3A_1137 : i32 to index
        %get3A_1139 = arith.index_cast %add3A_1112 : i32 to index
        %get3A_1140 = arith.constant 16 : index
        %get3A_1141 = tpu.vector_load %arg12[%get3A_1138, %get3A_1139, %get3A_1140] {strides = array<i32>} : memref<2x256x64xf32, #tpu.memory_space<vmem>>, vector<16xf32>,
        tpu.vector_store_idx %arg13[%broadcast_in_dim3A_1125, %add3A_1136], %get3A_1141 masked %broadcast_in_dim3A_1122 {add = true} : memref<320x80xf32, #tpu.memory_space<vmem>>[vector<16xi32>, vector<16xi32>], vector<16xf32>, vector<16xi1>
        %add3A_1142 = arith.constant 32 : i32
        %add3A_1143 = vector.broadcast %add3A_1142 : i32 to vector<16xi32>
        %add3A_1144 = arith.addi %iota3A, %add3A_1143 : vector<16xi32>
        %get3A_1145 = arith.constant 1 : i32
        %get3A_1146 = arith.index_cast %get3A_1145 : i32 to index
        %get3A_1147 = arith.index_cast %add3A_1112 : i32 to index
        %get3A_1148 = arith.constant 32 : index
        %get3A_1149 = tpu.vector_load %arg12[%get3A_1146, %get3A_1147, %get3A_1148] {strides = array<i32>} : memref<2x256x64xf32, #tpu.memory_space<vmem>>, vector<16xf32>,
        tpu.vector_store_idx %arg13[%broadcast_in_dim3A_1125, %add3A_1144], %get3A_1149 masked %broadcast_in_dim3A_1122 {add = true} : memref<320x80xf32, #tpu.memory_space<vmem>>[vector<16xi32>, vector<16xi32>], vector<16xf32>, vector<16xi1>
        %add3A_1150 = arith.constant 48 : i32
        %add3A_1151 = vector.broadcast %add3A_1150 : i32 to vector<16xi32>
        %add3A_1152 = arith.addi %iota3A, %add3A_1151 : vector<16xi32>
        %get3A_1153 = arith.constant 1 : i32
        %get3A_1154 = arith.index_cast %get3A_1153 : i32 to index
        %get3A_1155 = arith.index_cast %add3A_1112 : i32 to index
        %get3A_1156 = arith.constant 48 : index
        %get3A_1157 = tpu.vector_load %arg12[%get3A_1154, %get3A_1155, %get3A_1156] {strides = array<i32>} : memref<2x256x64xf32, #tpu.memory_space<vmem>>, vector<16xf32>,
        tpu.vector_store_idx %arg13[%broadcast_in_dim3A_1125, %add3A_1152], %get3A_1157 masked %broadcast_in_dim3A_1122 {add = true} : memref<320x80xf32, #tpu.memory_space<vmem>>[vector<16xi32>, vector<16xi32>], vector<16xf32>, vector<16xi1>
        %add3A_1158 = arith.constant 64 : i32
        %add3A_1159 = vector.broadcast %add3A_1158 : i32 to vector<16xi32>
        %add3A_1160 = arith.addi %iota3A, %add3A_1159 : vector<16xi32>
        tpu.vector_store_idx %arg13[%broadcast_in_dim3A_1125, %add3A_1160], %select_n3A masked %broadcast_in_dim3A_1122 {add = true} : memref<320x80xf32, #tpu.memory_space<vmem>>[vector<16xi32>, vector<16xi32>], vector<16xf32>, vector<16xi1>
        %mul3A_1161 = arith.constant 16 : i32
        %mul3A_1162 = arith.muli %add3A_574, %mul3A_1161 : i32
        %add3A_1163 = arith.constant 11 : i32
        %add3A_1164 = arith.addi %mul3A_1162, %add3A_1163 : i32
        %add3A_1165 = arith.addi %add3A_498, %add3A_1164 : i32
        %ge3A_1166 = arith.cmpi sge, %add3A_1165, %squeeze3A : i32
        %lt3A_1167 = arith.cmpi slt, %add3A_1165, %squeeze3A_16 : i32
        %and3A_1168 = arith.andi %ge3A_1166, %lt3A_1167 : i1
        %slice3A_1169 = vector.extract_strided_slice %get3A_591 {offsets = [11], sizes = [1], strides = [1]} : vector<16xi32> to vector<1xi32>
        %squeeze3A_1170 = vector.extract %slice3A_1169[0] : i32 from vector<1xi32>
        %le3A_1171 = arith.constant 160000 : i32
        %le3A_1172 = arith.cmpi sle, %squeeze3A_1170, %le3A_1171 : i32
        %and3A_1173 = arith.andi %and3A_1168, %le3A_1172 : i1
        %broadcast_in_dim3A_1174 = vector.broadcast %and3A_1173 : i1 to vector<16xi1>
        %slice3A_1175 = vector.extract_strided_slice %min3A_585 {offsets = [11], sizes = [1], strides = [1]} : vector<16xi32> to vector<1xi32>
        %squeeze3A_1176 = vector.extract %slice3A_1175[0] : i32 from vector<1xi32>
        %broadcast_in_dim3A_1177 = vector.broadcast %squeeze3A_1176 : i32 to vector<16xi32>
        %add3A_1178 = arith.constant 0 : i32
        %add3A_1179 = vector.broadcast %add3A_1178 : i32 to vector<16xi32>
        %add3A_1180 = arith.addi %iota3A, %add3A_1179 : vector<16xi32>
        %get3A_1181 = arith.constant 1 : i32
        %get3A_1182 = arith.index_cast %get3A_1181 : i32 to index
        %get3A_1183 = arith.index_cast %add3A_1164 : i32 to index
        %get3A_1184 = arith.constant 0 : index
        %get3A_1185 = tpu.vector_load %arg12[%get3A_1182, %get3A_1183, %get3A_1184] {strides = array<i32>} : memref<2x256x64xf32, #tpu.memory_space<vmem>>, vector<16xf32>,
        tpu.vector_store_idx %arg13[%broadcast_in_dim3A_1177, %add3A_1180], %get3A_1185 masked %broadcast_in_dim3A_1174 {add = true} : memref<320x80xf32, #tpu.memory_space<vmem>>[vector<16xi32>, vector<16xi32>], vector<16xf32>, vector<16xi1>
        %add3A_1186 = arith.constant 16 : i32
        %add3A_1187 = vector.broadcast %add3A_1186 : i32 to vector<16xi32>
        %add3A_1188 = arith.addi %iota3A, %add3A_1187 : vector<16xi32>
        %get3A_1189 = arith.constant 1 : i32
        %get3A_1190 = arith.index_cast %get3A_1189 : i32 to index
        %get3A_1191 = arith.index_cast %add3A_1164 : i32 to index
        %get3A_1192 = arith.constant 16 : index
        %get3A_1193 = tpu.vector_load %arg12[%get3A_1190, %get3A_1191, %get3A_1192] {strides = array<i32>} : memref<2x256x64xf32, #tpu.memory_space<vmem>>, vector<16xf32>,
        tpu.vector_store_idx %arg13[%broadcast_in_dim3A_1177, %add3A_1188], %get3A_1193 masked %broadcast_in_dim3A_1174 {add = true} : memref<320x80xf32, #tpu.memory_space<vmem>>[vector<16xi32>, vector<16xi32>], vector<16xf32>, vector<16xi1>
        %add3A_1194 = arith.constant 32 : i32
        %add3A_1195 = vector.broadcast %add3A_1194 : i32 to vector<16xi32>
        %add3A_1196 = arith.addi %iota3A, %add3A_1195 : vector<16xi32>
        %get3A_1197 = arith.constant 1 : i32
        %get3A_1198 = arith.index_cast %get3A_1197 : i32 to index
        %get3A_1199 = arith.index_cast %add3A_1164 : i32 to index
        %get3A_1200 = arith.constant 32 : index
        %get3A_1201 = tpu.vector_load %arg12[%get3A_1198, %get3A_1199, %get3A_1200] {strides = array<i32>} : memref<2x256x64xf32, #tpu.memory_space<vmem>>, vector<16xf32>,
        tpu.vector_store_idx %arg13[%broadcast_in_dim3A_1177, %add3A_1196], %get3A_1201 masked %broadcast_in_dim3A_1174 {add = true} : memref<320x80xf32, #tpu.memory_space<vmem>>[vector<16xi32>, vector<16xi32>], vector<16xf32>, vector<16xi1>
        %add3A_1202 = arith.constant 48 : i32
        %add3A_1203 = vector.broadcast %add3A_1202 : i32 to vector<16xi32>
        %add3A_1204 = arith.addi %iota3A, %add3A_1203 : vector<16xi32>
        %get3A_1205 = arith.constant 1 : i32
        %get3A_1206 = arith.index_cast %get3A_1205 : i32 to index
        %get3A_1207 = arith.index_cast %add3A_1164 : i32 to index
        %get3A_1208 = arith.constant 48 : index
        %get3A_1209 = tpu.vector_load %arg12[%get3A_1206, %get3A_1207, %get3A_1208] {strides = array<i32>} : memref<2x256x64xf32, #tpu.memory_space<vmem>>, vector<16xf32>,
        tpu.vector_store_idx %arg13[%broadcast_in_dim3A_1177, %add3A_1204], %get3A_1209 masked %broadcast_in_dim3A_1174 {add = true} : memref<320x80xf32, #tpu.memory_space<vmem>>[vector<16xi32>, vector<16xi32>], vector<16xf32>, vector<16xi1>
        %add3A_1210 = arith.constant 64 : i32
        %add3A_1211 = vector.broadcast %add3A_1210 : i32 to vector<16xi32>
        %add3A_1212 = arith.addi %iota3A, %add3A_1211 : vector<16xi32>
        tpu.vector_store_idx %arg13[%broadcast_in_dim3A_1177, %add3A_1212], %select_n3A masked %broadcast_in_dim3A_1174 {add = true} : memref<320x80xf32, #tpu.memory_space<vmem>>[vector<16xi32>, vector<16xi32>], vector<16xf32>, vector<16xi1>
        %mul3A_1213 = arith.constant 16 : i32
        %mul3A_1214 = arith.muli %add3A_574, %mul3A_1213 : i32
        %add3A_1215 = arith.constant 12 : i32
        %add3A_1216 = arith.addi %mul3A_1214, %add3A_1215 : i32
        %add3A_1217 = arith.addi %add3A_498, %add3A_1216 : i32
        %ge3A_1218 = arith.cmpi sge, %add3A_1217, %squeeze3A : i32
        %lt3A_1219 = arith.cmpi slt, %add3A_1217, %squeeze3A_16 : i32
        %and3A_1220 = arith.andi %ge3A_1218, %lt3A_1219 : i1
        %slice3A_1221 = vector.extract_strided_slice %get3A_591 {offsets = [12], sizes = [1], strides = [1]} : vector<16xi32> to vector<1xi32>
        %squeeze3A_1222 = vector.extract %slice3A_1221[0] : i32 from vector<1xi32>
        %le3A_1223 = arith.constant 160000 : i32
        %le3A_1224 = arith.cmpi sle, %squeeze3A_1222, %le3A_1223 : i32
        %and3A_1225 = arith.andi %and3A_1220, %le3A_1224 : i1
        %broadcast_in_dim3A_1226 = vector.broadcast %and3A_1225 : i1 to vector<16xi1>
        %slice3A_1227 = vector.extract_strided_slice %min3A_585 {offsets = [12], sizes = [1], strides = [1]} : vector<16xi32> to vector<1xi32>
        %squeeze3A_1228 = vector.extract %slice3A_1227[0] : i32 from vector<1xi32>
        %broadcast_in_dim3A_1229 = vector.broadcast %squeeze3A_1228 : i32 to vector<16xi32>
        %add3A_1230 = arith.constant 0 : i32
        %add3A_1231 = vector.broadcast %add3A_1230 : i32 to vector<16xi32>
        %add3A_1232 = arith.addi %iota3A, %add3A_1231 : vector<16xi32>
        %get3A_1233 = arith.constant 1 : i32
        %get3A_1234 = arith.index_cast %get3A_1233 : i32 to index
        %get3A_1235 = arith.index_cast %add3A_1216 : i32 to index
        %get3A_1236 = arith.constant 0 : index
        %get3A_1237 = tpu.vector_load %arg12[%get3A_1234, %get3A_1235, %get3A_1236] {strides = array<i32>} : memref<2x256x64xf32, #tpu.memory_space<vmem>>, vector<16xf32>,
        tpu.vector_store_idx %arg13[%broadcast_in_dim3A_1229, %add3A_1232], %get3A_1237 masked %broadcast_in_dim3A_1226 {add = true} : memref<320x80xf32, #tpu.memory_space<vmem>>[vector<16xi32>, vector<16xi32>], vector<16xf32>, vector<16xi1>
        %add3A_1238 = arith.constant 16 : i32
        %add3A_1239 = vector.broadcast %add3A_1238 : i32 to vector<16xi32>
        %add3A_1240 = arith.addi %iota3A, %add3A_1239 : vector<16xi32>
        %get3A_1241 = arith.constant 1 : i32
        %get3A_1242 = arith.index_cast %get3A_1241 : i32 to index
        %get3A_1243 = arith.index_cast %add3A_1216 : i32 to index
        %get3A_1244 = arith.constant 16 : index
        %get3A_1245 = tpu.vector_load %arg12[%get3A_1242, %get3A_1243, %get3A_1244] {strides = array<i32>} : memref<2x256x64xf32, #tpu.memory_space<vmem>>, vector<16xf32>,
        tpu.vector_store_idx %arg13[%broadcast_in_dim3A_1229, %add3A_1240], %get3A_1245 masked %broadcast_in_dim3A_1226 {add = true} : memref<320x80xf32, #tpu.memory_space<vmem>>[vector<16xi32>, vector<16xi32>], vector<16xf32>, vector<16xi1>
        %add3A_1246 = arith.constant 32 : i32
        %add3A_1247 = vector.broadcast %add3A_1246 : i32 to vector<16xi32>
        %add3A_1248 = arith.addi %iota3A, %add3A_1247 : vector<16xi32>
        %get3A_1249 = arith.constant 1 : i32
        %get3A_1250 = arith.index_cast %get3A_1249 : i32 to index
        %get3A_1251 = arith.index_cast %add3A_1216 : i32 to index
        %get3A_1252 = arith.constant 32 : index
        %get3A_1253 = tpu.vector_load %arg12[%get3A_1250, %get3A_1251, %get3A_1252] {strides = array<i32>} : memref<2x256x64xf32, #tpu.memory_space<vmem>>, vector<16xf32>,
        tpu.vector_store_idx %arg13[%broadcast_in_dim3A_1229, %add3A_1248], %get3A_1253 masked %broadcast_in_dim3A_1226 {add = true} : memref<320x80xf32, #tpu.memory_space<vmem>>[vector<16xi32>, vector<16xi32>], vector<16xf32>, vector<16xi1>
        %add3A_1254 = arith.constant 48 : i32
        %add3A_1255 = vector.broadcast %add3A_1254 : i32 to vector<16xi32>
        %add3A_1256 = arith.addi %iota3A, %add3A_1255 : vector<16xi32>
        %get3A_1257 = arith.constant 1 : i32
        %get3A_1258 = arith.index_cast %get3A_1257 : i32 to index
        %get3A_1259 = arith.index_cast %add3A_1216 : i32 to index
        %get3A_1260 = arith.constant 48 : index
        %get3A_1261 = tpu.vector_load %arg12[%get3A_1258, %get3A_1259, %get3A_1260] {strides = array<i32>} : memref<2x256x64xf32, #tpu.memory_space<vmem>>, vector<16xf32>,
        tpu.vector_store_idx %arg13[%broadcast_in_dim3A_1229, %add3A_1256], %get3A_1261 masked %broadcast_in_dim3A_1226 {add = true} : memref<320x80xf32, #tpu.memory_space<vmem>>[vector<16xi32>, vector<16xi32>], vector<16xf32>, vector<16xi1>
        %add3A_1262 = arith.constant 64 : i32
        %add3A_1263 = vector.broadcast %add3A_1262 : i32 to vector<16xi32>
        %add3A_1264 = arith.addi %iota3A, %add3A_1263 : vector<16xi32>
        tpu.vector_store_idx %arg13[%broadcast_in_dim3A_1229, %add3A_1264], %select_n3A masked %broadcast_in_dim3A_1226 {add = true} : memref<320x80xf32, #tpu.memory_space<vmem>>[vector<16xi32>, vector<16xi32>], vector<16xf32>, vector<16xi1>
        %mul3A_1265 = arith.constant 16 : i32
        %mul3A_1266 = arith.muli %add3A_574, %mul3A_1265 : i32
        %add3A_1267 = arith.constant 13 : i32
        %add3A_1268 = arith.addi %mul3A_1266, %add3A_1267 : i32
        %add3A_1269 = arith.addi %add3A_498, %add3A_1268 : i32
        %ge3A_1270 = arith.cmpi sge, %add3A_1269, %squeeze3A : i32
        %lt3A_1271 = arith.cmpi slt, %add3A_1269, %squeeze3A_16 : i32
        %and3A_1272 = arith.andi %ge3A_1270, %lt3A_1271 : i1
        %slice3A_1273 = vector.extract_strided_slice %get3A_591 {offsets = [13], sizes = [1], strides = [1]} : vector<16xi32> to vector<1xi32>
        %squeeze3A_1274 = vector.extract %slice3A_1273[0] : i32 from vector<1xi32>
        %le3A_1275 = arith.constant 160000 : i32
        %le3A_1276 = arith.cmpi sle, %squeeze3A_1274, %le3A_1275 : i32
        %and3A_1277 = arith.andi %and3A_1272, %le3A_1276 : i1
        %broadcast_in_dim3A_1278 = vector.broadcast %and3A_1277 : i1 to vector<16xi1>
        %slice3A_1279 = vector.extract_strided_slice %min3A_585 {offsets = [13], sizes = [1], strides = [1]} : vector<16xi32> to vector<1xi32>
        %squeeze3A_1280 = vector.extract %slice3A_1279[0] : i32 from vector<1xi32>
        %broadcast_in_dim3A_1281 = vector.broadcast %squeeze3A_1280 : i32 to vector<16xi32>
        %add3A_1282 = arith.constant 0 : i32
        %add3A_1283 = vector.broadcast %add3A_1282 : i32 to vector<16xi32>
        %add3A_1284 = arith.addi %iota3A, %add3A_1283 : vector<16xi32>
        %get3A_1285 = arith.constant 1 : i32
        %get3A_1286 = arith.index_cast %get3A_1285 : i32 to index
        %get3A_1287 = arith.index_cast %add3A_1268 : i32 to index
        %get3A_1288 = arith.constant 0 : index
        %get3A_1289 = tpu.vector_load %arg12[%get3A_1286, %get3A_1287, %get3A_1288] {strides = array<i32>} : memref<2x256x64xf32, #tpu.memory_space<vmem>>, vector<16xf32>,
        tpu.vector_store_idx %arg13[%broadcast_in_dim3A_1281, %add3A_1284], %get3A_1289 masked %broadcast_in_dim3A_1278 {add = true} : memref<320x80xf32, #tpu.memory_space<vmem>>[vector<16xi32>, vector<16xi32>], vector<16xf32>, vector<16xi1>
        %add3A_1290 = arith.constant 16 : i32
        %add3A_1291 = vector.broadcast %add3A_1290 : i32 to vector<16xi32>
        %add3A_1292 = arith.addi %iota3A, %add3A_1291 : vector<16xi32>
        %get3A_1293 = arith.constant 1 : i32
        %get3A_1294 = arith.index_cast %get3A_1293 : i32 to index
        %get3A_1295 = arith.index_cast %add3A_1268 : i32 to index
        %get3A_1296 = arith.constant 16 : index
        %get3A_1297 = tpu.vector_load %arg12[%get3A_1294, %get3A_1295, %get3A_1296] {strides = array<i32>} : memref<2x256x64xf32, #tpu.memory_space<vmem>>, vector<16xf32>,
        tpu.vector_store_idx %arg13[%broadcast_in_dim3A_1281, %add3A_1292], %get3A_1297 masked %broadcast_in_dim3A_1278 {add = true} : memref<320x80xf32, #tpu.memory_space<vmem>>[vector<16xi32>, vector<16xi32>], vector<16xf32>, vector<16xi1>
        %add3A_1298 = arith.constant 32 : i32
        %add3A_1299 = vector.broadcast %add3A_1298 : i32 to vector<16xi32>
        %add3A_1300 = arith.addi %iota3A, %add3A_1299 : vector<16xi32>
        %get3A_1301 = arith.constant 1 : i32
        %get3A_1302 = arith.index_cast %get3A_1301 : i32 to index
        %get3A_1303 = arith.index_cast %add3A_1268 : i32 to index
        %get3A_1304 = arith.constant 32 : index
        %get3A_1305 = tpu.vector_load %arg12[%get3A_1302, %get3A_1303, %get3A_1304] {strides = array<i32>} : memref<2x256x64xf32, #tpu.memory_space<vmem>>, vector<16xf32>,
        tpu.vector_store_idx %arg13[%broadcast_in_dim3A_1281, %add3A_1300], %get3A_1305 masked %broadcast_in_dim3A_1278 {add = true} : memref<320x80xf32, #tpu.memory_space<vmem>>[vector<16xi32>, vector<16xi32>], vector<16xf32>, vector<16xi1>
        %add3A_1306 = arith.constant 48 : i32
        %add3A_1307 = vector.broadcast %add3A_1306 : i32 to vector<16xi32>
        %add3A_1308 = arith.addi %iota3A, %add3A_1307 : vector<16xi32>
        %get3A_1309 = arith.constant 1 : i32
        %get3A_1310 = arith.index_cast %get3A_1309 : i32 to index
        %get3A_1311 = arith.index_cast %add3A_1268 : i32 to index
        %get3A_1312 = arith.constant 48 : index
        %get3A_1313 = tpu.vector_load %arg12[%get3A_1310, %get3A_1311, %get3A_1312] {strides = array<i32>} : memref<2x256x64xf32, #tpu.memory_space<vmem>>, vector<16xf32>,
        tpu.vector_store_idx %arg13[%broadcast_in_dim3A_1281, %add3A_1308], %get3A_1313 masked %broadcast_in_dim3A_1278 {add = true} : memref<320x80xf32, #tpu.memory_space<vmem>>[vector<16xi32>, vector<16xi32>], vector<16xf32>, vector<16xi1>
        %add3A_1314 = arith.constant 64 : i32
        %add3A_1315 = vector.broadcast %add3A_1314 : i32 to vector<16xi32>
        %add3A_1316 = arith.addi %iota3A, %add3A_1315 : vector<16xi32>
        tpu.vector_store_idx %arg13[%broadcast_in_dim3A_1281, %add3A_1316], %select_n3A masked %broadcast_in_dim3A_1278 {add = true} : memref<320x80xf32, #tpu.memory_space<vmem>>[vector<16xi32>, vector<16xi32>], vector<16xf32>, vector<16xi1>
        %mul3A_1317 = arith.constant 16 : i32
        %mul3A_1318 = arith.muli %add3A_574, %mul3A_1317 : i32
        %add3A_1319 = arith.constant 14 : i32
        %add3A_1320 = arith.addi %mul3A_1318, %add3A_1319 : i32
        %add3A_1321 = arith.addi %add3A_498, %add3A_1320 : i32
        %ge3A_1322 = arith.cmpi sge, %add3A_1321, %squeeze3A : i32
        %lt3A_1323 = arith.cmpi slt, %add3A_1321, %squeeze3A_16 : i32
        %and3A_1324 = arith.andi %ge3A_1322, %lt3A_1323 : i1
        %slice3A_1325 = vector.extract_strided_slice %get3A_591 {offsets = [14], sizes = [1], strides = [1]} : vector<16xi32> to vector<1xi32>
        %squeeze3A_1326 = vector.extract %slice3A_1325[0] : i32 from vector<1xi32>
        %le3A_1327 = arith.constant 160000 : i32
        %le3A_1328 = arith.cmpi sle, %squeeze3A_1326, %le3A_1327 : i32
        %and3A_1329 = arith.andi %and3A_1324, %le3A_1328 : i1
        %broadcast_in_dim3A_1330 = vector.broadcast %and3A_1329 : i1 to vector<16xi1>
        %slice3A_1331 = vector.extract_strided_slice %min3A_585 {offsets = [14], sizes = [1], strides = [1]} : vector<16xi32> to vector<1xi32>
        %squeeze3A_1332 = vector.extract %slice3A_1331[0] : i32 from vector<1xi32>
        %broadcast_in_dim3A_1333 = vector.broadcast %squeeze3A_1332 : i32 to vector<16xi32>
        %add3A_1334 = arith.constant 0 : i32
        %add3A_1335 = vector.broadcast %add3A_1334 : i32 to vector<16xi32>
        %add3A_1336 = arith.addi %iota3A, %add3A_1335 : vector<16xi32>
        %get3A_1337 = arith.constant 1 : i32
        %get3A_1338 = arith.index_cast %get3A_1337 : i32 to index
        %get3A_1339 = arith.index_cast %add3A_1320 : i32 to index
        %get3A_1340 = arith.constant 0 : index
        %get3A_1341 = tpu.vector_load %arg12[%get3A_1338, %get3A_1339, %get3A_1340] {strides = array<i32>} : memref<2x256x64xf32, #tpu.memory_space<vmem>>, vector<16xf32>,
        tpu.vector_store_idx %arg13[%broadcast_in_dim3A_1333, %add3A_1336], %get3A_1341 masked %broadcast_in_dim3A_1330 {add = true} : memref<320x80xf32, #tpu.memory_space<vmem>>[vector<16xi32>, vector<16xi32>], vector<16xf32>, vector<16xi1>
        %add3A_1342 = arith.constant 16 : i32
        %add3A_1343 = vector.broadcast %add3A_1342 : i32 to vector<16xi32>
        %add3A_1344 = arith.addi %iota3A, %add3A_1343 : vector<16xi32>
        %get3A_1345 = arith.constant 1 : i32
        %get3A_1346 = arith.index_cast %get3A_1345 : i32 to index
        %get3A_1347 = arith.index_cast %add3A_1320 : i32 to index
        %get3A_1348 = arith.constant 16 : index
        %get3A_1349 = tpu.vector_load %arg12[%get3A_1346, %get3A_1347, %get3A_1348] {strides = array<i32>} : memref<2x256x64xf32, #tpu.memory_space<vmem>>, vector<16xf32>,
        tpu.vector_store_idx %arg13[%broadcast_in_dim3A_1333, %add3A_1344], %get3A_1349 masked %broadcast_in_dim3A_1330 {add = true} : memref<320x80xf32, #tpu.memory_space<vmem>>[vector<16xi32>, vector<16xi32>], vector<16xf32>, vector<16xi1>
        %add3A_1350 = arith.constant 32 : i32
        %add3A_1351 = vector.broadcast %add3A_1350 : i32 to vector<16xi32>
        %add3A_1352 = arith.addi %iota3A, %add3A_1351 : vector<16xi32>
        %get3A_1353 = arith.constant 1 : i32
        %get3A_1354 = arith.index_cast %get3A_1353 : i32 to index
        %get3A_1355 = arith.index_cast %add3A_1320 : i32 to index
        %get3A_1356 = arith.constant 32 : index
        %get3A_1357 = tpu.vector_load %arg12[%get3A_1354, %get3A_1355, %get3A_1356] {strides = array<i32>} : memref<2x256x64xf32, #tpu.memory_space<vmem>>, vector<16xf32>,
        tpu.vector_store_idx %arg13[%broadcast_in_dim3A_1333, %add3A_1352], %get3A_1357 masked %broadcast_in_dim3A_1330 {add = true} : memref<320x80xf32, #tpu.memory_space<vmem>>[vector<16xi32>, vector<16xi32>], vector<16xf32>, vector<16xi1>
        %add3A_1358 = arith.constant 48 : i32
        %add3A_1359 = vector.broadcast %add3A_1358 : i32 to vector<16xi32>
        %add3A_1360 = arith.addi %iota3A, %add3A_1359 : vector<16xi32>
        %get3A_1361 = arith.constant 1 : i32
        %get3A_1362 = arith.index_cast %get3A_1361 : i32 to index
        %get3A_1363 = arith.index_cast %add3A_1320 : i32 to index
        %get3A_1364 = arith.constant 48 : index
        %get3A_1365 = tpu.vector_load %arg12[%get3A_1362, %get3A_1363, %get3A_1364] {strides = array<i32>} : memref<2x256x64xf32, #tpu.memory_space<vmem>>, vector<16xf32>,
        tpu.vector_store_idx %arg13[%broadcast_in_dim3A_1333, %add3A_1360], %get3A_1365 masked %broadcast_in_dim3A_1330 {add = true} : memref<320x80xf32, #tpu.memory_space<vmem>>[vector<16xi32>, vector<16xi32>], vector<16xf32>, vector<16xi1>
        %add3A_1366 = arith.constant 64 : i32
        %add3A_1367 = vector.broadcast %add3A_1366 : i32 to vector<16xi32>
        %add3A_1368 = arith.addi %iota3A, %add3A_1367 : vector<16xi32>
        tpu.vector_store_idx %arg13[%broadcast_in_dim3A_1333, %add3A_1368], %select_n3A masked %broadcast_in_dim3A_1330 {add = true} : memref<320x80xf32, #tpu.memory_space<vmem>>[vector<16xi32>, vector<16xi32>], vector<16xf32>, vector<16xi1>
        %mul3A_1369 = arith.constant 16 : i32
        %mul3A_1370 = arith.muli %add3A_574, %mul3A_1369 : i32
        %add3A_1371 = arith.constant 15 : i32
        %add3A_1372 = arith.addi %mul3A_1370, %add3A_1371 : i32
        %add3A_1373 = arith.addi %add3A_498, %add3A_1372 : i32
        %ge3A_1374 = arith.cmpi sge, %add3A_1373, %squeeze3A : i32
        %lt3A_1375 = arith.cmpi slt, %add3A_1373, %squeeze3A_16 : i32
        %and3A_1376 = arith.andi %ge3A_1374, %lt3A_1375 : i1
        %slice3A_1377 = vector.extract_strided_slice %get3A_591 {offsets = [15], sizes = [1], strides = [1]} : vector<16xi32> to vector<1xi32>
        %squeeze3A_1378 = vector.extract %slice3A_1377[0] : i32 from vector<1xi32>
        %le3A_1379 = arith.constant 160000 : i32
        %le3A_1380 = arith.cmpi sle, %squeeze3A_1378, %le3A_1379 : i32
        %and3A_1381 = arith.andi %and3A_1376, %le3A_1380 : i1
        %broadcast_in_dim3A_1382 = vector.broadcast %and3A_1381 : i1 to vector<16xi1>
        %slice3A_1383 = vector.extract_strided_slice %min3A_585 {offsets = [15], sizes = [1], strides = [1]} : vector<16xi32> to vector<1xi32>
        %squeeze3A_1384 = vector.extract %slice3A_1383[0] : i32 from vector<1xi32>
        %broadcast_in_dim3A_1385 = vector.broadcast %squeeze3A_1384 : i32 to vector<16xi32>
        %add3A_1386 = arith.constant 0 : i32
        %add3A_1387 = vector.broadcast %add3A_1386 : i32 to vector<16xi32>
        %add3A_1388 = arith.addi %iota3A, %add3A_1387 : vector<16xi32>
        %get3A_1389 = arith.constant 1 : i32
        %get3A_1390 = arith.index_cast %get3A_1389 : i32 to index
        %get3A_1391 = arith.index_cast %add3A_1372 : i32 to index
        %get3A_1392 = arith.constant 0 : index
        %get3A_1393 = tpu.vector_load %arg12[%get3A_1390, %get3A_1391, %get3A_1392] {strides = array<i32>} : memref<2x256x64xf32, #tpu.memory_space<vmem>>, vector<16xf32>,
        tpu.vector_store_idx %arg13[%broadcast_in_dim3A_1385, %add3A_1388], %get3A_1393 masked %broadcast_in_dim3A_1382 {add = true} : memref<320x80xf32, #tpu.memory_space<vmem>>[vector<16xi32>, vector<16xi32>], vector<16xf32>, vector<16xi1>
        %add3A_1394 = arith.constant 16 : i32
        %add3A_1395 = vector.broadcast %add3A_1394 : i32 to vector<16xi32>
        %add3A_1396 = arith.addi %iota3A, %add3A_1395 : vector<16xi32>
        %get3A_1397 = arith.constant 1 : i32
        %get3A_1398 = arith.index_cast %get3A_1397 : i32 to index
        %get3A_1399 = arith.index_cast %add3A_1372 : i32 to index
        %get3A_1400 = arith.constant 16 : index
        %get3A_1401 = tpu.vector_load %arg12[%get3A_1398, %get3A_1399, %get3A_1400] {strides = array<i32>} : memref<2x256x64xf32, #tpu.memory_space<vmem>>, vector<16xf32>,
        tpu.vector_store_idx %arg13[%broadcast_in_dim3A_1385, %add3A_1396], %get3A_1401 masked %broadcast_in_dim3A_1382 {add = true} : memref<320x80xf32, #tpu.memory_space<vmem>>[vector<16xi32>, vector<16xi32>], vector<16xf32>, vector<16xi1>
        %add3A_1402 = arith.constant 32 : i32
        %add3A_1403 = vector.broadcast %add3A_1402 : i32 to vector<16xi32>
        %add3A_1404 = arith.addi %iota3A, %add3A_1403 : vector<16xi32>
        %get3A_1405 = arith.constant 1 : i32
        %get3A_1406 = arith.index_cast %get3A_1405 : i32 to index
        %get3A_1407 = arith.index_cast %add3A_1372 : i32 to index
        %get3A_1408 = arith.constant 32 : index
        %get3A_1409 = tpu.vector_load %arg12[%get3A_1406, %get3A_1407, %get3A_1408] {strides = array<i32>} : memref<2x256x64xf32, #tpu.memory_space<vmem>>, vector<16xf32>,
        tpu.vector_store_idx %arg13[%broadcast_in_dim3A_1385, %add3A_1404], %get3A_1409 masked %broadcast_in_dim3A_1382 {add = true} : memref<320x80xf32, #tpu.memory_space<vmem>>[vector<16xi32>, vector<16xi32>], vector<16xf32>, vector<16xi1>
        %add3A_1410 = arith.constant 48 : i32
        %add3A_1411 = vector.broadcast %add3A_1410 : i32 to vector<16xi32>
        %add3A_1412 = arith.addi %iota3A, %add3A_1411 : vector<16xi32>
        %get3A_1413 = arith.constant 1 : i32
        %get3A_1414 = arith.index_cast %get3A_1413 : i32 to index
        %get3A_1415 = arith.index_cast %add3A_1372 : i32 to index
        %get3A_1416 = arith.constant 48 : index
        %get3A_1417 = tpu.vector_load %arg12[%get3A_1414, %get3A_1415, %get3A_1416] {strides = array<i32>} : memref<2x256x64xf32, #tpu.memory_space<vmem>>, vector<16xf32>,
        tpu.vector_store_idx %arg13[%broadcast_in_dim3A_1385, %add3A_1412], %get3A_1417 masked %broadcast_in_dim3A_1382 {add = true} : memref<320x80xf32, #tpu.memory_space<vmem>>[vector<16xi32>, vector<16xi32>], vector<16xf32>, vector<16xi1>
        %add3A_1418 = arith.constant 64 : i32
        %add3A_1419 = vector.broadcast %add3A_1418 : i32 to vector<16xi32>
        %add3A_1420 = arith.addi %iota3A, %add3A_1419 : vector<16xi32>
        tpu.vector_store_idx %arg13[%broadcast_in_dim3A_1385, %add3A_1420], %select_n3A masked %broadcast_in_dim3A_1382 {add = true} : memref<320x80xf32, #tpu.memory_space<vmem>>[vector<16xi32>, vector<16xi32>], vector<16xf32>, vector<16xi1>
      }
      %scan3A_549 = arith.constant 16 : i32
      %add3A_550 = arith.constant 512 : i32
      %add3A_551 = arith.addi %add3A_498, %add3A_550 : i32
      %dma_start3A_552 = arith.constant 1 : i32
      %dma_start3A_553 = arith.constant 0 : i32
      %dma_start3A_554 = tpu.memref_slice %arg8[%dma_start3A_552, %dma_start3A_553] : memref<2x256xi32, #tpu.memory_space<vmem>> -> memref<1x256xi32, #tpu.memory_space<vmem>>
      %dma_start3A_555 = tpu.memref_squeeze %dma_start3A_554 : memref<1x256xi32, #tpu.memory_space<vmem>> -> memref<256xi32, #tpu.memory_space<vmem>>
      %dma_start3A_556 = tpu.memref_slice %arg3[%add3A_551] : memref<191488xi32, #tpu.memory_space<hbm>> -> memref<256xi32, #tpu.memory_space<hbm>>
      %dma_start3A_557 = arith.constant 0 : i32
      %dma_start3A_558 = tpu.memref_slice %arg8[%dma_start3A_552, %dma_start3A_557] : memref<2x256xi32, #tpu.memory_space<vmem>> -> memref<1x256xi32, #tpu.memory_space<vmem>>
      %dma_start3A_559 = tpu.memref_squeeze %dma_start3A_558 : memref<1x256xi32, #tpu.memory_space<vmem>> -> memref<256xi32, #tpu.memory_space<vmem>>
      %dma_start3A_560 = tpu.memref_slice %arg3[%add3A_551] : memref<191488xi32, #tpu.memory_space<hbm>> -> memref<256xi32, #tpu.memory_space<hbm>>
      tpu.enqueue_dma source(%dma_start3A_560 : memref<256xi32, #tpu.memory_space<hbm>>) target(%dma_start3A_559 : memref<256xi32, #tpu.memory_space<vmem>>) target_semaphore(%arg15 : memref<!tpu.dma_semaphore, #tpu.memory_space<semaphore_mem>>)
      %dma_start3A_561 = arith.constant 1 : i32
      %dma_start3A_562 = arith.constant 0 : i32
      %dma_start3A_563 = tpu.memref_slice %arg9[%dma_start3A_561, %dma_start3A_562] : memref<2x256xi32, #tpu.memory_space<vmem>> -> memref<1x256xi32, #tpu.memory_space<vmem>>
      %dma_start3A_564 = tpu.memref_squeeze %dma_start3A_563 : memref<1x256xi32, #tpu.memory_space<vmem>> -> memref<256xi32, #tpu.memory_space<vmem>>
      %dma_start3A_565 = tpu.memref_slice %arg4[%add3A_551] : memref<191488xi32, #tpu.memory_space<hbm>> -> memref<256xi32, #tpu.memory_space<hbm>>
      %dma_start3A_566 = arith.constant 0 : i32
      %dma_start3A_567 = tpu.memref_slice %arg9[%dma_start3A_561, %dma_start3A_566] : memref<2x256xi32, #tpu.memory_space<vmem>> -> memref<1x256xi32, #tpu.memory_space<vmem>>
      %dma_start3A_568 = tpu.memref_squeeze %dma_start3A_567 : memref<1x256xi32, #tpu.memory_space<vmem>> -> memref<256xi32, #tpu.memory_space<vmem>>
      %dma_start3A_569 = tpu.memref_slice %arg4[%add3A_551] : memref<191488xi32, #tpu.memory_space<hbm>> -> memref<256xi32, #tpu.memory_space<hbm>>
      tpu.enqueue_dma source(%dma_start3A_569 : memref<256xi32, #tpu.memory_space<hbm>>) target(%dma_start3A_568 : memref<256xi32, #tpu.memory_space<vmem>>) target_semaphore(%arg15 : memref<!tpu.dma_semaphore, #tpu.memory_space<semaphore_mem>>)
    }
    %while3A_179 = arith.constant 1 : i32
    scf.for %while3A_416 = %while3A_177 to %while3A_173 step %while3A_179  : i32 {
      %mul3A_417 = arith.muli %while3A_416, %while3A : i32
      %add3A_418 = arith.addi %while3A_170, %mul3A_417 : i32
      %mul3A_419 = arith.constant 2 : i32
      %mul3A_420 = arith.muli %mul3A_419, %add3A_418 : i32
      %mul3A_421 = arith.constant 256 : i32
      %mul3A_422 = arith.muli %mul3A_420, %mul3A_421 : i32
      %add3A_423 = arith.addi %mul3A_36, %mul3A_422 : i32
      %add3A_424 = arith.constant 0 : i32
      %add3A_425 = arith.addi %add3A_423, %add3A_424 : i32
      %dma_wait3A_426 = arith.constant 1 : i32
      %dma_wait3A_427 = arith.constant 0 : i32
      %dma_wait3A_428 = tpu.memref_slice %arg8[%dma_wait3A_426, %dma_wait3A_427] : memref<2x256xi32, #tpu.memory_space<vmem>> -> memref<1x256xi32, #tpu.memory_space<vmem>>
      %dma_wait3A_429 = tpu.memref_squeeze %dma_wait3A_428 : memref<1x256xi32, #tpu.memory_space<vmem>> -> memref<256xi32, #tpu.memory_space<vmem>>
      %dma_wait3A_430 = arith.constant 0 : i32
      %dma_wait3A_431 = tpu.memref_slice %arg3[%dma_wait3A_430] : memref<191488xi32, #tpu.memory_space<hbm>> -> memref<256xi32, #tpu.memory_space<hbm>>
      %dma_wait3A_432 = arith.constant 0 : i32
      %dma_wait3A_433 = tpu.memref_slice %arg8[%dma_wait3A_426, %dma_wait3A_432] : memref<2x256xi32, #tpu.memory_space<vmem>> -> memref<1x256xi32, #tpu.memory_space<vmem>>
      %dma_wait3A_434 = tpu.memref_squeeze %dma_wait3A_433 : memref<1x256xi32, #tpu.memory_space<vmem>> -> memref<256xi32, #tpu.memory_space<vmem>>
      %dma_wait3A_435 = arith.constant 0 : i32
      %dma_wait3A_436 = tpu.memref_slice %arg3[%dma_wait3A_435] : memref<191488xi32, #tpu.memory_space<hbm>> -> memref<256xi32, #tpu.memory_space<hbm>>
      tpu.wait_dma2 semaphore(%arg15 : memref<!tpu.dma_semaphore, #tpu.memory_space<semaphore_mem>>) src(%dma_wait3A_436 : memref<256xi32, #tpu.memory_space<hbm>>) dst(%dma_wait3A_434 : memref<256xi32, #tpu.memory_space<vmem>>)
      %dma_wait3A_437 = arith.constant 1 : i32
      %dma_wait3A_438 = arith.constant 0 : i32
      %dma_wait3A_439 = tpu.memref_slice %arg9[%dma_wait3A_437, %dma_wait3A_438] : memref<2x256xi32, #tpu.memory_space<vmem>> -> memref<1x256xi32, #tpu.memory_space<vmem>>
      %dma_wait3A_440 = tpu.memref_squeeze %dma_wait3A_439 : memref<1x256xi32, #tpu.memory_space<vmem>> -> memref<256xi32, #tpu.memory_space<vmem>>
      %dma_wait3A_441 = arith.constant 0 : i32
      %dma_wait3A_442 = tpu.memref_slice %arg4[%dma_wait3A_441] : memref<191488xi32, #tpu.memory_space<hbm>> -> memref<256xi32, #tpu.memory_space<hbm>>
      %dma_wait3A_443 = arith.constant 0 : i32
      %dma_wait3A_444 = tpu.memref_slice %arg9[%dma_wait3A_437, %dma_wait3A_443] : memref<2x256xi32, #tpu.memory_space<vmem>> -> memref<1x256xi32, #tpu.memory_space<vmem>>
      %dma_wait3A_445 = tpu.memref_squeeze %dma_wait3A_444 : memref<1x256xi32, #tpu.memory_space<vmem>> -> memref<256xi32, #tpu.memory_space<vmem>>
      %dma_wait3A_446 = arith.constant 0 : i32
      %dma_wait3A_447 = tpu.memref_slice %arg4[%dma_wait3A_446] : memref<191488xi32, #tpu.memory_space<hbm>> -> memref<256xi32, #tpu.memory_space<hbm>>
      tpu.wait_dma2 semaphore(%arg15 : memref<!tpu.dma_semaphore, #tpu.memory_space<semaphore_mem>>) src(%dma_wait3A_447 : memref<256xi32, #tpu.memory_space<hbm>>) dst(%dma_wait3A_445 : memref<256xi32, #tpu.memory_space<vmem>>)
      %dma_start3A_448 = arith.constant 1 : i32
      %dma_start3A_449 = arith.constant 1 : i32
      %dma_start3A_450 = arith.constant 0 : i32
      %dma_start3A_451 = arith.constant 0 : i32
      %dma_start3A_452 = tpu.memref_slice %arg12[%dma_start3A_449, %dma_start3A_450, %dma_start3A_451] : memref<2x256x64xf32, #tpu.memory_space<vmem>> -> memref<1x256x64xf32, #tpu.memory_space<vmem>>
      %dma_start3A_453 = tpu.memref_squeeze %dma_start3A_452 : memref<1x256x64xf32, #tpu.memory_space<vmem>> -> memref<256x64xf32, #tpu.memory_space<vmem>>
      %dma_start3A_454 = arith.constant 0 : i32
      %dma_start3A_455 = tpu.memref_slice %arg9[%dma_start3A_448, %dma_start3A_454] : memref<2x256xi32, #tpu.memory_space<vmem>> -> memref<1x256xi32, #tpu.memory_space<vmem>>
      %dma_start3A_456 = tpu.memref_squeeze %dma_start3A_455 : memref<1x256xi32, #tpu.memory_space<vmem>> -> memref<256xi32, #tpu.memory_space<vmem>>
      %dma_start3A_457 = arith.constant 0 : i32
      %dma_start3A_458 = arith.constant 0 : i32
      %dma_start3A_459 = tpu.memref_slice %arg2[%dma_start3A_457, %dma_start3A_458] : memref<170136x64xf32, #tpu.memory_space<hbm>> -> memref<170136x64xf32, #tpu.memory_space<hbm>>
      tpu.enqueue_indirect_dma source(%dma_start3A_459 : memref<170136x64xf32, #tpu.memory_space<hbm>>) target(%dma_start3A_453 : memref<256x64xf32, #tpu.memory_space<vmem>>) offsets(%dma_start3A_456 : memref<256xi32, #tpu.memory_space<vmem>>) semaphore(%arg17 : memref<!tpu.dma_semaphore, #tpu.memory_space<semaphore_mem>>)
      %dma_wait3A_460 = arith.constant 0 : i32
      %dma_wait3A_461 = arith.constant 0 : i32
      %dma_wait3A_462 = arith.constant 0 : i32
      %dma_wait3A_463 = arith.constant 0 : i32
      %dma_wait3A_464 = tpu.memref_slice %arg12[%dma_wait3A_461, %dma_wait3A_462, %dma_wait3A_463] : memref<2x256x64xf32, #tpu.memory_space<vmem>> -> memref<1x256x64xf32, #tpu.memory_space<vmem>>
      %dma_wait3A_465 = tpu.memref_squeeze %dma_wait3A_464 : memref<1x256x64xf32, #tpu.memory_space<vmem>> -> memref<256x64xf32, #tpu.memory_space<vmem>>
      %dma_wait3A_466 = arith.constant 0 : i32
      %dma_wait3A_467 = tpu.memref_slice %arg9[%dma_wait3A_460, %dma_wait3A_466] : memref<2x256xi32, #tpu.memory_space<vmem>> -> memref<1x256xi32, #tpu.memory_space<vmem>>
      %dma_wait3A_468 = tpu.memref_squeeze %dma_wait3A_467 : memref<1x256xi32, #tpu.memory_space<vmem>> -> memref<256xi32, #tpu.memory_space<vmem>>
      %dma_wait3A_469 = arith.constant 0 : i32
      %dma_wait3A_470 = arith.constant 0 : i32
      %dma_wait3A_471 = tpu.memref_slice %arg2[%dma_wait3A_469, %dma_wait3A_470] : memref<170136x64xf32, #tpu.memory_space<hbm>> -> memref<170136x64xf32, #tpu.memory_space<hbm>>
      tpu.wait_indirect_dma semaphore(%arg16 : memref<!tpu.dma_semaphore, #tpu.memory_space<semaphore_mem>>) src(%dma_wait3A_471 : memref<170136x64xf32, #tpu.memory_space<hbm>>) dst(%dma_wait3A_465 : memref<256x64xf32, #tpu.memory_space<vmem>>)
      %scan3A_472 = arith.constant 0 : i32
      %scan3A_473 = arith.constant 16 : i32
      %scan3A_474 = arith.addi %scan3A_472, %scan3A_473 : i32
      %scan3A_475 = arith.constant 1 : i32
      scf.for %scan3A_570 = %scan3A_472 to %scan3A_474 step %scan3A_475  : i32 {
        %mul3A_571 = arith.constant 1 : i32
        %mul3A_572 = arith.muli %scan3A_570, %mul3A_571 : i32
        %add3A_573 = arith.constant 0 : i32
        %add3A_574 = arith.addi %add3A_573, %mul3A_572 : i32
        %mul3A_575 = arith.constant 16 : i32
        %mul3A_576 = arith.muli %add3A_574, %mul3A_575 : i32
        %get3A = arith.constant 0 : i32
        %get3A_577 = arith.index_cast %get3A : i32 to index
        %get3A_578 = arith.index_cast %mul3A_576 : i32 to index
        %get3A_579 = tpu.vector_load %arg8[%get3A_577, %get3A_578] {strides = array<i32>} : memref<2x256xi32, #tpu.memory_space<vmem>>, vector<16xi32>,
        %sub3A_580 = vector.broadcast %mul3A_2 : i32 to vector<16xi32>
        %sub3A_581 = arith.subi %get3A_579, %sub3A_580 : vector<16xi32>
        %jit3A_582 = arith.constant 0 : i32
        %jit3A_583 = arith.constant 319 : i32
        %max3A = vector.broadcast %jit3A_582 : i32 to vector<16xi32>
        %max3A_584 = arith.maxsi %max3A, %sub3A_581 : vector<16xi32>
        %min3A = vector.broadcast %jit3A_583 : i32 to vector<16xi32>
        %min3A_585 = arith.minsi %min3A, %max3A_584 : vector<16xi32>
        %mul3A_586 = arith.constant 16 : i32
        %mul3A_587 = arith.muli %add3A_574, %mul3A_586 : i32
        %get3A_588 = arith.constant 0 : i32
        %get3A_589 = arith.index_cast %get3A_588 : i32 to index
        %get3A_590 = arith.index_cast %mul3A_587 : i32 to index
        %get3A_591 = tpu.vector_load %arg9[%get3A_589, %get3A_590] {strides = array<i32>} : memref<2x256xi32, #tpu.memory_space<vmem>>, vector<16xi32>,
        %mul3A_592 = arith.constant 16 : i32
        %mul3A_593 = arith.muli %add3A_574, %mul3A_592 : i32
        %add3A_594 = arith.constant 0 : i32
        %add3A_595 = arith.addi %mul3A_593, %add3A_594 : i32
        %add3A_596 = arith.addi %add3A_425, %add3A_595 : i32
        %ge3A = arith.cmpi sge, %add3A_596, %squeeze3A : i32
        %lt3A = arith.cmpi slt, %add3A_596, %squeeze3A_16 : i32
        %and3A_597 = arith.andi %ge3A, %lt3A : i1
        %slice3A_598 = vector.extract_strided_slice %get3A_591 {offsets = [0], sizes = [1], strides = [1]} : vector<16xi32> to vector<1xi32>
        %squeeze3A_599 = vector.extract %slice3A_598[0] : i32 from vector<1xi32>
        %le3A = arith.constant 160000 : i32
        %le3A_600 = arith.cmpi sle, %squeeze3A_599, %le3A : i32
        %and3A_601 = arith.andi %and3A_597, %le3A_600 : i1
        %broadcast_in_dim3A_602 = vector.broadcast %and3A_601 : i1 to vector<16xi1>
        %slice3A_603 = vector.extract_strided_slice %min3A_585 {offsets = [0], sizes = [1], strides = [1]} : vector<16xi32> to vector<1xi32>
        %squeeze3A_604 = vector.extract %slice3A_603[0] : i32 from vector<1xi32>
        %broadcast_in_dim3A_605 = vector.broadcast %squeeze3A_604 : i32 to vector<16xi32>
        %add3A_606 = arith.constant 0 : i32
        %add3A_607 = vector.broadcast %add3A_606 : i32 to vector<16xi32>
        %add3A_608 = arith.addi %iota3A, %add3A_607 : vector<16xi32>
        %get3A_609 = arith.constant 0 : i32
        %get3A_610 = arith.index_cast %get3A_609 : i32 to index
        %get3A_611 = arith.index_cast %add3A_595 : i32 to index
        %get3A_612 = arith.constant 0 : index
        %get3A_613 = tpu.vector_load %arg12[%get3A_610, %get3A_611, %get3A_612] {strides = array<i32>} : memref<2x256x64xf32, #tpu.memory_space<vmem>>, vector<16xf32>,
        tpu.vector_store_idx %arg13[%broadcast_in_dim3A_605, %add3A_608], %get3A_613 masked %broadcast_in_dim3A_602 {add = true} : memref<320x80xf32, #tpu.memory_space<vmem>>[vector<16xi32>, vector<16xi32>], vector<16xf32>, vector<16xi1>
        %add3A_614 = arith.constant 16 : i32
        %add3A_615 = vector.broadcast %add3A_614 : i32 to vector<16xi32>
        %add3A_616 = arith.addi %iota3A, %add3A_615 : vector<16xi32>
        %get3A_617 = arith.constant 0 : i32
        %get3A_618 = arith.index_cast %get3A_617 : i32 to index
        %get3A_619 = arith.index_cast %add3A_595 : i32 to index
        %get3A_620 = arith.constant 16 : index
        %get3A_621 = tpu.vector_load %arg12[%get3A_618, %get3A_619, %get3A_620] {strides = array<i32>} : memref<2x256x64xf32, #tpu.memory_space<vmem>>, vector<16xf32>,
        tpu.vector_store_idx %arg13[%broadcast_in_dim3A_605, %add3A_616], %get3A_621 masked %broadcast_in_dim3A_602 {add = true} : memref<320x80xf32, #tpu.memory_space<vmem>>[vector<16xi32>, vector<16xi32>], vector<16xf32>, vector<16xi1>
        %add3A_622 = arith.constant 32 : i32
        %add3A_623 = vector.broadcast %add3A_622 : i32 to vector<16xi32>
        %add3A_624 = arith.addi %iota3A, %add3A_623 : vector<16xi32>
        %get3A_625 = arith.constant 0 : i32
        %get3A_626 = arith.index_cast %get3A_625 : i32 to index
        %get3A_627 = arith.index_cast %add3A_595 : i32 to index
        %get3A_628 = arith.constant 32 : index
        %get3A_629 = tpu.vector_load %arg12[%get3A_626, %get3A_627, %get3A_628] {strides = array<i32>} : memref<2x256x64xf32, #tpu.memory_space<vmem>>, vector<16xf32>,
        tpu.vector_store_idx %arg13[%broadcast_in_dim3A_605, %add3A_624], %get3A_629 masked %broadcast_in_dim3A_602 {add = true} : memref<320x80xf32, #tpu.memory_space<vmem>>[vector<16xi32>, vector<16xi32>], vector<16xf32>, vector<16xi1>
        %add3A_630 = arith.constant 48 : i32
        %add3A_631 = vector.broadcast %add3A_630 : i32 to vector<16xi32>
        %add3A_632 = arith.addi %iota3A, %add3A_631 : vector<16xi32>
        %get3A_633 = arith.constant 0 : i32
        %get3A_634 = arith.index_cast %get3A_633 : i32 to index
        %get3A_635 = arith.index_cast %add3A_595 : i32 to index
        %get3A_636 = arith.constant 48 : index
        %get3A_637 = tpu.vector_load %arg12[%get3A_634, %get3A_635, %get3A_636] {strides = array<i32>} : memref<2x256x64xf32, #tpu.memory_space<vmem>>, vector<16xf32>,
        tpu.vector_store_idx %arg13[%broadcast_in_dim3A_605, %add3A_632], %get3A_637 masked %broadcast_in_dim3A_602 {add = true} : memref<320x80xf32, #tpu.memory_space<vmem>>[vector<16xi32>, vector<16xi32>], vector<16xf32>, vector<16xi1>
        %add3A_638 = arith.constant 64 : i32
        %add3A_639 = vector.broadcast %add3A_638 : i32 to vector<16xi32>
        %add3A_640 = arith.addi %iota3A, %add3A_639 : vector<16xi32>
        tpu.vector_store_idx %arg13[%broadcast_in_dim3A_605, %add3A_640], %select_n3A masked %broadcast_in_dim3A_602 {add = true} : memref<320x80xf32, #tpu.memory_space<vmem>>[vector<16xi32>, vector<16xi32>], vector<16xf32>, vector<16xi1>
        %mul3A_641 = arith.constant 16 : i32
        %mul3A_642 = arith.muli %add3A_574, %mul3A_641 : i32
        %add3A_643 = arith.constant 1 : i32
        %add3A_644 = arith.addi %mul3A_642, %add3A_643 : i32
        %add3A_645 = arith.addi %add3A_425, %add3A_644 : i32
        %ge3A_646 = arith.cmpi sge, %add3A_645, %squeeze3A : i32
        %lt3A_647 = arith.cmpi slt, %add3A_645, %squeeze3A_16 : i32
        %and3A_648 = arith.andi %ge3A_646, %lt3A_647 : i1
        %slice3A_649 = vector.extract_strided_slice %get3A_591 {offsets = [1], sizes = [1], strides = [1]} : vector<16xi32> to vector<1xi32>
        %squeeze3A_650 = vector.extract %slice3A_649[0] : i32 from vector<1xi32>
        %le3A_651 = arith.constant 160000 : i32
        %le3A_652 = arith.cmpi sle, %squeeze3A_650, %le3A_651 : i32
        %and3A_653 = arith.andi %and3A_648, %le3A_652 : i1
        %broadcast_in_dim3A_654 = vector.broadcast %and3A_653 : i1 to vector<16xi1>
        %slice3A_655 = vector.extract_strided_slice %min3A_585 {offsets = [1], sizes = [1], strides = [1]} : vector<16xi32> to vector<1xi32>
        %squeeze3A_656 = vector.extract %slice3A_655[0] : i32 from vector<1xi32>
        %broadcast_in_dim3A_657 = vector.broadcast %squeeze3A_656 : i32 to vector<16xi32>
        %add3A_658 = arith.constant 0 : i32
        %add3A_659 = vector.broadcast %add3A_658 : i32 to vector<16xi32>
        %add3A_660 = arith.addi %iota3A, %add3A_659 : vector<16xi32>
        %get3A_661 = arith.constant 0 : i32
        %get3A_662 = arith.index_cast %get3A_661 : i32 to index
        %get3A_663 = arith.index_cast %add3A_644 : i32 to index
        %get3A_664 = arith.constant 0 : index
        %get3A_665 = tpu.vector_load %arg12[%get3A_662, %get3A_663, %get3A_664] {strides = array<i32>} : memref<2x256x64xf32, #tpu.memory_space<vmem>>, vector<16xf32>,
        tpu.vector_store_idx %arg13[%broadcast_in_dim3A_657, %add3A_660], %get3A_665 masked %broadcast_in_dim3A_654 {add = true} : memref<320x80xf32, #tpu.memory_space<vmem>>[vector<16xi32>, vector<16xi32>], vector<16xf32>, vector<16xi1>
        %add3A_666 = arith.constant 16 : i32
        %add3A_667 = vector.broadcast %add3A_666 : i32 to vector<16xi32>
        %add3A_668 = arith.addi %iota3A, %add3A_667 : vector<16xi32>
        %get3A_669 = arith.constant 0 : i32
        %get3A_670 = arith.index_cast %get3A_669 : i32 to index
        %get3A_671 = arith.index_cast %add3A_644 : i32 to index
        %get3A_672 = arith.constant 16 : index
        %get3A_673 = tpu.vector_load %arg12[%get3A_670, %get3A_671, %get3A_672] {strides = array<i32>} : memref<2x256x64xf32, #tpu.memory_space<vmem>>, vector<16xf32>,
        tpu.vector_store_idx %arg13[%broadcast_in_dim3A_657, %add3A_668], %get3A_673 masked %broadcast_in_dim3A_654 {add = true} : memref<320x80xf32, #tpu.memory_space<vmem>>[vector<16xi32>, vector<16xi32>], vector<16xf32>, vector<16xi1>
        %add3A_674 = arith.constant 32 : i32
        %add3A_675 = vector.broadcast %add3A_674 : i32 to vector<16xi32>
        %add3A_676 = arith.addi %iota3A, %add3A_675 : vector<16xi32>
        %get3A_677 = arith.constant 0 : i32
        %get3A_678 = arith.index_cast %get3A_677 : i32 to index
        %get3A_679 = arith.index_cast %add3A_644 : i32 to index
        %get3A_680 = arith.constant 32 : index
        %get3A_681 = tpu.vector_load %arg12[%get3A_678, %get3A_679, %get3A_680] {strides = array<i32>} : memref<2x256x64xf32, #tpu.memory_space<vmem>>, vector<16xf32>,
        tpu.vector_store_idx %arg13[%broadcast_in_dim3A_657, %add3A_676], %get3A_681 masked %broadcast_in_dim3A_654 {add = true} : memref<320x80xf32, #tpu.memory_space<vmem>>[vector<16xi32>, vector<16xi32>], vector<16xf32>, vector<16xi1>
        %add3A_682 = arith.constant 48 : i32
        %add3A_683 = vector.broadcast %add3A_682 : i32 to vector<16xi32>
        %add3A_684 = arith.addi %iota3A, %add3A_683 : vector<16xi32>
        %get3A_685 = arith.constant 0 : i32
        %get3A_686 = arith.index_cast %get3A_685 : i32 to index
        %get3A_687 = arith.index_cast %add3A_644 : i32 to index
        %get3A_688 = arith.constant 48 : index
        %get3A_689 = tpu.vector_load %arg12[%get3A_686, %get3A_687, %get3A_688] {strides = array<i32>} : memref<2x256x64xf32, #tpu.memory_space<vmem>>, vector<16xf32>,
        tpu.vector_store_idx %arg13[%broadcast_in_dim3A_657, %add3A_684], %get3A_689 masked %broadcast_in_dim3A_654 {add = true} : memref<320x80xf32, #tpu.memory_space<vmem>>[vector<16xi32>, vector<16xi32>], vector<16xf32>, vector<16xi1>
        %add3A_690 = arith.constant 64 : i32
        %add3A_691 = vector.broadcast %add3A_690 : i32 to vector<16xi32>
        %add3A_692 = arith.addi %iota3A, %add3A_691 : vector<16xi32>
        tpu.vector_store_idx %arg13[%broadcast_in_dim3A_657, %add3A_692], %select_n3A masked %broadcast_in_dim3A_654 {add = true} : memref<320x80xf32, #tpu.memory_space<vmem>>[vector<16xi32>, vector<16xi32>], vector<16xf32>, vector<16xi1>
        %mul3A_693 = arith.constant 16 : i32
        %mul3A_694 = arith.muli %add3A_574, %mul3A_693 : i32
        %add3A_695 = arith.constant 2 : i32
        %add3A_696 = arith.addi %mul3A_694, %add3A_695 : i32
        %add3A_697 = arith.addi %add3A_425, %add3A_696 : i32
        %ge3A_698 = arith.cmpi sge, %add3A_697, %squeeze3A : i32
        %lt3A_699 = arith.cmpi slt, %add3A_697, %squeeze3A_16 : i32
        %and3A_700 = arith.andi %ge3A_698, %lt3A_699 : i1
        %slice3A_701 = vector.extract_strided_slice %get3A_591 {offsets = [2], sizes = [1], strides = [1]} : vector<16xi32> to vector<1xi32>
        %squeeze3A_702 = vector.extract %slice3A_701[0] : i32 from vector<1xi32>
        %le3A_703 = arith.constant 160000 : i32
        %le3A_704 = arith.cmpi sle, %squeeze3A_702, %le3A_703 : i32
        %and3A_705 = arith.andi %and3A_700, %le3A_704 : i1
        %broadcast_in_dim3A_706 = vector.broadcast %and3A_705 : i1 to vector<16xi1>
        %slice3A_707 = vector.extract_strided_slice %min3A_585 {offsets = [2], sizes = [1], strides = [1]} : vector<16xi32> to vector<1xi32>
        %squeeze3A_708 = vector.extract %slice3A_707[0] : i32 from vector<1xi32>
        %broadcast_in_dim3A_709 = vector.broadcast %squeeze3A_708 : i32 to vector<16xi32>
        %add3A_710 = arith.constant 0 : i32
        %add3A_711 = vector.broadcast %add3A_710 : i32 to vector<16xi32>
        %add3A_712 = arith.addi %iota3A, %add3A_711 : vector<16xi32>
        %get3A_713 = arith.constant 0 : i32
        %get3A_714 = arith.index_cast %get3A_713 : i32 to index
        %get3A_715 = arith.index_cast %add3A_696 : i32 to index
        %get3A_716 = arith.constant 0 : index
        %get3A_717 = tpu.vector_load %arg12[%get3A_714, %get3A_715, %get3A_716] {strides = array<i32>} : memref<2x256x64xf32, #tpu.memory_space<vmem>>, vector<16xf32>,
        tpu.vector_store_idx %arg13[%broadcast_in_dim3A_709, %add3A_712], %get3A_717 masked %broadcast_in_dim3A_706 {add = true} : memref<320x80xf32, #tpu.memory_space<vmem>>[vector<16xi32>, vector<16xi32>], vector<16xf32>, vector<16xi1>
        %add3A_718 = arith.constant 16 : i32
        %add3A_719 = vector.broadcast %add3A_718 : i32 to vector<16xi32>
        %add3A_720 = arith.addi %iota3A, %add3A_719 : vector<16xi32>
        %get3A_721 = arith.constant 0 : i32
        %get3A_722 = arith.index_cast %get3A_721 : i32 to index
        %get3A_723 = arith.index_cast %add3A_696 : i32 to index
        %get3A_724 = arith.constant 16 : index
        %get3A_725 = tpu.vector_load %arg12[%get3A_722, %get3A_723, %get3A_724] {strides = array<i32>} : memref<2x256x64xf32, #tpu.memory_space<vmem>>, vector<16xf32>,
        tpu.vector_store_idx %arg13[%broadcast_in_dim3A_709, %add3A_720], %get3A_725 masked %broadcast_in_dim3A_706 {add = true} : memref<320x80xf32, #tpu.memory_space<vmem>>[vector<16xi32>, vector<16xi32>], vector<16xf32>, vector<16xi1>
        %add3A_726 = arith.constant 32 : i32
        %add3A_727 = vector.broadcast %add3A_726 : i32 to vector<16xi32>
        %add3A_728 = arith.addi %iota3A, %add3A_727 : vector<16xi32>
        %get3A_729 = arith.constant 0 : i32
        %get3A_730 = arith.index_cast %get3A_729 : i32 to index
        %get3A_731 = arith.index_cast %add3A_696 : i32 to index
        %get3A_732 = arith.constant 32 : index
        %get3A_733 = tpu.vector_load %arg12[%get3A_730, %get3A_731, %get3A_732] {strides = array<i32>} : memref<2x256x64xf32, #tpu.memory_space<vmem>>, vector<16xf32>,
        tpu.vector_store_idx %arg13[%broadcast_in_dim3A_709, %add3A_728], %get3A_733 masked %broadcast_in_dim3A_706 {add = true} : memref<320x80xf32, #tpu.memory_space<vmem>>[vector<16xi32>, vector<16xi32>], vector<16xf32>, vector<16xi1>
        %add3A_734 = arith.constant 48 : i32
        %add3A_735 = vector.broadcast %add3A_734 : i32 to vector<16xi32>
        %add3A_736 = arith.addi %iota3A, %add3A_735 : vector<16xi32>
        %get3A_737 = arith.constant 0 : i32
        %get3A_738 = arith.index_cast %get3A_737 : i32 to index
        %get3A_739 = arith.index_cast %add3A_696 : i32 to index
        %get3A_740 = arith.constant 48 : index
        %get3A_741 = tpu.vector_load %arg12[%get3A_738, %get3A_739, %get3A_740] {strides = array<i32>} : memref<2x256x64xf32, #tpu.memory_space<vmem>>, vector<16xf32>,
        tpu.vector_store_idx %arg13[%broadcast_in_dim3A_709, %add3A_736], %get3A_741 masked %broadcast_in_dim3A_706 {add = true} : memref<320x80xf32, #tpu.memory_space<vmem>>[vector<16xi32>, vector<16xi32>], vector<16xf32>, vector<16xi1>
        %add3A_742 = arith.constant 64 : i32
        %add3A_743 = vector.broadcast %add3A_742 : i32 to vector<16xi32>
        %add3A_744 = arith.addi %iota3A, %add3A_743 : vector<16xi32>
        tpu.vector_store_idx %arg13[%broadcast_in_dim3A_709, %add3A_744], %select_n3A masked %broadcast_in_dim3A_706 {add = true} : memref<320x80xf32, #tpu.memory_space<vmem>>[vector<16xi32>, vector<16xi32>], vector<16xf32>, vector<16xi1>
        %mul3A_745 = arith.constant 16 : i32
        %mul3A_746 = arith.muli %add3A_574, %mul3A_745 : i32
        %add3A_747 = arith.constant 3 : i32
        %add3A_748 = arith.addi %mul3A_746, %add3A_747 : i32
        %add3A_749 = arith.addi %add3A_425, %add3A_748 : i32
        %ge3A_750 = arith.cmpi sge, %add3A_749, %squeeze3A : i32
        %lt3A_751 = arith.cmpi slt, %add3A_749, %squeeze3A_16 : i32
        %and3A_752 = arith.andi %ge3A_750, %lt3A_751 : i1
        %slice3A_753 = vector.extract_strided_slice %get3A_591 {offsets = [3], sizes = [1], strides = [1]} : vector<16xi32> to vector<1xi32>
        %squeeze3A_754 = vector.extract %slice3A_753[0] : i32 from vector<1xi32>
        %le3A_755 = arith.constant 160000 : i32
        %le3A_756 = arith.cmpi sle, %squeeze3A_754, %le3A_755 : i32
        %and3A_757 = arith.andi %and3A_752, %le3A_756 : i1
        %broadcast_in_dim3A_758 = vector.broadcast %and3A_757 : i1 to vector<16xi1>
        %slice3A_759 = vector.extract_strided_slice %min3A_585 {offsets = [3], sizes = [1], strides = [1]} : vector<16xi32> to vector<1xi32>
        %squeeze3A_760 = vector.extract %slice3A_759[0] : i32 from vector<1xi32>
        %broadcast_in_dim3A_761 = vector.broadcast %squeeze3A_760 : i32 to vector<16xi32>
        %add3A_762 = arith.constant 0 : i32
        %add3A_763 = vector.broadcast %add3A_762 : i32 to vector<16xi32>
        %add3A_764 = arith.addi %iota3A, %add3A_763 : vector<16xi32>
        %get3A_765 = arith.constant 0 : i32
        %get3A_766 = arith.index_cast %get3A_765 : i32 to index
        %get3A_767 = arith.index_cast %add3A_748 : i32 to index
        %get3A_768 = arith.constant 0 : index
        %get3A_769 = tpu.vector_load %arg12[%get3A_766, %get3A_767, %get3A_768] {strides = array<i32>} : memref<2x256x64xf32, #tpu.memory_space<vmem>>, vector<16xf32>,
        tpu.vector_store_idx %arg13[%broadcast_in_dim3A_761, %add3A_764], %get3A_769 masked %broadcast_in_dim3A_758 {add = true} : memref<320x80xf32, #tpu.memory_space<vmem>>[vector<16xi32>, vector<16xi32>], vector<16xf32>, vector<16xi1>
        %add3A_770 = arith.constant 16 : i32
        %add3A_771 = vector.broadcast %add3A_770 : i32 to vector<16xi32>
        %add3A_772 = arith.addi %iota3A, %add3A_771 : vector<16xi32>
        %get3A_773 = arith.constant 0 : i32
        %get3A_774 = arith.index_cast %get3A_773 : i32 to index
        %get3A_775 = arith.index_cast %add3A_748 : i32 to index
        %get3A_776 = arith.constant 16 : index
        %get3A_777 = tpu.vector_load %arg12[%get3A_774, %get3A_775, %get3A_776] {strides = array<i32>} : memref<2x256x64xf32, #tpu.memory_space<vmem>>, vector<16xf32>,
        tpu.vector_store_idx %arg13[%broadcast_in_dim3A_761, %add3A_772], %get3A_777 masked %broadcast_in_dim3A_758 {add = true} : memref<320x80xf32, #tpu.memory_space<vmem>>[vector<16xi32>, vector<16xi32>], vector<16xf32>, vector<16xi1>
        %add3A_778 = arith.constant 32 : i32
        %add3A_779 = vector.broadcast %add3A_778 : i32 to vector<16xi32>
        %add3A_780 = arith.addi %iota3A, %add3A_779 : vector<16xi32>
        %get3A_781 = arith.constant 0 : i32
        %get3A_782 = arith.index_cast %get3A_781 : i32 to index
        %get3A_783 = arith.index_cast %add3A_748 : i32 to index
        %get3A_784 = arith.constant 32 : index
        %get3A_785 = tpu.vector_load %arg12[%get3A_782, %get3A_783, %get3A_784] {strides = array<i32>} : memref<2x256x64xf32, #tpu.memory_space<vmem>>, vector<16xf32>,
        tpu.vector_store_idx %arg13[%broadcast_in_dim3A_761, %add3A_780], %get3A_785 masked %broadcast_in_dim3A_758 {add = true} : memref<320x80xf32, #tpu.memory_space<vmem>>[vector<16xi32>, vector<16xi32>], vector<16xf32>, vector<16xi1>
        %add3A_786 = arith.constant 48 : i32
        %add3A_787 = vector.broadcast %add3A_786 : i32 to vector<16xi32>
        %add3A_788 = arith.addi %iota3A, %add3A_787 : vector<16xi32>
        %get3A_789 = arith.constant 0 : i32
        %get3A_790 = arith.index_cast %get3A_789 : i32 to index
        %get3A_791 = arith.index_cast %add3A_748 : i32 to index
        %get3A_792 = arith.constant 48 : index
        %get3A_793 = tpu.vector_load %arg12[%get3A_790, %get3A_791, %get3A_792] {strides = array<i32>} : memref<2x256x64xf32, #tpu.memory_space<vmem>>, vector<16xf32>,
        tpu.vector_store_idx %arg13[%broadcast_in_dim3A_761, %add3A_788], %get3A_793 masked %broadcast_in_dim3A_758 {add = true} : memref<320x80xf32, #tpu.memory_space<vmem>>[vector<16xi32>, vector<16xi32>], vector<16xf32>, vector<16xi1>
        %add3A_794 = arith.constant 64 : i32
        %add3A_795 = vector.broadcast %add3A_794 : i32 to vector<16xi32>
        %add3A_796 = arith.addi %iota3A, %add3A_795 : vector<16xi32>
        tpu.vector_store_idx %arg13[%broadcast_in_dim3A_761, %add3A_796], %select_n3A masked %broadcast_in_dim3A_758 {add = true} : memref<320x80xf32, #tpu.memory_space<vmem>>[vector<16xi32>, vector<16xi32>], vector<16xf32>, vector<16xi1>
        %mul3A_797 = arith.constant 16 : i32
        %mul3A_798 = arith.muli %add3A_574, %mul3A_797 : i32
        %add3A_799 = arith.constant 4 : i32
        %add3A_800 = arith.addi %mul3A_798, %add3A_799 : i32
        %add3A_801 = arith.addi %add3A_425, %add3A_800 : i32
        %ge3A_802 = arith.cmpi sge, %add3A_801, %squeeze3A : i32
        %lt3A_803 = arith.cmpi slt, %add3A_801, %squeeze3A_16 : i32
        %and3A_804 = arith.andi %ge3A_802, %lt3A_803 : i1
        %slice3A_805 = vector.extract_strided_slice %get3A_591 {offsets = [4], sizes = [1], strides = [1]} : vector<16xi32> to vector<1xi32>
        %squeeze3A_806 = vector.extract %slice3A_805[0] : i32 from vector<1xi32>
        %le3A_807 = arith.constant 160000 : i32
        %le3A_808 = arith.cmpi sle, %squeeze3A_806, %le3A_807 : i32
        %and3A_809 = arith.andi %and3A_804, %le3A_808 : i1
        %broadcast_in_dim3A_810 = vector.broadcast %and3A_809 : i1 to vector<16xi1>
        %slice3A_811 = vector.extract_strided_slice %min3A_585 {offsets = [4], sizes = [1], strides = [1]} : vector<16xi32> to vector<1xi32>
        %squeeze3A_812 = vector.extract %slice3A_811[0] : i32 from vector<1xi32>
        %broadcast_in_dim3A_813 = vector.broadcast %squeeze3A_812 : i32 to vector<16xi32>
        %add3A_814 = arith.constant 0 : i32
        %add3A_815 = vector.broadcast %add3A_814 : i32 to vector<16xi32>
        %add3A_816 = arith.addi %iota3A, %add3A_815 : vector<16xi32>
        %get3A_817 = arith.constant 0 : i32
        %get3A_818 = arith.index_cast %get3A_817 : i32 to index
        %get3A_819 = arith.index_cast %add3A_800 : i32 to index
        %get3A_820 = arith.constant 0 : index
        %get3A_821 = tpu.vector_load %arg12[%get3A_818, %get3A_819, %get3A_820] {strides = array<i32>} : memref<2x256x64xf32, #tpu.memory_space<vmem>>, vector<16xf32>,
        tpu.vector_store_idx %arg13[%broadcast_in_dim3A_813, %add3A_816], %get3A_821 masked %broadcast_in_dim3A_810 {add = true} : memref<320x80xf32, #tpu.memory_space<vmem>>[vector<16xi32>, vector<16xi32>], vector<16xf32>, vector<16xi1>
        %add3A_822 = arith.constant 16 : i32
        %add3A_823 = vector.broadcast %add3A_822 : i32 to vector<16xi32>
        %add3A_824 = arith.addi %iota3A, %add3A_823 : vector<16xi32>
        %get3A_825 = arith.constant 0 : i32
        %get3A_826 = arith.index_cast %get3A_825 : i32 to index
        %get3A_827 = arith.index_cast %add3A_800 : i32 to index
        %get3A_828 = arith.constant 16 : index
        %get3A_829 = tpu.vector_load %arg12[%get3A_826, %get3A_827, %get3A_828] {strides = array<i32>} : memref<2x256x64xf32, #tpu.memory_space<vmem>>, vector<16xf32>,
        tpu.vector_store_idx %arg13[%broadcast_in_dim3A_813, %add3A_824], %get3A_829 masked %broadcast_in_dim3A_810 {add = true} : memref<320x80xf32, #tpu.memory_space<vmem>>[vector<16xi32>, vector<16xi32>], vector<16xf32>, vector<16xi1>
        %add3A_830 = arith.constant 32 : i32
        %add3A_831 = vector.broadcast %add3A_830 : i32 to vector<16xi32>
        %add3A_832 = arith.addi %iota3A, %add3A_831 : vector<16xi32>
        %get3A_833 = arith.constant 0 : i32
        %get3A_834 = arith.index_cast %get3A_833 : i32 to index
        %get3A_835 = arith.index_cast %add3A_800 : i32 to index
        %get3A_836 = arith.constant 32 : index
        %get3A_837 = tpu.vector_load %arg12[%get3A_834, %get3A_835, %get3A_836] {strides = array<i32>} : memref<2x256x64xf32, #tpu.memory_space<vmem>>, vector<16xf32>,
        tpu.vector_store_idx %arg13[%broadcast_in_dim3A_813, %add3A_832], %get3A_837 masked %broadcast_in_dim3A_810 {add = true} : memref<320x80xf32, #tpu.memory_space<vmem>>[vector<16xi32>, vector<16xi32>], vector<16xf32>, vector<16xi1>
        %add3A_838 = arith.constant 48 : i32
        %add3A_839 = vector.broadcast %add3A_838 : i32 to vector<16xi32>
        %add3A_840 = arith.addi %iota3A, %add3A_839 : vector<16xi32>
        %get3A_841 = arith.constant 0 : i32
        %get3A_842 = arith.index_cast %get3A_841 : i32 to index
        %get3A_843 = arith.index_cast %add3A_800 : i32 to index
        %get3A_844 = arith.constant 48 : index
        %get3A_845 = tpu.vector_load %arg12[%get3A_842, %get3A_843, %get3A_844] {strides = array<i32>} : memref<2x256x64xf32, #tpu.memory_space<vmem>>, vector<16xf32>,
        tpu.vector_store_idx %arg13[%broadcast_in_dim3A_813, %add3A_840], %get3A_845 masked %broadcast_in_dim3A_810 {add = true} : memref<320x80xf32, #tpu.memory_space<vmem>>[vector<16xi32>, vector<16xi32>], vector<16xf32>, vector<16xi1>
        %add3A_846 = arith.constant 64 : i32
        %add3A_847 = vector.broadcast %add3A_846 : i32 to vector<16xi32>
        %add3A_848 = arith.addi %iota3A, %add3A_847 : vector<16xi32>
        tpu.vector_store_idx %arg13[%broadcast_in_dim3A_813, %add3A_848], %select_n3A masked %broadcast_in_dim3A_810 {add = true} : memref<320x80xf32, #tpu.memory_space<vmem>>[vector<16xi32>, vector<16xi32>], vector<16xf32>, vector<16xi1>
        %mul3A_849 = arith.constant 16 : i32
        %mul3A_850 = arith.muli %add3A_574, %mul3A_849 : i32
        %add3A_851 = arith.constant 5 : i32
        %add3A_852 = arith.addi %mul3A_850, %add3A_851 : i32
        %add3A_853 = arith.addi %add3A_425, %add3A_852 : i32
        %ge3A_854 = arith.cmpi sge, %add3A_853, %squeeze3A : i32
        %lt3A_855 = arith.cmpi slt, %add3A_853, %squeeze3A_16 : i32
        %and3A_856 = arith.andi %ge3A_854, %lt3A_855 : i1
        %slice3A_857 = vector.extract_strided_slice %get3A_591 {offsets = [5], sizes = [1], strides = [1]} : vector<16xi32> to vector<1xi32>
        %squeeze3A_858 = vector.extract %slice3A_857[0] : i32 from vector<1xi32>
        %le3A_859 = arith.constant 160000 : i32
        %le3A_860 = arith.cmpi sle, %squeeze3A_858, %le3A_859 : i32
        %and3A_861 = arith.andi %and3A_856, %le3A_860 : i1
        %broadcast_in_dim3A_862 = vector.broadcast %and3A_861 : i1 to vector<16xi1>
        %slice3A_863 = vector.extract_strided_slice %min3A_585 {offsets = [5], sizes = [1], strides = [1]} : vector<16xi32> to vector<1xi32>
        %squeeze3A_864 = vector.extract %slice3A_863[0] : i32 from vector<1xi32>
        %broadcast_in_dim3A_865 = vector.broadcast %squeeze3A_864 : i32 to vector<16xi32>
        %add3A_866 = arith.constant 0 : i32
        %add3A_867 = vector.broadcast %add3A_866 : i32 to vector<16xi32>
        %add3A_868 = arith.addi %iota3A, %add3A_867 : vector<16xi32>
        %get3A_869 = arith.constant 0 : i32
        %get3A_870 = arith.index_cast %get3A_869 : i32 to index
        %get3A_871 = arith.index_cast %add3A_852 : i32 to index
        %get3A_872 = arith.constant 0 : index
        %get3A_873 = tpu.vector_load %arg12[%get3A_870, %get3A_871, %get3A_872] {strides = array<i32>} : memref<2x256x64xf32, #tpu.memory_space<vmem>>, vector<16xf32>,
        tpu.vector_store_idx %arg13[%broadcast_in_dim3A_865, %add3A_868], %get3A_873 masked %broadcast_in_dim3A_862 {add = true} : memref<320x80xf32, #tpu.memory_space<vmem>>[vector<16xi32>, vector<16xi32>], vector<16xf32>, vector<16xi1>
        %add3A_874 = arith.constant 16 : i32
        %add3A_875 = vector.broadcast %add3A_874 : i32 to vector<16xi32>
        %add3A_876 = arith.addi %iota3A, %add3A_875 : vector<16xi32>
        %get3A_877 = arith.constant 0 : i32
        %get3A_878 = arith.index_cast %get3A_877 : i32 to index
        %get3A_879 = arith.index_cast %add3A_852 : i32 to index
        %get3A_880 = arith.constant 16 : index
        %get3A_881 = tpu.vector_load %arg12[%get3A_878, %get3A_879, %get3A_880] {strides = array<i32>} : memref<2x256x64xf32, #tpu.memory_space<vmem>>, vector<16xf32>,
        tpu.vector_store_idx %arg13[%broadcast_in_dim3A_865, %add3A_876], %get3A_881 masked %broadcast_in_dim3A_862 {add = true} : memref<320x80xf32, #tpu.memory_space<vmem>>[vector<16xi32>, vector<16xi32>], vector<16xf32>, vector<16xi1>
        %add3A_882 = arith.constant 32 : i32
        %add3A_883 = vector.broadcast %add3A_882 : i32 to vector<16xi32>
        %add3A_884 = arith.addi %iota3A, %add3A_883 : vector<16xi32>
        %get3A_885 = arith.constant 0 : i32
        %get3A_886 = arith.index_cast %get3A_885 : i32 to index
        %get3A_887 = arith.index_cast %add3A_852 : i32 to index
        %get3A_888 = arith.constant 32 : index
        %get3A_889 = tpu.vector_load %arg12[%get3A_886, %get3A_887, %get3A_888] {strides = array<i32>} : memref<2x256x64xf32, #tpu.memory_space<vmem>>, vector<16xf32>,
        tpu.vector_store_idx %arg13[%broadcast_in_dim3A_865, %add3A_884], %get3A_889 masked %broadcast_in_dim3A_862 {add = true} : memref<320x80xf32, #tpu.memory_space<vmem>>[vector<16xi32>, vector<16xi32>], vector<16xf32>, vector<16xi1>
        %add3A_890 = arith.constant 48 : i32
        %add3A_891 = vector.broadcast %add3A_890 : i32 to vector<16xi32>
        %add3A_892 = arith.addi %iota3A, %add3A_891 : vector<16xi32>
        %get3A_893 = arith.constant 0 : i32
        %get3A_894 = arith.index_cast %get3A_893 : i32 to index
        %get3A_895 = arith.index_cast %add3A_852 : i32 to index
        %get3A_896 = arith.constant 48 : index
        %get3A_897 = tpu.vector_load %arg12[%get3A_894, %get3A_895, %get3A_896] {strides = array<i32>} : memref<2x256x64xf32, #tpu.memory_space<vmem>>, vector<16xf32>,
        tpu.vector_store_idx %arg13[%broadcast_in_dim3A_865, %add3A_892], %get3A_897 masked %broadcast_in_dim3A_862 {add = true} : memref<320x80xf32, #tpu.memory_space<vmem>>[vector<16xi32>, vector<16xi32>], vector<16xf32>, vector<16xi1>
        %add3A_898 = arith.constant 64 : i32
        %add3A_899 = vector.broadcast %add3A_898 : i32 to vector<16xi32>
        %add3A_900 = arith.addi %iota3A, %add3A_899 : vector<16xi32>
        tpu.vector_store_idx %arg13[%broadcast_in_dim3A_865, %add3A_900], %select_n3A masked %broadcast_in_dim3A_862 {add = true} : memref<320x80xf32, #tpu.memory_space<vmem>>[vector<16xi32>, vector<16xi32>], vector<16xf32>, vector<16xi1>
        %mul3A_901 = arith.constant 16 : i32
        %mul3A_902 = arith.muli %add3A_574, %mul3A_901 : i32
        %add3A_903 = arith.constant 6 : i32
        %add3A_904 = arith.addi %mul3A_902, %add3A_903 : i32
        %add3A_905 = arith.addi %add3A_425, %add3A_904 : i32
        %ge3A_906 = arith.cmpi sge, %add3A_905, %squeeze3A : i32
        %lt3A_907 = arith.cmpi slt, %add3A_905, %squeeze3A_16 : i32
        %and3A_908 = arith.andi %ge3A_906, %lt3A_907 : i1
        %slice3A_909 = vector.extract_strided_slice %get3A_591 {offsets = [6], sizes = [1], strides = [1]} : vector<16xi32> to vector<1xi32>
        %squeeze3A_910 = vector.extract %slice3A_909[0] : i32 from vector<1xi32>
        %le3A_911 = arith.constant 160000 : i32
        %le3A_912 = arith.cmpi sle, %squeeze3A_910, %le3A_911 : i32
        %and3A_913 = arith.andi %and3A_908, %le3A_912 : i1
        %broadcast_in_dim3A_914 = vector.broadcast %and3A_913 : i1 to vector<16xi1>
        %slice3A_915 = vector.extract_strided_slice %min3A_585 {offsets = [6], sizes = [1], strides = [1]} : vector<16xi32> to vector<1xi32>
        %squeeze3A_916 = vector.extract %slice3A_915[0] : i32 from vector<1xi32>
        %broadcast_in_dim3A_917 = vector.broadcast %squeeze3A_916 : i32 to vector<16xi32>
        %add3A_918 = arith.constant 0 : i32
        %add3A_919 = vector.broadcast %add3A_918 : i32 to vector<16xi32>
        %add3A_920 = arith.addi %iota3A, %add3A_919 : vector<16xi32>
        %get3A_921 = arith.constant 0 : i32
        %get3A_922 = arith.index_cast %get3A_921 : i32 to index
        %get3A_923 = arith.index_cast %add3A_904 : i32 to index
        %get3A_924 = arith.constant 0 : index
        %get3A_925 = tpu.vector_load %arg12[%get3A_922, %get3A_923, %get3A_924] {strides = array<i32>} : memref<2x256x64xf32, #tpu.memory_space<vmem>>, vector<16xf32>,
        tpu.vector_store_idx %arg13[%broadcast_in_dim3A_917, %add3A_920], %get3A_925 masked %broadcast_in_dim3A_914 {add = true} : memref<320x80xf32, #tpu.memory_space<vmem>>[vector<16xi32>, vector<16xi32>], vector<16xf32>, vector<16xi1>
        %add3A_926 = arith.constant 16 : i32
        %add3A_927 = vector.broadcast %add3A_926 : i32 to vector<16xi32>
        %add3A_928 = arith.addi %iota3A, %add3A_927 : vector<16xi32>
        %get3A_929 = arith.constant 0 : i32
        %get3A_930 = arith.index_cast %get3A_929 : i32 to index
        %get3A_931 = arith.index_cast %add3A_904 : i32 to index
        %get3A_932 = arith.constant 16 : index
        %get3A_933 = tpu.vector_load %arg12[%get3A_930, %get3A_931, %get3A_932] {strides = array<i32>} : memref<2x256x64xf32, #tpu.memory_space<vmem>>, vector<16xf32>,
        tpu.vector_store_idx %arg13[%broadcast_in_dim3A_917, %add3A_928], %get3A_933 masked %broadcast_in_dim3A_914 {add = true} : memref<320x80xf32, #tpu.memory_space<vmem>>[vector<16xi32>, vector<16xi32>], vector<16xf32>, vector<16xi1>
        %add3A_934 = arith.constant 32 : i32
        %add3A_935 = vector.broadcast %add3A_934 : i32 to vector<16xi32>
        %add3A_936 = arith.addi %iota3A, %add3A_935 : vector<16xi32>
        %get3A_937 = arith.constant 0 : i32
        %get3A_938 = arith.index_cast %get3A_937 : i32 to index
        %get3A_939 = arith.index_cast %add3A_904 : i32 to index
        %get3A_940 = arith.constant 32 : index
        %get3A_941 = tpu.vector_load %arg12[%get3A_938, %get3A_939, %get3A_940] {strides = array<i32>} : memref<2x256x64xf32, #tpu.memory_space<vmem>>, vector<16xf32>,
        tpu.vector_store_idx %arg13[%broadcast_in_dim3A_917, %add3A_936], %get3A_941 masked %broadcast_in_dim3A_914 {add = true} : memref<320x80xf32, #tpu.memory_space<vmem>>[vector<16xi32>, vector<16xi32>], vector<16xf32>, vector<16xi1>
        %add3A_942 = arith.constant 48 : i32
        %add3A_943 = vector.broadcast %add3A_942 : i32 to vector<16xi32>
        %add3A_944 = arith.addi %iota3A, %add3A_943 : vector<16xi32>
        %get3A_945 = arith.constant 0 : i32
        %get3A_946 = arith.index_cast %get3A_945 : i32 to index
        %get3A_947 = arith.index_cast %add3A_904 : i32 to index
        %get3A_948 = arith.constant 48 : index
        %get3A_949 = tpu.vector_load %arg12[%get3A_946, %get3A_947, %get3A_948] {strides = array<i32>} : memref<2x256x64xf32, #tpu.memory_space<vmem>>, vector<16xf32>,
        tpu.vector_store_idx %arg13[%broadcast_in_dim3A_917, %add3A_944], %get3A_949 masked %broadcast_in_dim3A_914 {add = true} : memref<320x80xf32, #tpu.memory_space<vmem>>[vector<16xi32>, vector<16xi32>], vector<16xf32>, vector<16xi1>
        %add3A_950 = arith.constant 64 : i32
        %add3A_951 = vector.broadcast %add3A_950 : i32 to vector<16xi32>
        %add3A_952 = arith.addi %iota3A, %add3A_951 : vector<16xi32>
        tpu.vector_store_idx %arg13[%broadcast_in_dim3A_917, %add3A_952], %select_n3A masked %broadcast_in_dim3A_914 {add = true} : memref<320x80xf32, #tpu.memory_space<vmem>>[vector<16xi32>, vector<16xi32>], vector<16xf32>, vector<16xi1>
        %mul3A_953 = arith.constant 16 : i32
        %mul3A_954 = arith.muli %add3A_574, %mul3A_953 : i32
        %add3A_955 = arith.constant 7 : i32
        %add3A_956 = arith.addi %mul3A_954, %add3A_955 : i32
        %add3A_957 = arith.addi %add3A_425, %add3A_956 : i32
        %ge3A_958 = arith.cmpi sge, %add3A_957, %squeeze3A : i32
        %lt3A_959 = arith.cmpi slt, %add3A_957, %squeeze3A_16 : i32
        %and3A_960 = arith.andi %ge3A_958, %lt3A_959 : i1
        %slice3A_961 = vector.extract_strided_slice %get3A_591 {offsets = [7], sizes = [1], strides = [1]} : vector<16xi32> to vector<1xi32>
        %squeeze3A_962 = vector.extract %slice3A_961[0] : i32 from vector<1xi32>
        %le3A_963 = arith.constant 160000 : i32
        %le3A_964 = arith.cmpi sle, %squeeze3A_962, %le3A_963 : i32
        %and3A_965 = arith.andi %and3A_960, %le3A_964 : i1
        %broadcast_in_dim3A_966 = vector.broadcast %and3A_965 : i1 to vector<16xi1>
        %slice3A_967 = vector.extract_strided_slice %min3A_585 {offsets = [7], sizes = [1], strides = [1]} : vector<16xi32> to vector<1xi32>
        %squeeze3A_968 = vector.extract %slice3A_967[0] : i32 from vector<1xi32>
        %broadcast_in_dim3A_969 = vector.broadcast %squeeze3A_968 : i32 to vector<16xi32>
        %add3A_970 = arith.constant 0 : i32
        %add3A_971 = vector.broadcast %add3A_970 : i32 to vector<16xi32>
        %add3A_972 = arith.addi %iota3A, %add3A_971 : vector<16xi32>
        %get3A_973 = arith.constant 0 : i32
        %get3A_974 = arith.index_cast %get3A_973 : i32 to index
        %get3A_975 = arith.index_cast %add3A_956 : i32 to index
        %get3A_976 = arith.constant 0 : index
        %get3A_977 = tpu.vector_load %arg12[%get3A_974, %get3A_975, %get3A_976] {strides = array<i32>} : memref<2x256x64xf32, #tpu.memory_space<vmem>>, vector<16xf32>,
        tpu.vector_store_idx %arg13[%broadcast_in_dim3A_969, %add3A_972], %get3A_977 masked %broadcast_in_dim3A_966 {add = true} : memref<320x80xf32, #tpu.memory_space<vmem>>[vector<16xi32>, vector<16xi32>], vector<16xf32>, vector<16xi1>
        %add3A_978 = arith.constant 16 : i32
        %add3A_979 = vector.broadcast %add3A_978 : i32 to vector<16xi32>
        %add3A_980 = arith.addi %iota3A, %add3A_979 : vector<16xi32>
        %get3A_981 = arith.constant 0 : i32
        %get3A_982 = arith.index_cast %get3A_981 : i32 to index
        %get3A_983 = arith.index_cast %add3A_956 : i32 to index
        %get3A_984 = arith.constant 16 : index
        %get3A_985 = tpu.vector_load %arg12[%get3A_982, %get3A_983, %get3A_984] {strides = array<i32>} : memref<2x256x64xf32, #tpu.memory_space<vmem>>, vector<16xf32>,
        tpu.vector_store_idx %arg13[%broadcast_in_dim3A_969, %add3A_980], %get3A_985 masked %broadcast_in_dim3A_966 {add = true} : memref<320x80xf32, #tpu.memory_space<vmem>>[vector<16xi32>, vector<16xi32>], vector<16xf32>, vector<16xi1>
        %add3A_986 = arith.constant 32 : i32
        %add3A_987 = vector.broadcast %add3A_986 : i32 to vector<16xi32>
        %add3A_988 = arith.addi %iota3A, %add3A_987 : vector<16xi32>
        %get3A_989 = arith.constant 0 : i32
        %get3A_990 = arith.index_cast %get3A_989 : i32 to index
        %get3A_991 = arith.index_cast %add3A_956 : i32 to index
        %get3A_992 = arith.constant 32 : index
        %get3A_993 = tpu.vector_load %arg12[%get3A_990, %get3A_991, %get3A_992] {strides = array<i32>} : memref<2x256x64xf32, #tpu.memory_space<vmem>>, vector<16xf32>,
        tpu.vector_store_idx %arg13[%broadcast_in_dim3A_969, %add3A_988], %get3A_993 masked %broadcast_in_dim3A_966 {add = true} : memref<320x80xf32, #tpu.memory_space<vmem>>[vector<16xi32>, vector<16xi32>], vector<16xf32>, vector<16xi1>
        %add3A_994 = arith.constant 48 : i32
        %add3A_995 = vector.broadcast %add3A_994 : i32 to vector<16xi32>
        %add3A_996 = arith.addi %iota3A, %add3A_995 : vector<16xi32>
        %get3A_997 = arith.constant 0 : i32
        %get3A_998 = arith.index_cast %get3A_997 : i32 to index
        %get3A_999 = arith.index_cast %add3A_956 : i32 to index
        %get3A_1000 = arith.constant 48 : index
        %get3A_1001 = tpu.vector_load %arg12[%get3A_998, %get3A_999, %get3A_1000] {strides = array<i32>} : memref<2x256x64xf32, #tpu.memory_space<vmem>>, vector<16xf32>,
        tpu.vector_store_idx %arg13[%broadcast_in_dim3A_969, %add3A_996], %get3A_1001 masked %broadcast_in_dim3A_966 {add = true} : memref<320x80xf32, #tpu.memory_space<vmem>>[vector<16xi32>, vector<16xi32>], vector<16xf32>, vector<16xi1>
        %add3A_1002 = arith.constant 64 : i32
        %add3A_1003 = vector.broadcast %add3A_1002 : i32 to vector<16xi32>
        %add3A_1004 = arith.addi %iota3A, %add3A_1003 : vector<16xi32>
        tpu.vector_store_idx %arg13[%broadcast_in_dim3A_969, %add3A_1004], %select_n3A masked %broadcast_in_dim3A_966 {add = true} : memref<320x80xf32, #tpu.memory_space<vmem>>[vector<16xi32>, vector<16xi32>], vector<16xf32>, vector<16xi1>
        %mul3A_1005 = arith.constant 16 : i32
        %mul3A_1006 = arith.muli %add3A_574, %mul3A_1005 : i32
        %add3A_1007 = arith.constant 8 : i32
        %add3A_1008 = arith.addi %mul3A_1006, %add3A_1007 : i32
        %add3A_1009 = arith.addi %add3A_425, %add3A_1008 : i32
        %ge3A_1010 = arith.cmpi sge, %add3A_1009, %squeeze3A : i32
        %lt3A_1011 = arith.cmpi slt, %add3A_1009, %squeeze3A_16 : i32
        %and3A_1012 = arith.andi %ge3A_1010, %lt3A_1011 : i1
        %slice3A_1013 = vector.extract_strided_slice %get3A_591 {offsets = [8], sizes = [1], strides = [1]} : vector<16xi32> to vector<1xi32>
        %squeeze3A_1014 = vector.extract %slice3A_1013[0] : i32 from vector<1xi32>
        %le3A_1015 = arith.constant 160000 : i32
        %le3A_1016 = arith.cmpi sle, %squeeze3A_1014, %le3A_1015 : i32
        %and3A_1017 = arith.andi %and3A_1012, %le3A_1016 : i1
        %broadcast_in_dim3A_1018 = vector.broadcast %and3A_1017 : i1 to vector<16xi1>
        %slice3A_1019 = vector.extract_strided_slice %min3A_585 {offsets = [8], sizes = [1], strides = [1]} : vector<16xi32> to vector<1xi32>
        %squeeze3A_1020 = vector.extract %slice3A_1019[0] : i32 from vector<1xi32>
        %broadcast_in_dim3A_1021 = vector.broadcast %squeeze3A_1020 : i32 to vector<16xi32>
        %add3A_1022 = arith.constant 0 : i32
        %add3A_1023 = vector.broadcast %add3A_1022 : i32 to vector<16xi32>
        %add3A_1024 = arith.addi %iota3A, %add3A_1023 : vector<16xi32>
        %get3A_1025 = arith.constant 0 : i32
        %get3A_1026 = arith.index_cast %get3A_1025 : i32 to index
        %get3A_1027 = arith.index_cast %add3A_1008 : i32 to index
        %get3A_1028 = arith.constant 0 : index
        %get3A_1029 = tpu.vector_load %arg12[%get3A_1026, %get3A_1027, %get3A_1028] {strides = array<i32>} : memref<2x256x64xf32, #tpu.memory_space<vmem>>, vector<16xf32>,
        tpu.vector_store_idx %arg13[%broadcast_in_dim3A_1021, %add3A_1024], %get3A_1029 masked %broadcast_in_dim3A_1018 {add = true} : memref<320x80xf32, #tpu.memory_space<vmem>>[vector<16xi32>, vector<16xi32>], vector<16xf32>, vector<16xi1>
        %add3A_1030 = arith.constant 16 : i32
        %add3A_1031 = vector.broadcast %add3A_1030 : i32 to vector<16xi32>
        %add3A_1032 = arith.addi %iota3A, %add3A_1031 : vector<16xi32>
        %get3A_1033 = arith.constant 0 : i32
        %get3A_1034 = arith.index_cast %get3A_1033 : i32 to index
        %get3A_1035 = arith.index_cast %add3A_1008 : i32 to index
        %get3A_1036 = arith.constant 16 : index
        %get3A_1037 = tpu.vector_load %arg12[%get3A_1034, %get3A_1035, %get3A_1036] {strides = array<i32>} : memref<2x256x64xf32, #tpu.memory_space<vmem>>, vector<16xf32>,
        tpu.vector_store_idx %arg13[%broadcast_in_dim3A_1021, %add3A_1032], %get3A_1037 masked %broadcast_in_dim3A_1018 {add = true} : memref<320x80xf32, #tpu.memory_space<vmem>>[vector<16xi32>, vector<16xi32>], vector<16xf32>, vector<16xi1>
        %add3A_1038 = arith.constant 32 : i32
        %add3A_1039 = vector.broadcast %add3A_1038 : i32 to vector<16xi32>
        %add3A_1040 = arith.addi %iota3A, %add3A_1039 : vector<16xi32>
        %get3A_1041 = arith.constant 0 : i32
        %get3A_1042 = arith.index_cast %get3A_1041 : i32 to index
        %get3A_1043 = arith.index_cast %add3A_1008 : i32 to index
        %get3A_1044 = arith.constant 32 : index
        %get3A_1045 = tpu.vector_load %arg12[%get3A_1042, %get3A_1043, %get3A_1044] {strides = array<i32>} : memref<2x256x64xf32, #tpu.memory_space<vmem>>, vector<16xf32>,
        tpu.vector_store_idx %arg13[%broadcast_in_dim3A_1021, %add3A_1040], %get3A_1045 masked %broadcast_in_dim3A_1018 {add = true} : memref<320x80xf32, #tpu.memory_space<vmem>>[vector<16xi32>, vector<16xi32>], vector<16xf32>, vector<16xi1>
        %add3A_1046 = arith.constant 48 : i32
        %add3A_1047 = vector.broadcast %add3A_1046 : i32 to vector<16xi32>
        %add3A_1048 = arith.addi %iota3A, %add3A_1047 : vector<16xi32>
        %get3A_1049 = arith.constant 0 : i32
        %get3A_1050 = arith.index_cast %get3A_1049 : i32 to index
        %get3A_1051 = arith.index_cast %add3A_1008 : i32 to index
        %get3A_1052 = arith.constant 48 : index
        %get3A_1053 = tpu.vector_load %arg12[%get3A_1050, %get3A_1051, %get3A_1052] {strides = array<i32>} : memref<2x256x64xf32, #tpu.memory_space<vmem>>, vector<16xf32>,
        tpu.vector_store_idx %arg13[%broadcast_in_dim3A_1021, %add3A_1048], %get3A_1053 masked %broadcast_in_dim3A_1018 {add = true} : memref<320x80xf32, #tpu.memory_space<vmem>>[vector<16xi32>, vector<16xi32>], vector<16xf32>, vector<16xi1>
        %add3A_1054 = arith.constant 64 : i32
        %add3A_1055 = vector.broadcast %add3A_1054 : i32 to vector<16xi32>
        %add3A_1056 = arith.addi %iota3A, %add3A_1055 : vector<16xi32>
        tpu.vector_store_idx %arg13[%broadcast_in_dim3A_1021, %add3A_1056], %select_n3A masked %broadcast_in_dim3A_1018 {add = true} : memref<320x80xf32, #tpu.memory_space<vmem>>[vector<16xi32>, vector<16xi32>], vector<16xf32>, vector<16xi1>
        %mul3A_1057 = arith.constant 16 : i32
        %mul3A_1058 = arith.muli %add3A_574, %mul3A_1057 : i32
        %add3A_1059 = arith.constant 9 : i32
        %add3A_1060 = arith.addi %mul3A_1058, %add3A_1059 : i32
        %add3A_1061 = arith.addi %add3A_425, %add3A_1060 : i32
        %ge3A_1062 = arith.cmpi sge, %add3A_1061, %squeeze3A : i32
        %lt3A_1063 = arith.cmpi slt, %add3A_1061, %squeeze3A_16 : i32
        %and3A_1064 = arith.andi %ge3A_1062, %lt3A_1063 : i1
        %slice3A_1065 = vector.extract_strided_slice %get3A_591 {offsets = [9], sizes = [1], strides = [1]} : vector<16xi32> to vector<1xi32>
        %squeeze3A_1066 = vector.extract %slice3A_1065[0] : i32 from vector<1xi32>
        %le3A_1067 = arith.constant 160000 : i32
        %le3A_1068 = arith.cmpi sle, %squeeze3A_1066, %le3A_1067 : i32
        %and3A_1069 = arith.andi %and3A_1064, %le3A_1068 : i1
        %broadcast_in_dim3A_1070 = vector.broadcast %and3A_1069 : i1 to vector<16xi1>
        %slice3A_1071 = vector.extract_strided_slice %min3A_585 {offsets = [9], sizes = [1], strides = [1]} : vector<16xi32> to vector<1xi32>
        %squeeze3A_1072 = vector.extract %slice3A_1071[0] : i32 from vector<1xi32>
        %broadcast_in_dim3A_1073 = vector.broadcast %squeeze3A_1072 : i32 to vector<16xi32>
        %add3A_1074 = arith.constant 0 : i32
        %add3A_1075 = vector.broadcast %add3A_1074 : i32 to vector<16xi32>
        %add3A_1076 = arith.addi %iota3A, %add3A_1075 : vector<16xi32>
        %get3A_1077 = arith.constant 0 : i32
        %get3A_1078 = arith.index_cast %get3A_1077 : i32 to index
        %get3A_1079 = arith.index_cast %add3A_1060 : i32 to index
        %get3A_1080 = arith.constant 0 : index
        %get3A_1081 = tpu.vector_load %arg12[%get3A_1078, %get3A_1079, %get3A_1080] {strides = array<i32>} : memref<2x256x64xf32, #tpu.memory_space<vmem>>, vector<16xf32>,
        tpu.vector_store_idx %arg13[%broadcast_in_dim3A_1073, %add3A_1076], %get3A_1081 masked %broadcast_in_dim3A_1070 {add = true} : memref<320x80xf32, #tpu.memory_space<vmem>>[vector<16xi32>, vector<16xi32>], vector<16xf32>, vector<16xi1>
        %add3A_1082 = arith.constant 16 : i32
        %add3A_1083 = vector.broadcast %add3A_1082 : i32 to vector<16xi32>
        %add3A_1084 = arith.addi %iota3A, %add3A_1083 : vector<16xi32>
        %get3A_1085 = arith.constant 0 : i32
        %get3A_1086 = arith.index_cast %get3A_1085 : i32 to index
        %get3A_1087 = arith.index_cast %add3A_1060 : i32 to index
        %get3A_1088 = arith.constant 16 : index
        %get3A_1089 = tpu.vector_load %arg12[%get3A_1086, %get3A_1087, %get3A_1088] {strides = array<i32>} : memref<2x256x64xf32, #tpu.memory_space<vmem>>, vector<16xf32>,
        tpu.vector_store_idx %arg13[%broadcast_in_dim3A_1073, %add3A_1084], %get3A_1089 masked %broadcast_in_dim3A_1070 {add = true} : memref<320x80xf32, #tpu.memory_space<vmem>>[vector<16xi32>, vector<16xi32>], vector<16xf32>, vector<16xi1>
        %add3A_1090 = arith.constant 32 : i32
        %add3A_1091 = vector.broadcast %add3A_1090 : i32 to vector<16xi32>
        %add3A_1092 = arith.addi %iota3A, %add3A_1091 : vector<16xi32>
        %get3A_1093 = arith.constant 0 : i32
        %get3A_1094 = arith.index_cast %get3A_1093 : i32 to index
        %get3A_1095 = arith.index_cast %add3A_1060 : i32 to index
        %get3A_1096 = arith.constant 32 : index
        %get3A_1097 = tpu.vector_load %arg12[%get3A_1094, %get3A_1095, %get3A_1096] {strides = array<i32>} : memref<2x256x64xf32, #tpu.memory_space<vmem>>, vector<16xf32>,
        tpu.vector_store_idx %arg13[%broadcast_in_dim3A_1073, %add3A_1092], %get3A_1097 masked %broadcast_in_dim3A_1070 {add = true} : memref<320x80xf32, #tpu.memory_space<vmem>>[vector<16xi32>, vector<16xi32>], vector<16xf32>, vector<16xi1>
        %add3A_1098 = arith.constant 48 : i32
        %add3A_1099 = vector.broadcast %add3A_1098 : i32 to vector<16xi32>
        %add3A_1100 = arith.addi %iota3A, %add3A_1099 : vector<16xi32>
        %get3A_1101 = arith.constant 0 : i32
        %get3A_1102 = arith.index_cast %get3A_1101 : i32 to index
        %get3A_1103 = arith.index_cast %add3A_1060 : i32 to index
        %get3A_1104 = arith.constant 48 : index
        %get3A_1105 = tpu.vector_load %arg12[%get3A_1102, %get3A_1103, %get3A_1104] {strides = array<i32>} : memref<2x256x64xf32, #tpu.memory_space<vmem>>, vector<16xf32>,
        tpu.vector_store_idx %arg13[%broadcast_in_dim3A_1073, %add3A_1100], %get3A_1105 masked %broadcast_in_dim3A_1070 {add = true} : memref<320x80xf32, #tpu.memory_space<vmem>>[vector<16xi32>, vector<16xi32>], vector<16xf32>, vector<16xi1>
        %add3A_1106 = arith.constant 64 : i32
        %add3A_1107 = vector.broadcast %add3A_1106 : i32 to vector<16xi32>
        %add3A_1108 = arith.addi %iota3A, %add3A_1107 : vector<16xi32>
        tpu.vector_store_idx %arg13[%broadcast_in_dim3A_1073, %add3A_1108], %select_n3A masked %broadcast_in_dim3A_1070 {add = true} : memref<320x80xf32, #tpu.memory_space<vmem>>[vector<16xi32>, vector<16xi32>], vector<16xf32>, vector<16xi1>
        %mul3A_1109 = arith.constant 16 : i32
        %mul3A_1110 = arith.muli %add3A_574, %mul3A_1109 : i32
        %add3A_1111 = arith.constant 10 : i32
        %add3A_1112 = arith.addi %mul3A_1110, %add3A_1111 : i32
        %add3A_1113 = arith.addi %add3A_425, %add3A_1112 : i32
        %ge3A_1114 = arith.cmpi sge, %add3A_1113, %squeeze3A : i32
        %lt3A_1115 = arith.cmpi slt, %add3A_1113, %squeeze3A_16 : i32
        %and3A_1116 = arith.andi %ge3A_1114, %lt3A_1115 : i1
        %slice3A_1117 = vector.extract_strided_slice %get3A_591 {offsets = [10], sizes = [1], strides = [1]} : vector<16xi32> to vector<1xi32>
        %squeeze3A_1118 = vector.extract %slice3A_1117[0] : i32 from vector<1xi32>
        %le3A_1119 = arith.constant 160000 : i32
        %le3A_1120 = arith.cmpi sle, %squeeze3A_1118, %le3A_1119 : i32
        %and3A_1121 = arith.andi %and3A_1116, %le3A_1120 : i1
        %broadcast_in_dim3A_1122 = vector.broadcast %and3A_1121 : i1 to vector<16xi1>
        %slice3A_1123 = vector.extract_strided_slice %min3A_585 {offsets = [10], sizes = [1], strides = [1]} : vector<16xi32> to vector<1xi32>
        %squeeze3A_1124 = vector.extract %slice3A_1123[0] : i32 from vector<1xi32>
        %broadcast_in_dim3A_1125 = vector.broadcast %squeeze3A_1124 : i32 to vector<16xi32>
        %add3A_1126 = arith.constant 0 : i32
        %add3A_1127 = vector.broadcast %add3A_1126 : i32 to vector<16xi32>
        %add3A_1128 = arith.addi %iota3A, %add3A_1127 : vector<16xi32>
        %get3A_1129 = arith.constant 0 : i32
        %get3A_1130 = arith.index_cast %get3A_1129 : i32 to index
        %get3A_1131 = arith.index_cast %add3A_1112 : i32 to index
        %get3A_1132 = arith.constant 0 : index
        %get3A_1133 = tpu.vector_load %arg12[%get3A_1130, %get3A_1131, %get3A_1132] {strides = array<i32>} : memref<2x256x64xf32, #tpu.memory_space<vmem>>, vector<16xf32>,
        tpu.vector_store_idx %arg13[%broadcast_in_dim3A_1125, %add3A_1128], %get3A_1133 masked %broadcast_in_dim3A_1122 {add = true} : memref<320x80xf32, #tpu.memory_space<vmem>>[vector<16xi32>, vector<16xi32>], vector<16xf32>, vector<16xi1>
        %add3A_1134 = arith.constant 16 : i32
        %add3A_1135 = vector.broadcast %add3A_1134 : i32 to vector<16xi32>
        %add3A_1136 = arith.addi %iota3A, %add3A_1135 : vector<16xi32>
        %get3A_1137 = arith.constant 0 : i32
        %get3A_1138 = arith.index_cast %get3A_1137 : i32 to index
        %get3A_1139 = arith.index_cast %add3A_1112 : i32 to index
        %get3A_1140 = arith.constant 16 : index
        %get3A_1141 = tpu.vector_load %arg12[%get3A_1138, %get3A_1139, %get3A_1140] {strides = array<i32>} : memref<2x256x64xf32, #tpu.memory_space<vmem>>, vector<16xf32>,
        tpu.vector_store_idx %arg13[%broadcast_in_dim3A_1125, %add3A_1136], %get3A_1141 masked %broadcast_in_dim3A_1122 {add = true} : memref<320x80xf32, #tpu.memory_space<vmem>>[vector<16xi32>, vector<16xi32>], vector<16xf32>, vector<16xi1>
        %add3A_1142 = arith.constant 32 : i32
        %add3A_1143 = vector.broadcast %add3A_1142 : i32 to vector<16xi32>
        %add3A_1144 = arith.addi %iota3A, %add3A_1143 : vector<16xi32>
        %get3A_1145 = arith.constant 0 : i32
        %get3A_1146 = arith.index_cast %get3A_1145 : i32 to index
        %get3A_1147 = arith.index_cast %add3A_1112 : i32 to index
        %get3A_1148 = arith.constant 32 : index
        %get3A_1149 = tpu.vector_load %arg12[%get3A_1146, %get3A_1147, %get3A_1148] {strides = array<i32>} : memref<2x256x64xf32, #tpu.memory_space<vmem>>, vector<16xf32>,
        tpu.vector_store_idx %arg13[%broadcast_in_dim3A_1125, %add3A_1144], %get3A_1149 masked %broadcast_in_dim3A_1122 {add = true} : memref<320x80xf32, #tpu.memory_space<vmem>>[vector<16xi32>, vector<16xi32>], vector<16xf32>, vector<16xi1>
        %add3A_1150 = arith.constant 48 : i32
        %add3A_1151 = vector.broadcast %add3A_1150 : i32 to vector<16xi32>
        %add3A_1152 = arith.addi %iota3A, %add3A_1151 : vector<16xi32>
        %get3A_1153 = arith.constant 0 : i32
        %get3A_1154 = arith.index_cast %get3A_1153 : i32 to index
        %get3A_1155 = arith.index_cast %add3A_1112 : i32 to index
        %get3A_1156 = arith.constant 48 : index
        %get3A_1157 = tpu.vector_load %arg12[%get3A_1154, %get3A_1155, %get3A_1156] {strides = array<i32>} : memref<2x256x64xf32, #tpu.memory_space<vmem>>, vector<16xf32>,
        tpu.vector_store_idx %arg13[%broadcast_in_dim3A_1125, %add3A_1152], %get3A_1157 masked %broadcast_in_dim3A_1122 {add = true} : memref<320x80xf32, #tpu.memory_space<vmem>>[vector<16xi32>, vector<16xi32>], vector<16xf32>, vector<16xi1>
        %add3A_1158 = arith.constant 64 : i32
        %add3A_1159 = vector.broadcast %add3A_1158 : i32 to vector<16xi32>
        %add3A_1160 = arith.addi %iota3A, %add3A_1159 : vector<16xi32>
        tpu.vector_store_idx %arg13[%broadcast_in_dim3A_1125, %add3A_1160], %select_n3A masked %broadcast_in_dim3A_1122 {add = true} : memref<320x80xf32, #tpu.memory_space<vmem>>[vector<16xi32>, vector<16xi32>], vector<16xf32>, vector<16xi1>
        %mul3A_1161 = arith.constant 16 : i32
        %mul3A_1162 = arith.muli %add3A_574, %mul3A_1161 : i32
        %add3A_1163 = arith.constant 11 : i32
        %add3A_1164 = arith.addi %mul3A_1162, %add3A_1163 : i32
        %add3A_1165 = arith.addi %add3A_425, %add3A_1164 : i32
        %ge3A_1166 = arith.cmpi sge, %add3A_1165, %squeeze3A : i32
        %lt3A_1167 = arith.cmpi slt, %add3A_1165, %squeeze3A_16 : i32
        %and3A_1168 = arith.andi %ge3A_1166, %lt3A_1167 : i1
        %slice3A_1169 = vector.extract_strided_slice %get3A_591 {offsets = [11], sizes = [1], strides = [1]} : vector<16xi32> to vector<1xi32>
        %squeeze3A_1170 = vector.extract %slice3A_1169[0] : i32 from vector<1xi32>
        %le3A_1171 = arith.constant 160000 : i32
        %le3A_1172 = arith.cmpi sle, %squeeze3A_1170, %le3A_1171 : i32
        %and3A_1173 = arith.andi %and3A_1168, %le3A_1172 : i1
        %broadcast_in_dim3A_1174 = vector.broadcast %and3A_1173 : i1 to vector<16xi1>
        %slice3A_1175 = vector.extract_strided_slice %min3A_585 {offsets = [11], sizes = [1], strides = [1]} : vector<16xi32> to vector<1xi32>
        %squeeze3A_1176 = vector.extract %slice3A_1175[0] : i32 from vector<1xi32>
        %broadcast_in_dim3A_1177 = vector.broadcast %squeeze3A_1176 : i32 to vector<16xi32>
        %add3A_1178 = arith.constant 0 : i32
        %add3A_1179 = vector.broadcast %add3A_1178 : i32 to vector<16xi32>
        %add3A_1180 = arith.addi %iota3A, %add3A_1179 : vector<16xi32>
        %get3A_1181 = arith.constant 0 : i32
        %get3A_1182 = arith.index_cast %get3A_1181 : i32 to index
        %get3A_1183 = arith.index_cast %add3A_1164 : i32 to index
        %get3A_1184 = arith.constant 0 : index
        %get3A_1185 = tpu.vector_load %arg12[%get3A_1182, %get3A_1183, %get3A_1184] {strides = array<i32>} : memref<2x256x64xf32, #tpu.memory_space<vmem>>, vector<16xf32>,
        tpu.vector_store_idx %arg13[%broadcast_in_dim3A_1177, %add3A_1180], %get3A_1185 masked %broadcast_in_dim3A_1174 {add = true} : memref<320x80xf32, #tpu.memory_space<vmem>>[vector<16xi32>, vector<16xi32>], vector<16xf32>, vector<16xi1>
        %add3A_1186 = arith.constant 16 : i32
        %add3A_1187 = vector.broadcast %add3A_1186 : i32 to vector<16xi32>
        %add3A_1188 = arith.addi %iota3A, %add3A_1187 : vector<16xi32>
        %get3A_1189 = arith.constant 0 : i32
        %get3A_1190 = arith.index_cast %get3A_1189 : i32 to index
        %get3A_1191 = arith.index_cast %add3A_1164 : i32 to index
        %get3A_1192 = arith.constant 16 : index
        %get3A_1193 = tpu.vector_load %arg12[%get3A_1190, %get3A_1191, %get3A_1192] {strides = array<i32>} : memref<2x256x64xf32, #tpu.memory_space<vmem>>, vector<16xf32>,
        tpu.vector_store_idx %arg13[%broadcast_in_dim3A_1177, %add3A_1188], %get3A_1193 masked %broadcast_in_dim3A_1174 {add = true} : memref<320x80xf32, #tpu.memory_space<vmem>>[vector<16xi32>, vector<16xi32>], vector<16xf32>, vector<16xi1>
        %add3A_1194 = arith.constant 32 : i32
        %add3A_1195 = vector.broadcast %add3A_1194 : i32 to vector<16xi32>
        %add3A_1196 = arith.addi %iota3A, %add3A_1195 : vector<16xi32>
        %get3A_1197 = arith.constant 0 : i32
        %get3A_1198 = arith.index_cast %get3A_1197 : i32 to index
        %get3A_1199 = arith.index_cast %add3A_1164 : i32 to index
        %get3A_1200 = arith.constant 32 : index
        %get3A_1201 = tpu.vector_load %arg12[%get3A_1198, %get3A_1199, %get3A_1200] {strides = array<i32>} : memref<2x256x64xf32, #tpu.memory_space<vmem>>, vector<16xf32>,
        tpu.vector_store_idx %arg13[%broadcast_in_dim3A_1177, %add3A_1196], %get3A_1201 masked %broadcast_in_dim3A_1174 {add = true} : memref<320x80xf32, #tpu.memory_space<vmem>>[vector<16xi32>, vector<16xi32>], vector<16xf32>, vector<16xi1>
        %add3A_1202 = arith.constant 48 : i32
        %add3A_1203 = vector.broadcast %add3A_1202 : i32 to vector<16xi32>
        %add3A_1204 = arith.addi %iota3A, %add3A_1203 : vector<16xi32>
        %get3A_1205 = arith.constant 0 : i32
        %get3A_1206 = arith.index_cast %get3A_1205 : i32 to index
        %get3A_1207 = arith.index_cast %add3A_1164 : i32 to index
        %get3A_1208 = arith.constant 48 : index
        %get3A_1209 = tpu.vector_load %arg12[%get3A_1206, %get3A_1207, %get3A_1208] {strides = array<i32>} : memref<2x256x64xf32, #tpu.memory_space<vmem>>, vector<16xf32>,
        tpu.vector_store_idx %arg13[%broadcast_in_dim3A_1177, %add3A_1204], %get3A_1209 masked %broadcast_in_dim3A_1174 {add = true} : memref<320x80xf32, #tpu.memory_space<vmem>>[vector<16xi32>, vector<16xi32>], vector<16xf32>, vector<16xi1>
        %add3A_1210 = arith.constant 64 : i32
        %add3A_1211 = vector.broadcast %add3A_1210 : i32 to vector<16xi32>
        %add3A_1212 = arith.addi %iota3A, %add3A_1211 : vector<16xi32>
        tpu.vector_store_idx %arg13[%broadcast_in_dim3A_1177, %add3A_1212], %select_n3A masked %broadcast_in_dim3A_1174 {add = true} : memref<320x80xf32, #tpu.memory_space<vmem>>[vector<16xi32>, vector<16xi32>], vector<16xf32>, vector<16xi1>
        %mul3A_1213 = arith.constant 16 : i32
        %mul3A_1214 = arith.muli %add3A_574, %mul3A_1213 : i32
        %add3A_1215 = arith.constant 12 : i32
        %add3A_1216 = arith.addi %mul3A_1214, %add3A_1215 : i32
        %add3A_1217 = arith.addi %add3A_425, %add3A_1216 : i32
        %ge3A_1218 = arith.cmpi sge, %add3A_1217, %squeeze3A : i32
        %lt3A_1219 = arith.cmpi slt, %add3A_1217, %squeeze3A_16 : i32
        %and3A_1220 = arith.andi %ge3A_1218, %lt3A_1219 : i1
        %slice3A_1221 = vector.extract_strided_slice %get3A_591 {offsets = [12], sizes = [1], strides = [1]} : vector<16xi32> to vector<1xi32>
        %squeeze3A_1222 = vector.extract %slice3A_1221[0] : i32 from vector<1xi32>
        %le3A_1223 = arith.constant 160000 : i32
        %le3A_1224 = arith.cmpi sle, %squeeze3A_1222, %le3A_1223 : i32
        %and3A_1225 = arith.andi %and3A_1220, %le3A_1224 : i1
        %broadcast_in_dim3A_1226 = vector.broadcast %and3A_1225 : i1 to vector<16xi1>
        %slice3A_1227 = vector.extract_strided_slice %min3A_585 {offsets = [12], sizes = [1], strides = [1]} : vector<16xi32> to vector<1xi32>
        %squeeze3A_1228 = vector.extract %slice3A_1227[0] : i32 from vector<1xi32>
        %broadcast_in_dim3A_1229 = vector.broadcast %squeeze3A_1228 : i32 to vector<16xi32>
        %add3A_1230 = arith.constant 0 : i32
        %add3A_1231 = vector.broadcast %add3A_1230 : i32 to vector<16xi32>
        %add3A_1232 = arith.addi %iota3A, %add3A_1231 : vector<16xi32>
        %get3A_1233 = arith.constant 0 : i32
        %get3A_1234 = arith.index_cast %get3A_1233 : i32 to index
        %get3A_1235 = arith.index_cast %add3A_1216 : i32 to index
        %get3A_1236 = arith.constant 0 : index
        %get3A_1237 = tpu.vector_load %arg12[%get3A_1234, %get3A_1235, %get3A_1236] {strides = array<i32>} : memref<2x256x64xf32, #tpu.memory_space<vmem>>, vector<16xf32>,
        tpu.vector_store_idx %arg13[%broadcast_in_dim3A_1229, %add3A_1232], %get3A_1237 masked %broadcast_in_dim3A_1226 {add = true} : memref<320x80xf32, #tpu.memory_space<vmem>>[vector<16xi32>, vector<16xi32>], vector<16xf32>, vector<16xi1>
        %add3A_1238 = arith.constant 16 : i32
        %add3A_1239 = vector.broadcast %add3A_1238 : i32 to vector<16xi32>
        %add3A_1240 = arith.addi %iota3A, %add3A_1239 : vector<16xi32>
        %get3A_1241 = arith.constant 0 : i32
        %get3A_1242 = arith.index_cast %get3A_1241 : i32 to index
        %get3A_1243 = arith.index_cast %add3A_1216 : i32 to index
        %get3A_1244 = arith.constant 16 : index
        %get3A_1245 = tpu.vector_load %arg12[%get3A_1242, %get3A_1243, %get3A_1244] {strides = array<i32>} : memref<2x256x64xf32, #tpu.memory_space<vmem>>, vector<16xf32>,
        tpu.vector_store_idx %arg13[%broadcast_in_dim3A_1229, %add3A_1240], %get3A_1245 masked %broadcast_in_dim3A_1226 {add = true} : memref<320x80xf32, #tpu.memory_space<vmem>>[vector<16xi32>, vector<16xi32>], vector<16xf32>, vector<16xi1>
        %add3A_1246 = arith.constant 32 : i32
        %add3A_1247 = vector.broadcast %add3A_1246 : i32 to vector<16xi32>
        %add3A_1248 = arith.addi %iota3A, %add3A_1247 : vector<16xi32>
        %get3A_1249 = arith.constant 0 : i32
        %get3A_1250 = arith.index_cast %get3A_1249 : i32 to index
        %get3A_1251 = arith.index_cast %add3A_1216 : i32 to index
        %get3A_1252 = arith.constant 32 : index
        %get3A_1253 = tpu.vector_load %arg12[%get3A_1250, %get3A_1251, %get3A_1252] {strides = array<i32>} : memref<2x256x64xf32, #tpu.memory_space<vmem>>, vector<16xf32>,
        tpu.vector_store_idx %arg13[%broadcast_in_dim3A_1229, %add3A_1248], %get3A_1253 masked %broadcast_in_dim3A_1226 {add = true} : memref<320x80xf32, #tpu.memory_space<vmem>>[vector<16xi32>, vector<16xi32>], vector<16xf32>, vector<16xi1>
        %add3A_1254 = arith.constant 48 : i32
        %add3A_1255 = vector.broadcast %add3A_1254 : i32 to vector<16xi32>
        %add3A_1256 = arith.addi %iota3A, %add3A_1255 : vector<16xi32>
        %get3A_1257 = arith.constant 0 : i32
        %get3A_1258 = arith.index_cast %get3A_1257 : i32 to index
        %get3A_1259 = arith.index_cast %add3A_1216 : i32 to index
        %get3A_1260 = arith.constant 48 : index
        %get3A_1261 = tpu.vector_load %arg12[%get3A_1258, %get3A_1259, %get3A_1260] {strides = array<i32>} : memref<2x256x64xf32, #tpu.memory_space<vmem>>, vector<16xf32>,
        tpu.vector_store_idx %arg13[%broadcast_in_dim3A_1229, %add3A_1256], %get3A_1261 masked %broadcast_in_dim3A_1226 {add = true} : memref<320x80xf32, #tpu.memory_space<vmem>>[vector<16xi32>, vector<16xi32>], vector<16xf32>, vector<16xi1>
        %add3A_1262 = arith.constant 64 : i32
        %add3A_1263 = vector.broadcast %add3A_1262 : i32 to vector<16xi32>
        %add3A_1264 = arith.addi %iota3A, %add3A_1263 : vector<16xi32>
        tpu.vector_store_idx %arg13[%broadcast_in_dim3A_1229, %add3A_1264], %select_n3A masked %broadcast_in_dim3A_1226 {add = true} : memref<320x80xf32, #tpu.memory_space<vmem>>[vector<16xi32>, vector<16xi32>], vector<16xf32>, vector<16xi1>
        %mul3A_1265 = arith.constant 16 : i32
        %mul3A_1266 = arith.muli %add3A_574, %mul3A_1265 : i32
        %add3A_1267 = arith.constant 13 : i32
        %add3A_1268 = arith.addi %mul3A_1266, %add3A_1267 : i32
        %add3A_1269 = arith.addi %add3A_425, %add3A_1268 : i32
        %ge3A_1270 = arith.cmpi sge, %add3A_1269, %squeeze3A : i32
        %lt3A_1271 = arith.cmpi slt, %add3A_1269, %squeeze3A_16 : i32
        %and3A_1272 = arith.andi %ge3A_1270, %lt3A_1271 : i1
        %slice3A_1273 = vector.extract_strided_slice %get3A_591 {offsets = [13], sizes = [1], strides = [1]} : vector<16xi32> to vector<1xi32>
        %squeeze3A_1274 = vector.extract %slice3A_1273[0] : i32 from vector<1xi32>
        %le3A_1275 = arith.constant 160000 : i32
        %le3A_1276 = arith.cmpi sle, %squeeze3A_1274, %le3A_1275 : i32
        %and3A_1277 = arith.andi %and3A_1272, %le3A_1276 : i1
        %broadcast_in_dim3A_1278 = vector.broadcast %and3A_1277 : i1 to vector<16xi1>
        %slice3A_1279 = vector.extract_strided_slice %min3A_585 {offsets = [13], sizes = [1], strides = [1]} : vector<16xi32> to vector<1xi32>
        %squeeze3A_1280 = vector.extract %slice3A_1279[0] : i32 from vector<1xi32>
        %broadcast_in_dim3A_1281 = vector.broadcast %squeeze3A_1280 : i32 to vector<16xi32>
        %add3A_1282 = arith.constant 0 : i32
        %add3A_1283 = vector.broadcast %add3A_1282 : i32 to vector<16xi32>
        %add3A_1284 = arith.addi %iota3A, %add3A_1283 : vector<16xi32>
        %get3A_1285 = arith.constant 0 : i32
        %get3A_1286 = arith.index_cast %get3A_1285 : i32 to index
        %get3A_1287 = arith.index_cast %add3A_1268 : i32 to index
        %get3A_1288 = arith.constant 0 : index
        %get3A_1289 = tpu.vector_load %arg12[%get3A_1286, %get3A_1287, %get3A_1288] {strides = array<i32>} : memref<2x256x64xf32, #tpu.memory_space<vmem>>, vector<16xf32>,
        tpu.vector_store_idx %arg13[%broadcast_in_dim3A_1281, %add3A_1284], %get3A_1289 masked %broadcast_in_dim3A_1278 {add = true} : memref<320x80xf32, #tpu.memory_space<vmem>>[vector<16xi32>, vector<16xi32>], vector<16xf32>, vector<16xi1>
        %add3A_1290 = arith.constant 16 : i32
        %add3A_1291 = vector.broadcast %add3A_1290 : i32 to vector<16xi32>
        %add3A_1292 = arith.addi %iota3A, %add3A_1291 : vector<16xi32>
        %get3A_1293 = arith.constant 0 : i32
        %get3A_1294 = arith.index_cast %get3A_1293 : i32 to index
        %get3A_1295 = arith.index_cast %add3A_1268 : i32 to index
        %get3A_1296 = arith.constant 16 : index
        %get3A_1297 = tpu.vector_load %arg12[%get3A_1294, %get3A_1295, %get3A_1296] {strides = array<i32>} : memref<2x256x64xf32, #tpu.memory_space<vmem>>, vector<16xf32>,
        tpu.vector_store_idx %arg13[%broadcast_in_dim3A_1281, %add3A_1292], %get3A_1297 masked %broadcast_in_dim3A_1278 {add = true} : memref<320x80xf32, #tpu.memory_space<vmem>>[vector<16xi32>, vector<16xi32>], vector<16xf32>, vector<16xi1>
        %add3A_1298 = arith.constant 32 : i32
        %add3A_1299 = vector.broadcast %add3A_1298 : i32 to vector<16xi32>
        %add3A_1300 = arith.addi %iota3A, %add3A_1299 : vector<16xi32>
        %get3A_1301 = arith.constant 0 : i32
        %get3A_1302 = arith.index_cast %get3A_1301 : i32 to index
        %get3A_1303 = arith.index_cast %add3A_1268 : i32 to index
        %get3A_1304 = arith.constant 32 : index
        %get3A_1305 = tpu.vector_load %arg12[%get3A_1302, %get3A_1303, %get3A_1304] {strides = array<i32>} : memref<2x256x64xf32, #tpu.memory_space<vmem>>, vector<16xf32>,
        tpu.vector_store_idx %arg13[%broadcast_in_dim3A_1281, %add3A_1300], %get3A_1305 masked %broadcast_in_dim3A_1278 {add = true} : memref<320x80xf32, #tpu.memory_space<vmem>>[vector<16xi32>, vector<16xi32>], vector<16xf32>, vector<16xi1>
        %add3A_1306 = arith.constant 48 : i32
        %add3A_1307 = vector.broadcast %add3A_1306 : i32 to vector<16xi32>
        %add3A_1308 = arith.addi %iota3A, %add3A_1307 : vector<16xi32>
        %get3A_1309 = arith.constant 0 : i32
        %get3A_1310 = arith.index_cast %get3A_1309 : i32 to index
        %get3A_1311 = arith.index_cast %add3A_1268 : i32 to index
        %get3A_1312 = arith.constant 48 : index
        %get3A_1313 = tpu.vector_load %arg12[%get3A_1310, %get3A_1311, %get3A_1312] {strides = array<i32>} : memref<2x256x64xf32, #tpu.memory_space<vmem>>, vector<16xf32>,
        tpu.vector_store_idx %arg13[%broadcast_in_dim3A_1281, %add3A_1308], %get3A_1313 masked %broadcast_in_dim3A_1278 {add = true} : memref<320x80xf32, #tpu.memory_space<vmem>>[vector<16xi32>, vector<16xi32>], vector<16xf32>, vector<16xi1>
        %add3A_1314 = arith.constant 64 : i32
        %add3A_1315 = vector.broadcast %add3A_1314 : i32 to vector<16xi32>
        %add3A_1316 = arith.addi %iota3A, %add3A_1315 : vector<16xi32>
        tpu.vector_store_idx %arg13[%broadcast_in_dim3A_1281, %add3A_1316], %select_n3A masked %broadcast_in_dim3A_1278 {add = true} : memref<320x80xf32, #tpu.memory_space<vmem>>[vector<16xi32>, vector<16xi32>], vector<16xf32>, vector<16xi1>
        %mul3A_1317 = arith.constant 16 : i32
        %mul3A_1318 = arith.muli %add3A_574, %mul3A_1317 : i32
        %add3A_1319 = arith.constant 14 : i32
        %add3A_1320 = arith.addi %mul3A_1318, %add3A_1319 : i32
        %add3A_1321 = arith.addi %add3A_425, %add3A_1320 : i32
        %ge3A_1322 = arith.cmpi sge, %add3A_1321, %squeeze3A : i32
        %lt3A_1323 = arith.cmpi slt, %add3A_1321, %squeeze3A_16 : i32
        %and3A_1324 = arith.andi %ge3A_1322, %lt3A_1323 : i1
        %slice3A_1325 = vector.extract_strided_slice %get3A_591 {offsets = [14], sizes = [1], strides = [1]} : vector<16xi32> to vector<1xi32>
        %squeeze3A_1326 = vector.extract %slice3A_1325[0] : i32 from vector<1xi32>
        %le3A_1327 = arith.constant 160000 : i32
        %le3A_1328 = arith.cmpi sle, %squeeze3A_1326, %le3A_1327 : i32
        %and3A_1329 = arith.andi %and3A_1324, %le3A_1328 : i1
        %broadcast_in_dim3A_1330 = vector.broadcast %and3A_1329 : i1 to vector<16xi1>
        %slice3A_1331 = vector.extract_strided_slice %min3A_585 {offsets = [14], sizes = [1], strides = [1]} : vector<16xi32> to vector<1xi32>
        %squeeze3A_1332 = vector.extract %slice3A_1331[0] : i32 from vector<1xi32>
        %broadcast_in_dim3A_1333 = vector.broadcast %squeeze3A_1332 : i32 to vector<16xi32>
        %add3A_1334 = arith.constant 0 : i32
        %add3A_1335 = vector.broadcast %add3A_1334 : i32 to vector<16xi32>
        %add3A_1336 = arith.addi %iota3A, %add3A_1335 : vector<16xi32>
        %get3A_1337 = arith.constant 0 : i32
        %get3A_1338 = arith.index_cast %get3A_1337 : i32 to index
        %get3A_1339 = arith.index_cast %add3A_1320 : i32 to index
        %get3A_1340 = arith.constant 0 : index
        %get3A_1341 = tpu.vector_load %arg12[%get3A_1338, %get3A_1339, %get3A_1340] {strides = array<i32>} : memref<2x256x64xf32, #tpu.memory_space<vmem>>, vector<16xf32>,
        tpu.vector_store_idx %arg13[%broadcast_in_dim3A_1333, %add3A_1336], %get3A_1341 masked %broadcast_in_dim3A_1330 {add = true} : memref<320x80xf32, #tpu.memory_space<vmem>>[vector<16xi32>, vector<16xi32>], vector<16xf32>, vector<16xi1>
        %add3A_1342 = arith.constant 16 : i32
        %add3A_1343 = vector.broadcast %add3A_1342 : i32 to vector<16xi32>
        %add3A_1344 = arith.addi %iota3A, %add3A_1343 : vector<16xi32>
        %get3A_1345 = arith.constant 0 : i32
        %get3A_1346 = arith.index_cast %get3A_1345 : i32 to index
        %get3A_1347 = arith.index_cast %add3A_1320 : i32 to index
        %get3A_1348 = arith.constant 16 : index
        %get3A_1349 = tpu.vector_load %arg12[%get3A_1346, %get3A_1347, %get3A_1348] {strides = array<i32>} : memref<2x256x64xf32, #tpu.memory_space<vmem>>, vector<16xf32>,
        tpu.vector_store_idx %arg13[%broadcast_in_dim3A_1333, %add3A_1344], %get3A_1349 masked %broadcast_in_dim3A_1330 {add = true} : memref<320x80xf32, #tpu.memory_space<vmem>>[vector<16xi32>, vector<16xi32>], vector<16xf32>, vector<16xi1>
        %add3A_1350 = arith.constant 32 : i32
        %add3A_1351 = vector.broadcast %add3A_1350 : i32 to vector<16xi32>
        %add3A_1352 = arith.addi %iota3A, %add3A_1351 : vector<16xi32>
        %get3A_1353 = arith.constant 0 : i32
        %get3A_1354 = arith.index_cast %get3A_1353 : i32 to index
        %get3A_1355 = arith.index_cast %add3A_1320 : i32 to index
        %get3A_1356 = arith.constant 32 : index
        %get3A_1357 = tpu.vector_load %arg12[%get3A_1354, %get3A_1355, %get3A_1356] {strides = array<i32>} : memref<2x256x64xf32, #tpu.memory_space<vmem>>, vector<16xf32>,
        tpu.vector_store_idx %arg13[%broadcast_in_dim3A_1333, %add3A_1352], %get3A_1357 masked %broadcast_in_dim3A_1330 {add = true} : memref<320x80xf32, #tpu.memory_space<vmem>>[vector<16xi32>, vector<16xi32>], vector<16xf32>, vector<16xi1>
        %add3A_1358 = arith.constant 48 : i32
        %add3A_1359 = vector.broadcast %add3A_1358 : i32 to vector<16xi32>
        %add3A_1360 = arith.addi %iota3A, %add3A_1359 : vector<16xi32>
        %get3A_1361 = arith.constant 0 : i32
        %get3A_1362 = arith.index_cast %get3A_1361 : i32 to index
        %get3A_1363 = arith.index_cast %add3A_1320 : i32 to index
        %get3A_1364 = arith.constant 48 : index
        %get3A_1365 = tpu.vector_load %arg12[%get3A_1362, %get3A_1363, %get3A_1364] {strides = array<i32>} : memref<2x256x64xf32, #tpu.memory_space<vmem>>, vector<16xf32>,
        tpu.vector_store_idx %arg13[%broadcast_in_dim3A_1333, %add3A_1360], %get3A_1365 masked %broadcast_in_dim3A_1330 {add = true} : memref<320x80xf32, #tpu.memory_space<vmem>>[vector<16xi32>, vector<16xi32>], vector<16xf32>, vector<16xi1>
        %add3A_1366 = arith.constant 64 : i32
        %add3A_1367 = vector.broadcast %add3A_1366 : i32 to vector<16xi32>
        %add3A_1368 = arith.addi %iota3A, %add3A_1367 : vector<16xi32>
        tpu.vector_store_idx %arg13[%broadcast_in_dim3A_1333, %add3A_1368], %select_n3A masked %broadcast_in_dim3A_1330 {add = true} : memref<320x80xf32, #tpu.memory_space<vmem>>[vector<16xi32>, vector<16xi32>], vector<16xf32>, vector<16xi1>
        %mul3A_1369 = arith.constant 16 : i32
        %mul3A_1370 = arith.muli %add3A_574, %mul3A_1369 : i32
        %add3A_1371 = arith.constant 15 : i32
        %add3A_1372 = arith.addi %mul3A_1370, %add3A_1371 : i32
        %add3A_1373 = arith.addi %add3A_425, %add3A_1372 : i32
        %ge3A_1374 = arith.cmpi sge, %add3A_1373, %squeeze3A : i32
        %lt3A_1375 = arith.cmpi slt, %add3A_1373, %squeeze3A_16 : i32
        %and3A_1376 = arith.andi %ge3A_1374, %lt3A_1375 : i1
        %slice3A_1377 = vector.extract_strided_slice %get3A_591 {offsets = [15], sizes = [1], strides = [1]} : vector<16xi32> to vector<1xi32>
        %squeeze3A_1378 = vector.extract %slice3A_1377[0] : i32 from vector<1xi32>
        %le3A_1379 = arith.constant 160000 : i32
        %le3A_1380 = arith.cmpi sle, %squeeze3A_1378, %le3A_1379 : i32
        %and3A_1381 = arith.andi %and3A_1376, %le3A_1380 : i1
        %broadcast_in_dim3A_1382 = vector.broadcast %and3A_1381 : i1 to vector<16xi1>
        %slice3A_1383 = vector.extract_strided_slice %min3A_585 {offsets = [15], sizes = [1], strides = [1]} : vector<16xi32> to vector<1xi32>
        %squeeze3A_1384 = vector.extract %slice3A_1383[0] : i32 from vector<1xi32>
        %broadcast_in_dim3A_1385 = vector.broadcast %squeeze3A_1384 : i32 to vector<16xi32>
        %add3A_1386 = arith.constant 0 : i32
        %add3A_1387 = vector.broadcast %add3A_1386 : i32 to vector<16xi32>
        %add3A_1388 = arith.addi %iota3A, %add3A_1387 : vector<16xi32>
        %get3A_1389 = arith.constant 0 : i32
        %get3A_1390 = arith.index_cast %get3A_1389 : i32 to index
        %get3A_1391 = arith.index_cast %add3A_1372 : i32 to index
        %get3A_1392 = arith.constant 0 : index
        %get3A_1393 = tpu.vector_load %arg12[%get3A_1390, %get3A_1391, %get3A_1392] {strides = array<i32>} : memref<2x256x64xf32, #tpu.memory_space<vmem>>, vector<16xf32>,
        tpu.vector_store_idx %arg13[%broadcast_in_dim3A_1385, %add3A_1388], %get3A_1393 masked %broadcast_in_dim3A_1382 {add = true} : memref<320x80xf32, #tpu.memory_space<vmem>>[vector<16xi32>, vector<16xi32>], vector<16xf32>, vector<16xi1>
        %add3A_1394 = arith.constant 16 : i32
        %add3A_1395 = vector.broadcast %add3A_1394 : i32 to vector<16xi32>
        %add3A_1396 = arith.addi %iota3A, %add3A_1395 : vector<16xi32>
        %get3A_1397 = arith.constant 0 : i32
        %get3A_1398 = arith.index_cast %get3A_1397 : i32 to index
        %get3A_1399 = arith.index_cast %add3A_1372 : i32 to index
        %get3A_1400 = arith.constant 16 : index
        %get3A_1401 = tpu.vector_load %arg12[%get3A_1398, %get3A_1399, %get3A_1400] {strides = array<i32>} : memref<2x256x64xf32, #tpu.memory_space<vmem>>, vector<16xf32>,
        tpu.vector_store_idx %arg13[%broadcast_in_dim3A_1385, %add3A_1396], %get3A_1401 masked %broadcast_in_dim3A_1382 {add = true} : memref<320x80xf32, #tpu.memory_space<vmem>>[vector<16xi32>, vector<16xi32>], vector<16xf32>, vector<16xi1>
        %add3A_1402 = arith.constant 32 : i32
        %add3A_1403 = vector.broadcast %add3A_1402 : i32 to vector<16xi32>
        %add3A_1404 = arith.addi %iota3A, %add3A_1403 : vector<16xi32>
        %get3A_1405 = arith.constant 0 : i32
        %get3A_1406 = arith.index_cast %get3A_1405 : i32 to index
        %get3A_1407 = arith.index_cast %add3A_1372 : i32 to index
        %get3A_1408 = arith.constant 32 : index
        %get3A_1409 = tpu.vector_load %arg12[%get3A_1406, %get3A_1407, %get3A_1408] {strides = array<i32>} : memref<2x256x64xf32, #tpu.memory_space<vmem>>, vector<16xf32>,
        tpu.vector_store_idx %arg13[%broadcast_in_dim3A_1385, %add3A_1404], %get3A_1409 masked %broadcast_in_dim3A_1382 {add = true} : memref<320x80xf32, #tpu.memory_space<vmem>>[vector<16xi32>, vector<16xi32>], vector<16xf32>, vector<16xi1>
        %add3A_1410 = arith.constant 48 : i32
        %add3A_1411 = vector.broadcast %add3A_1410 : i32 to vector<16xi32>
        %add3A_1412 = arith.addi %iota3A, %add3A_1411 : vector<16xi32>
        %get3A_1413 = arith.constant 0 : i32
        %get3A_1414 = arith.index_cast %get3A_1413 : i32 to index
        %get3A_1415 = arith.index_cast %add3A_1372 : i32 to index
        %get3A_1416 = arith.constant 48 : index
        %get3A_1417 = tpu.vector_load %arg12[%get3A_1414, %get3A_1415, %get3A_1416] {strides = array<i32>} : memref<2x256x64xf32, #tpu.memory_space<vmem>>, vector<16xf32>,
        tpu.vector_store_idx %arg13[%broadcast_in_dim3A_1385, %add3A_1412], %get3A_1417 masked %broadcast_in_dim3A_1382 {add = true} : memref<320x80xf32, #tpu.memory_space<vmem>>[vector<16xi32>, vector<16xi32>], vector<16xf32>, vector<16xi1>
        %add3A_1418 = arith.constant 64 : i32
        %add3A_1419 = vector.broadcast %add3A_1418 : i32 to vector<16xi32>
        %add3A_1420 = arith.addi %iota3A, %add3A_1419 : vector<16xi32>
        tpu.vector_store_idx %arg13[%broadcast_in_dim3A_1385, %add3A_1420], %select_n3A masked %broadcast_in_dim3A_1382 {add = true} : memref<320x80xf32, #tpu.memory_space<vmem>>[vector<16xi32>, vector<16xi32>], vector<16xf32>, vector<16xi1>
      }
      %scan3A_476 = arith.constant 16 : i32
      %add3A_477 = arith.constant 512 : i32
      %add3A_478 = arith.addi %add3A_425, %add3A_477 : i32
      %dma_start3A_479 = arith.constant 0 : i32
      %dma_start3A_480 = arith.constant 0 : i32
      %dma_start3A_481 = tpu.memref_slice %arg8[%dma_start3A_479, %dma_start3A_480] : memref<2x256xi32, #tpu.memory_space<vmem>> -> memref<1x256xi32, #tpu.memory_space<vmem>>
      %dma_start3A_482 = tpu.memref_squeeze %dma_start3A_481 : memref<1x256xi32, #tpu.memory_space<vmem>> -> memref<256xi32, #tpu.memory_space<vmem>>
      %dma_start3A_483 = tpu.memref_slice %arg3[%add3A_478] : memref<191488xi32, #tpu.memory_space<hbm>> -> memref<256xi32, #tpu.memory_space<hbm>>
      %dma_start3A_484 = arith.constant 0 : i32
      %dma_start3A_485 = tpu.memref_slice %arg8[%dma_start3A_479, %dma_start3A_484] : memref<2x256xi32, #tpu.memory_space<vmem>> -> memref<1x256xi32, #tpu.memory_space<vmem>>
      %dma_start3A_486 = tpu.memref_squeeze %dma_start3A_485 : memref<1x256xi32, #tpu.memory_space<vmem>> -> memref<256xi32, #tpu.memory_space<vmem>>
      %dma_start3A_487 = tpu.memref_slice %arg3[%add3A_478] : memref<191488xi32, #tpu.memory_space<hbm>> -> memref<256xi32, #tpu.memory_space<hbm>>
      tpu.enqueue_dma source(%dma_start3A_487 : memref<256xi32, #tpu.memory_space<hbm>>) target(%dma_start3A_486 : memref<256xi32, #tpu.memory_space<vmem>>) target_semaphore(%arg14 : memref<!tpu.dma_semaphore, #tpu.memory_space<semaphore_mem>>)
      %dma_start3A_488 = arith.constant 0 : i32
      %dma_start3A_489 = arith.constant 0 : i32
      %dma_start3A_490 = tpu.memref_slice %arg9[%dma_start3A_488, %dma_start3A_489] : memref<2x256xi32, #tpu.memory_space<vmem>> -> memref<1x256xi32, #tpu.memory_space<vmem>>
      %dma_start3A_491 = tpu.memref_squeeze %dma_start3A_490 : memref<1x256xi32, #tpu.memory_space<vmem>> -> memref<256xi32, #tpu.memory_space<vmem>>
      %dma_start3A_492 = tpu.memref_slice %arg4[%add3A_478] : memref<191488xi32, #tpu.memory_space<hbm>> -> memref<256xi32, #tpu.memory_space<hbm>>
      %dma_start3A_493 = arith.constant 0 : i32
      %dma_start3A_494 = tpu.memref_slice %arg9[%dma_start3A_488, %dma_start3A_493] : memref<2x256xi32, #tpu.memory_space<vmem>> -> memref<1x256xi32, #tpu.memory_space<vmem>>
      %dma_start3A_495 = tpu.memref_squeeze %dma_start3A_494 : memref<1x256xi32, #tpu.memory_space<vmem>> -> memref<256xi32, #tpu.memory_space<vmem>>
      %dma_start3A_496 = tpu.memref_slice %arg4[%add3A_478] : memref<191488xi32, #tpu.memory_space<hbm>> -> memref<256xi32, #tpu.memory_space<hbm>>
      tpu.enqueue_dma source(%dma_start3A_496 : memref<256xi32, #tpu.memory_space<hbm>>) target(%dma_start3A_495 : memref<256xi32, #tpu.memory_space<vmem>>) target_semaphore(%arg14 : memref<!tpu.dma_semaphore, #tpu.memory_space<semaphore_mem>>)
      %add3A_497 = arith.constant 256 : i32
      %add3A_498 = arith.addi %add3A_423, %add3A_497 : i32
      %dma_wait3A_499 = arith.constant 0 : i32
      %dma_wait3A_500 = arith.constant 0 : i32
      %dma_wait3A_501 = tpu.memref_slice %arg8[%dma_wait3A_499, %dma_wait3A_500] : memref<2x256xi32, #tpu.memory_space<vmem>> -> memref<1x256xi32, #tpu.memory_space<vmem>>
      %dma_wait3A_502 = tpu.memref_squeeze %dma_wait3A_501 : memref<1x256xi32, #tpu.memory_space<vmem>> -> memref<256xi32, #tpu.memory_space<vmem>>
      %dma_wait3A_503 = arith.constant 0 : i32
      %dma_wait3A_504 = tpu.memref_slice %arg3[%dma_wait3A_503] : memref<191488xi32, #tpu.memory_space<hbm>> -> memref<256xi32, #tpu.memory_space<hbm>>
      %dma_wait3A_505 = arith.constant 0 : i32
      %dma_wait3A_506 = tpu.memref_slice %arg8[%dma_wait3A_499, %dma_wait3A_505] : memref<2x256xi32, #tpu.memory_space<vmem>> -> memref<1x256xi32, #tpu.memory_space<vmem>>
      %dma_wait3A_507 = tpu.memref_squeeze %dma_wait3A_506 : memref<1x256xi32, #tpu.memory_space<vmem>> -> memref<256xi32, #tpu.memory_space<vmem>>
      %dma_wait3A_508 = arith.constant 0 : i32
      %dma_wait3A_509 = tpu.memref_slice %arg3[%dma_wait3A_508] : memref<191488xi32, #tpu.memory_space<hbm>> -> memref<256xi32, #tpu.memory_space<hbm>>
      tpu.wait_dma2 semaphore(%arg14 : memref<!tpu.dma_semaphore, #tpu.memory_space<semaphore_mem>>) src(%dma_wait3A_509 : memref<256xi32, #tpu.memory_space<hbm>>) dst(%dma_wait3A_507 : memref<256xi32, #tpu.memory_space<vmem>>)
      %dma_wait3A_510 = arith.constant 0 : i32
      %dma_wait3A_511 = arith.constant 0 : i32
      %dma_wait3A_512 = tpu.memref_slice %arg9[%dma_wait3A_510, %dma_wait3A_511] : memref<2x256xi32, #tpu.memory_space<vmem>> -> memref<1x256xi32, #tpu.memory_space<vmem>>
      %dma_wait3A_513 = tpu.memref_squeeze %dma_wait3A_512 : memref<1x256xi32, #tpu.memory_space<vmem>> -> memref<256xi32, #tpu.memory_space<vmem>>
      %dma_wait3A_514 = arith.constant 0 : i32
      %dma_wait3A_515 = tpu.memref_slice %arg4[%dma_wait3A_514] : memref<191488xi32, #tpu.memory_space<hbm>> -> memref<256xi32, #tpu.memory_space<hbm>>
      %dma_wait3A_516 = arith.constant 0 : i32
      %dma_wait3A_517 = tpu.memref_slice %arg9[%dma_wait3A_510, %dma_wait3A_516] : memref<2x256xi32, #tpu.memory_space<vmem>> -> memref<1x256xi32, #tpu.memory_space<vmem>>
      %dma_wait3A_518 = tpu.memref_squeeze %dma_wait3A_517 : memref<1x256xi32, #tpu.memory_space<vmem>> -> memref<256xi32, #tpu.memory_space<vmem>>
      %dma_wait3A_519 = arith.constant 0 : i32
      %dma_wait3A_520 = tpu.memref_slice %arg4[%dma_wait3A_519] : memref<191488xi32, #tpu.memory_space<hbm>> -> memref<256xi32, #tpu.memory_space<hbm>>
      tpu.wait_dma2 semaphore(%arg14 : memref<!tpu.dma_semaphore, #tpu.memory_space<semaphore_mem>>) src(%dma_wait3A_520 : memref<256xi32, #tpu.memory_space<hbm>>) dst(%dma_wait3A_518 : memref<256xi32, #tpu.memory_space<vmem>>)
      %dma_start3A_521 = arith.constant 0 : i32
      %dma_start3A_522 = arith.constant 0 : i32
      %dma_start3A_523 = arith.constant 0 : i32
      %dma_start3A_524 = arith.constant 0 : i32
      %dma_start3A_525 = tpu.memref_slice %arg12[%dma_start3A_522, %dma_start3A_523, %dma_start3A_524] : memref<2x256x64xf32, #tpu.memory_space<vmem>> -> memref<1x256x64xf32, #tpu.memory_space<vmem>>
      %dma_start3A_526 = tpu.memref_squeeze %dma_start3A_525 : memref<1x256x64xf32, #tpu.memory_space<vmem>> -> memref<256x64xf32, #tpu.memory_space<vmem>>
      %dma_start3A_527 = arith.constant 0 : i32
      %dma_start3A_528 = tpu.memref_slice %arg9[%dma_start3A_521, %dma_start3A_527] : memref<2x256xi32, #tpu.memory_space<vmem>> -> memref<1x256xi32, #tpu.memory_space<vmem>>
      %dma_start3A_529 = tpu.memref_squeeze %dma_start3A_528 : memref<1x256xi32, #tpu.memory_space<vmem>> -> memref<256xi32, #tpu.memory_space<vmem>>
      %dma_start3A_530 = arith.constant 0 : i32
      %dma_start3A_531 = arith.constant 0 : i32
      %dma_start3A_532 = tpu.memref_slice %arg2[%dma_start3A_530, %dma_start3A_531] : memref<170136x64xf32, #tpu.memory_space<hbm>> -> memref<170136x64xf32, #tpu.memory_space<hbm>>
      tpu.enqueue_indirect_dma source(%dma_start3A_532 : memref<170136x64xf32, #tpu.memory_space<hbm>>) target(%dma_start3A_526 : memref<256x64xf32, #tpu.memory_space<vmem>>) offsets(%dma_start3A_529 : memref<256xi32, #tpu.memory_space<vmem>>) semaphore(%arg16 : memref<!tpu.dma_semaphore, #tpu.memory_space<semaphore_mem>>)
      %dma_wait3A_533 = arith.constant 1 : i32
      %dma_wait3A_534 = arith.constant 1 : i32
      %dma_wait3A_535 = arith.constant 0 : i32
      %dma_wait3A_536 = arith.constant 0 : i32
      %dma_wait3A_537 = tpu.memref_slice %arg12[%dma_wait3A_534, %dma_wait3A_535, %dma_wait3A_536] : memref<2x256x64xf32, #tpu.memory_space<vmem>> -> memref<1x256x64xf32, #tpu.memory_space<vmem>>
      %dma_wait3A_538 = tpu.memref_squeeze %dma_wait3A_537 : memref<1x256x64xf32, #tpu.memory_space<vmem>> -> memref<256x64xf32, #tpu.memory_space<vmem>>
      %dma_wait3A_539 = arith.constant 0 : i32
      %dma_wait3A_540 = tpu.memref_slice %arg9[%dma_wait3A_533, %dma_wait3A_539] : memref<2x256xi32, #tpu.memory_space<vmem>> -> memref<1x256xi32, #tpu.memory_space<vmem>>
      %dma_wait3A_541 = tpu.memref_squeeze %dma_wait3A_540 : memref<1x256xi32, #tpu.memory_space<vmem>> -> memref<256xi32, #tpu.memory_space<vmem>>
      %dma_wait3A_542 = arith.constant 0 : i32
      %dma_wait3A_543 = arith.constant 0 : i32
      %dma_wait3A_544 = tpu.memref_slice %arg2[%dma_wait3A_542, %dma_wait3A_543] : memref<170136x64xf32, #tpu.memory_space<hbm>> -> memref<170136x64xf32, #tpu.memory_space<hbm>>
      tpu.wait_indirect_dma semaphore(%arg17 : memref<!tpu.dma_semaphore, #tpu.memory_space<semaphore_mem>>) src(%dma_wait3A_544 : memref<170136x64xf32, #tpu.memory_space<hbm>>) dst(%dma_wait3A_538 : memref<256x64xf32, #tpu.memory_space<vmem>>)
      %scan3A_545 = arith.constant 0 : i32
      %scan3A_546 = arith.constant 16 : i32
      %scan3A_547 = arith.addi %scan3A_545, %scan3A_546 : i32
      %scan3A_548 = arith.constant 1 : i32
      scf.for %scan3A_570 = %scan3A_545 to %scan3A_547 step %scan3A_548  : i32 {
        %mul3A_571 = arith.constant 1 : i32
        %mul3A_572 = arith.muli %scan3A_570, %mul3A_571 : i32
        %add3A_573 = arith.constant 0 : i32
        %add3A_574 = arith.addi %add3A_573, %mul3A_572 : i32
        %mul3A_575 = arith.constant 16 : i32
        %mul3A_576 = arith.muli %add3A_574, %mul3A_575 : i32
        %get3A = arith.constant 1 : i32
        %get3A_577 = arith.index_cast %get3A : i32 to index
        %get3A_578 = arith.index_cast %mul3A_576 : i32 to index
        %get3A_579 = tpu.vector_load %arg8[%get3A_577, %get3A_578] {strides = array<i32>} : memref<2x256xi32, #tpu.memory_space<vmem>>, vector<16xi32>,
        %sub3A_580 = vector.broadcast %mul3A_2 : i32 to vector<16xi32>
        %sub3A_581 = arith.subi %get3A_579, %sub3A_580 : vector<16xi32>
        %jit3A_582 = arith.constant 0 : i32
        %jit3A_583 = arith.constant 319 : i32
        %max3A = vector.broadcast %jit3A_582 : i32 to vector<16xi32>
        %max3A_584 = arith.maxsi %max3A, %sub3A_581 : vector<16xi32>
        %min3A = vector.broadcast %jit3A_583 : i32 to vector<16xi32>
        %min3A_585 = arith.minsi %min3A, %max3A_584 : vector<16xi32>
        %mul3A_586 = arith.constant 16 : i32
        %mul3A_587 = arith.muli %add3A_574, %mul3A_586 : i32
        %get3A_588 = arith.constant 1 : i32
        %get3A_589 = arith.index_cast %get3A_588 : i32 to index
        %get3A_590 = arith.index_cast %mul3A_587 : i32 to index
        %get3A_591 = tpu.vector_load %arg9[%get3A_589, %get3A_590] {strides = array<i32>} : memref<2x256xi32, #tpu.memory_space<vmem>>, vector<16xi32>,
        %mul3A_592 = arith.constant 16 : i32
        %mul3A_593 = arith.muli %add3A_574, %mul3A_592 : i32
        %add3A_594 = arith.constant 0 : i32
        %add3A_595 = arith.addi %mul3A_593, %add3A_594 : i32
        %add3A_596 = arith.addi %add3A_498, %add3A_595 : i32
        %ge3A = arith.cmpi sge, %add3A_596, %squeeze3A : i32
        %lt3A = arith.cmpi slt, %add3A_596, %squeeze3A_16 : i32
        %and3A_597 = arith.andi %ge3A, %lt3A : i1
        %slice3A_598 = vector.extract_strided_slice %get3A_591 {offsets = [0], sizes = [1], strides = [1]} : vector<16xi32> to vector<1xi32>
        %squeeze3A_599 = vector.extract %slice3A_598[0] : i32 from vector<1xi32>
        %le3A = arith.constant 160000 : i32
        %le3A_600 = arith.cmpi sle, %squeeze3A_599, %le3A : i32
        %and3A_601 = arith.andi %and3A_597, %le3A_600 : i1
        %broadcast_in_dim3A_602 = vector.broadcast %and3A_601 : i1 to vector<16xi1>
        %slice3A_603 = vector.extract_strided_slice %min3A_585 {offsets = [0], sizes = [1], strides = [1]} : vector<16xi32> to vector<1xi32>
        %squeeze3A_604 = vector.extract %slice3A_603[0] : i32 from vector<1xi32>
        %broadcast_in_dim3A_605 = vector.broadcast %squeeze3A_604 : i32 to vector<16xi32>
        %add3A_606 = arith.constant 0 : i32
        %add3A_607 = vector.broadcast %add3A_606 : i32 to vector<16xi32>
        %add3A_608 = arith.addi %iota3A, %add3A_607 : vector<16xi32>
        %get3A_609 = arith.constant 1 : i32
        %get3A_610 = arith.index_cast %get3A_609 : i32 to index
        %get3A_611 = arith.index_cast %add3A_595 : i32 to index
        %get3A_612 = arith.constant 0 : index
        %get3A_613 = tpu.vector_load %arg12[%get3A_610, %get3A_611, %get3A_612] {strides = array<i32>} : memref<2x256x64xf32, #tpu.memory_space<vmem>>, vector<16xf32>,
        tpu.vector_store_idx %arg13[%broadcast_in_dim3A_605, %add3A_608], %get3A_613 masked %broadcast_in_dim3A_602 {add = true} : memref<320x80xf32, #tpu.memory_space<vmem>>[vector<16xi32>, vector<16xi32>], vector<16xf32>, vector<16xi1>
        %add3A_614 = arith.constant 16 : i32
        %add3A_615 = vector.broadcast %add3A_614 : i32 to vector<16xi32>
        %add3A_616 = arith.addi %iota3A, %add3A_615 : vector<16xi32>
        %get3A_617 = arith.constant 1 : i32
        %get3A_618 = arith.index_cast %get3A_617 : i32 to index
        %get3A_619 = arith.index_cast %add3A_595 : i32 to index
        %get3A_620 = arith.constant 16 : index
        %get3A_621 = tpu.vector_load %arg12[%get3A_618, %get3A_619, %get3A_620] {strides = array<i32>} : memref<2x256x64xf32, #tpu.memory_space<vmem>>, vector<16xf32>,
        tpu.vector_store_idx %arg13[%broadcast_in_dim3A_605, %add3A_616], %get3A_621 masked %broadcast_in_dim3A_602 {add = true} : memref<320x80xf32, #tpu.memory_space<vmem>>[vector<16xi32>, vector<16xi32>], vector<16xf32>, vector<16xi1>
        %add3A_622 = arith.constant 32 : i32
        %add3A_623 = vector.broadcast %add3A_622 : i32 to vector<16xi32>
        %add3A_624 = arith.addi %iota3A, %add3A_623 : vector<16xi32>
        %get3A_625 = arith.constant 1 : i32
        %get3A_626 = arith.index_cast %get3A_625 : i32 to index
        %get3A_627 = arith.index_cast %add3A_595 : i32 to index
        %get3A_628 = arith.constant 32 : index
        %get3A_629 = tpu.vector_load %arg12[%get3A_626, %get3A_627, %get3A_628] {strides = array<i32>} : memref<2x256x64xf32, #tpu.memory_space<vmem>>, vector<16xf32>,
        tpu.vector_store_idx %arg13[%broadcast_in_dim3A_605, %add3A_624], %get3A_629 masked %broadcast_in_dim3A_602 {add = true} : memref<320x80xf32, #tpu.memory_space<vmem>>[vector<16xi32>, vector<16xi32>], vector<16xf32>, vector<16xi1>
        %add3A_630 = arith.constant 48 : i32
        %add3A_631 = vector.broadcast %add3A_630 : i32 to vector<16xi32>
        %add3A_632 = arith.addi %iota3A, %add3A_631 : vector<16xi32>
        %get3A_633 = arith.constant 1 : i32
        %get3A_634 = arith.index_cast %get3A_633 : i32 to index
        %get3A_635 = arith.index_cast %add3A_595 : i32 to index
        %get3A_636 = arith.constant 48 : index
        %get3A_637 = tpu.vector_load %arg12[%get3A_634, %get3A_635, %get3A_636] {strides = array<i32>} : memref<2x256x64xf32, #tpu.memory_space<vmem>>, vector<16xf32>,
        tpu.vector_store_idx %arg13[%broadcast_in_dim3A_605, %add3A_632], %get3A_637 masked %broadcast_in_dim3A_602 {add = true} : memref<320x80xf32, #tpu.memory_space<vmem>>[vector<16xi32>, vector<16xi32>], vector<16xf32>, vector<16xi1>
        %add3A_638 = arith.constant 64 : i32
        %add3A_639 = vector.broadcast %add3A_638 : i32 to vector<16xi32>
        %add3A_640 = arith.addi %iota3A, %add3A_639 : vector<16xi32>
        tpu.vector_store_idx %arg13[%broadcast_in_dim3A_605, %add3A_640], %select_n3A masked %broadcast_in_dim3A_602 {add = true} : memref<320x80xf32, #tpu.memory_space<vmem>>[vector<16xi32>, vector<16xi32>], vector<16xf32>, vector<16xi1>
        %mul3A_641 = arith.constant 16 : i32
        %mul3A_642 = arith.muli %add3A_574, %mul3A_641 : i32
        %add3A_643 = arith.constant 1 : i32
        %add3A_644 = arith.addi %mul3A_642, %add3A_643 : i32
        %add3A_645 = arith.addi %add3A_498, %add3A_644 : i32
        %ge3A_646 = arith.cmpi sge, %add3A_645, %squeeze3A : i32
        %lt3A_647 = arith.cmpi slt, %add3A_645, %squeeze3A_16 : i32
        %and3A_648 = arith.andi %ge3A_646, %lt3A_647 : i1
        %slice3A_649 = vector.extract_strided_slice %get3A_591 {offsets = [1], sizes = [1], strides = [1]} : vector<16xi32> to vector<1xi32>
        %squeeze3A_650 = vector.extract %slice3A_649[0] : i32 from vector<1xi32>
        %le3A_651 = arith.constant 160000 : i32
        %le3A_652 = arith.cmpi sle, %squeeze3A_650, %le3A_651 : i32
        %and3A_653 = arith.andi %and3A_648, %le3A_652 : i1
        %broadcast_in_dim3A_654 = vector.broadcast %and3A_653 : i1 to vector<16xi1>
        %slice3A_655 = vector.extract_strided_slice %min3A_585 {offsets = [1], sizes = [1], strides = [1]} : vector<16xi32> to vector<1xi32>
        %squeeze3A_656 = vector.extract %slice3A_655[0] : i32 from vector<1xi32>
        %broadcast_in_dim3A_657 = vector.broadcast %squeeze3A_656 : i32 to vector<16xi32>
        %add3A_658 = arith.constant 0 : i32
        %add3A_659 = vector.broadcast %add3A_658 : i32 to vector<16xi32>
        %add3A_660 = arith.addi %iota3A, %add3A_659 : vector<16xi32>
        %get3A_661 = arith.constant 1 : i32
        %get3A_662 = arith.index_cast %get3A_661 : i32 to index
        %get3A_663 = arith.index_cast %add3A_644 : i32 to index
        %get3A_664 = arith.constant 0 : index
        %get3A_665 = tpu.vector_load %arg12[%get3A_662, %get3A_663, %get3A_664] {strides = array<i32>} : memref<2x256x64xf32, #tpu.memory_space<vmem>>, vector<16xf32>,
        tpu.vector_store_idx %arg13[%broadcast_in_dim3A_657, %add3A_660], %get3A_665 masked %broadcast_in_dim3A_654 {add = true} : memref<320x80xf32, #tpu.memory_space<vmem>>[vector<16xi32>, vector<16xi32>], vector<16xf32>, vector<16xi1>
        %add3A_666 = arith.constant 16 : i32
        %add3A_667 = vector.broadcast %add3A_666 : i32 to vector<16xi32>
        %add3A_668 = arith.addi %iota3A, %add3A_667 : vector<16xi32>
        %get3A_669 = arith.constant 1 : i32
        %get3A_670 = arith.index_cast %get3A_669 : i32 to index
        %get3A_671 = arith.index_cast %add3A_644 : i32 to index
        %get3A_672 = arith.constant 16 : index
        %get3A_673 = tpu.vector_load %arg12[%get3A_670, %get3A_671, %get3A_672] {strides = array<i32>} : memref<2x256x64xf32, #tpu.memory_space<vmem>>, vector<16xf32>,
        tpu.vector_store_idx %arg13[%broadcast_in_dim3A_657, %add3A_668], %get3A_673 masked %broadcast_in_dim3A_654 {add = true} : memref<320x80xf32, #tpu.memory_space<vmem>>[vector<16xi32>, vector<16xi32>], vector<16xf32>, vector<16xi1>
        %add3A_674 = arith.constant 32 : i32
        %add3A_675 = vector.broadcast %add3A_674 : i32 to vector<16xi32>
        %add3A_676 = arith.addi %iota3A, %add3A_675 : vector<16xi32>
        %get3A_677 = arith.constant 1 : i32
        %get3A_678 = arith.index_cast %get3A_677 : i32 to index
        %get3A_679 = arith.index_cast %add3A_644 : i32 to index
        %get3A_680 = arith.constant 32 : index
        %get3A_681 = tpu.vector_load %arg12[%get3A_678, %get3A_679, %get3A_680] {strides = array<i32>} : memref<2x256x64xf32, #tpu.memory_space<vmem>>, vector<16xf32>,
        tpu.vector_store_idx %arg13[%broadcast_in_dim3A_657, %add3A_676], %get3A_681 masked %broadcast_in_dim3A_654 {add = true} : memref<320x80xf32, #tpu.memory_space<vmem>>[vector<16xi32>, vector<16xi32>], vector<16xf32>, vector<16xi1>
        %add3A_682 = arith.constant 48 : i32
        %add3A_683 = vector.broadcast %add3A_682 : i32 to vector<16xi32>
        %add3A_684 = arith.addi %iota3A, %add3A_683 : vector<16xi32>
        %get3A_685 = arith.constant 1 : i32
        %get3A_686 = arith.index_cast %get3A_685 : i32 to index
        %get3A_687 = arith.index_cast %add3A_644 : i32 to index
        %get3A_688 = arith.constant 48 : index
        %get3A_689 = tpu.vector_load %arg12[%get3A_686, %get3A_687, %get3A_688] {strides = array<i32>} : memref<2x256x64xf32, #tpu.memory_space<vmem>>, vector<16xf32>,
        tpu.vector_store_idx %arg13[%broadcast_in_dim3A_657, %add3A_684], %get3A_689 masked %broadcast_in_dim3A_654 {add = true} : memref<320x80xf32, #tpu.memory_space<vmem>>[vector<16xi32>, vector<16xi32>], vector<16xf32>, vector<16xi1>
        %add3A_690 = arith.constant 64 : i32
        %add3A_691 = vector.broadcast %add3A_690 : i32 to vector<16xi32>
        %add3A_692 = arith.addi %iota3A, %add3A_691 : vector<16xi32>
        tpu.vector_store_idx %arg13[%broadcast_in_dim3A_657, %add3A_692], %select_n3A masked %broadcast_in_dim3A_654 {add = true} : memref<320x80xf32, #tpu.memory_space<vmem>>[vector<16xi32>, vector<16xi32>], vector<16xf32>, vector<16xi1>
        %mul3A_693 = arith.constant 16 : i32
        %mul3A_694 = arith.muli %add3A_574, %mul3A_693 : i32
        %add3A_695 = arith.constant 2 : i32
        %add3A_696 = arith.addi %mul3A_694, %add3A_695 : i32
        %add3A_697 = arith.addi %add3A_498, %add3A_696 : i32
        %ge3A_698 = arith.cmpi sge, %add3A_697, %squeeze3A : i32
        %lt3A_699 = arith.cmpi slt, %add3A_697, %squeeze3A_16 : i32
        %and3A_700 = arith.andi %ge3A_698, %lt3A_699 : i1
        %slice3A_701 = vector.extract_strided_slice %get3A_591 {offsets = [2], sizes = [1], strides = [1]} : vector<16xi32> to vector<1xi32>
        %squeeze3A_702 = vector.extract %slice3A_701[0] : i32 from vector<1xi32>
        %le3A_703 = arith.constant 160000 : i32
        %le3A_704 = arith.cmpi sle, %squeeze3A_702, %le3A_703 : i32
        %and3A_705 = arith.andi %and3A_700, %le3A_704 : i1
        %broadcast_in_dim3A_706 = vector.broadcast %and3A_705 : i1 to vector<16xi1>
        %slice3A_707 = vector.extract_strided_slice %min3A_585 {offsets = [2], sizes = [1], strides = [1]} : vector<16xi32> to vector<1xi32>
        %squeeze3A_708 = vector.extract %slice3A_707[0] : i32 from vector<1xi32>
        %broadcast_in_dim3A_709 = vector.broadcast %squeeze3A_708 : i32 to vector<16xi32>
        %add3A_710 = arith.constant 0 : i32
        %add3A_711 = vector.broadcast %add3A_710 : i32 to vector<16xi32>
        %add3A_712 = arith.addi %iota3A, %add3A_711 : vector<16xi32>
        %get3A_713 = arith.constant 1 : i32
        %get3A_714 = arith.index_cast %get3A_713 : i32 to index
        %get3A_715 = arith.index_cast %add3A_696 : i32 to index
        %get3A_716 = arith.constant 0 : index
        %get3A_717 = tpu.vector_load %arg12[%get3A_714, %get3A_715, %get3A_716] {strides = array<i32>} : memref<2x256x64xf32, #tpu.memory_space<vmem>>, vector<16xf32>,
        tpu.vector_store_idx %arg13[%broadcast_in_dim3A_709, %add3A_712], %get3A_717 masked %broadcast_in_dim3A_706 {add = true} : memref<320x80xf32, #tpu.memory_space<vmem>>[vector<16xi32>, vector<16xi32>], vector<16xf32>, vector<16xi1>
        %add3A_718 = arith.constant 16 : i32
        %add3A_719 = vector.broadcast %add3A_718 : i32 to vector<16xi32>
        %add3A_720 = arith.addi %iota3A, %add3A_719 : vector<16xi32>
        %get3A_721 = arith.constant 1 : i32
        %get3A_722 = arith.index_cast %get3A_721 : i32 to index
        %get3A_723 = arith.index_cast %add3A_696 : i32 to index
        %get3A_724 = arith.constant 16 : index
        %get3A_725 = tpu.vector_load %arg12[%get3A_722, %get3A_723, %get3A_724] {strides = array<i32>} : memref<2x256x64xf32, #tpu.memory_space<vmem>>, vector<16xf32>,
        tpu.vector_store_idx %arg13[%broadcast_in_dim3A_709, %add3A_720], %get3A_725 masked %broadcast_in_dim3A_706 {add = true} : memref<320x80xf32, #tpu.memory_space<vmem>>[vector<16xi32>, vector<16xi32>], vector<16xf32>, vector<16xi1>
        %add3A_726 = arith.constant 32 : i32
        %add3A_727 = vector.broadcast %add3A_726 : i32 to vector<16xi32>
        %add3A_728 = arith.addi %iota3A, %add3A_727 : vector<16xi32>
        %get3A_729 = arith.constant 1 : i32
        %get3A_730 = arith.index_cast %get3A_729 : i32 to index
        %get3A_731 = arith.index_cast %add3A_696 : i32 to index
        %get3A_732 = arith.constant 32 : index
        %get3A_733 = tpu.vector_load %arg12[%get3A_730, %get3A_731, %get3A_732] {strides = array<i32>} : memref<2x256x64xf32, #tpu.memory_space<vmem>>, vector<16xf32>,
        tpu.vector_store_idx %arg13[%broadcast_in_dim3A_709, %add3A_728], %get3A_733 masked %broadcast_in_dim3A_706 {add = true} : memref<320x80xf32, #tpu.memory_space<vmem>>[vector<16xi32>, vector<16xi32>], vector<16xf32>, vector<16xi1>
        %add3A_734 = arith.constant 48 : i32
        %add3A_735 = vector.broadcast %add3A_734 : i32 to vector<16xi32>
        %add3A_736 = arith.addi %iota3A, %add3A_735 : vector<16xi32>
        %get3A_737 = arith.constant 1 : i32
        %get3A_738 = arith.index_cast %get3A_737 : i32 to index
        %get3A_739 = arith.index_cast %add3A_696 : i32 to index
        %get3A_740 = arith.constant 48 : index
        %get3A_741 = tpu.vector_load %arg12[%get3A_738, %get3A_739, %get3A_740] {strides = array<i32>} : memref<2x256x64xf32, #tpu.memory_space<vmem>>, vector<16xf32>,
        tpu.vector_store_idx %arg13[%broadcast_in_dim3A_709, %add3A_736], %get3A_741 masked %broadcast_in_dim3A_706 {add = true} : memref<320x80xf32, #tpu.memory_space<vmem>>[vector<16xi32>, vector<16xi32>], vector<16xf32>, vector<16xi1>
        %add3A_742 = arith.constant 64 : i32
        %add3A_743 = vector.broadcast %add3A_742 : i32 to vector<16xi32>
        %add3A_744 = arith.addi %iota3A, %add3A_743 : vector<16xi32>
        tpu.vector_store_idx %arg13[%broadcast_in_dim3A_709, %add3A_744], %select_n3A masked %broadcast_in_dim3A_706 {add = true} : memref<320x80xf32, #tpu.memory_space<vmem>>[vector<16xi32>, vector<16xi32>], vector<16xf32>, vector<16xi1>
        %mul3A_745 = arith.constant 16 : i32
        %mul3A_746 = arith.muli %add3A_574, %mul3A_745 : i32
        %add3A_747 = arith.constant 3 : i32
        %add3A_748 = arith.addi %mul3A_746, %add3A_747 : i32
        %add3A_749 = arith.addi %add3A_498, %add3A_748 : i32
        %ge3A_750 = arith.cmpi sge, %add3A_749, %squeeze3A : i32
        %lt3A_751 = arith.cmpi slt, %add3A_749, %squeeze3A_16 : i32
        %and3A_752 = arith.andi %ge3A_750, %lt3A_751 : i1
        %slice3A_753 = vector.extract_strided_slice %get3A_591 {offsets = [3], sizes = [1], strides = [1]} : vector<16xi32> to vector<1xi32>
        %squeeze3A_754 = vector.extract %slice3A_753[0] : i32 from vector<1xi32>
        %le3A_755 = arith.constant 160000 : i32
        %le3A_756 = arith.cmpi sle, %squeeze3A_754, %le3A_755 : i32
        %and3A_757 = arith.andi %and3A_752, %le3A_756 : i1
        %broadcast_in_dim3A_758 = vector.broadcast %and3A_757 : i1 to vector<16xi1>
        %slice3A_759 = vector.extract_strided_slice %min3A_585 {offsets = [3], sizes = [1], strides = [1]} : vector<16xi32> to vector<1xi32>
        %squeeze3A_760 = vector.extract %slice3A_759[0] : i32 from vector<1xi32>
        %broadcast_in_dim3A_761 = vector.broadcast %squeeze3A_760 : i32 to vector<16xi32>
        %add3A_762 = arith.constant 0 : i32
        %add3A_763 = vector.broadcast %add3A_762 : i32 to vector<16xi32>
        %add3A_764 = arith.addi %iota3A, %add3A_763 : vector<16xi32>
        %get3A_765 = arith.constant 1 : i32
        %get3A_766 = arith.index_cast %get3A_765 : i32 to index
        %get3A_767 = arith.index_cast %add3A_748 : i32 to index
        %get3A_768 = arith.constant 0 : index
        %get3A_769 = tpu.vector_load %arg12[%get3A_766, %get3A_767, %get3A_768] {strides = array<i32>} : memref<2x256x64xf32, #tpu.memory_space<vmem>>, vector<16xf32>,
        tpu.vector_store_idx %arg13[%broadcast_in_dim3A_761, %add3A_764], %get3A_769 masked %broadcast_in_dim3A_758 {add = true} : memref<320x80xf32, #tpu.memory_space<vmem>>[vector<16xi32>, vector<16xi32>], vector<16xf32>, vector<16xi1>
        %add3A_770 = arith.constant 16 : i32
        %add3A_771 = vector.broadcast %add3A_770 : i32 to vector<16xi32>
        %add3A_772 = arith.addi %iota3A, %add3A_771 : vector<16xi32>
        %get3A_773 = arith.constant 1 : i32
        %get3A_774 = arith.index_cast %get3A_773 : i32 to index
        %get3A_775 = arith.index_cast %add3A_748 : i32 to index
        %get3A_776 = arith.constant 16 : index
        %get3A_777 = tpu.vector_load %arg12[%get3A_774, %get3A_775, %get3A_776] {strides = array<i32>} : memref<2x256x64xf32, #tpu.memory_space<vmem>>, vector<16xf32>,
        tpu.vector_store_idx %arg13[%broadcast_in_dim3A_761, %add3A_772], %get3A_777 masked %broadcast_in_dim3A_758 {add = true} : memref<320x80xf32, #tpu.memory_space<vmem>>[vector<16xi32>, vector<16xi32>], vector<16xf32>, vector<16xi1>
        %add3A_778 = arith.constant 32 : i32
        %add3A_779 = vector.broadcast %add3A_778 : i32 to vector<16xi32>
        %add3A_780 = arith.addi %iota3A, %add3A_779 : vector<16xi32>
        %get3A_781 = arith.constant 1 : i32
        %get3A_782 = arith.index_cast %get3A_781 : i32 to index
        %get3A_783 = arith.index_cast %add3A_748 : i32 to index
        %get3A_784 = arith.constant 32 : index
        %get3A_785 = tpu.vector_load %arg12[%get3A_782, %get3A_783, %get3A_784] {strides = array<i32>} : memref<2x256x64xf32, #tpu.memory_space<vmem>>, vector<16xf32>,
        tpu.vector_store_idx %arg13[%broadcast_in_dim3A_761, %add3A_780], %get3A_785 masked %broadcast_in_dim3A_758 {add = true} : memref<320x80xf32, #tpu.memory_space<vmem>>[vector<16xi32>, vector<16xi32>], vector<16xf32>, vector<16xi1>
        %add3A_786 = arith.constant 48 : i32
        %add3A_787 = vector.broadcast %add3A_786 : i32 to vector<16xi32>
        %add3A_788 = arith.addi %iota3A, %add3A_787 : vector<16xi32>
        %get3A_789 = arith.constant 1 : i32
        %get3A_790 = arith.index_cast %get3A_789 : i32 to index
        %get3A_791 = arith.index_cast %add3A_748 : i32 to index
        %get3A_792 = arith.constant 48 : index
        %get3A_793 = tpu.vector_load %arg12[%get3A_790, %get3A_791, %get3A_792] {strides = array<i32>} : memref<2x256x64xf32, #tpu.memory_space<vmem>>, vector<16xf32>,
        tpu.vector_store_idx %arg13[%broadcast_in_dim3A_761, %add3A_788], %get3A_793 masked %broadcast_in_dim3A_758 {add = true} : memref<320x80xf32, #tpu.memory_space<vmem>>[vector<16xi32>, vector<16xi32>], vector<16xf32>, vector<16xi1>
        %add3A_794 = arith.constant 64 : i32
        %add3A_795 = vector.broadcast %add3A_794 : i32 to vector<16xi32>
        %add3A_796 = arith.addi %iota3A, %add3A_795 : vector<16xi32>
        tpu.vector_store_idx %arg13[%broadcast_in_dim3A_761, %add3A_796], %select_n3A masked %broadcast_in_dim3A_758 {add = true} : memref<320x80xf32, #tpu.memory_space<vmem>>[vector<16xi32>, vector<16xi32>], vector<16xf32>, vector<16xi1>
        %mul3A_797 = arith.constant 16 : i32
        %mul3A_798 = arith.muli %add3A_574, %mul3A_797 : i32
        %add3A_799 = arith.constant 4 : i32
        %add3A_800 = arith.addi %mul3A_798, %add3A_799 : i32
        %add3A_801 = arith.addi %add3A_498, %add3A_800 : i32
        %ge3A_802 = arith.cmpi sge, %add3A_801, %squeeze3A : i32
        %lt3A_803 = arith.cmpi slt, %add3A_801, %squeeze3A_16 : i32
        %and3A_804 = arith.andi %ge3A_802, %lt3A_803 : i1
        %slice3A_805 = vector.extract_strided_slice %get3A_591 {offsets = [4], sizes = [1], strides = [1]} : vector<16xi32> to vector<1xi32>
        %squeeze3A_806 = vector.extract %slice3A_805[0] : i32 from vector<1xi32>
        %le3A_807 = arith.constant 160000 : i32
        %le3A_808 = arith.cmpi sle, %squeeze3A_806, %le3A_807 : i32
        %and3A_809 = arith.andi %and3A_804, %le3A_808 : i1
        %broadcast_in_dim3A_810 = vector.broadcast %and3A_809 : i1 to vector<16xi1>
        %slice3A_811 = vector.extract_strided_slice %min3A_585 {offsets = [4], sizes = [1], strides = [1]} : vector<16xi32> to vector<1xi32>
        %squeeze3A_812 = vector.extract %slice3A_811[0] : i32 from vector<1xi32>
        %broadcast_in_dim3A_813 = vector.broadcast %squeeze3A_812 : i32 to vector<16xi32>
        %add3A_814 = arith.constant 0 : i32
        %add3A_815 = vector.broadcast %add3A_814 : i32 to vector<16xi32>
        %add3A_816 = arith.addi %iota3A, %add3A_815 : vector<16xi32>
        %get3A_817 = arith.constant 1 : i32
        %get3A_818 = arith.index_cast %get3A_817 : i32 to index
        %get3A_819 = arith.index_cast %add3A_800 : i32 to index
        %get3A_820 = arith.constant 0 : index
        %get3A_821 = tpu.vector_load %arg12[%get3A_818, %get3A_819, %get3A_820] {strides = array<i32>} : memref<2x256x64xf32, #tpu.memory_space<vmem>>, vector<16xf32>,
        tpu.vector_store_idx %arg13[%broadcast_in_dim3A_813, %add3A_816], %get3A_821 masked %broadcast_in_dim3A_810 {add = true} : memref<320x80xf32, #tpu.memory_space<vmem>>[vector<16xi32>, vector<16xi32>], vector<16xf32>, vector<16xi1>
        %add3A_822 = arith.constant 16 : i32
        %add3A_823 = vector.broadcast %add3A_822 : i32 to vector<16xi32>
        %add3A_824 = arith.addi %iota3A, %add3A_823 : vector<16xi32>
        %get3A_825 = arith.constant 1 : i32
        %get3A_826 = arith.index_cast %get3A_825 : i32 to index
        %get3A_827 = arith.index_cast %add3A_800 : i32 to index
        %get3A_828 = arith.constant 16 : index
        %get3A_829 = tpu.vector_load %arg12[%get3A_826, %get3A_827, %get3A_828] {strides = array<i32>} : memref<2x256x64xf32, #tpu.memory_space<vmem>>, vector<16xf32>,
        tpu.vector_store_idx %arg13[%broadcast_in_dim3A_813, %add3A_824], %get3A_829 masked %broadcast_in_dim3A_810 {add = true} : memref<320x80xf32, #tpu.memory_space<vmem>>[vector<16xi32>, vector<16xi32>], vector<16xf32>, vector<16xi1>
        %add3A_830 = arith.constant 32 : i32
        %add3A_831 = vector.broadcast %add3A_830 : i32 to vector<16xi32>
        %add3A_832 = arith.addi %iota3A, %add3A_831 : vector<16xi32>
        %get3A_833 = arith.constant 1 : i32
        %get3A_834 = arith.index_cast %get3A_833 : i32 to index
        %get3A_835 = arith.index_cast %add3A_800 : i32 to index
        %get3A_836 = arith.constant 32 : index
        %get3A_837 = tpu.vector_load %arg12[%get3A_834, %get3A_835, %get3A_836] {strides = array<i32>} : memref<2x256x64xf32, #tpu.memory_space<vmem>>, vector<16xf32>,
        tpu.vector_store_idx %arg13[%broadcast_in_dim3A_813, %add3A_832], %get3A_837 masked %broadcast_in_dim3A_810 {add = true} : memref<320x80xf32, #tpu.memory_space<vmem>>[vector<16xi32>, vector<16xi32>], vector<16xf32>, vector<16xi1>
        %add3A_838 = arith.constant 48 : i32
        %add3A_839 = vector.broadcast %add3A_838 : i32 to vector<16xi32>
        %add3A_840 = arith.addi %iota3A, %add3A_839 : vector<16xi32>
        %get3A_841 = arith.constant 1 : i32
        %get3A_842 = arith.index_cast %get3A_841 : i32 to index
        %get3A_843 = arith.index_cast %add3A_800 : i32 to index
        %get3A_844 = arith.constant 48 : index
        %get3A_845 = tpu.vector_load %arg12[%get3A_842, %get3A_843, %get3A_844] {strides = array<i32>} : memref<2x256x64xf32, #tpu.memory_space<vmem>>, vector<16xf32>,
        tpu.vector_store_idx %arg13[%broadcast_in_dim3A_813, %add3A_840], %get3A_845 masked %broadcast_in_dim3A_810 {add = true} : memref<320x80xf32, #tpu.memory_space<vmem>>[vector<16xi32>, vector<16xi32>], vector<16xf32>, vector<16xi1>
        %add3A_846 = arith.constant 64 : i32
        %add3A_847 = vector.broadcast %add3A_846 : i32 to vector<16xi32>
        %add3A_848 = arith.addi %iota3A, %add3A_847 : vector<16xi32>
        tpu.vector_store_idx %arg13[%broadcast_in_dim3A_813, %add3A_848], %select_n3A masked %broadcast_in_dim3A_810 {add = true} : memref<320x80xf32, #tpu.memory_space<vmem>>[vector<16xi32>, vector<16xi32>], vector<16xf32>, vector<16xi1>
        %mul3A_849 = arith.constant 16 : i32
        %mul3A_850 = arith.muli %add3A_574, %mul3A_849 : i32
        %add3A_851 = arith.constant 5 : i32
        %add3A_852 = arith.addi %mul3A_850, %add3A_851 : i32
        %add3A_853 = arith.addi %add3A_498, %add3A_852 : i32
        %ge3A_854 = arith.cmpi sge, %add3A_853, %squeeze3A : i32
        %lt3A_855 = arith.cmpi slt, %add3A_853, %squeeze3A_16 : i32
        %and3A_856 = arith.andi %ge3A_854, %lt3A_855 : i1
        %slice3A_857 = vector.extract_strided_slice %get3A_591 {offsets = [5], sizes = [1], strides = [1]} : vector<16xi32> to vector<1xi32>
        %squeeze3A_858 = vector.extract %slice3A_857[0] : i32 from vector<1xi32>
        %le3A_859 = arith.constant 160000 : i32
        %le3A_860 = arith.cmpi sle, %squeeze3A_858, %le3A_859 : i32
        %and3A_861 = arith.andi %and3A_856, %le3A_860 : i1
        %broadcast_in_dim3A_862 = vector.broadcast %and3A_861 : i1 to vector<16xi1>
        %slice3A_863 = vector.extract_strided_slice %min3A_585 {offsets = [5], sizes = [1], strides = [1]} : vector<16xi32> to vector<1xi32>
        %squeeze3A_864 = vector.extract %slice3A_863[0] : i32 from vector<1xi32>
        %broadcast_in_dim3A_865 = vector.broadcast %squeeze3A_864 : i32 to vector<16xi32>
        %add3A_866 = arith.constant 0 : i32
        %add3A_867 = vector.broadcast %add3A_866 : i32 to vector<16xi32>
        %add3A_868 = arith.addi %iota3A, %add3A_867 : vector<16xi32>
        %get3A_869 = arith.constant 1 : i32
        %get3A_870 = arith.index_cast %get3A_869 : i32 to index
        %get3A_871 = arith.index_cast %add3A_852 : i32 to index
        %get3A_872 = arith.constant 0 : index
        %get3A_873 = tpu.vector_load %arg12[%get3A_870, %get3A_871, %get3A_872] {strides = array<i32>} : memref<2x256x64xf32, #tpu.memory_space<vmem>>, vector<16xf32>,
        tpu.vector_store_idx %arg13[%broadcast_in_dim3A_865, %add3A_868], %get3A_873 masked %broadcast_in_dim3A_862 {add = true} : memref<320x80xf32, #tpu.memory_space<vmem>>[vector<16xi32>, vector<16xi32>], vector<16xf32>, vector<16xi1>
        %add3A_874 = arith.constant 16 : i32
        %add3A_875 = vector.broadcast %add3A_874 : i32 to vector<16xi32>
        %add3A_876 = arith.addi %iota3A, %add3A_875 : vector<16xi32>
        %get3A_877 = arith.constant 1 : i32
        %get3A_878 = arith.index_cast %get3A_877 : i32 to index
        %get3A_879 = arith.index_cast %add3A_852 : i32 to index
        %get3A_880 = arith.constant 16 : index
        %get3A_881 = tpu.vector_load %arg12[%get3A_878, %get3A_879, %get3A_880] {strides = array<i32>} : memref<2x256x64xf32, #tpu.memory_space<vmem>>, vector<16xf32>,
        tpu.vector_store_idx %arg13[%broadcast_in_dim3A_865, %add3A_876], %get3A_881 masked %broadcast_in_dim3A_862 {add = true} : memref<320x80xf32, #tpu.memory_space<vmem>>[vector<16xi32>, vector<16xi32>], vector<16xf32>, vector<16xi1>
        %add3A_882 = arith.constant 32 : i32
        %add3A_883 = vector.broadcast %add3A_882 : i32 to vector<16xi32>
        %add3A_884 = arith.addi %iota3A, %add3A_883 : vector<16xi32>
        %get3A_885 = arith.constant 1 : i32
        %get3A_886 = arith.index_cast %get3A_885 : i32 to index
        %get3A_887 = arith.index_cast %add3A_852 : i32 to index
        %get3A_888 = arith.constant 32 : index
        %get3A_889 = tpu.vector_load %arg12[%get3A_886, %get3A_887, %get3A_888] {strides = array<i32>} : memref<2x256x64xf32, #tpu.memory_space<vmem>>, vector<16xf32>,
        tpu.vector_store_idx %arg13[%broadcast_in_dim3A_865, %add3A_884], %get3A_889 masked %broadcast_in_dim3A_862 {add = true} : memref<320x80xf32, #tpu.memory_space<vmem>>[vector<16xi32>, vector<16xi32>], vector<16xf32>, vector<16xi1>
        %add3A_890 = arith.constant 48 : i32
        %add3A_891 = vector.broadcast %add3A_890 : i32 to vector<16xi32>
        %add3A_892 = arith.addi %iota3A, %add3A_891 : vector<16xi32>
        %get3A_893 = arith.constant 1 : i32
        %get3A_894 = arith.index_cast %get3A_893 : i32 to index
        %get3A_895 = arith.index_cast %add3A_852 : i32 to index
        %get3A_896 = arith.constant 48 : index
        %get3A_897 = tpu.vector_load %arg12[%get3A_894, %get3A_895, %get3A_896] {strides = array<i32>} : memref<2x256x64xf32, #tpu.memory_space<vmem>>, vector<16xf32>,
        tpu.vector_store_idx %arg13[%broadcast_in_dim3A_865, %add3A_892], %get3A_897 masked %broadcast_in_dim3A_862 {add = true} : memref<320x80xf32, #tpu.memory_space<vmem>>[vector<16xi32>, vector<16xi32>], vector<16xf32>, vector<16xi1>
        %add3A_898 = arith.constant 64 : i32
        %add3A_899 = vector.broadcast %add3A_898 : i32 to vector<16xi32>
        %add3A_900 = arith.addi %iota3A, %add3A_899 : vector<16xi32>
        tpu.vector_store_idx %arg13[%broadcast_in_dim3A_865, %add3A_900], %select_n3A masked %broadcast_in_dim3A_862 {add = true} : memref<320x80xf32, #tpu.memory_space<vmem>>[vector<16xi32>, vector<16xi32>], vector<16xf32>, vector<16xi1>
        %mul3A_901 = arith.constant 16 : i32
        %mul3A_902 = arith.muli %add3A_574, %mul3A_901 : i32
        %add3A_903 = arith.constant 6 : i32
        %add3A_904 = arith.addi %mul3A_902, %add3A_903 : i32
        %add3A_905 = arith.addi %add3A_498, %add3A_904 : i32
        %ge3A_906 = arith.cmpi sge, %add3A_905, %squeeze3A : i32
        %lt3A_907 = arith.cmpi slt, %add3A_905, %squeeze3A_16 : i32
        %and3A_908 = arith.andi %ge3A_906, %lt3A_907 : i1
        %slice3A_909 = vector.extract_strided_slice %get3A_591 {offsets = [6], sizes = [1], strides = [1]} : vector<16xi32> to vector<1xi32>
        %squeeze3A_910 = vector.extract %slice3A_909[0] : i32 from vector<1xi32>
        %le3A_911 = arith.constant 160000 : i32
        %le3A_912 = arith.cmpi sle, %squeeze3A_910, %le3A_911 : i32
        %and3A_913 = arith.andi %and3A_908, %le3A_912 : i1
        %broadcast_in_dim3A_914 = vector.broadcast %and3A_913 : i1 to vector<16xi1>
        %slice3A_915 = vector.extract_strided_slice %min3A_585 {offsets = [6], sizes = [1], strides = [1]} : vector<16xi32> to vector<1xi32>
        %squeeze3A_916 = vector.extract %slice3A_915[0] : i32 from vector<1xi32>
        %broadcast_in_dim3A_917 = vector.broadcast %squeeze3A_916 : i32 to vector<16xi32>
        %add3A_918 = arith.constant 0 : i32
        %add3A_919 = vector.broadcast %add3A_918 : i32 to vector<16xi32>
        %add3A_920 = arith.addi %iota3A, %add3A_919 : vector<16xi32>
        %get3A_921 = arith.constant 1 : i32
        %get3A_922 = arith.index_cast %get3A_921 : i32 to index
        %get3A_923 = arith.index_cast %add3A_904 : i32 to index
        %get3A_924 = arith.constant 0 : index
        %get3A_925 = tpu.vector_load %arg12[%get3A_922, %get3A_923, %get3A_924] {strides = array<i32>} : memref<2x256x64xf32, #tpu.memory_space<vmem>>, vector<16xf32>,
        tpu.vector_store_idx %arg13[%broadcast_in_dim3A_917, %add3A_920], %get3A_925 masked %broadcast_in_dim3A_914 {add = true} : memref<320x80xf32, #tpu.memory_space<vmem>>[vector<16xi32>, vector<16xi32>], vector<16xf32>, vector<16xi1>
        %add3A_926 = arith.constant 16 : i32
        %add3A_927 = vector.broadcast %add3A_926 : i32 to vector<16xi32>
        %add3A_928 = arith.addi %iota3A, %add3A_927 : vector<16xi32>
        %get3A_929 = arith.constant 1 : i32
        %get3A_930 = arith.index_cast %get3A_929 : i32 to index
        %get3A_931 = arith.index_cast %add3A_904 : i32 to index
        %get3A_932 = arith.constant 16 : index
        %get3A_933 = tpu.vector_load %arg12[%get3A_930, %get3A_931, %get3A_932] {strides = array<i32>} : memref<2x256x64xf32, #tpu.memory_space<vmem>>, vector<16xf32>,
        tpu.vector_store_idx %arg13[%broadcast_in_dim3A_917, %add3A_928], %get3A_933 masked %broadcast_in_dim3A_914 {add = true} : memref<320x80xf32, #tpu.memory_space<vmem>>[vector<16xi32>, vector<16xi32>], vector<16xf32>, vector<16xi1>
        %add3A_934 = arith.constant 32 : i32
        %add3A_935 = vector.broadcast %add3A_934 : i32 to vector<16xi32>
        %add3A_936 = arith.addi %iota3A, %add3A_935 : vector<16xi32>
        %get3A_937 = arith.constant 1 : i32
        %get3A_938 = arith.index_cast %get3A_937 : i32 to index
        %get3A_939 = arith.index_cast %add3A_904 : i32 to index
        %get3A_940 = arith.constant 32 : index
        %get3A_941 = tpu.vector_load %arg12[%get3A_938, %get3A_939, %get3A_940] {strides = array<i32>} : memref<2x256x64xf32, #tpu.memory_space<vmem>>, vector<16xf32>,
        tpu.vector_store_idx %arg13[%broadcast_in_dim3A_917, %add3A_936], %get3A_941 masked %broadcast_in_dim3A_914 {add = true} : memref<320x80xf32, #tpu.memory_space<vmem>>[vector<16xi32>, vector<16xi32>], vector<16xf32>, vector<16xi1>
        %add3A_942 = arith.constant 48 : i32
        %add3A_943 = vector.broadcast %add3A_942 : i32 to vector<16xi32>
        %add3A_944 = arith.addi %iota3A, %add3A_943 : vector<16xi32>
        %get3A_945 = arith.constant 1 : i32
        %get3A_946 = arith.index_cast %get3A_945 : i32 to index
        %get3A_947 = arith.index_cast %add3A_904 : i32 to index
        %get3A_948 = arith.constant 48 : index
        %get3A_949 = tpu.vector_load %arg12[%get3A_946, %get3A_947, %get3A_948] {strides = array<i32>} : memref<2x256x64xf32, #tpu.memory_space<vmem>>, vector<16xf32>,
        tpu.vector_store_idx %arg13[%broadcast_in_dim3A_917, %add3A_944], %get3A_949 masked %broadcast_in_dim3A_914 {add = true} : memref<320x80xf32, #tpu.memory_space<vmem>>[vector<16xi32>, vector<16xi32>], vector<16xf32>, vector<16xi1>
        %add3A_950 = arith.constant 64 : i32
        %add3A_951 = vector.broadcast %add3A_950 : i32 to vector<16xi32>
        %add3A_952 = arith.addi %iota3A, %add3A_951 : vector<16xi32>
        tpu.vector_store_idx %arg13[%broadcast_in_dim3A_917, %add3A_952], %select_n3A masked %broadcast_in_dim3A_914 {add = true} : memref<320x80xf32, #tpu.memory_space<vmem>>[vector<16xi32>, vector<16xi32>], vector<16xf32>, vector<16xi1>
        %mul3A_953 = arith.constant 16 : i32
        %mul3A_954 = arith.muli %add3A_574, %mul3A_953 : i32
        %add3A_955 = arith.constant 7 : i32
        %add3A_956 = arith.addi %mul3A_954, %add3A_955 : i32
        %add3A_957 = arith.addi %add3A_498, %add3A_956 : i32
        %ge3A_958 = arith.cmpi sge, %add3A_957, %squeeze3A : i32
        %lt3A_959 = arith.cmpi slt, %add3A_957, %squeeze3A_16 : i32
        %and3A_960 = arith.andi %ge3A_958, %lt3A_959 : i1
        %slice3A_961 = vector.extract_strided_slice %get3A_591 {offsets = [7], sizes = [1], strides = [1]} : vector<16xi32> to vector<1xi32>
        %squeeze3A_962 = vector.extract %slice3A_961[0] : i32 from vector<1xi32>
        %le3A_963 = arith.constant 160000 : i32
        %le3A_964 = arith.cmpi sle, %squeeze3A_962, %le3A_963 : i32
        %and3A_965 = arith.andi %and3A_960, %le3A_964 : i1
        %broadcast_in_dim3A_966 = vector.broadcast %and3A_965 : i1 to vector<16xi1>
        %slice3A_967 = vector.extract_strided_slice %min3A_585 {offsets = [7], sizes = [1], strides = [1]} : vector<16xi32> to vector<1xi32>
        %squeeze3A_968 = vector.extract %slice3A_967[0] : i32 from vector<1xi32>
        %broadcast_in_dim3A_969 = vector.broadcast %squeeze3A_968 : i32 to vector<16xi32>
        %add3A_970 = arith.constant 0 : i32
        %add3A_971 = vector.broadcast %add3A_970 : i32 to vector<16xi32>
        %add3A_972 = arith.addi %iota3A, %add3A_971 : vector<16xi32>
        %get3A_973 = arith.constant 1 : i32
        %get3A_974 = arith.index_cast %get3A_973 : i32 to index
        %get3A_975 = arith.index_cast %add3A_956 : i32 to index
        %get3A_976 = arith.constant 0 : index
        %get3A_977 = tpu.vector_load %arg12[%get3A_974, %get3A_975, %get3A_976] {strides = array<i32>} : memref<2x256x64xf32, #tpu.memory_space<vmem>>, vector<16xf32>,
        tpu.vector_store_idx %arg13[%broadcast_in_dim3A_969, %add3A_972], %get3A_977 masked %broadcast_in_dim3A_966 {add = true} : memref<320x80xf32, #tpu.memory_space<vmem>>[vector<16xi32>, vector<16xi32>], vector<16xf32>, vector<16xi1>
        %add3A_978 = arith.constant 16 : i32
        %add3A_979 = vector.broadcast %add3A_978 : i32 to vector<16xi32>
        %add3A_980 = arith.addi %iota3A, %add3A_979 : vector<16xi32>
        %get3A_981 = arith.constant 1 : i32
        %get3A_982 = arith.index_cast %get3A_981 : i32 to index
        %get3A_983 = arith.index_cast %add3A_956 : i32 to index
        %get3A_984 = arith.constant 16 : index
        %get3A_985 = tpu.vector_load %arg12[%get3A_982, %get3A_983, %get3A_984] {strides = array<i32>} : memref<2x256x64xf32, #tpu.memory_space<vmem>>, vector<16xf32>,
        tpu.vector_store_idx %arg13[%broadcast_in_dim3A_969, %add3A_980], %get3A_985 masked %broadcast_in_dim3A_966 {add = true} : memref<320x80xf32, #tpu.memory_space<vmem>>[vector<16xi32>, vector<16xi32>], vector<16xf32>, vector<16xi1>
        %add3A_986 = arith.constant 32 : i32
        %add3A_987 = vector.broadcast %add3A_986 : i32 to vector<16xi32>
        %add3A_988 = arith.addi %iota3A, %add3A_987 : vector<16xi32>
        %get3A_989 = arith.constant 1 : i32
        %get3A_990 = arith.index_cast %get3A_989 : i32 to index
        %get3A_991 = arith.index_cast %add3A_956 : i32 to index
        %get3A_992 = arith.constant 32 : index
        %get3A_993 = tpu.vector_load %arg12[%get3A_990, %get3A_991, %get3A_992] {strides = array<i32>} : memref<2x256x64xf32, #tpu.memory_space<vmem>>, vector<16xf32>,
        tpu.vector_store_idx %arg13[%broadcast_in_dim3A_969, %add3A_988], %get3A_993 masked %broadcast_in_dim3A_966 {add = true} : memref<320x80xf32, #tpu.memory_space<vmem>>[vector<16xi32>, vector<16xi32>], vector<16xf32>, vector<16xi1>
        %add3A_994 = arith.constant 48 : i32
        %add3A_995 = vector.broadcast %add3A_994 : i32 to vector<16xi32>
        %add3A_996 = arith.addi %iota3A, %add3A_995 : vector<16xi32>
        %get3A_997 = arith.constant 1 : i32
        %get3A_998 = arith.index_cast %get3A_997 : i32 to index
        %get3A_999 = arith.index_cast %add3A_956 : i32 to index
        %get3A_1000 = arith.constant 48 : index
        %get3A_1001 = tpu.vector_load %arg12[%get3A_998, %get3A_999, %get3A_1000] {strides = array<i32>} : memref<2x256x64xf32, #tpu.memory_space<vmem>>, vector<16xf32>,
        tpu.vector_store_idx %arg13[%broadcast_in_dim3A_969, %add3A_996], %get3A_1001 masked %broadcast_in_dim3A_966 {add = true} : memref<320x80xf32, #tpu.memory_space<vmem>>[vector<16xi32>, vector<16xi32>], vector<16xf32>, vector<16xi1>
        %add3A_1002 = arith.constant 64 : i32
        %add3A_1003 = vector.broadcast %add3A_1002 : i32 to vector<16xi32>
        %add3A_1004 = arith.addi %iota3A, %add3A_1003 : vector<16xi32>
        tpu.vector_store_idx %arg13[%broadcast_in_dim3A_969, %add3A_1004], %select_n3A masked %broadcast_in_dim3A_966 {add = true} : memref<320x80xf32, #tpu.memory_space<vmem>>[vector<16xi32>, vector<16xi32>], vector<16xf32>, vector<16xi1>
        %mul3A_1005 = arith.constant 16 : i32
        %mul3A_1006 = arith.muli %add3A_574, %mul3A_1005 : i32
        %add3A_1007 = arith.constant 8 : i32
        %add3A_1008 = arith.addi %mul3A_1006, %add3A_1007 : i32
        %add3A_1009 = arith.addi %add3A_498, %add3A_1008 : i32
        %ge3A_1010 = arith.cmpi sge, %add3A_1009, %squeeze3A : i32
        %lt3A_1011 = arith.cmpi slt, %add3A_1009, %squeeze3A_16 : i32
        %and3A_1012 = arith.andi %ge3A_1010, %lt3A_1011 : i1
        %slice3A_1013 = vector.extract_strided_slice %get3A_591 {offsets = [8], sizes = [1], strides = [1]} : vector<16xi32> to vector<1xi32>
        %squeeze3A_1014 = vector.extract %slice3A_1013[0] : i32 from vector<1xi32>
        %le3A_1015 = arith.constant 160000 : i32
        %le3A_1016 = arith.cmpi sle, %squeeze3A_1014, %le3A_1015 : i32
        %and3A_1017 = arith.andi %and3A_1012, %le3A_1016 : i1
        %broadcast_in_dim3A_1018 = vector.broadcast %and3A_1017 : i1 to vector<16xi1>
        %slice3A_1019 = vector.extract_strided_slice %min3A_585 {offsets = [8], sizes = [1], strides = [1]} : vector<16xi32> to vector<1xi32>
        %squeeze3A_1020 = vector.extract %slice3A_1019[0] : i32 from vector<1xi32>
        %broadcast_in_dim3A_1021 = vector.broadcast %squeeze3A_1020 : i32 to vector<16xi32>
        %add3A_1022 = arith.constant 0 : i32
        %add3A_1023 = vector.broadcast %add3A_1022 : i32 to vector<16xi32>
        %add3A_1024 = arith.addi %iota3A, %add3A_1023 : vector<16xi32>
        %get3A_1025 = arith.constant 1 : i32
        %get3A_1026 = arith.index_cast %get3A_1025 : i32 to index
        %get3A_1027 = arith.index_cast %add3A_1008 : i32 to index
        %get3A_1028 = arith.constant 0 : index
        %get3A_1029 = tpu.vector_load %arg12[%get3A_1026, %get3A_1027, %get3A_1028] {strides = array<i32>} : memref<2x256x64xf32, #tpu.memory_space<vmem>>, vector<16xf32>,
        tpu.vector_store_idx %arg13[%broadcast_in_dim3A_1021, %add3A_1024], %get3A_1029 masked %broadcast_in_dim3A_1018 {add = true} : memref<320x80xf32, #tpu.memory_space<vmem>>[vector<16xi32>, vector<16xi32>], vector<16xf32>, vector<16xi1>
        %add3A_1030 = arith.constant 16 : i32
        %add3A_1031 = vector.broadcast %add3A_1030 : i32 to vector<16xi32>
        %add3A_1032 = arith.addi %iota3A, %add3A_1031 : vector<16xi32>
        %get3A_1033 = arith.constant 1 : i32
        %get3A_1034 = arith.index_cast %get3A_1033 : i32 to index
        %get3A_1035 = arith.index_cast %add3A_1008 : i32 to index
        %get3A_1036 = arith.constant 16 : index
        %get3A_1037 = tpu.vector_load %arg12[%get3A_1034, %get3A_1035, %get3A_1036] {strides = array<i32>} : memref<2x256x64xf32, #tpu.memory_space<vmem>>, vector<16xf32>,
        tpu.vector_store_idx %arg13[%broadcast_in_dim3A_1021, %add3A_1032], %get3A_1037 masked %broadcast_in_dim3A_1018 {add = true} : memref<320x80xf32, #tpu.memory_space<vmem>>[vector<16xi32>, vector<16xi32>], vector<16xf32>, vector<16xi1>
        %add3A_1038 = arith.constant 32 : i32
        %add3A_1039 = vector.broadcast %add3A_1038 : i32 to vector<16xi32>
        %add3A_1040 = arith.addi %iota3A, %add3A_1039 : vector<16xi32>
        %get3A_1041 = arith.constant 1 : i32
        %get3A_1042 = arith.index_cast %get3A_1041 : i32 to index
        %get3A_1043 = arith.index_cast %add3A_1008 : i32 to index
        %get3A_1044 = arith.constant 32 : index
        %get3A_1045 = tpu.vector_load %arg12[%get3A_1042, %get3A_1043, %get3A_1044] {strides = array<i32>} : memref<2x256x64xf32, #tpu.memory_space<vmem>>, vector<16xf32>,
        tpu.vector_store_idx %arg13[%broadcast_in_dim3A_1021, %add3A_1040], %get3A_1045 masked %broadcast_in_dim3A_1018 {add = true} : memref<320x80xf32, #tpu.memory_space<vmem>>[vector<16xi32>, vector<16xi32>], vector<16xf32>, vector<16xi1>
        %add3A_1046 = arith.constant 48 : i32
        %add3A_1047 = vector.broadcast %add3A_1046 : i32 to vector<16xi32>
        %add3A_1048 = arith.addi %iota3A, %add3A_1047 : vector<16xi32>
        %get3A_1049 = arith.constant 1 : i32
        %get3A_1050 = arith.index_cast %get3A_1049 : i32 to index
        %get3A_1051 = arith.index_cast %add3A_1008 : i32 to index
        %get3A_1052 = arith.constant 48 : index
        %get3A_1053 = tpu.vector_load %arg12[%get3A_1050, %get3A_1051, %get3A_1052] {strides = array<i32>} : memref<2x256x64xf32, #tpu.memory_space<vmem>>, vector<16xf32>,
        tpu.vector_store_idx %arg13[%broadcast_in_dim3A_1021, %add3A_1048], %get3A_1053 masked %broadcast_in_dim3A_1018 {add = true} : memref<320x80xf32, #tpu.memory_space<vmem>>[vector<16xi32>, vector<16xi32>], vector<16xf32>, vector<16xi1>
        %add3A_1054 = arith.constant 64 : i32
        %add3A_1055 = vector.broadcast %add3A_1054 : i32 to vector<16xi32>
        %add3A_1056 = arith.addi %iota3A, %add3A_1055 : vector<16xi32>
        tpu.vector_store_idx %arg13[%broadcast_in_dim3A_1021, %add3A_1056], %select_n3A masked %broadcast_in_dim3A_1018 {add = true} : memref<320x80xf32, #tpu.memory_space<vmem>>[vector<16xi32>, vector<16xi32>], vector<16xf32>, vector<16xi1>
        %mul3A_1057 = arith.constant 16 : i32
        %mul3A_1058 = arith.muli %add3A_574, %mul3A_1057 : i32
        %add3A_1059 = arith.constant 9 : i32
        %add3A_1060 = arith.addi %mul3A_1058, %add3A_1059 : i32
        %add3A_1061 = arith.addi %add3A_498, %add3A_1060 : i32
        %ge3A_1062 = arith.cmpi sge, %add3A_1061, %squeeze3A : i32
        %lt3A_1063 = arith.cmpi slt, %add3A_1061, %squeeze3A_16 : i32
        %and3A_1064 = arith.andi %ge3A_1062, %lt3A_1063 : i1
        %slice3A_1065 = vector.extract_strided_slice %get3A_591 {offsets = [9], sizes = [1], strides = [1]} : vector<16xi32> to vector<1xi32>
        %squeeze3A_1066 = vector.extract %slice3A_1065[0] : i32 from vector<1xi32>
        %le3A_1067 = arith.constant 160000 : i32
        %le3A_1068 = arith.cmpi sle, %squeeze3A_1066, %le3A_1067 : i32
        %and3A_1069 = arith.andi %and3A_1064, %le3A_1068 : i1
        %broadcast_in_dim3A_1070 = vector.broadcast %and3A_1069 : i1 to vector<16xi1>
        %slice3A_1071 = vector.extract_strided_slice %min3A_585 {offsets = [9], sizes = [1], strides = [1]} : vector<16xi32> to vector<1xi32>
        %squeeze3A_1072 = vector.extract %slice3A_1071[0] : i32 from vector<1xi32>
        %broadcast_in_dim3A_1073 = vector.broadcast %squeeze3A_1072 : i32 to vector<16xi32>
        %add3A_1074 = arith.constant 0 : i32
        %add3A_1075 = vector.broadcast %add3A_1074 : i32 to vector<16xi32>
        %add3A_1076 = arith.addi %iota3A, %add3A_1075 : vector<16xi32>
        %get3A_1077 = arith.constant 1 : i32
        %get3A_1078 = arith.index_cast %get3A_1077 : i32 to index
        %get3A_1079 = arith.index_cast %add3A_1060 : i32 to index
        %get3A_1080 = arith.constant 0 : index
        %get3A_1081 = tpu.vector_load %arg12[%get3A_1078, %get3A_1079, %get3A_1080] {strides = array<i32>} : memref<2x256x64xf32, #tpu.memory_space<vmem>>, vector<16xf32>,
        tpu.vector_store_idx %arg13[%broadcast_in_dim3A_1073, %add3A_1076], %get3A_1081 masked %broadcast_in_dim3A_1070 {add = true} : memref<320x80xf32, #tpu.memory_space<vmem>>[vector<16xi32>, vector<16xi32>], vector<16xf32>, vector<16xi1>
        %add3A_1082 = arith.constant 16 : i32
        %add3A_1083 = vector.broadcast %add3A_1082 : i32 to vector<16xi32>
        %add3A_1084 = arith.addi %iota3A, %add3A_1083 : vector<16xi32>
        %get3A_1085 = arith.constant 1 : i32
        %get3A_1086 = arith.index_cast %get3A_1085 : i32 to index
        %get3A_1087 = arith.index_cast %add3A_1060 : i32 to index
        %get3A_1088 = arith.constant 16 : index
        %get3A_1089 = tpu.vector_load %arg12[%get3A_1086, %get3A_1087, %get3A_1088] {strides = array<i32>} : memref<2x256x64xf32, #tpu.memory_space<vmem>>, vector<16xf32>,
        tpu.vector_store_idx %arg13[%broadcast_in_dim3A_1073, %add3A_1084], %get3A_1089 masked %broadcast_in_dim3A_1070 {add = true} : memref<320x80xf32, #tpu.memory_space<vmem>>[vector<16xi32>, vector<16xi32>], vector<16xf32>, vector<16xi1>
        %add3A_1090 = arith.constant 32 : i32
        %add3A_1091 = vector.broadcast %add3A_1090 : i32 to vector<16xi32>
        %add3A_1092 = arith.addi %iota3A, %add3A_1091 : vector<16xi32>
        %get3A_1093 = arith.constant 1 : i32
        %get3A_1094 = arith.index_cast %get3A_1093 : i32 to index
        %get3A_1095 = arith.index_cast %add3A_1060 : i32 to index
        %get3A_1096 = arith.constant 32 : index
        %get3A_1097 = tpu.vector_load %arg12[%get3A_1094, %get3A_1095, %get3A_1096] {strides = array<i32>} : memref<2x256x64xf32, #tpu.memory_space<vmem>>, vector<16xf32>,
        tpu.vector_store_idx %arg13[%broadcast_in_dim3A_1073, %add3A_1092], %get3A_1097 masked %broadcast_in_dim3A_1070 {add = true} : memref<320x80xf32, #tpu.memory_space<vmem>>[vector<16xi32>, vector<16xi32>], vector<16xf32>, vector<16xi1>
        %add3A_1098 = arith.constant 48 : i32
        %add3A_1099 = vector.broadcast %add3A_1098 : i32 to vector<16xi32>
        %add3A_1100 = arith.addi %iota3A, %add3A_1099 : vector<16xi32>
        %get3A_1101 = arith.constant 1 : i32
        %get3A_1102 = arith.index_cast %get3A_1101 : i32 to index
        %get3A_1103 = arith.index_cast %add3A_1060 : i32 to index
        %get3A_1104 = arith.constant 48 : index
        %get3A_1105 = tpu.vector_load %arg12[%get3A_1102, %get3A_1103, %get3A_1104] {strides = array<i32>} : memref<2x256x64xf32, #tpu.memory_space<vmem>>, vector<16xf32>,
        tpu.vector_store_idx %arg13[%broadcast_in_dim3A_1073, %add3A_1100], %get3A_1105 masked %broadcast_in_dim3A_1070 {add = true} : memref<320x80xf32, #tpu.memory_space<vmem>>[vector<16xi32>, vector<16xi32>], vector<16xf32>, vector<16xi1>
        %add3A_1106 = arith.constant 64 : i32
        %add3A_1107 = vector.broadcast %add3A_1106 : i32 to vector<16xi32>
        %add3A_1108 = arith.addi %iota3A, %add3A_1107 : vector<16xi32>
        tpu.vector_store_idx %arg13[%broadcast_in_dim3A_1073, %add3A_1108], %select_n3A masked %broadcast_in_dim3A_1070 {add = true} : memref<320x80xf32, #tpu.memory_space<vmem>>[vector<16xi32>, vector<16xi32>], vector<16xf32>, vector<16xi1>
        %mul3A_1109 = arith.constant 16 : i32
        %mul3A_1110 = arith.muli %add3A_574, %mul3A_1109 : i32
        %add3A_1111 = arith.constant 10 : i32
        %add3A_1112 = arith.addi %mul3A_1110, %add3A_1111 : i32
        %add3A_1113 = arith.addi %add3A_498, %add3A_1112 : i32
        %ge3A_1114 = arith.cmpi sge, %add3A_1113, %squeeze3A : i32
        %lt3A_1115 = arith.cmpi slt, %add3A_1113, %squeeze3A_16 : i32
        %and3A_1116 = arith.andi %ge3A_1114, %lt3A_1115 : i1
        %slice3A_1117 = vector.extract_strided_slice %get3A_591 {offsets = [10], sizes = [1], strides = [1]} : vector<16xi32> to vector<1xi32>
        %squeeze3A_1118 = vector.extract %slice3A_1117[0] : i32 from vector<1xi32>
        %le3A_1119 = arith.constant 160000 : i32
        %le3A_1120 = arith.cmpi sle, %squeeze3A_1118, %le3A_1119 : i32
        %and3A_1121 = arith.andi %and3A_1116, %le3A_1120 : i1
        %broadcast_in_dim3A_1122 = vector.broadcast %and3A_1121 : i1 to vector<16xi1>
        %slice3A_1123 = vector.extract_strided_slice %min3A_585 {offsets = [10], sizes = [1], strides = [1]} : vector<16xi32> to vector<1xi32>
        %squeeze3A_1124 = vector.extract %slice3A_1123[0] : i32 from vector<1xi32>
        %broadcast_in_dim3A_1125 = vector.broadcast %squeeze3A_1124 : i32 to vector<16xi32>
        %add3A_1126 = arith.constant 0 : i32
        %add3A_1127 = vector.broadcast %add3A_1126 : i32 to vector<16xi32>
        %add3A_1128 = arith.addi %iota3A, %add3A_1127 : vector<16xi32>
        %get3A_1129 = arith.constant 1 : i32
        %get3A_1130 = arith.index_cast %get3A_1129 : i32 to index
        %get3A_1131 = arith.index_cast %add3A_1112 : i32 to index
        %get3A_1132 = arith.constant 0 : index
        %get3A_1133 = tpu.vector_load %arg12[%get3A_1130, %get3A_1131, %get3A_1132] {strides = array<i32>} : memref<2x256x64xf32, #tpu.memory_space<vmem>>, vector<16xf32>,
        tpu.vector_store_idx %arg13[%broadcast_in_dim3A_1125, %add3A_1128], %get3A_1133 masked %broadcast_in_dim3A_1122 {add = true} : memref<320x80xf32, #tpu.memory_space<vmem>>[vector<16xi32>, vector<16xi32>], vector<16xf32>, vector<16xi1>
        %add3A_1134 = arith.constant 16 : i32
        %add3A_1135 = vector.broadcast %add3A_1134 : i32 to vector<16xi32>
        %add3A_1136 = arith.addi %iota3A, %add3A_1135 : vector<16xi32>
        %get3A_1137 = arith.constant 1 : i32
        %get3A_1138 = arith.index_cast %get3A_1137 : i32 to index
        %get3A_1139 = arith.index_cast %add3A_1112 : i32 to index
        %get3A_1140 = arith.constant 16 : index
        %get3A_1141 = tpu.vector_load %arg12[%get3A_1138, %get3A_1139, %get3A_1140] {strides = array<i32>} : memref<2x256x64xf32, #tpu.memory_space<vmem>>, vector<16xf32>,
        tpu.vector_store_idx %arg13[%broadcast_in_dim3A_1125, %add3A_1136], %get3A_1141 masked %broadcast_in_dim3A_1122 {add = true} : memref<320x80xf32, #tpu.memory_space<vmem>>[vector<16xi32>, vector<16xi32>], vector<16xf32>, vector<16xi1>
        %add3A_1142 = arith.constant 32 : i32
        %add3A_1143 = vector.broadcast %add3A_1142 : i32 to vector<16xi32>
        %add3A_1144 = arith.addi %iota3A, %add3A_1143 : vector<16xi32>
        %get3A_1145 = arith.constant 1 : i32
        %get3A_1146 = arith.index_cast %get3A_1145 : i32 to index
        %get3A_1147 = arith.index_cast %add3A_1112 : i32 to index
        %get3A_1148 = arith.constant 32 : index
        %get3A_1149 = tpu.vector_load %arg12[%get3A_1146, %get3A_1147, %get3A_1148] {strides = array<i32>} : memref<2x256x64xf32, #tpu.memory_space<vmem>>, vector<16xf32>,
        tpu.vector_store_idx %arg13[%broadcast_in_dim3A_1125, %add3A_1144], %get3A_1149 masked %broadcast_in_dim3A_1122 {add = true} : memref<320x80xf32, #tpu.memory_space<vmem>>[vector<16xi32>, vector<16xi32>], vector<16xf32>, vector<16xi1>
        %add3A_1150 = arith.constant 48 : i32
        %add3A_1151 = vector.broadcast %add3A_1150 : i32 to vector<16xi32>
        %add3A_1152 = arith.addi %iota3A, %add3A_1151 : vector<16xi32>
        %get3A_1153 = arith.constant 1 : i32
        %get3A_1154 = arith.index_cast %get3A_1153 : i32 to index
        %get3A_1155 = arith.index_cast %add3A_1112 : i32 to index
        %get3A_1156 = arith.constant 48 : index
        %get3A_1157 = tpu.vector_load %arg12[%get3A_1154, %get3A_1155, %get3A_1156] {strides = array<i32>} : memref<2x256x64xf32, #tpu.memory_space<vmem>>, vector<16xf32>,
        tpu.vector_store_idx %arg13[%broadcast_in_dim3A_1125, %add3A_1152], %get3A_1157 masked %broadcast_in_dim3A_1122 {add = true} : memref<320x80xf32, #tpu.memory_space<vmem>>[vector<16xi32>, vector<16xi32>], vector<16xf32>, vector<16xi1>
        %add3A_1158 = arith.constant 64 : i32
        %add3A_1159 = vector.broadcast %add3A_1158 : i32 to vector<16xi32>
        %add3A_1160 = arith.addi %iota3A, %add3A_1159 : vector<16xi32>
        tpu.vector_store_idx %arg13[%broadcast_in_dim3A_1125, %add3A_1160], %select_n3A masked %broadcast_in_dim3A_1122 {add = true} : memref<320x80xf32, #tpu.memory_space<vmem>>[vector<16xi32>, vector<16xi32>], vector<16xf32>, vector<16xi1>
        %mul3A_1161 = arith.constant 16 : i32
        %mul3A_1162 = arith.muli %add3A_574, %mul3A_1161 : i32
        %add3A_1163 = arith.constant 11 : i32
        %add3A_1164 = arith.addi %mul3A_1162, %add3A_1163 : i32
        %add3A_1165 = arith.addi %add3A_498, %add3A_1164 : i32
        %ge3A_1166 = arith.cmpi sge, %add3A_1165, %squeeze3A : i32
        %lt3A_1167 = arith.cmpi slt, %add3A_1165, %squeeze3A_16 : i32
        %and3A_1168 = arith.andi %ge3A_1166, %lt3A_1167 : i1
        %slice3A_1169 = vector.extract_strided_slice %get3A_591 {offsets = [11], sizes = [1], strides = [1]} : vector<16xi32> to vector<1xi32>
        %squeeze3A_1170 = vector.extract %slice3A_1169[0] : i32 from vector<1xi32>
        %le3A_1171 = arith.constant 160000 : i32
        %le3A_1172 = arith.cmpi sle, %squeeze3A_1170, %le3A_1171 : i32
        %and3A_1173 = arith.andi %and3A_1168, %le3A_1172 : i1
        %broadcast_in_dim3A_1174 = vector.broadcast %and3A_1173 : i1 to vector<16xi1>
        %slice3A_1175 = vector.extract_strided_slice %min3A_585 {offsets = [11], sizes = [1], strides = [1]} : vector<16xi32> to vector<1xi32>
        %squeeze3A_1176 = vector.extract %slice3A_1175[0] : i32 from vector<1xi32>
        %broadcast_in_dim3A_1177 = vector.broadcast %squeeze3A_1176 : i32 to vector<16xi32>
        %add3A_1178 = arith.constant 0 : i32
        %add3A_1179 = vector.broadcast %add3A_1178 : i32 to vector<16xi32>
        %add3A_1180 = arith.addi %iota3A, %add3A_1179 : vector<16xi32>
        %get3A_1181 = arith.constant 1 : i32
        %get3A_1182 = arith.index_cast %get3A_1181 : i32 to index
        %get3A_1183 = arith.index_cast %add3A_1164 : i32 to index
        %get3A_1184 = arith.constant 0 : index
        %get3A_1185 = tpu.vector_load %arg12[%get3A_1182, %get3A_1183, %get3A_1184] {strides = array<i32>} : memref<2x256x64xf32, #tpu.memory_space<vmem>>, vector<16xf32>,
        tpu.vector_store_idx %arg13[%broadcast_in_dim3A_1177, %add3A_1180], %get3A_1185 masked %broadcast_in_dim3A_1174 {add = true} : memref<320x80xf32, #tpu.memory_space<vmem>>[vector<16xi32>, vector<16xi32>], vector<16xf32>, vector<16xi1>
        %add3A_1186 = arith.constant 16 : i32
        %add3A_1187 = vector.broadcast %add3A_1186 : i32 to vector<16xi32>
        %add3A_1188 = arith.addi %iota3A, %add3A_1187 : vector<16xi32>
        %get3A_1189 = arith.constant 1 : i32
        %get3A_1190 = arith.index_cast %get3A_1189 : i32 to index
        %get3A_1191 = arith.index_cast %add3A_1164 : i32 to index
        %get3A_1192 = arith.constant 16 : index
        %get3A_1193 = tpu.vector_load %arg12[%get3A_1190, %get3A_1191, %get3A_1192] {strides = array<i32>} : memref<2x256x64xf32, #tpu.memory_space<vmem>>, vector<16xf32>,
        tpu.vector_store_idx %arg13[%broadcast_in_dim3A_1177, %add3A_1188], %get3A_1193 masked %broadcast_in_dim3A_1174 {add = true} : memref<320x80xf32, #tpu.memory_space<vmem>>[vector<16xi32>, vector<16xi32>], vector<16xf32>, vector<16xi1>
        %add3A_1194 = arith.constant 32 : i32
        %add3A_1195 = vector.broadcast %add3A_1194 : i32 to vector<16xi32>
        %add3A_1196 = arith.addi %iota3A, %add3A_1195 : vector<16xi32>
        %get3A_1197 = arith.constant 1 : i32
        %get3A_1198 = arith.index_cast %get3A_1197 : i32 to index
        %get3A_1199 = arith.index_cast %add3A_1164 : i32 to index
        %get3A_1200 = arith.constant 32 : index
        %get3A_1201 = tpu.vector_load %arg12[%get3A_1198, %get3A_1199, %get3A_1200] {strides = array<i32>} : memref<2x256x64xf32, #tpu.memory_space<vmem>>, vector<16xf32>,
        tpu.vector_store_idx %arg13[%broadcast_in_dim3A_1177, %add3A_1196], %get3A_1201 masked %broadcast_in_dim3A_1174 {add = true} : memref<320x80xf32, #tpu.memory_space<vmem>>[vector<16xi32>, vector<16xi32>], vector<16xf32>, vector<16xi1>
        %add3A_1202 = arith.constant 48 : i32
        %add3A_1203 = vector.broadcast %add3A_1202 : i32 to vector<16xi32>
        %add3A_1204 = arith.addi %iota3A, %add3A_1203 : vector<16xi32>
        %get3A_1205 = arith.constant 1 : i32
        %get3A_1206 = arith.index_cast %get3A_1205 : i32 to index
        %get3A_1207 = arith.index_cast %add3A_1164 : i32 to index
        %get3A_1208 = arith.constant 48 : index
        %get3A_1209 = tpu.vector_load %arg12[%get3A_1206, %get3A_1207, %get3A_1208] {strides = array<i32>} : memref<2x256x64xf32, #tpu.memory_space<vmem>>, vector<16xf32>,
        tpu.vector_store_idx %arg13[%broadcast_in_dim3A_1177, %add3A_1204], %get3A_1209 masked %broadcast_in_dim3A_1174 {add = true} : memref<320x80xf32, #tpu.memory_space<vmem>>[vector<16xi32>, vector<16xi32>], vector<16xf32>, vector<16xi1>
        %add3A_1210 = arith.constant 64 : i32
        %add3A_1211 = vector.broadcast %add3A_1210 : i32 to vector<16xi32>
        %add3A_1212 = arith.addi %iota3A, %add3A_1211 : vector<16xi32>
        tpu.vector_store_idx %arg13[%broadcast_in_dim3A_1177, %add3A_1212], %select_n3A masked %broadcast_in_dim3A_1174 {add = true} : memref<320x80xf32, #tpu.memory_space<vmem>>[vector<16xi32>, vector<16xi32>], vector<16xf32>, vector<16xi1>
        %mul3A_1213 = arith.constant 16 : i32
        %mul3A_1214 = arith.muli %add3A_574, %mul3A_1213 : i32
        %add3A_1215 = arith.constant 12 : i32
        %add3A_1216 = arith.addi %mul3A_1214, %add3A_1215 : i32
        %add3A_1217 = arith.addi %add3A_498, %add3A_1216 : i32
        %ge3A_1218 = arith.cmpi sge, %add3A_1217, %squeeze3A : i32
        %lt3A_1219 = arith.cmpi slt, %add3A_1217, %squeeze3A_16 : i32
        %and3A_1220 = arith.andi %ge3A_1218, %lt3A_1219 : i1
        %slice3A_1221 = vector.extract_strided_slice %get3A_591 {offsets = [12], sizes = [1], strides = [1]} : vector<16xi32> to vector<1xi32>
        %squeeze3A_1222 = vector.extract %slice3A_1221[0] : i32 from vector<1xi32>
        %le3A_1223 = arith.constant 160000 : i32
        %le3A_1224 = arith.cmpi sle, %squeeze3A_1222, %le3A_1223 : i32
        %and3A_1225 = arith.andi %and3A_1220, %le3A_1224 : i1
        %broadcast_in_dim3A_1226 = vector.broadcast %and3A_1225 : i1 to vector<16xi1>
        %slice3A_1227 = vector.extract_strided_slice %min3A_585 {offsets = [12], sizes = [1], strides = [1]} : vector<16xi32> to vector<1xi32>
        %squeeze3A_1228 = vector.extract %slice3A_1227[0] : i32 from vector<1xi32>
        %broadcast_in_dim3A_1229 = vector.broadcast %squeeze3A_1228 : i32 to vector<16xi32>
        %add3A_1230 = arith.constant 0 : i32
        %add3A_1231 = vector.broadcast %add3A_1230 : i32 to vector<16xi32>
        %add3A_1232 = arith.addi %iota3A, %add3A_1231 : vector<16xi32>
        %get3A_1233 = arith.constant 1 : i32
        %get3A_1234 = arith.index_cast %get3A_1233 : i32 to index
        %get3A_1235 = arith.index_cast %add3A_1216 : i32 to index
        %get3A_1236 = arith.constant 0 : index
        %get3A_1237 = tpu.vector_load %arg12[%get3A_1234, %get3A_1235, %get3A_1236] {strides = array<i32>} : memref<2x256x64xf32, #tpu.memory_space<vmem>>, vector<16xf32>,
        tpu.vector_store_idx %arg13[%broadcast_in_dim3A_1229, %add3A_1232], %get3A_1237 masked %broadcast_in_dim3A_1226 {add = true} : memref<320x80xf32, #tpu.memory_space<vmem>>[vector<16xi32>, vector<16xi32>], vector<16xf32>, vector<16xi1>
        %add3A_1238 = arith.constant 16 : i32
        %add3A_1239 = vector.broadcast %add3A_1238 : i32 to vector<16xi32>
        %add3A_1240 = arith.addi %iota3A, %add3A_1239 : vector<16xi32>
        %get3A_1241 = arith.constant 1 : i32
        %get3A_1242 = arith.index_cast %get3A_1241 : i32 to index
        %get3A_1243 = arith.index_cast %add3A_1216 : i32 to index
        %get3A_1244 = arith.constant 16 : index
        %get3A_1245 = tpu.vector_load %arg12[%get3A_1242, %get3A_1243, %get3A_1244] {strides = array<i32>} : memref<2x256x64xf32, #tpu.memory_space<vmem>>, vector<16xf32>,
        tpu.vector_store_idx %arg13[%broadcast_in_dim3A_1229, %add3A_1240], %get3A_1245 masked %broadcast_in_dim3A_1226 {add = true} : memref<320x80xf32, #tpu.memory_space<vmem>>[vector<16xi32>, vector<16xi32>], vector<16xf32>, vector<16xi1>
        %add3A_1246 = arith.constant 32 : i32
        %add3A_1247 = vector.broadcast %add3A_1246 : i32 to vector<16xi32>
        %add3A_1248 = arith.addi %iota3A, %add3A_1247 : vector<16xi32>
        %get3A_1249 = arith.constant 1 : i32
        %get3A_1250 = arith.index_cast %get3A_1249 : i32 to index
        %get3A_1251 = arith.index_cast %add3A_1216 : i32 to index
        %get3A_1252 = arith.constant 32 : index
        %get3A_1253 = tpu.vector_load %arg12[%get3A_1250, %get3A_1251, %get3A_1252] {strides = array<i32>} : memref<2x256x64xf32, #tpu.memory_space<vmem>>, vector<16xf32>,
        tpu.vector_store_idx %arg13[%broadcast_in_dim3A_1229, %add3A_1248], %get3A_1253 masked %broadcast_in_dim3A_1226 {add = true} : memref<320x80xf32, #tpu.memory_space<vmem>>[vector<16xi32>, vector<16xi32>], vector<16xf32>, vector<16xi1>
        %add3A_1254 = arith.constant 48 : i32
        %add3A_1255 = vector.broadcast %add3A_1254 : i32 to vector<16xi32>
        %add3A_1256 = arith.addi %iota3A, %add3A_1255 : vector<16xi32>
        %get3A_1257 = arith.constant 1 : i32
        %get3A_1258 = arith.index_cast %get3A_1257 : i32 to index
        %get3A_1259 = arith.index_cast %add3A_1216 : i32 to index
        %get3A_1260 = arith.constant 48 : index
        %get3A_1261 = tpu.vector_load %arg12[%get3A_1258, %get3A_1259, %get3A_1260] {strides = array<i32>} : memref<2x256x64xf32, #tpu.memory_space<vmem>>, vector<16xf32>,
        tpu.vector_store_idx %arg13[%broadcast_in_dim3A_1229, %add3A_1256], %get3A_1261 masked %broadcast_in_dim3A_1226 {add = true} : memref<320x80xf32, #tpu.memory_space<vmem>>[vector<16xi32>, vector<16xi32>], vector<16xf32>, vector<16xi1>
        %add3A_1262 = arith.constant 64 : i32
        %add3A_1263 = vector.broadcast %add3A_1262 : i32 to vector<16xi32>
        %add3A_1264 = arith.addi %iota3A, %add3A_1263 : vector<16xi32>
        tpu.vector_store_idx %arg13[%broadcast_in_dim3A_1229, %add3A_1264], %select_n3A masked %broadcast_in_dim3A_1226 {add = true} : memref<320x80xf32, #tpu.memory_space<vmem>>[vector<16xi32>, vector<16xi32>], vector<16xf32>, vector<16xi1>
        %mul3A_1265 = arith.constant 16 : i32
        %mul3A_1266 = arith.muli %add3A_574, %mul3A_1265 : i32
        %add3A_1267 = arith.constant 13 : i32
        %add3A_1268 = arith.addi %mul3A_1266, %add3A_1267 : i32
        %add3A_1269 = arith.addi %add3A_498, %add3A_1268 : i32
        %ge3A_1270 = arith.cmpi sge, %add3A_1269, %squeeze3A : i32
        %lt3A_1271 = arith.cmpi slt, %add3A_1269, %squeeze3A_16 : i32
        %and3A_1272 = arith.andi %ge3A_1270, %lt3A_1271 : i1
        %slice3A_1273 = vector.extract_strided_slice %get3A_591 {offsets = [13], sizes = [1], strides = [1]} : vector<16xi32> to vector<1xi32>
        %squeeze3A_1274 = vector.extract %slice3A_1273[0] : i32 from vector<1xi32>
        %le3A_1275 = arith.constant 160000 : i32
        %le3A_1276 = arith.cmpi sle, %squeeze3A_1274, %le3A_1275 : i32
        %and3A_1277 = arith.andi %and3A_1272, %le3A_1276 : i1
        %broadcast_in_dim3A_1278 = vector.broadcast %and3A_1277 : i1 to vector<16xi1>
        %slice3A_1279 = vector.extract_strided_slice %min3A_585 {offsets = [13], sizes = [1], strides = [1]} : vector<16xi32> to vector<1xi32>
        %squeeze3A_1280 = vector.extract %slice3A_1279[0] : i32 from vector<1xi32>
        %broadcast_in_dim3A_1281 = vector.broadcast %squeeze3A_1280 : i32 to vector<16xi32>
        %add3A_1282 = arith.constant 0 : i32
        %add3A_1283 = vector.broadcast %add3A_1282 : i32 to vector<16xi32>
        %add3A_1284 = arith.addi %iota3A, %add3A_1283 : vector<16xi32>
        %get3A_1285 = arith.constant 1 : i32
        %get3A_1286 = arith.index_cast %get3A_1285 : i32 to index
        %get3A_1287 = arith.index_cast %add3A_1268 : i32 to index
        %get3A_1288 = arith.constant 0 : index
        %get3A_1289 = tpu.vector_load %arg12[%get3A_1286, %get3A_1287, %get3A_1288] {strides = array<i32>} : memref<2x256x64xf32, #tpu.memory_space<vmem>>, vector<16xf32>,
        tpu.vector_store_idx %arg13[%broadcast_in_dim3A_1281, %add3A_1284], %get3A_1289 masked %broadcast_in_dim3A_1278 {add = true} : memref<320x80xf32, #tpu.memory_space<vmem>>[vector<16xi32>, vector<16xi32>], vector<16xf32>, vector<16xi1>
        %add3A_1290 = arith.constant 16 : i32
        %add3A_1291 = vector.broadcast %add3A_1290 : i32 to vector<16xi32>
        %add3A_1292 = arith.addi %iota3A, %add3A_1291 : vector<16xi32>
        %get3A_1293 = arith.constant 1 : i32
        %get3A_1294 = arith.index_cast %get3A_1293 : i32 to index
        %get3A_1295 = arith.index_cast %add3A_1268 : i32 to index
        %get3A_1296 = arith.constant 16 : index
        %get3A_1297 = tpu.vector_load %arg12[%get3A_1294, %get3A_1295, %get3A_1296] {strides = array<i32>} : memref<2x256x64xf32, #tpu.memory_space<vmem>>, vector<16xf32>,
        tpu.vector_store_idx %arg13[%broadcast_in_dim3A_1281, %add3A_1292], %get3A_1297 masked %broadcast_in_dim3A_1278 {add = true} : memref<320x80xf32, #tpu.memory_space<vmem>>[vector<16xi32>, vector<16xi32>], vector<16xf32>, vector<16xi1>
        %add3A_1298 = arith.constant 32 : i32
        %add3A_1299 = vector.broadcast %add3A_1298 : i32 to vector<16xi32>
        %add3A_1300 = arith.addi %iota3A, %add3A_1299 : vector<16xi32>
        %get3A_1301 = arith.constant 1 : i32
        %get3A_1302 = arith.index_cast %get3A_1301 : i32 to index
        %get3A_1303 = arith.index_cast %add3A_1268 : i32 to index
        %get3A_1304 = arith.constant 32 : index
        %get3A_1305 = tpu.vector_load %arg12[%get3A_1302, %get3A_1303, %get3A_1304] {strides = array<i32>} : memref<2x256x64xf32, #tpu.memory_space<vmem>>, vector<16xf32>,
        tpu.vector_store_idx %arg13[%broadcast_in_dim3A_1281, %add3A_1300], %get3A_1305 masked %broadcast_in_dim3A_1278 {add = true} : memref<320x80xf32, #tpu.memory_space<vmem>>[vector<16xi32>, vector<16xi32>], vector<16xf32>, vector<16xi1>
        %add3A_1306 = arith.constant 48 : i32
        %add3A_1307 = vector.broadcast %add3A_1306 : i32 to vector<16xi32>
        %add3A_1308 = arith.addi %iota3A, %add3A_1307 : vector<16xi32>
        %get3A_1309 = arith.constant 1 : i32
        %get3A_1310 = arith.index_cast %get3A_1309 : i32 to index
        %get3A_1311 = arith.index_cast %add3A_1268 : i32 to index
        %get3A_1312 = arith.constant 48 : index
        %get3A_1313 = tpu.vector_load %arg12[%get3A_1310, %get3A_1311, %get3A_1312] {strides = array<i32>} : memref<2x256x64xf32, #tpu.memory_space<vmem>>, vector<16xf32>,
        tpu.vector_store_idx %arg13[%broadcast_in_dim3A_1281, %add3A_1308], %get3A_1313 masked %broadcast_in_dim3A_1278 {add = true} : memref<320x80xf32, #tpu.memory_space<vmem>>[vector<16xi32>, vector<16xi32>], vector<16xf32>, vector<16xi1>
        %add3A_1314 = arith.constant 64 : i32
        %add3A_1315 = vector.broadcast %add3A_1314 : i32 to vector<16xi32>
        %add3A_1316 = arith.addi %iota3A, %add3A_1315 : vector<16xi32>
        tpu.vector_store_idx %arg13[%broadcast_in_dim3A_1281, %add3A_1316], %select_n3A masked %broadcast_in_dim3A_1278 {add = true} : memref<320x80xf32, #tpu.memory_space<vmem>>[vector<16xi32>, vector<16xi32>], vector<16xf32>, vector<16xi1>
        %mul3A_1317 = arith.constant 16 : i32
        %mul3A_1318 = arith.muli %add3A_574, %mul3A_1317 : i32
        %add3A_1319 = arith.constant 14 : i32
        %add3A_1320 = arith.addi %mul3A_1318, %add3A_1319 : i32
        %add3A_1321 = arith.addi %add3A_498, %add3A_1320 : i32
        %ge3A_1322 = arith.cmpi sge, %add3A_1321, %squeeze3A : i32
        %lt3A_1323 = arith.cmpi slt, %add3A_1321, %squeeze3A_16 : i32
        %and3A_1324 = arith.andi %ge3A_1322, %lt3A_1323 : i1
        %slice3A_1325 = vector.extract_strided_slice %get3A_591 {offsets = [14], sizes = [1], strides = [1]} : vector<16xi32> to vector<1xi32>
        %squeeze3A_1326 = vector.extract %slice3A_1325[0] : i32 from vector<1xi32>
        %le3A_1327 = arith.constant 160000 : i32
        %le3A_1328 = arith.cmpi sle, %squeeze3A_1326, %le3A_1327 : i32
        %and3A_1329 = arith.andi %and3A_1324, %le3A_1328 : i1
        %broadcast_in_dim3A_1330 = vector.broadcast %and3A_1329 : i1 to vector<16xi1>
        %slice3A_1331 = vector.extract_strided_slice %min3A_585 {offsets = [14], sizes = [1], strides = [1]} : vector<16xi32> to vector<1xi32>
        %squeeze3A_1332 = vector.extract %slice3A_1331[0] : i32 from vector<1xi32>
        %broadcast_in_dim3A_1333 = vector.broadcast %squeeze3A_1332 : i32 to vector<16xi32>
        %add3A_1334 = arith.constant 0 : i32
        %add3A_1335 = vector.broadcast %add3A_1334 : i32 to vector<16xi32>
        %add3A_1336 = arith.addi %iota3A, %add3A_1335 : vector<16xi32>
        %get3A_1337 = arith.constant 1 : i32
        %get3A_1338 = arith.index_cast %get3A_1337 : i32 to index
        %get3A_1339 = arith.index_cast %add3A_1320 : i32 to index
        %get3A_1340 = arith.constant 0 : index
        %get3A_1341 = tpu.vector_load %arg12[%get3A_1338, %get3A_1339, %get3A_1340] {strides = array<i32>} : memref<2x256x64xf32, #tpu.memory_space<vmem>>, vector<16xf32>,
        tpu.vector_store_idx %arg13[%broadcast_in_dim3A_1333, %add3A_1336], %get3A_1341 masked %broadcast_in_dim3A_1330 {add = true} : memref<320x80xf32, #tpu.memory_space<vmem>>[vector<16xi32>, vector<16xi32>], vector<16xf32>, vector<16xi1>
        %add3A_1342 = arith.constant 16 : i32
        %add3A_1343 = vector.broadcast %add3A_1342 : i32 to vector<16xi32>
        %add3A_1344 = arith.addi %iota3A, %add3A_1343 : vector<16xi32>
        %get3A_1345 = arith.constant 1 : i32
        %get3A_1346 = arith.index_cast %get3A_1345 : i32 to index
        %get3A_1347 = arith.index_cast %add3A_1320 : i32 to index
        %get3A_1348 = arith.constant 16 : index
        %get3A_1349 = tpu.vector_load %arg12[%get3A_1346, %get3A_1347, %get3A_1348] {strides = array<i32>} : memref<2x256x64xf32, #tpu.memory_space<vmem>>, vector<16xf32>,
        tpu.vector_store_idx %arg13[%broadcast_in_dim3A_1333, %add3A_1344], %get3A_1349 masked %broadcast_in_dim3A_1330 {add = true} : memref<320x80xf32, #tpu.memory_space<vmem>>[vector<16xi32>, vector<16xi32>], vector<16xf32>, vector<16xi1>
        %add3A_1350 = arith.constant 32 : i32
        %add3A_1351 = vector.broadcast %add3A_1350 : i32 to vector<16xi32>
        %add3A_1352 = arith.addi %iota3A, %add3A_1351 : vector<16xi32>
        %get3A_1353 = arith.constant 1 : i32
        %get3A_1354 = arith.index_cast %get3A_1353 : i32 to index
        %get3A_1355 = arith.index_cast %add3A_1320 : i32 to index
        %get3A_1356 = arith.constant 32 : index
        %get3A_1357 = tpu.vector_load %arg12[%get3A_1354, %get3A_1355, %get3A_1356] {strides = array<i32>} : memref<2x256x64xf32, #tpu.memory_space<vmem>>, vector<16xf32>,
        tpu.vector_store_idx %arg13[%broadcast_in_dim3A_1333, %add3A_1352], %get3A_1357 masked %broadcast_in_dim3A_1330 {add = true} : memref<320x80xf32, #tpu.memory_space<vmem>>[vector<16xi32>, vector<16xi32>], vector<16xf32>, vector<16xi1>
        %add3A_1358 = arith.constant 48 : i32
        %add3A_1359 = vector.broadcast %add3A_1358 : i32 to vector<16xi32>
        %add3A_1360 = arith.addi %iota3A, %add3A_1359 : vector<16xi32>
        %get3A_1361 = arith.constant 1 : i32
        %get3A_1362 = arith.index_cast %get3A_1361 : i32 to index
        %get3A_1363 = arith.index_cast %add3A_1320 : i32 to index
        %get3A_1364 = arith.constant 48 : index
        %get3A_1365 = tpu.vector_load %arg12[%get3A_1362, %get3A_1363, %get3A_1364] {strides = array<i32>} : memref<2x256x64xf32, #tpu.memory_space<vmem>>, vector<16xf32>,
        tpu.vector_store_idx %arg13[%broadcast_in_dim3A_1333, %add3A_1360], %get3A_1365 masked %broadcast_in_dim3A_1330 {add = true} : memref<320x80xf32, #tpu.memory_space<vmem>>[vector<16xi32>, vector<16xi32>], vector<16xf32>, vector<16xi1>
        %add3A_1366 = arith.constant 64 : i32
        %add3A_1367 = vector.broadcast %add3A_1366 : i32 to vector<16xi32>
        %add3A_1368 = arith.addi %iota3A, %add3A_1367 : vector<16xi32>
        tpu.vector_store_idx %arg13[%broadcast_in_dim3A_1333, %add3A_1368], %select_n3A masked %broadcast_in_dim3A_1330 {add = true} : memref<320x80xf32, #tpu.memory_space<vmem>>[vector<16xi32>, vector<16xi32>], vector<16xf32>, vector<16xi1>
        %mul3A_1369 = arith.constant 16 : i32
        %mul3A_1370 = arith.muli %add3A_574, %mul3A_1369 : i32
        %add3A_1371 = arith.constant 15 : i32
        %add3A_1372 = arith.addi %mul3A_1370, %add3A_1371 : i32
        %add3A_1373 = arith.addi %add3A_498, %add3A_1372 : i32
        %ge3A_1374 = arith.cmpi sge, %add3A_1373, %squeeze3A : i32
        %lt3A_1375 = arith.cmpi slt, %add3A_1373, %squeeze3A_16 : i32
        %and3A_1376 = arith.andi %ge3A_1374, %lt3A_1375 : i1
        %slice3A_1377 = vector.extract_strided_slice %get3A_591 {offsets = [15], sizes = [1], strides = [1]} : vector<16xi32> to vector<1xi32>
        %squeeze3A_1378 = vector.extract %slice3A_1377[0] : i32 from vector<1xi32>
        %le3A_1379 = arith.constant 160000 : i32
        %le3A_1380 = arith.cmpi sle, %squeeze3A_1378, %le3A_1379 : i32
        %and3A_1381 = arith.andi %and3A_1376, %le3A_1380 : i1
        %broadcast_in_dim3A_1382 = vector.broadcast %and3A_1381 : i1 to vector<16xi1>
        %slice3A_1383 = vector.extract_strided_slice %min3A_585 {offsets = [15], sizes = [1], strides = [1]} : vector<16xi32> to vector<1xi32>
        %squeeze3A_1384 = vector.extract %slice3A_1383[0] : i32 from vector<1xi32>
        %broadcast_in_dim3A_1385 = vector.broadcast %squeeze3A_1384 : i32 to vector<16xi32>
        %add3A_1386 = arith.constant 0 : i32
        %add3A_1387 = vector.broadcast %add3A_1386 : i32 to vector<16xi32>
        %add3A_1388 = arith.addi %iota3A, %add3A_1387 : vector<16xi32>
        %get3A_1389 = arith.constant 1 : i32
        %get3A_1390 = arith.index_cast %get3A_1389 : i32 to index
        %get3A_1391 = arith.index_cast %add3A_1372 : i32 to index
        %get3A_1392 = arith.constant 0 : index
        %get3A_1393 = tpu.vector_load %arg12[%get3A_1390, %get3A_1391, %get3A_1392] {strides = array<i32>} : memref<2x256x64xf32, #tpu.memory_space<vmem>>, vector<16xf32>,
        tpu.vector_store_idx %arg13[%broadcast_in_dim3A_1385, %add3A_1388], %get3A_1393 masked %broadcast_in_dim3A_1382 {add = true} : memref<320x80xf32, #tpu.memory_space<vmem>>[vector<16xi32>, vector<16xi32>], vector<16xf32>, vector<16xi1>
        %add3A_1394 = arith.constant 16 : i32
        %add3A_1395 = vector.broadcast %add3A_1394 : i32 to vector<16xi32>
        %add3A_1396 = arith.addi %iota3A, %add3A_1395 : vector<16xi32>
        %get3A_1397 = arith.constant 1 : i32
        %get3A_1398 = arith.index_cast %get3A_1397 : i32 to index
        %get3A_1399 = arith.index_cast %add3A_1372 : i32 to index
        %get3A_1400 = arith.constant 16 : index
        %get3A_1401 = tpu.vector_load %arg12[%get3A_1398, %get3A_1399, %get3A_1400] {strides = array<i32>} : memref<2x256x64xf32, #tpu.memory_space<vmem>>, vector<16xf32>,
        tpu.vector_store_idx %arg13[%broadcast_in_dim3A_1385, %add3A_1396], %get3A_1401 masked %broadcast_in_dim3A_1382 {add = true} : memref<320x80xf32, #tpu.memory_space<vmem>>[vector<16xi32>, vector<16xi32>], vector<16xf32>, vector<16xi1>
        %add3A_1402 = arith.constant 32 : i32
        %add3A_1403 = vector.broadcast %add3A_1402 : i32 to vector<16xi32>
        %add3A_1404 = arith.addi %iota3A, %add3A_1403 : vector<16xi32>
        %get3A_1405 = arith.constant 1 : i32
        %get3A_1406 = arith.index_cast %get3A_1405 : i32 to index
        %get3A_1407 = arith.index_cast %add3A_1372 : i32 to index
        %get3A_1408 = arith.constant 32 : index
        %get3A_1409 = tpu.vector_load %arg12[%get3A_1406, %get3A_1407, %get3A_1408] {strides = array<i32>} : memref<2x256x64xf32, #tpu.memory_space<vmem>>, vector<16xf32>,
        tpu.vector_store_idx %arg13[%broadcast_in_dim3A_1385, %add3A_1404], %get3A_1409 masked %broadcast_in_dim3A_1382 {add = true} : memref<320x80xf32, #tpu.memory_space<vmem>>[vector<16xi32>, vector<16xi32>], vector<16xf32>, vector<16xi1>
        %add3A_1410 = arith.constant 48 : i32
        %add3A_1411 = vector.broadcast %add3A_1410 : i32 to vector<16xi32>
        %add3A_1412 = arith.addi %iota3A, %add3A_1411 : vector<16xi32>
        %get3A_1413 = arith.constant 1 : i32
        %get3A_1414 = arith.index_cast %get3A_1413 : i32 to index
        %get3A_1415 = arith.index_cast %add3A_1372 : i32 to index
        %get3A_1416 = arith.constant 48 : index
        %get3A_1417 = tpu.vector_load %arg12[%get3A_1414, %get3A_1415, %get3A_1416] {strides = array<i32>} : memref<2x256x64xf32, #tpu.memory_space<vmem>>, vector<16xf32>,
        tpu.vector_store_idx %arg13[%broadcast_in_dim3A_1385, %add3A_1412], %get3A_1417 masked %broadcast_in_dim3A_1382 {add = true} : memref<320x80xf32, #tpu.memory_space<vmem>>[vector<16xi32>, vector<16xi32>], vector<16xf32>, vector<16xi1>
        %add3A_1418 = arith.constant 64 : i32
        %add3A_1419 = vector.broadcast %add3A_1418 : i32 to vector<16xi32>
        %add3A_1420 = arith.addi %iota3A, %add3A_1419 : vector<16xi32>
        tpu.vector_store_idx %arg13[%broadcast_in_dim3A_1385, %add3A_1420], %select_n3A masked %broadcast_in_dim3A_1382 {add = true} : memref<320x80xf32, #tpu.memory_space<vmem>>[vector<16xi32>, vector<16xi32>], vector<16xf32>, vector<16xi1>
      }
      %scan3A_549 = arith.constant 16 : i32
      %add3A_550 = arith.constant 512 : i32
      %add3A_551 = arith.addi %add3A_498, %add3A_550 : i32
      %dma_start3A_552 = arith.constant 1 : i32
      %dma_start3A_553 = arith.constant 0 : i32
      %dma_start3A_554 = tpu.memref_slice %arg8[%dma_start3A_552, %dma_start3A_553] : memref<2x256xi32, #tpu.memory_space<vmem>> -> memref<1x256xi32, #tpu.memory_space<vmem>>
      %dma_start3A_555 = tpu.memref_squeeze %dma_start3A_554 : memref<1x256xi32, #tpu.memory_space<vmem>> -> memref<256xi32, #tpu.memory_space<vmem>>
      %dma_start3A_556 = tpu.memref_slice %arg3[%add3A_551] : memref<191488xi32, #tpu.memory_space<hbm>> -> memref<256xi32, #tpu.memory_space<hbm>>
      %dma_start3A_557 = arith.constant 0 : i32
      %dma_start3A_558 = tpu.memref_slice %arg8[%dma_start3A_552, %dma_start3A_557] : memref<2x256xi32, #tpu.memory_space<vmem>> -> memref<1x256xi32, #tpu.memory_space<vmem>>
      %dma_start3A_559 = tpu.memref_squeeze %dma_start3A_558 : memref<1x256xi32, #tpu.memory_space<vmem>> -> memref<256xi32, #tpu.memory_space<vmem>>
      %dma_start3A_560 = tpu.memref_slice %arg3[%add3A_551] : memref<191488xi32, #tpu.memory_space<hbm>> -> memref<256xi32, #tpu.memory_space<hbm>>
      tpu.enqueue_dma source(%dma_start3A_560 : memref<256xi32, #tpu.memory_space<hbm>>) target(%dma_start3A_559 : memref<256xi32, #tpu.memory_space<vmem>>) target_semaphore(%arg15 : memref<!tpu.dma_semaphore, #tpu.memory_space<semaphore_mem>>)
      %dma_start3A_561 = arith.constant 1 : i32
      %dma_start3A_562 = arith.constant 0 : i32
      %dma_start3A_563 = tpu.memref_slice %arg9[%dma_start3A_561, %dma_start3A_562] : memref<2x256xi32, #tpu.memory_space<vmem>> -> memref<1x256xi32, #tpu.memory_space<vmem>>
      %dma_start3A_564 = tpu.memref_squeeze %dma_start3A_563 : memref<1x256xi32, #tpu.memory_space<vmem>> -> memref<256xi32, #tpu.memory_space<vmem>>
      %dma_start3A_565 = tpu.memref_slice %arg4[%add3A_551] : memref<191488xi32, #tpu.memory_space<hbm>> -> memref<256xi32, #tpu.memory_space<hbm>>
      %dma_start3A_566 = arith.constant 0 : i32
      %dma_start3A_567 = tpu.memref_slice %arg9[%dma_start3A_561, %dma_start3A_566] : memref<2x256xi32, #tpu.memory_space<vmem>> -> memref<1x256xi32, #tpu.memory_space<vmem>>
      %dma_start3A_568 = tpu.memref_squeeze %dma_start3A_567 : memref<1x256xi32, #tpu.memory_space<vmem>> -> memref<256xi32, #tpu.memory_space<vmem>>
      %dma_start3A_569 = tpu.memref_slice %arg4[%add3A_551] : memref<191488xi32, #tpu.memory_space<hbm>> -> memref<256xi32, #tpu.memory_space<hbm>>
      tpu.enqueue_dma source(%dma_start3A_569 : memref<256xi32, #tpu.memory_space<hbm>>) target(%dma_start3A_568 : memref<256xi32, #tpu.memory_space<vmem>>) target_semaphore(%arg15 : memref<!tpu.dma_semaphore, #tpu.memory_space<semaphore_mem>>)
    }
    %dma_wait3A_180 = arith.constant 0 : i32
    %dma_wait3A_181 = arith.constant 0 : i32
    %dma_wait3A_182 = arith.constant 0 : i32
    %dma_wait3A_183 = arith.constant 0 : i32
    %dma_wait3A_184 = tpu.memref_slice %arg12[%dma_wait3A_181, %dma_wait3A_182, %dma_wait3A_183] : memref<2x256x64xf32, #tpu.memory_space<vmem>> -> memref<1x256x64xf32, #tpu.memory_space<vmem>>
    %dma_wait3A_185 = tpu.memref_squeeze %dma_wait3A_184 : memref<1x256x64xf32, #tpu.memory_space<vmem>> -> memref<256x64xf32, #tpu.memory_space<vmem>>
    %dma_wait3A_186 = arith.constant 0 : i32
    %dma_wait3A_187 = tpu.memref_slice %arg9[%dma_wait3A_180, %dma_wait3A_186] : memref<2x256xi32, #tpu.memory_space<vmem>> -> memref<1x256xi32, #tpu.memory_space<vmem>>
    %dma_wait3A_188 = tpu.memref_squeeze %dma_wait3A_187 : memref<1x256xi32, #tpu.memory_space<vmem>> -> memref<256xi32, #tpu.memory_space<vmem>>
    %dma_wait3A_189 = arith.constant 0 : i32
    %dma_wait3A_190 = arith.constant 0 : i32
    %dma_wait3A_191 = tpu.memref_slice %arg2[%dma_wait3A_189, %dma_wait3A_190] : memref<170136x64xf32, #tpu.memory_space<hbm>> -> memref<170136x64xf32, #tpu.memory_space<hbm>>
    tpu.wait_indirect_dma semaphore(%arg16 : memref<!tpu.dma_semaphore, #tpu.memory_space<semaphore_mem>>) src(%dma_wait3A_191 : memref<170136x64xf32, #tpu.memory_space<hbm>>) dst(%dma_wait3A_185 : memref<256x64xf32, #tpu.memory_space<vmem>>)
    %dma_wait3A_192 = arith.constant 1 : i32
    %dma_wait3A_193 = arith.constant 0 : i32
    %dma_wait3A_194 = tpu.memref_slice %arg8[%dma_wait3A_192, %dma_wait3A_193] : memref<2x256xi32, #tpu.memory_space<vmem>> -> memref<1x256xi32, #tpu.memory_space<vmem>>
    %dma_wait3A_195 = tpu.memref_squeeze %dma_wait3A_194 : memref<1x256xi32, #tpu.memory_space<vmem>> -> memref<256xi32, #tpu.memory_space<vmem>>
    %dma_wait3A_196 = arith.constant 0 : i32
    %dma_wait3A_197 = tpu.memref_slice %arg3[%dma_wait3A_196] : memref<191488xi32, #tpu.memory_space<hbm>> -> memref<256xi32, #tpu.memory_space<hbm>>
    %dma_wait3A_198 = arith.constant 0 : i32
    %dma_wait3A_199 = tpu.memref_slice %arg8[%dma_wait3A_192, %dma_wait3A_198] : memref<2x256xi32, #tpu.memory_space<vmem>> -> memref<1x256xi32, #tpu.memory_space<vmem>>
    %dma_wait3A_200 = tpu.memref_squeeze %dma_wait3A_199 : memref<1x256xi32, #tpu.memory_space<vmem>> -> memref<256xi32, #tpu.memory_space<vmem>>
    %dma_wait3A_201 = arith.constant 0 : i32
    %dma_wait3A_202 = tpu.memref_slice %arg3[%dma_wait3A_201] : memref<191488xi32, #tpu.memory_space<hbm>> -> memref<256xi32, #tpu.memory_space<hbm>>
    tpu.wait_dma2 semaphore(%arg15 : memref<!tpu.dma_semaphore, #tpu.memory_space<semaphore_mem>>) src(%dma_wait3A_202 : memref<256xi32, #tpu.memory_space<hbm>>) dst(%dma_wait3A_200 : memref<256xi32, #tpu.memory_space<vmem>>)
    %dma_wait3A_203 = arith.constant 1 : i32
    %dma_wait3A_204 = arith.constant 0 : i32
    %dma_wait3A_205 = tpu.memref_slice %arg9[%dma_wait3A_203, %dma_wait3A_204] : memref<2x256xi32, #tpu.memory_space<vmem>> -> memref<1x256xi32, #tpu.memory_space<vmem>>
    %dma_wait3A_206 = tpu.memref_squeeze %dma_wait3A_205 : memref<1x256xi32, #tpu.memory_space<vmem>> -> memref<256xi32, #tpu.memory_space<vmem>>
    %dma_wait3A_207 = arith.constant 0 : i32
    %dma_wait3A_208 = tpu.memref_slice %arg4[%dma_wait3A_207] : memref<191488xi32, #tpu.memory_space<hbm>> -> memref<256xi32, #tpu.memory_space<hbm>>
    %dma_wait3A_209 = arith.constant 0 : i32
    %dma_wait3A_210 = tpu.memref_slice %arg9[%dma_wait3A_203, %dma_wait3A_209] : memref<2x256xi32, #tpu.memory_space<vmem>> -> memref<1x256xi32, #tpu.memory_space<vmem>>
    %dma_wait3A_211 = tpu.memref_squeeze %dma_wait3A_210 : memref<1x256xi32, #tpu.memory_space<vmem>> -> memref<256xi32, #tpu.memory_space<vmem>>
    %dma_wait3A_212 = arith.constant 0 : i32
    %dma_wait3A_213 = tpu.memref_slice %arg4[%dma_wait3A_212] : memref<191488xi32, #tpu.memory_space<hbm>> -> memref<256xi32, #tpu.memory_space<hbm>>
    tpu.wait_dma2 semaphore(%arg15 : memref<!tpu.dma_semaphore, #tpu.memory_space<semaphore_mem>>) src(%dma_wait3A_213 : memref<256xi32, #tpu.memory_space<hbm>>) dst(%dma_wait3A_211 : memref<256xi32, #tpu.memory_space<vmem>>)
    %mul3A_214 = arith.constant 10 : i32
    %mul3A_215 = arith.muli %add3A, %mul3A_214 : i32
    "tpu.region"() ({
      %run_scoped3A = tpu.sem_alloc : memref<!tpu.dma_semaphore, #tpu.memory_space<semaphore_mem>>
      %dma_start3A_416 = arith.constant 0 : i32
      %dma_start3A_417 = tpu.memref_slice %arg6[%mul3A_215, %dma_start3A_416] : memref<320x32xi32, #tpu.memory_space<hbm>> -> memref<10x32xi32, #tpu.memory_space<hbm>>
      %dma_start3A_418 = arith.constant 0 : i32
      %dma_start3A_419 = tpu.memref_slice %arg6[%mul3A_215, %dma_start3A_418] : memref<320x32xi32, #tpu.memory_space<hbm>> -> memref<10x32xi32, #tpu.memory_space<hbm>>
      tpu.enqueue_dma source(%dma_start3A_419 : memref<10x32xi32, #tpu.memory_space<hbm>>) target(%arg11 : memref<10x32xi32, #tpu.memory_space<vmem>>) target_semaphore(%run_scoped3A : memref<!tpu.dma_semaphore, #tpu.memory_space<semaphore_mem>>)
      %dma_wait3A_420 = arith.constant 0 : i32
      %dma_wait3A_421 = tpu.memref_slice %arg6[%mul3A_215, %dma_wait3A_420] : memref<320x32xi32, #tpu.memory_space<hbm>> -> memref<10x32xi32, #tpu.memory_space<hbm>>
      %dma_wait3A_422 = arith.constant 0 : i32
      %dma_wait3A_423 = tpu.memref_slice %arg6[%mul3A_215, %dma_wait3A_422] : memref<320x32xi32, #tpu.memory_space<hbm>> -> memref<10x32xi32, #tpu.memory_space<hbm>>
      tpu.wait_dma2 semaphore(%run_scoped3A : memref<!tpu.dma_semaphore, #tpu.memory_space<semaphore_mem>>) src(%dma_wait3A_423 : memref<10x32xi32, #tpu.memory_space<hbm>>) dst(%arg11 : memref<10x32xi32, #tpu.memory_space<vmem>>)
      tpu.yield
    }) : () -> ()
    %dma_start3A_216 = arith.constant 0 : i32
    %dma_start3A_217 = arith.constant 0 : i32
    %dma_start3A_218 = arith.constant 0 : i32
    %dma_start3A_219 = tpu.memref_slice %arg13[%dma_start3A_217, %dma_start3A_218] : memref<320x80xf32, #tpu.memory_space<vmem>> -> memref<32x80xf32, #tpu.memory_space<vmem>>
    %dma_start3A_220 = arith.constant 0 : i32
    %dma_start3A_221 = tpu.memref_slice %arg11[%dma_start3A_216, %dma_start3A_220] : memref<10x32xi32, #tpu.memory_space<vmem>> -> memref<1x32xi32, #tpu.memory_space<vmem>>
    %dma_start3A_222 = tpu.memref_squeeze %dma_start3A_221 : memref<1x32xi32, #tpu.memory_space<vmem>> -> memref<32xi32, #tpu.memory_space<vmem>>
    %dma_start3A_223 = arith.constant 0 : i32
    %dma_start3A_224 = arith.constant 0 : i32
    %dma_start3A_225 = tpu.memref_slice %arg7[%dma_start3A_223, %dma_start3A_224] : memref<10240x80xf32, #tpu.memory_space<hbm>> -> memref<10240x80xf32, #tpu.memory_space<hbm>>
    tpu.enqueue_indirect_dma source(%dma_start3A_219 : memref<32x80xf32, #tpu.memory_space<vmem>>) target(%dma_start3A_225 : memref<10240x80xf32, #tpu.memory_space<hbm>>) offsets(%dma_start3A_222 : memref<32xi32, #tpu.memory_space<vmem>>) semaphore(%arg18 : memref<!tpu.dma_semaphore, #tpu.memory_space<semaphore_mem>>)
    %dma_start3A_226 = arith.constant 1 : i32
    %dma_start3A_227 = arith.constant 32 : i32
    %dma_start3A_228 = arith.constant 0 : i32
    %dma_start3A_229 = tpu.memref_slice %arg13[%dma_start3A_227, %dma_start3A_228] : memref<320x80xf32, #tpu.memory_space<vmem>> -> memref<32x80xf32, #tpu.memory_space<vmem>>
    %dma_start3A_230 = arith.constant 0 : i32
    %dma_start3A_231 = tpu.memref_slice %arg11[%dma_start3A_226, %dma_start3A_230] : memref<10x32xi32, #tpu.memory_space<vmem>> -> memref<1x32xi32, #tpu.memory_space<vmem>>
    %dma_start3A_232 = tpu.memref_squeeze %dma_start3A_231 : memref<1x32xi32, #tpu.memory_space<vmem>> -> memref<32xi32, #tpu.memory_space<vmem>>
    %dma_start3A_233 = arith.constant 0 : i32
    %dma_start3A_234 = arith.constant 0 : i32
    %dma_start3A_235 = tpu.memref_slice %arg7[%dma_start3A_233, %dma_start3A_234] : memref<10240x80xf32, #tpu.memory_space<hbm>> -> memref<10240x80xf32, #tpu.memory_space<hbm>>
    tpu.enqueue_indirect_dma source(%dma_start3A_229 : memref<32x80xf32, #tpu.memory_space<vmem>>) target(%dma_start3A_235 : memref<10240x80xf32, #tpu.memory_space<hbm>>) offsets(%dma_start3A_232 : memref<32xi32, #tpu.memory_space<vmem>>) semaphore(%arg18 : memref<!tpu.dma_semaphore, #tpu.memory_space<semaphore_mem>>)
    %dma_start3A_236 = arith.constant 2 : i32
    %dma_start3A_237 = arith.constant 64 : i32
    %dma_start3A_238 = arith.constant 0 : i32
    %dma_start3A_239 = tpu.memref_slice %arg13[%dma_start3A_237, %dma_start3A_238] : memref<320x80xf32, #tpu.memory_space<vmem>> -> memref<32x80xf32, #tpu.memory_space<vmem>>
    %dma_start3A_240 = arith.constant 0 : i32
    %dma_start3A_241 = tpu.memref_slice %arg11[%dma_start3A_236, %dma_start3A_240] : memref<10x32xi32, #tpu.memory_space<vmem>> -> memref<1x32xi32, #tpu.memory_space<vmem>>
    %dma_start3A_242 = tpu.memref_squeeze %dma_start3A_241 : memref<1x32xi32, #tpu.memory_space<vmem>> -> memref<32xi32, #tpu.memory_space<vmem>>
    %dma_start3A_243 = arith.constant 0 : i32
    %dma_start3A_244 = arith.constant 0 : i32
    %dma_start3A_245 = tpu.memref_slice %arg7[%dma_start3A_243, %dma_start3A_244] : memref<10240x80xf32, #tpu.memory_space<hbm>> -> memref<10240x80xf32, #tpu.memory_space<hbm>>
    tpu.enqueue_indirect_dma source(%dma_start3A_239 : memref<32x80xf32, #tpu.memory_space<vmem>>) target(%dma_start3A_245 : memref<10240x80xf32, #tpu.memory_space<hbm>>) offsets(%dma_start3A_242 : memref<32xi32, #tpu.memory_space<vmem>>) semaphore(%arg18 : memref<!tpu.dma_semaphore, #tpu.memory_space<semaphore_mem>>)
    %dma_start3A_246 = arith.constant 3 : i32
    %dma_start3A_247 = arith.constant 96 : i32
    %dma_start3A_248 = arith.constant 0 : i32
    %dma_start3A_249 = tpu.memref_slice %arg13[%dma_start3A_247, %dma_start3A_248] : memref<320x80xf32, #tpu.memory_space<vmem>> -> memref<32x80xf32, #tpu.memory_space<vmem>>
    %dma_start3A_250 = arith.constant 0 : i32
    %dma_start3A_251 = tpu.memref_slice %arg11[%dma_start3A_246, %dma_start3A_250] : memref<10x32xi32, #tpu.memory_space<vmem>> -> memref<1x32xi32, #tpu.memory_space<vmem>>
    %dma_start3A_252 = tpu.memref_squeeze %dma_start3A_251 : memref<1x32xi32, #tpu.memory_space<vmem>> -> memref<32xi32, #tpu.memory_space<vmem>>
    %dma_start3A_253 = arith.constant 0 : i32
    %dma_start3A_254 = arith.constant 0 : i32
    %dma_start3A_255 = tpu.memref_slice %arg7[%dma_start3A_253, %dma_start3A_254] : memref<10240x80xf32, #tpu.memory_space<hbm>> -> memref<10240x80xf32, #tpu.memory_space<hbm>>
    tpu.enqueue_indirect_dma source(%dma_start3A_249 : memref<32x80xf32, #tpu.memory_space<vmem>>) target(%dma_start3A_255 : memref<10240x80xf32, #tpu.memory_space<hbm>>) offsets(%dma_start3A_252 : memref<32xi32, #tpu.memory_space<vmem>>) semaphore(%arg18 : memref<!tpu.dma_semaphore, #tpu.memory_space<semaphore_mem>>)
    %dma_start3A_256 = arith.constant 4 : i32
    %dma_start3A_257 = arith.constant 128 : i32
    %dma_start3A_258 = arith.constant 0 : i32
    %dma_start3A_259 = tpu.memref_slice %arg13[%dma_start3A_257, %dma_start3A_258] : memref<320x80xf32, #tpu.memory_space<vmem>> -> memref<32x80xf32, #tpu.memory_space<vmem>>
    %dma_start3A_260 = arith.constant 0 : i32
    %dma_start3A_261 = tpu.memref_slice %arg11[%dma_start3A_256, %dma_start3A_260] : memref<10x32xi32, #tpu.memory_space<vmem>> -> memref<1x32xi32, #tpu.memory_space<vmem>>
    %dma_start3A_262 = tpu.memref_squeeze %dma_start3A_261 : memref<1x32xi32, #tpu.memory_space<vmem>> -> memref<32xi32, #tpu.memory_space<vmem>>
    %dma_start3A_263 = arith.constant 0 : i32
    %dma_start3A_264 = arith.constant 0 : i32
    %dma_start3A_265 = tpu.memref_slice %arg7[%dma_start3A_263, %dma_start3A_264] : memref<10240x80xf32, #tpu.memory_space<hbm>> -> memref<10240x80xf32, #tpu.memory_space<hbm>>
    tpu.enqueue_indirect_dma source(%dma_start3A_259 : memref<32x80xf32, #tpu.memory_space<vmem>>) target(%dma_start3A_265 : memref<10240x80xf32, #tpu.memory_space<hbm>>) offsets(%dma_start3A_262 : memref<32xi32, #tpu.memory_space<vmem>>) semaphore(%arg18 : memref<!tpu.dma_semaphore, #tpu.memory_space<semaphore_mem>>)
    %dma_start3A_266 = arith.constant 5 : i32
    %dma_start3A_267 = arith.constant 160 : i32
    %dma_start3A_268 = arith.constant 0 : i32
    %dma_start3A_269 = tpu.memref_slice %arg13[%dma_start3A_267, %dma_start3A_268] : memref<320x80xf32, #tpu.memory_space<vmem>> -> memref<32x80xf32, #tpu.memory_space<vmem>>
    %dma_start3A_270 = arith.constant 0 : i32
    %dma_start3A_271 = tpu.memref_slice %arg11[%dma_start3A_266, %dma_start3A_270] : memref<10x32xi32, #tpu.memory_space<vmem>> -> memref<1x32xi32, #tpu.memory_space<vmem>>
    %dma_start3A_272 = tpu.memref_squeeze %dma_start3A_271 : memref<1x32xi32, #tpu.memory_space<vmem>> -> memref<32xi32, #tpu.memory_space<vmem>>
    %dma_start3A_273 = arith.constant 0 : i32
    %dma_start3A_274 = arith.constant 0 : i32
    %dma_start3A_275 = tpu.memref_slice %arg7[%dma_start3A_273, %dma_start3A_274] : memref<10240x80xf32, #tpu.memory_space<hbm>> -> memref<10240x80xf32, #tpu.memory_space<hbm>>
    tpu.enqueue_indirect_dma source(%dma_start3A_269 : memref<32x80xf32, #tpu.memory_space<vmem>>) target(%dma_start3A_275 : memref<10240x80xf32, #tpu.memory_space<hbm>>) offsets(%dma_start3A_272 : memref<32xi32, #tpu.memory_space<vmem>>) semaphore(%arg18 : memref<!tpu.dma_semaphore, #tpu.memory_space<semaphore_mem>>)
    %dma_start3A_276 = arith.constant 6 : i32
    %dma_start3A_277 = arith.constant 192 : i32
    %dma_start3A_278 = arith.constant 0 : i32
    %dma_start3A_279 = tpu.memref_slice %arg13[%dma_start3A_277, %dma_start3A_278] : memref<320x80xf32, #tpu.memory_space<vmem>> -> memref<32x80xf32, #tpu.memory_space<vmem>>
    %dma_start3A_280 = arith.constant 0 : i32
    %dma_start3A_281 = tpu.memref_slice %arg11[%dma_start3A_276, %dma_start3A_280] : memref<10x32xi32, #tpu.memory_space<vmem>> -> memref<1x32xi32, #tpu.memory_space<vmem>>
    %dma_start3A_282 = tpu.memref_squeeze %dma_start3A_281 : memref<1x32xi32, #tpu.memory_space<vmem>> -> memref<32xi32, #tpu.memory_space<vmem>>
    %dma_start3A_283 = arith.constant 0 : i32
    %dma_start3A_284 = arith.constant 0 : i32
    %dma_start3A_285 = tpu.memref_slice %arg7[%dma_start3A_283, %dma_start3A_284] : memref<10240x80xf32, #tpu.memory_space<hbm>> -> memref<10240x80xf32, #tpu.memory_space<hbm>>
    tpu.enqueue_indirect_dma source(%dma_start3A_279 : memref<32x80xf32, #tpu.memory_space<vmem>>) target(%dma_start3A_285 : memref<10240x80xf32, #tpu.memory_space<hbm>>) offsets(%dma_start3A_282 : memref<32xi32, #tpu.memory_space<vmem>>) semaphore(%arg18 : memref<!tpu.dma_semaphore, #tpu.memory_space<semaphore_mem>>)
    %dma_start3A_286 = arith.constant 7 : i32
    %dma_start3A_287 = arith.constant 224 : i32
    %dma_start3A_288 = arith.constant 0 : i32
    %dma_start3A_289 = tpu.memref_slice %arg13[%dma_start3A_287, %dma_start3A_288] : memref<320x80xf32, #tpu.memory_space<vmem>> -> memref<32x80xf32, #tpu.memory_space<vmem>>
    %dma_start3A_290 = arith.constant 0 : i32
    %dma_start3A_291 = tpu.memref_slice %arg11[%dma_start3A_286, %dma_start3A_290] : memref<10x32xi32, #tpu.memory_space<vmem>> -> memref<1x32xi32, #tpu.memory_space<vmem>>
    %dma_start3A_292 = tpu.memref_squeeze %dma_start3A_291 : memref<1x32xi32, #tpu.memory_space<vmem>> -> memref<32xi32, #tpu.memory_space<vmem>>
    %dma_start3A_293 = arith.constant 0 : i32
    %dma_start3A_294 = arith.constant 0 : i32
    %dma_start3A_295 = tpu.memref_slice %arg7[%dma_start3A_293, %dma_start3A_294] : memref<10240x80xf32, #tpu.memory_space<hbm>> -> memref<10240x80xf32, #tpu.memory_space<hbm>>
    tpu.enqueue_indirect_dma source(%dma_start3A_289 : memref<32x80xf32, #tpu.memory_space<vmem>>) target(%dma_start3A_295 : memref<10240x80xf32, #tpu.memory_space<hbm>>) offsets(%dma_start3A_292 : memref<32xi32, #tpu.memory_space<vmem>>) semaphore(%arg18 : memref<!tpu.dma_semaphore, #tpu.memory_space<semaphore_mem>>)
    %dma_start3A_296 = arith.constant 8 : i32
    %dma_start3A_297 = arith.constant 256 : i32
    %dma_start3A_298 = arith.constant 0 : i32
    %dma_start3A_299 = tpu.memref_slice %arg13[%dma_start3A_297, %dma_start3A_298] : memref<320x80xf32, #tpu.memory_space<vmem>> -> memref<32x80xf32, #tpu.memory_space<vmem>>
    %dma_start3A_300 = arith.constant 0 : i32
    %dma_start3A_301 = tpu.memref_slice %arg11[%dma_start3A_296, %dma_start3A_300] : memref<10x32xi32, #tpu.memory_space<vmem>> -> memref<1x32xi32, #tpu.memory_space<vmem>>
    %dma_start3A_302 = tpu.memref_squeeze %dma_start3A_301 : memref<1x32xi32, #tpu.memory_space<vmem>> -> memref<32xi32, #tpu.memory_space<vmem>>
    %dma_start3A_303 = arith.constant 0 : i32
    %dma_start3A_304 = arith.constant 0 : i32
    %dma_start3A_305 = tpu.memref_slice %arg7[%dma_start3A_303, %dma_start3A_304] : memref<10240x80xf32, #tpu.memory_space<hbm>> -> memref<10240x80xf32, #tpu.memory_space<hbm>>
    tpu.enqueue_indirect_dma source(%dma_start3A_299 : memref<32x80xf32, #tpu.memory_space<vmem>>) target(%dma_start3A_305 : memref<10240x80xf32, #tpu.memory_space<hbm>>) offsets(%dma_start3A_302 : memref<32xi32, #tpu.memory_space<vmem>>) semaphore(%arg18 : memref<!tpu.dma_semaphore, #tpu.memory_space<semaphore_mem>>)
    %dma_start3A_306 = arith.constant 9 : i32
    %dma_start3A_307 = arith.constant 288 : i32
    %dma_start3A_308 = arith.constant 0 : i32
    %dma_start3A_309 = tpu.memref_slice %arg13[%dma_start3A_307, %dma_start3A_308] : memref<320x80xf32, #tpu.memory_space<vmem>> -> memref<32x80xf32, #tpu.memory_space<vmem>>
    %dma_start3A_310 = arith.constant 0 : i32
    %dma_start3A_311 = tpu.memref_slice %arg11[%dma_start3A_306, %dma_start3A_310] : memref<10x32xi32, #tpu.memory_space<vmem>> -> memref<1x32xi32, #tpu.memory_space<vmem>>
    %dma_start3A_312 = tpu.memref_squeeze %dma_start3A_311 : memref<1x32xi32, #tpu.memory_space<vmem>> -> memref<32xi32, #tpu.memory_space<vmem>>
    %dma_start3A_313 = arith.constant 0 : i32
    %dma_start3A_314 = arith.constant 0 : i32
    %dma_start3A_315 = tpu.memref_slice %arg7[%dma_start3A_313, %dma_start3A_314] : memref<10240x80xf32, #tpu.memory_space<hbm>> -> memref<10240x80xf32, #tpu.memory_space<hbm>>
    tpu.enqueue_indirect_dma source(%dma_start3A_309 : memref<32x80xf32, #tpu.memory_space<vmem>>) target(%dma_start3A_315 : memref<10240x80xf32, #tpu.memory_space<hbm>>) offsets(%dma_start3A_312 : memref<32xi32, #tpu.memory_space<vmem>>) semaphore(%arg18 : memref<!tpu.dma_semaphore, #tpu.memory_space<semaphore_mem>>)
    %dma_wait3A_316 = arith.constant 0 : i32
    %dma_wait3A_317 = arith.constant 0 : i32
    %dma_wait3A_318 = arith.constant 0 : i32
    %dma_wait3A_319 = tpu.memref_slice %arg13[%dma_wait3A_317, %dma_wait3A_318] : memref<320x80xf32, #tpu.memory_space<vmem>> -> memref<32x80xf32, #tpu.memory_space<vmem>>
    %dma_wait3A_320 = arith.constant 0 : i32
    %dma_wait3A_321 = tpu.memref_slice %arg11[%dma_wait3A_316, %dma_wait3A_320] : memref<10x32xi32, #tpu.memory_space<vmem>> -> memref<1x32xi32, #tpu.memory_space<vmem>>
    %dma_wait3A_322 = tpu.memref_squeeze %dma_wait3A_321 : memref<1x32xi32, #tpu.memory_space<vmem>> -> memref<32xi32, #tpu.memory_space<vmem>>
    %dma_wait3A_323 = arith.constant 0 : i32
    %dma_wait3A_324 = arith.constant 0 : i32
    %dma_wait3A_325 = tpu.memref_slice %arg7[%dma_wait3A_323, %dma_wait3A_324] : memref<10240x80xf32, #tpu.memory_space<hbm>> -> memref<10240x80xf32, #tpu.memory_space<hbm>>
    tpu.wait_indirect_dma semaphore(%arg18 : memref<!tpu.dma_semaphore, #tpu.memory_space<semaphore_mem>>) src(%dma_wait3A_319 : memref<32x80xf32, #tpu.memory_space<vmem>>) dst(%dma_wait3A_325 : memref<10240x80xf32, #tpu.memory_space<hbm>>)
    %dma_wait3A_326 = arith.constant 1 : i32
    %dma_wait3A_327 = arith.constant 32 : i32
    %dma_wait3A_328 = arith.constant 0 : i32
    %dma_wait3A_329 = tpu.memref_slice %arg13[%dma_wait3A_327, %dma_wait3A_328] : memref<320x80xf32, #tpu.memory_space<vmem>> -> memref<32x80xf32, #tpu.memory_space<vmem>>
    %dma_wait3A_330 = arith.constant 0 : i32
    %dma_wait3A_331 = tpu.memref_slice %arg11[%dma_wait3A_326, %dma_wait3A_330] : memref<10x32xi32, #tpu.memory_space<vmem>> -> memref<1x32xi32, #tpu.memory_space<vmem>>
    %dma_wait3A_332 = tpu.memref_squeeze %dma_wait3A_331 : memref<1x32xi32, #tpu.memory_space<vmem>> -> memref<32xi32, #tpu.memory_space<vmem>>
    %dma_wait3A_333 = arith.constant 0 : i32
    %dma_wait3A_334 = arith.constant 0 : i32
    %dma_wait3A_335 = tpu.memref_slice %arg7[%dma_wait3A_333, %dma_wait3A_334] : memref<10240x80xf32, #tpu.memory_space<hbm>> -> memref<10240x80xf32, #tpu.memory_space<hbm>>
    tpu.wait_indirect_dma semaphore(%arg18 : memref<!tpu.dma_semaphore, #tpu.memory_space<semaphore_mem>>) src(%dma_wait3A_329 : memref<32x80xf32, #tpu.memory_space<vmem>>) dst(%dma_wait3A_335 : memref<10240x80xf32, #tpu.memory_space<hbm>>)
    %dma_wait3A_336 = arith.constant 2 : i32
    %dma_wait3A_337 = arith.constant 64 : i32
    %dma_wait3A_338 = arith.constant 0 : i32
    %dma_wait3A_339 = tpu.memref_slice %arg13[%dma_wait3A_337, %dma_wait3A_338] : memref<320x80xf32, #tpu.memory_space<vmem>> -> memref<32x80xf32, #tpu.memory_space<vmem>>
    %dma_wait3A_340 = arith.constant 0 : i32
    %dma_wait3A_341 = tpu.memref_slice %arg11[%dma_wait3A_336, %dma_wait3A_340] : memref<10x32xi32, #tpu.memory_space<vmem>> -> memref<1x32xi32, #tpu.memory_space<vmem>>
    %dma_wait3A_342 = tpu.memref_squeeze %dma_wait3A_341 : memref<1x32xi32, #tpu.memory_space<vmem>> -> memref<32xi32, #tpu.memory_space<vmem>>
    %dma_wait3A_343 = arith.constant 0 : i32
    %dma_wait3A_344 = arith.constant 0 : i32
    %dma_wait3A_345 = tpu.memref_slice %arg7[%dma_wait3A_343, %dma_wait3A_344] : memref<10240x80xf32, #tpu.memory_space<hbm>> -> memref<10240x80xf32, #tpu.memory_space<hbm>>
    tpu.wait_indirect_dma semaphore(%arg18 : memref<!tpu.dma_semaphore, #tpu.memory_space<semaphore_mem>>) src(%dma_wait3A_339 : memref<32x80xf32, #tpu.memory_space<vmem>>) dst(%dma_wait3A_345 : memref<10240x80xf32, #tpu.memory_space<hbm>>)
    %dma_wait3A_346 = arith.constant 3 : i32
    %dma_wait3A_347 = arith.constant 96 : i32
    %dma_wait3A_348 = arith.constant 0 : i32
    %dma_wait3A_349 = tpu.memref_slice %arg13[%dma_wait3A_347, %dma_wait3A_348] : memref<320x80xf32, #tpu.memory_space<vmem>> -> memref<32x80xf32, #tpu.memory_space<vmem>>
    %dma_wait3A_350 = arith.constant 0 : i32
    %dma_wait3A_351 = tpu.memref_slice %arg11[%dma_wait3A_346, %dma_wait3A_350] : memref<10x32xi32, #tpu.memory_space<vmem>> -> memref<1x32xi32, #tpu.memory_space<vmem>>
    %dma_wait3A_352 = tpu.memref_squeeze %dma_wait3A_351 : memref<1x32xi32, #tpu.memory_space<vmem>> -> memref<32xi32, #tpu.memory_space<vmem>>
    %dma_wait3A_353 = arith.constant 0 : i32
    %dma_wait3A_354 = arith.constant 0 : i32
    %dma_wait3A_355 = tpu.memref_slice %arg7[%dma_wait3A_353, %dma_wait3A_354] : memref<10240x80xf32, #tpu.memory_space<hbm>> -> memref<10240x80xf32, #tpu.memory_space<hbm>>
    tpu.wait_indirect_dma semaphore(%arg18 : memref<!tpu.dma_semaphore, #tpu.memory_space<semaphore_mem>>) src(%dma_wait3A_349 : memref<32x80xf32, #tpu.memory_space<vmem>>) dst(%dma_wait3A_355 : memref<10240x80xf32, #tpu.memory_space<hbm>>)
    %dma_wait3A_356 = arith.constant 4 : i32
    %dma_wait3A_357 = arith.constant 128 : i32
    %dma_wait3A_358 = arith.constant 0 : i32
    %dma_wait3A_359 = tpu.memref_slice %arg13[%dma_wait3A_357, %dma_wait3A_358] : memref<320x80xf32, #tpu.memory_space<vmem>> -> memref<32x80xf32, #tpu.memory_space<vmem>>
    %dma_wait3A_360 = arith.constant 0 : i32
    %dma_wait3A_361 = tpu.memref_slice %arg11[%dma_wait3A_356, %dma_wait3A_360] : memref<10x32xi32, #tpu.memory_space<vmem>> -> memref<1x32xi32, #tpu.memory_space<vmem>>
    %dma_wait3A_362 = tpu.memref_squeeze %dma_wait3A_361 : memref<1x32xi32, #tpu.memory_space<vmem>> -> memref<32xi32, #tpu.memory_space<vmem>>
    %dma_wait3A_363 = arith.constant 0 : i32
    %dma_wait3A_364 = arith.constant 0 : i32
    %dma_wait3A_365 = tpu.memref_slice %arg7[%dma_wait3A_363, %dma_wait3A_364] : memref<10240x80xf32, #tpu.memory_space<hbm>> -> memref<10240x80xf32, #tpu.memory_space<hbm>>
    tpu.wait_indirect_dma semaphore(%arg18 : memref<!tpu.dma_semaphore, #tpu.memory_space<semaphore_mem>>) src(%dma_wait3A_359 : memref<32x80xf32, #tpu.memory_space<vmem>>) dst(%dma_wait3A_365 : memref<10240x80xf32, #tpu.memory_space<hbm>>)
    %dma_wait3A_366 = arith.constant 5 : i32
    %dma_wait3A_367 = arith.constant 160 : i32
    %dma_wait3A_368 = arith.constant 0 : i32
    %dma_wait3A_369 = tpu.memref_slice %arg13[%dma_wait3A_367, %dma_wait3A_368] : memref<320x80xf32, #tpu.memory_space<vmem>> -> memref<32x80xf32, #tpu.memory_space<vmem>>
    %dma_wait3A_370 = arith.constant 0 : i32
    %dma_wait3A_371 = tpu.memref_slice %arg11[%dma_wait3A_366, %dma_wait3A_370] : memref<10x32xi32, #tpu.memory_space<vmem>> -> memref<1x32xi32, #tpu.memory_space<vmem>>
    %dma_wait3A_372 = tpu.memref_squeeze %dma_wait3A_371 : memref<1x32xi32, #tpu.memory_space<vmem>> -> memref<32xi32, #tpu.memory_space<vmem>>
    %dma_wait3A_373 = arith.constant 0 : i32
    %dma_wait3A_374 = arith.constant 0 : i32
    %dma_wait3A_375 = tpu.memref_slice %arg7[%dma_wait3A_373, %dma_wait3A_374] : memref<10240x80xf32, #tpu.memory_space<hbm>> -> memref<10240x80xf32, #tpu.memory_space<hbm>>
    tpu.wait_indirect_dma semaphore(%arg18 : memref<!tpu.dma_semaphore, #tpu.memory_space<semaphore_mem>>) src(%dma_wait3A_369 : memref<32x80xf32, #tpu.memory_space<vmem>>) dst(%dma_wait3A_375 : memref<10240x80xf32, #tpu.memory_space<hbm>>)
    %dma_wait3A_376 = arith.constant 6 : i32
    %dma_wait3A_377 = arith.constant 192 : i32
    %dma_wait3A_378 = arith.constant 0 : i32
    %dma_wait3A_379 = tpu.memref_slice %arg13[%dma_wait3A_377, %dma_wait3A_378] : memref<320x80xf32, #tpu.memory_space<vmem>> -> memref<32x80xf32, #tpu.memory_space<vmem>>
    %dma_wait3A_380 = arith.constant 0 : i32
    %dma_wait3A_381 = tpu.memref_slice %arg11[%dma_wait3A_376, %dma_wait3A_380] : memref<10x32xi32, #tpu.memory_space<vmem>> -> memref<1x32xi32, #tpu.memory_space<vmem>>
    %dma_wait3A_382 = tpu.memref_squeeze %dma_wait3A_381 : memref<1x32xi32, #tpu.memory_space<vmem>> -> memref<32xi32, #tpu.memory_space<vmem>>
    %dma_wait3A_383 = arith.constant 0 : i32
    %dma_wait3A_384 = arith.constant 0 : i32
    %dma_wait3A_385 = tpu.memref_slice %arg7[%dma_wait3A_383, %dma_wait3A_384] : memref<10240x80xf32, #tpu.memory_space<hbm>> -> memref<10240x80xf32, #tpu.memory_space<hbm>>
    tpu.wait_indirect_dma semaphore(%arg18 : memref<!tpu.dma_semaphore, #tpu.memory_space<semaphore_mem>>) src(%dma_wait3A_379 : memref<32x80xf32, #tpu.memory_space<vmem>>) dst(%dma_wait3A_385 : memref<10240x80xf32, #tpu.memory_space<hbm>>)
    %dma_wait3A_386 = arith.constant 7 : i32
    %dma_wait3A_387 = arith.constant 224 : i32
    %dma_wait3A_388 = arith.constant 0 : i32
    %dma_wait3A_389 = tpu.memref_slice %arg13[%dma_wait3A_387, %dma_wait3A_388] : memref<320x80xf32, #tpu.memory_space<vmem>> -> memref<32x80xf32, #tpu.memory_space<vmem>>
    %dma_wait3A_390 = arith.constant 0 : i32
    %dma_wait3A_391 = tpu.memref_slice %arg11[%dma_wait3A_386, %dma_wait3A_390] : memref<10x32xi32, #tpu.memory_space<vmem>> -> memref<1x32xi32, #tpu.memory_space<vmem>>
    %dma_wait3A_392 = tpu.memref_squeeze %dma_wait3A_391 : memref<1x32xi32, #tpu.memory_space<vmem>> -> memref<32xi32, #tpu.memory_space<vmem>>
    %dma_wait3A_393 = arith.constant 0 : i32
    %dma_wait3A_394 = arith.constant 0 : i32
    %dma_wait3A_395 = tpu.memref_slice %arg7[%dma_wait3A_393, %dma_wait3A_394] : memref<10240x80xf32, #tpu.memory_space<hbm>> -> memref<10240x80xf32, #tpu.memory_space<hbm>>
    tpu.wait_indirect_dma semaphore(%arg18 : memref<!tpu.dma_semaphore, #tpu.memory_space<semaphore_mem>>) src(%dma_wait3A_389 : memref<32x80xf32, #tpu.memory_space<vmem>>) dst(%dma_wait3A_395 : memref<10240x80xf32, #tpu.memory_space<hbm>>)
    %dma_wait3A_396 = arith.constant 8 : i32
    %dma_wait3A_397 = arith.constant 256 : i32
    %dma_wait3A_398 = arith.constant 0 : i32
    %dma_wait3A_399 = tpu.memref_slice %arg13[%dma_wait3A_397, %dma_wait3A_398] : memref<320x80xf32, #tpu.memory_space<vmem>> -> memref<32x80xf32, #tpu.memory_space<vmem>>
    %dma_wait3A_400 = arith.constant 0 : i32
    %dma_wait3A_401 = tpu.memref_slice %arg11[%dma_wait3A_396, %dma_wait3A_400] : memref<10x32xi32, #tpu.memory_space<vmem>> -> memref<1x32xi32, #tpu.memory_space<vmem>>
    %dma_wait3A_402 = tpu.memref_squeeze %dma_wait3A_401 : memref<1x32xi32, #tpu.memory_space<vmem>> -> memref<32xi32, #tpu.memory_space<vmem>>
    %dma_wait3A_403 = arith.constant 0 : i32
    %dma_wait3A_404 = arith.constant 0 : i32
    %dma_wait3A_405 = tpu.memref_slice %arg7[%dma_wait3A_403, %dma_wait3A_404] : memref<10240x80xf32, #tpu.memory_space<hbm>> -> memref<10240x80xf32, #tpu.memory_space<hbm>>
    tpu.wait_indirect_dma semaphore(%arg18 : memref<!tpu.dma_semaphore, #tpu.memory_space<semaphore_mem>>) src(%dma_wait3A_399 : memref<32x80xf32, #tpu.memory_space<vmem>>) dst(%dma_wait3A_405 : memref<10240x80xf32, #tpu.memory_space<hbm>>)
    %dma_wait3A_406 = arith.constant 9 : i32
    %dma_wait3A_407 = arith.constant 288 : i32
    %dma_wait3A_408 = arith.constant 0 : i32
    %dma_wait3A_409 = tpu.memref_slice %arg13[%dma_wait3A_407, %dma_wait3A_408] : memref<320x80xf32, #tpu.memory_space<vmem>> -> memref<32x80xf32, #tpu.memory_space<vmem>>
    %dma_wait3A_410 = arith.constant 0 : i32
    %dma_wait3A_411 = tpu.memref_slice %arg11[%dma_wait3A_406, %dma_wait3A_410] : memref<10x32xi32, #tpu.memory_space<vmem>> -> memref<1x32xi32, #tpu.memory_space<vmem>>
    %dma_wait3A_412 = tpu.memref_squeeze %dma_wait3A_411 : memref<1x32xi32, #tpu.memory_space<vmem>> -> memref<32xi32, #tpu.memory_space<vmem>>
    %dma_wait3A_413 = arith.constant 0 : i32
    %dma_wait3A_414 = arith.constant 0 : i32
    %dma_wait3A_415 = tpu.memref_slice %arg7[%dma_wait3A_413, %dma_wait3A_414] : memref<10240x80xf32, #tpu.memory_space<hbm>> -> memref<10240x80xf32, #tpu.memory_space<hbm>>
    tpu.wait_indirect_dma semaphore(%arg18 : memref<!tpu.dma_semaphore, #tpu.memory_space<semaphore_mem>>) src(%dma_wait3A_409 : memref<32x80xf32, #tpu.memory_space<vmem>>) dst(%dma_wait3A_415 : memref<10240x80xf32, #tpu.memory_space<hbm>>)
    return
  }
}

</mosaic_0001>

<sc_bundles>
// kernel: _sc_loop_attr.3.cloned.1.call-start
scs
__scs_entry_jumppad:
0x0: {  	(pc) =	sbr.rel $0x88, $3  }
0x1: {  	(tag) =	ssettag $0x0;
	lr =	simm.s32 $0x1  }
0x2: {  	[smem:$0x3F9C] =	sst lr;
	_ =	strace $0xD0000000  }
0x3: {  	_ = 	snop  }
0x4: {  	_ = 	snop  }
0x5: {  	_ = 	snop  }
0x6: {  	_ = 	snop  }
0x7: {  	_ = 	snop  }
__scs_overlays_trampoline_lowered:
0x8: {  	[smem:$0x3FAB] =	sst s0  }
0x9: {  	[smem:$0x3FAC] =	sst s1  }
0xa: {  	[smem:$0x3FAD] =	sst s2  }
0xb: {  	[smem:$0x3FAE] =	sst s3  }
0xc: {  	[smem:$0x3FAF] =	sst s4  }
0xd: {  	[smem:$0x3FB0] =	sst s5  }
0xe: {  	[smem:$0x3FB1] =	sst s6  }
0xf: {  	[smem:$0x3FB2] =	sst s7  }
0x10: {  	[smem:$0x3FB3] =	sst s8  }
0x11: {  	[smem:$0x3FB4] =	sst s9;
	s0 =	simm.s32 @!p0 $0x0  }
0x12: {  	s1 =	sld [smem:$0x3F9A];
	s0 =	simm.s32 @p0 $0x1  }
0x13: {  	[smem:$0x3FB5] =	sst s0;
	s0 =	simm.s32 @!p1 $0x0  }
0x14: {  	s2 =	sld [smem:$0x3F99];
	s0 =	simm.s32 @p1 $0x1  }
0x15: {  	[smem:$0x3FB6] =	sst s0;
	s0 =	simm.s32 @!p2 $0x0  }
0x16: {  	s3 =	sld [smem:$0x3FDB];
	s0 =	simm.s32 @p2 $0x1  }
0x17: {  	s4 =	simm.s32 $0x1BF5;
	[smem:$0x3FB8] =	sst s0  }
0x18: {  	s0 =	sld [smem:$0x3F9B];
	_ =	swait.ge [sflag:s4], $0x0  }
0x19: {  	s7 =	sld [smem:$0x3F9C]  }
0x1a: {  	s8 =	sadd.s32 $0xFFFFE003, lr  }
0x1b: {  	s9 =	sadd.s32 $0xFFFFFEF7, lr;
	s5 =	simm.s32 $0xFFFFFFFF;
	p2 =	slt.u32 s8, $0xFFFFF086  }
0x1c: {  	p1 =	slt.u32 s9, $0xF7A;
	s5 =	simm.s32 @!p2 $0x0  }
0x1d: {  	s5 =	simm.s32 @p1 $0x1;
	p0 =	seq.s32 s7, s2  }
0x1e: {  	s7 =	smul.u32 @!p0 $0xF7A, s2;
	p2 =	seq.s32 @!p0 s5, $0x0  }
0x1f: {  	s9 =	smul.u32 $0xF7A, s1;
	s8 =	simm.s32 @!p0 $0x1BF5;
	p2 =	por !p2, p0  }
0x20: {  	[sflag:s8] =	ssyncset.s32 @!p0 $0xFFFFF086;
	s6 =	sadd.s32 @!p0 s3, s7;
	s7 =	simm.s32 @!p0 $0x108  }
0x21: {  	s3 =	sadd.s32 s3, s9;
	s6 =	sadd.s32 @!p0 $0x88, s6;
	s7 =	simm.s32 @p2 $0x1082  }
0x22: {  	[simem:s7], [sflag:s8] =	dma.local @!p0 [hbm:s6], $0xF7A  }
0x23: {  	s9 =	sor.u32 $0xD0000000, s2;
	s6 =	simm.s32 $0x108;
	_ =	swait.ge @!p0 [sflag:s8], $0x0  }
0x24: {  	s3 =	sadd.s32 $0x88, s3;
	s6 =	simm.s32 @!p1 $0x1082;
	[sflag:s4] =	ssyncset.s32 $0xFFFFF086  }
0x25: {  	[simem:s6], [sflag:s4] =	dma.local [hbm:s3], $0xF7A  }
0x26: {  	[smem:$0x3F9C] =	sst s1;
	(tag) =	ssettag s2;
	_ =	strace s9  }
0x27: {  	s1 =	sld [smem:$0x3FAC]  }
0x28: {  	s2 =	sld [smem:$0x3FAD]  }
0x29: {  	s4 =	sld [smem:$0x3FAF]  }
0x2a: {  	p0 =	seq.s32 s5, $0x0;
	s5 =	sld [smem:$0x3FB0]  }
0x2b: {  	s6 =	sld [smem:$0x3FB1]  }
0x2c: {  	s7 =	sld [smem:$0x3FB2]  }
0x2d: {  	s3 =	simm.s32 $0x108;
	s8 =	sld [smem:$0x3FB3]  }
0x2e: {  	s3 =	simm.s32 @!p0 $0x1082;
	s9 =	sld [smem:$0x3FB4]  }
0x2f: {  	lr =	sadd.s32 s0, s3;
	s0 =	sld [smem:$0x3FAB]  }
0x30: {  	s3 =	sld [smem:$0x3FAE]  }
0x31: {  	[smem:$0x3FB7] =	sst s10  }
0x32: {  	s10 =	sld [smem:$0x3FB5];
	_ =	sdelay $0x3  }
0x33: {  	p0 =	seq.s32 s10, $0x1;
	s10 =	sld [smem:$0x3FB7];
	_ =	sdelay $0x3  }
0x34: {  	[smem:$0x3FB7] =	sst s10  }
0x35: {  	s10 =	sld [smem:$0x3FB6];
	_ =	sdelay $0x3  }
0x36: {  	p1 =	seq.s32 s10, $0x1;
	s10 =	sld [smem:$0x3FB7];
	_ =	sdelay $0x3  }
0x37: {  	[smem:$0x3FB7] =	sst s10  }
0x38: {  	s10 =	sld [smem:$0x3FB8]  }
0x39: {  	_ = 	snop;
	(pc) =	sbr.ind lr, $3  }
0x3a: {  	_ = 	snop  }
0x3b: {  	_ = 	snop  }
0x3c: {  	p2 =	seq.s32 s10, $0x1;
	s10 =	sld [smem:$0x3FB7]  }
0x3d: {  	_ =	shalt  }
0x3e: {  	_ =	shalt  }
0x3f: {  	_ =	shalt  }
0x40: {  	_ =	shalt  }
0x41: {  	_ =	shalt  }
0x42: {  	_ =	shalt  }
0x43: {  	_ =	shalt  }
0x44: {  	_ =	shalt  }
0x45: {  	_ =	shalt  }
0x46: {  	_ =	shalt  }
0x47: {  	_ =	shalt  }
0x48: {  	_ =	shalt  }
0x49: {  	_ =	shalt  }
0x4a: {  	_ =	shalt  }
0x4b: {  	_ =	shalt  }
0x4c: {  	_ =	shalt  }
0x4d: {  	_ =	shalt  }
0x4e: {  	_ =	shalt  }
0x4f: {  	_ =	shalt  }
0x50: {  	_ =	shalt  }
0x51: {  	_ =	shalt  }
0x52: {  	_ =	shalt  }
0x53: {  	_ =	shalt  }
0x54: {  	_ =	shalt  }
0x55: {  	_ =	shalt  }
0x56: {  	_ =	shalt  }
0x57: {  	_ =	shalt  }
0x58: {  	_ =	shalt  }
0x59: {  	_ =	shalt  }
0x5a: {  	_ =	shalt  }
0x5b: {  	_ =	shalt  }
0x5c: {  	_ =	shalt  }
0x5d: {  	_ =	shalt  }
0x5e: {  	_ =	shalt  }
0x5f: {  	_ =	shalt  }
0x60: {  	_ =	shalt  }
0x61: {  	_ =	shalt  }
0x62: {  	_ =	shalt  }
0x63: {  	_ =	shalt  }
0x64: {  	_ =	shalt  }
0x65: {  	_ =	shalt  }
0x66: {  	_ =	shalt  }
0x67: {  	_ =	shalt  }
0x68: {  	_ =	shalt  }
0x69: {  	_ =	shalt  }
0x6a: {  	_ =	shalt  }
0x6b: {  	_ =	shalt  }
0x6c: {  	_ =	shalt  }
0x6d: {  	_ =	shalt  }
0x6e: {  	_ =	shalt  }
0x6f: {  	_ =	shalt  }
0x70: {  	_ =	shalt  }
0x71: {  	_ =	shalt  }
0x72: {  	_ =	shalt  }
0x73: {  	_ =	shalt  }
0x74: {  	_ =	shalt  }
0x75: {  	_ =	shalt  }
0x76: {  	_ =	shalt  }
0x77: {  	_ =	shalt  }
0x78: {  	_ =	shalt  }
0x79: {  	_ =	shalt  }
0x7a: {  	_ =	shalt  }
0x7b: {  	_ =	shalt  }
0x7c: {  	_ =	shalt  }
0x7d: {  	_ =	shalt  }
0x7e: {  	_ =	shalt  }
0x7f: {  	_ =	shalt  }
0x80: {  	_ =	shalt  }
0x81: {  	_ =	shalt  }
0x82: {  	_ =	shalt  }
0x83: {  	_ =	shalt  }
0x84: {  	_ =	shalt  }
0x85: {  	_ =	shalt  }
0x86: {  	_ =	shalt  }
0x87: {  	_ =	shalt  }
.Lfunc_end0:
.L_simem_size_0:
called_computation_lowered:
.L_overlay_start_0:
0x88: {  	s2 =	sld [smem:$0x3FD9]  }
0x89: {  	s3 =	sld [smem:$0x3FFE];
	_ =	sdelay $0x1  }
0x8a: {  	s1 =	srdreg.scid  }
0x8b: {  	s0 =	sand.u32 $0x1, s1  }
0x8c: {  	s17 =	sshll.u32 s0, $0xA;
	s2 =	sadd.s32 s3, s2  }
0x8d: {  	s2 =	sadd.s32 s2, s17  }
0x8e: {  	[smem:$0x3FC3] =	sst s2  }
0x8f: {  	_ = 	snop  }
0x90: {  	s2 =	sld [smem:$0x3FC8]  }
0x91: {  	s18 =	sld [smem:$0x3FC7]  }
0x92: {  	s4 =	sld [smem:$0x3FC6]  }
0x93: {  	s5 =	sld [smem:$0x3FD0];
	(tm) =	ssettm $0x1  }
0x94: {  	s6 =	sld [smem:$0x3FFB];
	_ =	sdelay $0x3  }
0x95: {  	_ =	strace s6  }
0x96: {  	s6 =	sld [smem:$0x3FFC];
	_ =	sdelay $0x3  }
0x97: {  	_ =	strace s6  }
0x98: {  	s6 =	sld [smem:$0x3FFD];
	_ =	sdelay $0x3  }
0x99: {  	_ =	strace s6  }
0x9a: {  	_ =	strace $0x8FFFFFFF  }
0x9b: {  	s19 =	sld [smem:$0x3FDB];
	_ =	sdelay $0x1  }
0x9c: {  	s7 =	simm.s32 $_scs_section_size  }
0x9d: {  	s8 =	simm.s32 $_size__tile_overlayer_lowered;
	s9 =	simm.s32 $_tile_overlayer_lowered  }
0x9e: {  	s22 =	simm.s32 $0x1BFF;
	s21 =	sshll.u32 s9, $0x1;
	s6 =	sadd.s32 s7, s19  }
0x9f: {  	s10 =	simm.s32 $0x0;
	s20 =	sshll.u32 s8, $0x1;
	s8 =	sadd.s32 s21, s6  }
0xa0: {  	[timem:s10], [sflag:s22] =	dma.local [hbm:s8], s20  }
0xa1: {  	_ =	swait.ge [sflag:s22], s20  }
0xa2: {  	s7 =	ssub.s32 $0x0, s20;
	[sflag:s22] =	ssyncset.done $0x0  }
0xa3: {  	[sflag:s22] =	ssyncadd.s32 s7;
	_ =	sdelay $0x1  }
0xa4: {  	s23 =	simm.s32 $0x1B8B  }
0xa5: {  	_ =	swait.ge [sflag:s23], $0x1  }
0xa6: {  	[sflag:s23] =	ssyncset.done $0x0  }
0xa7: {  	s25 =	simm.s32 $0x1B8E;
	s24 =	sld [smem:$0x3FFE];
	[sflag:s23] =	ssyncadd.s32 $0xFFFFFFFF  }
0xa8: {  	s26 =	simm.s32 $execute0_lowered;
	[smem:$0x3FD2] =	sst s25  }
0xa9: {  	s8 =	sshll.u32 s26, $0x1;
	_ =	strace $0x80000046;
	[dreg:$0x1] =	wrdreg $0xFFFFFFFF  }
0xaa: {  	s28 =	simm.s32 $_size_execute0_lowered;
	s6 =	sadd.s32 s6, s8;
	[dreg:$0x0] =	wrdreg $0x0  }
0xab: {  	s8 =	sshll.u32 s28, $0x1;
	[dreg:$0x2] =	wrdreg s6  }
0xac: {  	[dreg:$0x3] =	wrdreg s8  }
0xad: {  	[dreg:$0x4] =	wrdreg $0xC0  }
0xae: {  	_ =	task [dreg:s10], $0x5FFFF  }
0xaf: {  	[dreg:$0x1] =	wrdreg $0xFFFFFFFF  }
0xb0: {  	[dreg:$0x0] =	wrdreg $0x60  }
0xb1: {  	[dreg:$0x2] =	wrdreg s24  }
0xb2: {  	[dreg:$0x3] =	wrdreg s2  }
0xb3: {  	[dreg:$0x4] =	wrdreg s18  }
0xb4: {  	[dreg:$0x5] =	wrdreg s4  }
0xb5: {  	[dreg:$0x6] =	wrdreg s5  }
0xb6: {  	[dreg:$0x7] =	wrdreg $0x9  }
0xb7: {  	_ =	task.clear_ibuf [dreg:s10], $0x8FFFF;
	_ =	strace $0x90000046  }
0xb8: {  	s29 =	simm.s32 $0x9;
	_ =	strace $0x80000048  }
0xb9: {  	_ =	swait.ge [sflag:s29], $0x1  }
0xba: {  	[sflag:s29] =	ssyncadd.s32 $0xFFFFFFFF  }
0xbb: {  	_ =	strace $0x90000048  }
0xbc: {  	_ =	sfence  }
0xbd: {  	s30 =	sld [smem:$0x0];
	_ =	sdelay $0x2  }
0xbe: {  	s31 =	sshll.u32 s1, $0xD;
	s1 =	sshrl.u32 s1, $0x2  }
0xbf: {  	s3 =	sand.u32 $0x4000, s31;
	s1 =	sadd.s32 s1, s30  }
0xc0: {  	s0 =	sor.u32 s3, s0;
	s1 =	sshll.u32 s1, $0x11  }
0xc1: {  	s0 =	sor.u32 s1, s0  }
0xc2: {  	s0 =	sadd.s32 $0x8F2B, s0  }
0xc3: {  	[sflag:s0] =	ssyncadd.remote.s32 $0x1  }
0xc4: {  	_ =	sfence.sel $0xFFFF  }
0xc5: {  	[dreg:$0x0] =	wrdreg $0xFFFFFFFF;
	(pc) =	sbr.abs _section_cstart, $3  }
0xc6: {  	[dreg:$0x1] =	wrdreg $0xFFFFFFFF  }
0xc7: {  	_ =	task.clear_ibuf [dreg:s10], $0x2FFFF;
	_ =	strace $0x9FFFFFFF  }
0xc8: {  	(tm) =	ssettm $0x7FFFFFFF  }
0xc9: {  	_ =	shalt  }
tec
execute0_lowered:
.L_overlay_start_1:
0x0: {  	(tag) =	ssettag $0x1  }
0x1: {  	s2 =	rddreg [dreg:$0x0]  }
0x2: {  	s0 =	rddreg [dreg:$0x1]  }
0x3: {  	s1 =	rddreg [dreg:$0x2]  }
0x4: {  	s3 =	srdreg.scid;
	s5 =	stileid.u32;
	s6 =	simm.s32 $0x0  }
0x5: {  	s10 =	simm.s32 $0x6;
	s12 =	simm.s32 $0x1;
	s13 =	simm.s32 $0x200  }
0x6: {  	s14 =	simm.s32 $0x100;
	s15 =	simm.s32 $0x570;
	s3 =	sand.u32 $0x1, s3  }
0x7: {  	s16 =	simm.s32 $0x300;
	s17 =	simm.s32 $0x2;
	s4 =	sshll.u32 s3, $0x4  }
0x8: {  	s18 =	simm.s32 $0x4570;
	s19 =	simm.s32 $0x3;
	s4 =	sor.u32 s5, s4  }
0x9: {  	s20 =	simm.s32 $0x8570;
	s3 =	ssub.s32 $0x2, s3;
	s8 =	smul.u32 $0x28, s4  }
.Ltmp0:
0xa: {  	s21 =	simm.s32 $0x4;
	s9 =	sshrl.u32 s3, $0x1;
	(pc) =	sbr.rel .LBB2_1-.Ltmp0, $4  }
0xb: {  	v0 =	vlaneseq.u32;
	v3 =	vimm.f32 $0.0e+00;
	[smem:$0x7FF] =	sst s6;
	s7 =	sadd.s32 $0x299000, s2;
	s3 =	ssub.s32 s3, s9  }
0xc: {  	vm0 =	vmxor vm0, vm0;
	vm1 =	vcmask $0x300;
	v4 =	vor.u32 $0x10, v0;
	s30 =	smul.u32 $0x140, s4;
	s31 =	smax.u32 s3, $0x1;
	s2 =	sadd.s32 s8, s2  }
0xd: {  	v5 =	vor.u32 $0x20, v0;
	v6 =	vor.u32 $0x30, v0;
	v7 =	vor.u32 $0x40, v0;
	_ =	strace $0x80000047;
	[dreg:$0x7] =	wrdreg s31;
	s2 =	sadd.s32 $0x600, s2  }
0xe: {  	v8 =	vsel vm1, $0x3F800000, v3;
	v1 =	vadd.s32 s4, v0;
	s4 =	simm.s32 $0x0;
	s3 =	simm.s32 $0x5;
	v2 =	vmov s30;
	[dreg:$0x6] =	wrdreg s2  }
.LBB2_10:
0xf: {  	_ =	swait.ge [sflag:s19], $0x4000  }
0x10: {  	[sflag:s19] =	ssyncset.done $0x0  }
0x11: {  	[sflag:s19] =	ssyncadd.s32 $0xFFFFC000  }
0x12: {  	_ =	swait.ge [sflag:s17], $0x100  }
0x13: {  	[sflag:s17] =	ssyncset.done $0x0  }
0x14: {  	[sflag:s17] =	ssyncadd.s32 $0xFFFFFF00  }
0x15: {  	_ =	swait.ge [sflag:s17], $0x100  }
0x16: {  	s5 =	simm.s32 $0x430;
	[sflag:s17] =	ssyncset.done $0x0  }
0x17: {  	s10 =	simm.s32 $0x6;
	s2 =	rddreg [dreg:$0x6];
	[sflag:s17] =	ssyncadd.s32 $0xFFFFFF00  }
0x18: {  	[tilespmem:s5], [sflag:$0x6] =	stream.linear.gather [hbm4b:s2+s6], $0x140, $0x38;
	[tilespmem:$0xE970] =	vst v63  }
0x19: {  	_ =	swait.ge [sflag:s10], $0x140  }
0x1a: {  	[sflag:s10] =	ssyncset.done $0x0  }
0x1b: {  	[sflag:s10] =	ssyncadd.s32 $0xFFFFFEC0  }
0x1c: {  	s8 =	simm.s32 $0x20;
	s2 =	rddreg [dreg:$0x4]  }
0x1d: {  	[hbm4b:s2+s8] =	stream.indirect.scatter [tilespmem:s20], [sflag:$0x5], $0x50, s5, s8, $0xb8;
	[tilespmem:$0xE970] =	vst v63  }
0x1e: {  	s24 =	simm.s32 $0x450;
	s9 =	simm.s32 $0x8F70  }
0x1f: {  	[hbm4b:s2+s8] =	stream.indirect.scatter [tilespmem:s9], [sflag:$0x5], $0x50, s24, s8, $0xb8;
	[tilespmem:$0xE970] =	vst v63  }
0x20: {  	s25 =	simm.s32 $0x470;
	s26 =	simm.s32 $0x9970  }
0x21: {  	[hbm4b:s2+s8] =	stream.indirect.scatter [tilespmem:s26], [sflag:$0x5], $0x50, s25, s8, $0xb8;
	[tilespmem:$0xE970] =	vst v63  }
0x22: {  	s28 =	simm.s32 $0x490;
	s29 =	simm.s32 $0xA370  }
0x23: {  	[hbm4b:s2+s8] =	stream.indirect.scatter [tilespmem:s29], [sflag:$0x5], $0x50, s28, s8, $0xb8;
	[tilespmem:$0xE970] =	vst v63  }
0x24: {  	s30 =	simm.s32 $0x4B0;
	s31 =	simm.s32 $0xAD70  }
0x25: {  	[hbm4b:s2+s8] =	stream.indirect.scatter [tilespmem:s31], [sflag:$0x5], $0x50, s30, s8, $0xb8;
	[tilespmem:$0xE970] =	vst v63  }
0x26: {  	s11 =	simm.s32 $0xB770;
	s9 =	simm.s32 $0x4D0  }
0x27: {  	[hbm4b:s2+s8] =	stream.indirect.scatter [tilespmem:s11], [sflag:$0x5], $0x50, s9, s8, $0xb8;
	[tilespmem:$0xE970] =	vst v63  }
0x28: {  	s22 =	simm.s32 $0x4F0;
	s23 =	simm.s32 $0xC170  }
0x29: {  	[hbm4b:s2+s8] =	stream.indirect.scatter [tilespmem:s23], [sflag:$0x5], $0x50, s22, s8, $0xb8;
	[tilespmem:$0xE970] =	vst v63  }
0x2a: {  	s24 =	simm.s32 $0x510;
	s25 =	simm.s32 $0xCB70  }
0x2b: {  	[hbm4b:s2+s8] =	stream.indirect.scatter [tilespmem:s25], [sflag:$0x5], $0x50, s24, s8, $0xb8;
	[tilespmem:$0xE970] =	vst v63  }
0x2c: {  	s26 =	simm.s32 $0x530;
	s28 =	simm.s32 $0xD570  }
0x2d: {  	[hbm4b:s2+s8] =	stream.indirect.scatter [tilespmem:s28], [sflag:$0x5], $0x50, s26, s8, $0xb8;
	[tilespmem:$0xE970] =	vst v63  }
0x2e: {  	s29 =	simm.s32 $0x550;
	s30 =	simm.s32 $0xDF70  }
0x2f: {  	[hbm4b:s2+s8] =	stream.indirect.scatter [tilespmem:s30], [sflag:$0x5], $0x50, s29, s8, $0xb8;
	[tilespmem:$0xE970] =	vst v63  }
0x30: {  	_ =	swait.ge [sflag:s3], $0xA00  }
0x31: {  	[sflag:s3] =	ssyncset.done $0x0  }
0x32: {  	[sflag:s3] =	ssyncadd.s32 $0xFFFFF600  }
0x33: {  	_ =	swait.ge [sflag:s3], $0xA00  }
0x34: {  	[sflag:s3] =	ssyncset.done $0x0  }
0x35: {  	[sflag:s3] =	ssyncadd.s32 $0xFFFFF600  }
0x36: {  	_ =	swait.ge [sflag:s3], $0xA00  }
0x37: {  	[sflag:s3] =	ssyncset.done $0x0  }
0x38: {  	[sflag:s3] =	ssyncadd.s32 $0xFFFFF600  }
0x39: {  	_ =	swait.ge [sflag:s3], $0xA00  }
0x3a: {  	[sflag:s3] =	ssyncset.done $0x0  }
0x3b: {  	[sflag:s3] =	ssyncadd.s32 $0xFFFFF600  }
0x3c: {  	_ =	swait.ge [sflag:s3], $0xA00  }
0x3d: {  	[sflag:s3] =	ssyncset.done $0x0  }
0x3e: {  	[sflag:s3] =	ssyncadd.s32 $0xFFFFF600  }
0x3f: {  	_ =	swait.ge [sflag:s3], $0xA00  }
0x40: {  	[sflag:s3] =	ssyncset.done $0x0  }
0x41: {  	[sflag:s3] =	ssyncadd.s32 $0xFFFFF600  }
0x42: {  	_ =	swait.ge [sflag:s3], $0xA00  }
0x43: {  	[sflag:s3] =	ssyncset.done $0x0  }
0x44: {  	[sflag:s3] =	ssyncadd.s32 $0xFFFFF600  }
0x45: {  	_ =	swait.ge [sflag:s3], $0xA00  }
0x46: {  	[sflag:s3] =	ssyncset.done $0x0  }
0x47: {  	[sflag:s3] =	ssyncadd.s32 $0xFFFFF600  }
0x48: {  	_ =	swait.ge [sflag:s3], $0xA00  }
0x49: {  	[sflag:s3] =	ssyncset.done $0x0  }
0x4a: {  	[sflag:s3] =	ssyncadd.s32 $0xFFFFF600  }
0x4b: {  	_ =	swait.ge [sflag:s3], $0xA00  }
0x4c: {  	s4 =	sadd.s32 $0x1, s4;
	s31 =	rddreg [dreg:$0x7]  }
0x4d: {  	p0 =	sne.s32 s4, s31  }
.Ltmp1:
0x4e: {  	_ = 	snop;
	(pc) =	sbr.rel @!p0 .LBB2_11-.Ltmp1, $3  }
0x4f: {  	_ =	sdelay $0x1  }
0x50: {  	[sflag:s3] =	ssyncset.done $0x0  }
0x51: {  	[sflag:s3] =	ssyncadd.s32 $0xFFFFF600  }
.LBB2_1:
0x52: {  	s8 =	simm.s32 $0x140;
	s2 =	simm.s32 $0x0  }
.LBB2_2:
0x53: {  	p0 =	sne.s32 s8, $0x18EC0;
	[tilespmem:s2+$0x85B0] =	vst v3;
	s9 =	smov.u32 s8;
	s8 =	sadd.s32 $0x140, s8  }
.Ltmp2:
0x54: {  	[tilespmem:s2+$0x85A0] =	vst v3;
	(pc) =	sbr.rel @p0 .LBB2_2-.Ltmp2, $4  }
0x55: {  	[tilespmem:s2+$0x8590] =	vst v3  }
0x56: {  	[tilespmem:s2+$0x8570] =	vst v3  }
0x57: {  	[tilespmem:s2+$0x8580] =	vst v3  }
0x58: {  	s2 =	sshra.s32 s9, $0x2  }
0x59: {  	[tilespmem:s2+$0x85B0] =	vst v3  }
0x5a: {  	[tilespmem:s2+$0x85A0] =	vst v3  }
0x5b: {  	[tilespmem:s2+$0x8590] =	vst v3  }
0x5c: {  	[tilespmem:s2+$0x8570] =	vst v3  }
0x5d: {  	[tilespmem:s2+$0x8580] =	vst v3;
	s24 =	rddreg [dreg:$0x3];
	s5 =	simm.s32 $0x400  }
0x5e: {  	[tilespmem:s5], [sflag:$0x6] =	stream.linear.gather [hbm4b:s24+s6], $0x30, $0x38;
	[tilespmem:$0xE970] =	vst v63  }
0x5f: {  	_ =	swait.ge [sflag:s10], $0x30  }
0x60: {  	[sflag:s10] =	ssyncset.done $0x0  }
0x61: {  	[sflag:s10] =	ssyncadd.s32 $0xFFFFFFD0  }
0x62: {  	v9 =	vld.idx.msk [tilespmem:v1+s5+$0x0], $0xffff;
	_ =	sdelay $0x4  }
0x63: {  	(v2sf) =	vpush v9, $0x0;
	_ =	sdelay $0x6  }
0x64: {  	(v2sf) =	vpush v9, $0x1;
	_ =	sdelay $0x7  }
0x65: {  	s24 =	spop (v2sf)  }
0x66: {  	s25 =	sand.u32 $0x7, s24  }
0x67: {  	s8 =	sshra.s32 s24, $0x1F;
	p0 =	slt.s32 s24, $0x1;
	p1 =	sne.s32 s25, $0x0  }
0x68: {  	s26 =	sshrl.u32 s8, $0x1D;
	p0 =	por !p0, !p1  }
0x69: {  	s8 =	simm.s32 $0x1;
	s2 =	sadd.s32 s26, s24;
	p0 =	por !p0, !p0  }
0x6a: {  	s2 =	sshra.s32 s2, $0x3;
	s8 =	simm.s32 @!p0 $0x0  }
0x6b: {  	s2 =	ssub.s32 s2, s8  }
0x6c: {  	s25 =	spop (v2sf);
	s31 =	sshll.u32 s2, $0x3  }
0x6d: {  	s2 =	sand.u32 $0x1FFFFFFF, s2;
	s29 =	ssub.s32 s25, s31  }
0x6e: {  	s5 =	sadd.s32 s0, s2;
	s8 =	sadd.s32 $0xFF, s29  }
0x6f: {  	[tilespmem:s6], [sflag:$0x1] =	stream.linear.gather [hbm4b:s5+s6], $0x100, $0x38;
	[tilespmem:$0xE970] =	vst v63  }
0x70: {  	s2 =	sadd.s32 s1, s2;
	s30 =	sand.u32 $0xFF, s8  }
0x71: {  	s9 =	sshra.s32 s8, $0x1F;
	p3 =	slt.s32 s8, $0x1;
	p4 =	sne.s32 s30, $0x0  }
0x72: {  	[tilespmem:s13], [sflag:$0x1] =	stream.linear.gather [hbm4b:s2+s6], $0x100, $0x38;
	[tilespmem:$0xE970] =	vst v63  }
0x73: {  	s9 =	sshrl.u32 s9, $0x18;
	s2 =	simm.s32 $0x1;
	p0 =	por !p3, !p4  }
0x74: {  	s8 =	sadd.s32 s9, s8;
	_ =	swait.ge [sflag:s12], $0x100;
	p0 =	por !p0, !p0  }
0x75: {  	s8 =	sshra.s32 s8, $0x8;
	[sflag:s12] =	ssyncset.done $0x0;
	s2 =	simm.s32 @!p0 $0x0  }
0x76: {  	[sflag:s12] =	ssyncadd.s32 $0xFFFFFF00;
	s2 =	ssub.s32 s8, s2  }
0x77: {  	_ =	swait.ge [sflag:s12], $0x100;
	s8 =	sadd.s32 $0x1, s2  }
0x78: {  	[sflag:s12] =	ssyncset.done $0x0;
	s22 =	sand.u32 $0x1, s8  }
0x79: {  	p5 =	slt.s32 s2, $0x0;
	[sflag:s12] =	ssyncadd.s32 $0xFFFFFF00;
	p6 =	seq.s32 s22, $0x1  }
0x7a: {  	[tilespmem:s15], [sflag:$0x3] =	stream.indirect.gather [hbm4b:s7+s14], $0x40, s13, s14, $0xb8;
	[tilespmem:$0xE970] =	vst v63  }
0x7b: {  	s11 =	sshrl.u32 s8, $0x1F;
	p0 =	por !p5, !p6  }
0x7c: {  	s9 =	simm.s32 $0x1;
	s23 =	sadd.s32 s11, s8;
	p0 =	por !p0, !p0  }
0x7d: {  	s2 =	sshra.s32 s23, $0x1;
	s9 =	simm.s32 @!p0 $0x0  }
0x7e: {  	s28 =	ssub.s32 s2, s9  }
0x7f: {  	s26 =	sadd.s32 $0x100, s31;
	p0 =	slt.s32 s28, $0x1  }
.Ltmp3:
0x80: {  	s8 =	sshrl.u32 s26, $0x3;
	(pc) =	sbr.rel @p0 .LBB2_10-.Ltmp3, $4  }
0x81: {  	s29 =	sadd.s32 s0, s8  }
0x82: {  	[tilespmem:s14], [sflag:$0x2] =	stream.linear.gather [hbm4b:s29+s6], $0x100, $0x38;
	[tilespmem:$0xE970] =	vst v63  }
0x83: {  	s30 =	sadd.s32 s1, s8  }
0x84: {  	[tilespmem:s16], [sflag:$0x2] =	stream.linear.gather [hbm4b:s30+s6], $0x100, $0x38;
	[tilespmem:$0xE970] =	vst v63  }
0x85: {  	s29 =	sadd.s32 $0x10F, s31;
	s30 =	simm.s32 $0x0;
	s26 =	smov.u32 s31  }
.LBB2_5:
0x86: {  	_ =	swait.ge [sflag:s17], $0x100  }
0x87: {  	[sflag:s17] =	ssyncset.done $0x0  }
0x88: {  	[sflag:s17] =	ssyncadd.s32 $0xFFFFFF00  }
0x89: {  	_ =	swait.ge [sflag:s17], $0x100  }
0x8a: {  	[sflag:s17] =	ssyncset.done $0x0  }
0x8b: {  	[sflag:s17] =	ssyncadd.s32 $0xFFFFFF00  }
0x8c: {  	[tilespmem:s18], [sflag:$0x4] =	stream.indirect.gather [hbm4b:s7+s14], $0x40, s16, s14, $0xb8;
	[tilespmem:$0xE970] =	vst v63  }
0x8d: {  	s2 =	sshll.u32 s30, $0x9;
	s10 =	simm.s32 $0x200;
	_ =	swait.ge [sflag:s19], $0x4000  }
0x8e: {  	s22 =	simm.s32 $0x770;
	s8 =	simm.s32 $0x0;
	[sflag:s19] =	ssyncset.done $0x0  }
0x8f: {  	s9 =	simm.s32 $0x0;
	s2 =	sadd.s32 s31, s2;
	[sflag:s19] =	ssyncadd.s32 $0xFFFFC000  }
.LBB2_6:
0x90: {  	v10 =	vld [tilespmem:s10+$0x0];
	_ =	sdelay $0x4  }
0x91: {  	(v2sf) =	vpush v10, $0x0;
	_ =	sdelay $0x8  }
0x92: {  	v9 =	vld [tilespmem:s8+$0x0];
	_ =	sdelay $0x4  }
0x93: {  	v9 =	vsub.s32 v9, v2  }
0x94: {  	s11 =	sadd.s32 s9, s26;
	vm1 =	vgt.s32 v9, $0x0;
	s5 =	spop (v2sf)  }
0x95: {  	p0 =	slt.s32 s11, s25;
	v9 =	vnsel vm1, $0x0, v9;
	p1 =	slt.s32 s5, $0x27101  }
0x96: {  	v9 =	vmin.u32 v9, $0x13F;
	p0 =	por !p0, !p1  }
0x97: {  	p3 =	sge.s32 s11, s24;
	v9 =	vmul.u32 $0x50, v9;
	p0 =	por !p0, !p0  }
0x98: {  	p0 =	por !p0, !p3  }
0x99: {  	vm1 =	vmmov vm0;
	v11 =	vbroadcast v9, $0x0;
	p0 =	por !p0, !p0  }
0x9a: {  	vm1 =	vmneg @p0 vm1  }
0x9b: {  	v12 =	vld [tilespmem:s22+$0xFFFFFE00];
	v13 =	vor.u32 v0, v11;
	_ =	sdelay $0x2  }
0x9c: {  	(v2sf) =	vpush v10, $0x1;
	_ =	sdelay $0x1  }
0x9d: {  	[tilespmem:v13+s20+$0x0] =	vst.idx.add.f32.msk vm1, v12  }
0x9e: {  	v46 =	vadd.s32 v4, v11;
	v12 =	vld [tilespmem:s22+$0xFFFFFE10];
	_ =	sdelay $0x4  }
0x9f: {  	[tilespmem:v46+s20+$0x0] =	vst.idx.add.f32.msk vm1, v12  }
0xa0: {  	v47 =	vadd.s32 v5, v11;
	v12 =	vld [tilespmem:s22+$0xFFFFFE20];
	_ =	sdelay $0x4  }
0xa1: {  	[tilespmem:v47+s20+$0x0] =	vst.idx.add.f32.msk vm1, v12  }
0xa2: {  	v48 =	vadd.s32 v6, v11;
	s5 =	sadd.s32 $0x1, s11;
	s23 =	spop (v2sf);
	v12 =	vld [tilespmem:s22+$0xFFFFFE30]  }
0xa3: {  	v11 =	vadd.s32 v7, v11;
	p4 =	slt.s32 s5, s25;
	p5 =	slt.s32 s23, $0x27101  }
0xa4: {  	p0 =	por !p4, !p5  }
0xa5: {  	p6 =	sge.s32 s5, s24;
	p0 =	por !p0, !p0  }
0xa6: {  	p0 =	por !p0, !p6  }
0xa7: {  	vm2 =	vmmov vm0;
	v49 =	vbroadcast v9, $0x1;
	p0 =	por !p0, !p0;
	[tilespmem:v48+s20+$0x0] =	vst.idx.add.f32.msk vm1, v12  }
0xa8: {  	vm2 =	vmneg @p0 vm2;
	[tilespmem:v11+s20+$0x0] =	vst.idx.add.f32.msk vm1, v8  }
0xa9: {  	v50 =	vor.u32 v0, v49;
	v11 =	vld [tilespmem:s22+$0xFFFFFE40];
	_ =	sdelay $0x2  }
0xaa: {  	(v2sf) =	vpush v10, $0x2;
	_ =	sdelay $0x1  }
0xab: {  	[tilespmem:v50+s20+$0x0] =	vst.idx.add.f32.msk vm2, v11  }
0xac: {  	v51 =	vadd.s32 v4, v49;
	v11 =	vld [tilespmem:s22+$0xFFFFFE50];
	_ =	sdelay $0x4  }
0xad: {  	[tilespmem:v51+s20+$0x0] =	vst.idx.add.f32.msk vm2, v11  }
0xae: {  	v52 =	vadd.s32 v5, v49;
	v11 =	vld [tilespmem:s22+$0xFFFFFE60];
	_ =	sdelay $0x4  }
0xaf: {  	[tilespmem:v52+s20+$0x0] =	vst.idx.add.f32.msk vm2, v11  }
0xb0: {  	v53 =	vadd.s32 v6, v49;
	s5 =	sadd.s32 $0x2, s11;
	s23 =	spop (v2sf);
	v11 =	vld [tilespmem:s22+$0xFFFFFE70]  }
0xb1: {  	p1 =	slt.s32 s5, s25;
	v12 =	vadd.s32 v7, v49;
	p2 =	slt.s32 s23, $0x27101  }
0xb2: {  	p0 =	por !p1, !p2  }
0xb3: {  	p3 =	sge.s32 s5, s24;
	p0 =	por !p0, !p0  }
0xb4: {  	p0 =	por !p0, !p3  }
0xb5: {  	vm1 =	vmmov vm0;
	p0 =	por !p0, !p0;
	[tilespmem:v53+s20+$0x0] =	vst.idx.add.f32.msk vm2, v11;
	v11 =	vbroadcast v9, $0x2  }
0xb6: {  	vm1 =	vmneg @p0 vm1;
	[tilespmem:v12+s20+$0x0] =	vst.idx.add.f32.msk vm2, v8  }
0xb7: {  	v12 =	vld [tilespmem:s22+$0xFFFFFE80];
	v54 =	vor.u32 v0, v11;
	_ =	sdelay $0x2  }
0xb8: {  	(v2sf) =	vpush v10, $0x3;
	_ =	sdelay $0x1  }
0xb9: {  	[tilespmem:v54+s20+$0x0] =	vst.idx.add.f32.msk vm1, v12  }
0xba: {  	v55 =	vadd.s32 v4, v11;
	v12 =	vld [tilespmem:s22+$0xFFFFFE90];
	_ =	sdelay $0x4  }
0xbb: {  	[tilespmem:v55+s20+$0x0] =	vst.idx.add.f32.msk vm1, v12  }
0xbc: {  	v56 =	vadd.s32 v5, v11;
	v12 =	vld [tilespmem:s22+$0xFFFFFEA0];
	_ =	sdelay $0x4  }
0xbd: {  	[tilespmem:v56+s20+$0x0] =	vst.idx.add.f32.msk vm1, v12  }
0xbe: {  	s5 =	sadd.s32 $0x3, s11;
	s23 =	spop (v2sf);
	v57 =	vadd.s32 v6, v11;
	v12 =	vld [tilespmem:s22+$0xFFFFFEB0]  }
0xbf: {  	p4 =	slt.s32 s5, s25;
	p5 =	slt.s32 s23, $0x27101;
	v11 =	vadd.s32 v7, v11  }
0xc0: {  	p0 =	por !p4, !p5  }
0xc1: {  	p6 =	sge.s32 s5, s24;
	p0 =	por !p0, !p0  }
0xc2: {  	p0 =	por !p0, !p6  }
0xc3: {  	v58 =	vbroadcast v9, $0x3;
	p0 =	por !p0, !p0;
	vm2 =	vmmov vm0;
	[tilespmem:v57+s20+$0x0] =	vst.idx.add.f32.msk vm1, v12  }
0xc4: {  	vm2 =	vmneg @p0 vm2;
	[tilespmem:v11+s20+$0x0] =	vst.idx.add.f32.msk vm1, v8  }
0xc5: {  	v59 =	vor.u32 v0, v58;
	v11 =	vld [tilespmem:s22+$0xFFFFFEC0];
	_ =	sdelay $0x2  }
0xc6: {  	(v2sf) =	vpush v10, $0x4;
	_ =	sdelay $0x1  }
0xc7: {  	[tilespmem:v59+s20+$0x0] =	vst.idx.add.f32.msk vm2, v11  }
0xc8: {  	v60 =	vadd.s32 v4, v58;
	v11 =	vld [tilespmem:s22+$0xFFFFFED0];
	_ =	sdelay $0x4  }
0xc9: {  	[tilespmem:v60+s20+$0x0] =	vst.idx.add.f32.msk vm2, v11  }
0xca: {  	v61 =	vadd.s32 v5, v58;
	v11 =	vld [tilespmem:s22+$0xFFFFFEE0];
	_ =	sdelay $0x4  }
0xcb: {  	[tilespmem:v61+s20+$0x0] =	vst.idx.add.f32.msk vm2, v11  }
0xcc: {  	v62 =	vadd.s32 v6, v58;
	s5 =	sadd.s32 $0x4, s11;
	s23 =	spop (v2sf);
	v11 =	vld [tilespmem:s22+$0xFFFFFEF0]  }
0xcd: {  	p1 =	slt.s32 s5, s25;
	p2 =	slt.s32 s23, $0x27101;
	v12 =	vadd.s32 v7, v58  }
0xce: {  	p0 =	por !p1, !p2  }
0xcf: {  	p3 =	sge.s32 s5, s24;
	p0 =	por !p0, !p0  }
0xd0: {  	p0 =	por !p0, !p3  }
0xd1: {  	p0 =	por !p0, !p0;
	vm1 =	vmmov vm0;
	[tilespmem:v62+s20+$0x0] =	vst.idx.add.f32.msk vm2, v11;
	v11 =	vbroadcast v9, $0x4  }
0xd2: {  	vm1 =	vmneg @p0 vm1;
	[tilespmem:v12+s20+$0x0] =	vst.idx.add.f32.msk vm2, v8  }
0xd3: {  	v12 =	vld [tilespmem:s22+$0xFFFFFF00];
	v63 =	vor.u32 v0, v11;
	_ =	sdelay $0x2  }
0xd4: {  	(v2sf) =	vpush v10, $0x5;
	_ =	sdelay $0x1  }
0xd5: {  	[tilespmem:v63+s20+$0x0] =	vst.idx.add.f32.msk vm1, v12  }
0xd6: {  	v16 =	vadd.s32 v4, v11;
	v12 =	vld [tilespmem:s22+$0xFFFFFF10];
	_ =	sdelay $0x4  }
0xd7: {  	[tilespmem:v16+s20+$0x0] =	vst.idx.add.f32.msk vm1, v12  }
0xd8: {  	v17 =	vadd.s32 v5, v11;
	v12 =	vld [tilespmem:s22+$0xFFFFFF20];
	_ =	sdelay $0x4  }
0xd9: {  	[tilespmem:v17+s20+$0x0] =	vst.idx.add.f32.msk vm1, v12  }
0xda: {  	s5 =	sadd.s32 $0x5, s11;
	s23 =	spop (v2sf);
	v18 =	vadd.s32 v6, v11;
	v12 =	vld [tilespmem:s22+$0xFFFFFF30]  }
0xdb: {  	p4 =	slt.s32 s5, s25;
	p5 =	slt.s32 s23, $0x27101;
	v11 =	vadd.s32 v7, v11  }
0xdc: {  	p0 =	por !p4, !p5  }
0xdd: {  	p6 =	sge.s32 s5, s24;
	p0 =	por !p0, !p0  }
0xde: {  	p0 =	por !p0, !p6  }
0xdf: {  	v19 =	vbroadcast v9, $0x5;
	p0 =	por !p0, !p0;
	vm2 =	vmmov vm0;
	[tilespmem:v18+s20+$0x0] =	vst.idx.add.f32.msk vm1, v12  }
0xe0: {  	vm2 =	vmneg @p0 vm2;
	[tilespmem:v11+s20+$0x0] =	vst.idx.add.f32.msk vm1, v8  }
0xe1: {  	v20 =	vor.u32 v0, v19;
	v11 =	vld [tilespmem:s22+$0xFFFFFF40];
	_ =	sdelay $0x2  }
0xe2: {  	(v2sf) =	vpush v10, $0x6;
	_ =	sdelay $0x1  }
0xe3: {  	[tilespmem:v20+s20+$0x0] =	vst.idx.add.f32.msk vm2, v11  }
0xe4: {  	v21 =	vadd.s32 v4, v19;
	v11 =	vld [tilespmem:s22+$0xFFFFFF50];
	_ =	sdelay $0x4  }
0xe5: {  	[tilespmem:v21+s20+$0x0] =	vst.idx.add.f32.msk vm2, v11  }
0xe6: {  	v22 =	vadd.s32 v5, v19;
	v11 =	vld [tilespmem:s22+$0xFFFFFF60];
	_ =	sdelay $0x4  }
0xe7: {  	[tilespmem:v22+s20+$0x0] =	vst.idx.add.f32.msk vm2, v11  }
0xe8: {  	v23 =	vadd.s32 v6, v19;
	s5 =	sadd.s32 $0x6, s11;
	s23 =	spop (v2sf);
	v11 =	vld [tilespmem:s22+$0xFFFFFF70]  }
0xe9: {  	p1 =	slt.s32 s5, s25;
	p2 =	slt.s32 s23, $0x27101;
	v12 =	vadd.s32 v7, v19  }
0xea: {  	p0 =	por !p1, !p2  }
0xeb: {  	p3 =	sge.s32 s5, s24;
	p0 =	por !p0, !p0  }
0xec: {  	p0 =	por !p0, !p3  }
0xed: {  	p0 =	por !p0, !p0;
	vm1 =	vmmov vm0;
	[tilespmem:v23+s20+$0x0] =	vst.idx.add.f32.msk vm2, v11;
	v11 =	vbroadcast v9, $0x6  }
0xee: {  	vm1 =	vmneg @p0 vm1;
	[tilespmem:v12+s20+$0x0] =	vst.idx.add.f32.msk vm2, v8  }
0xef: {  	v12 =	vld [tilespmem:s22+$0xFFFFFF80];
	v24 =	vor.u32 v0, v11;
	_ =	sdelay $0x2  }
0xf0: {  	(v2sf) =	vpush v10, $0x7;
	_ =	sdelay $0x1  }
0xf1: {  	[tilespmem:v24+s20+$0x0] =	vst.idx.add.f32.msk vm1, v12  }
0xf2: {  	v25 =	vadd.s32 v4, v11;
	v12 =	vld [tilespmem:s22+$0xFFFFFF90];
	_ =	sdelay $0x4  }
0xf3: {  	[tilespmem:v25+s20+$0x0] =	vst.idx.add.f32.msk vm1, v12  }
0xf4: {  	v26 =	vadd.s32 v5, v11;
	v12 =	vld [tilespmem:s22+$0xFFFFFFA0];
	_ =	sdelay $0x4  }
0xf5: {  	[tilespmem:v26+s20+$0x0] =	vst.idx.add.f32.msk vm1, v12  }
0xf6: {  	s5 =	sadd.s32 $0x7, s11;
	s23 =	spop (v2sf);
	v27 =	vadd.s32 v6, v11;
	v12 =	vld [tilespmem:s22+$0xFFFFFFB0]  }
0xf7: {  	p4 =	slt.s32 s5, s25;
	p5 =	slt.s32 s23, $0x27101;
	v11 =	vadd.s32 v7, v11  }
0xf8: {  	p0 =	por !p4, !p5  }
0xf9: {  	p6 =	sge.s32 s5, s24;
	p0 =	por !p0, !p0  }
0xfa: {  	p0 =	por !p0, !p6  }
0xfb: {  	v28 =	vbroadcast v9, $0x7;
	p0 =	por !p0, !p0;
	vm2 =	vmmov vm0;
	[tilespmem:v27+s20+$0x0] =	vst.idx.add.f32.msk vm1, v12  }
0xfc: {  	vm2 =	vmneg @p0 vm2;
	[tilespmem:v11+s20+$0x0] =	vst.idx.add.f32.msk vm1, v8  }
0xfd: {  	v29 =	vor.u32 v0, v28;
	v11 =	vld [tilespmem:s22+$0xFFFFFFC0];
	_ =	sdelay $0x2  }
0xfe: {  	(v2sf) =	vpush v10, $0x8;
	_ =	sdelay $0x1  }
0xff: {  	[tilespmem:v29+s20+$0x0] =	vst.idx.add.f32.msk vm2, v11  }
0x100: {  	v30 =	vadd.s32 v4, v28;
	v11 =	vld [tilespmem:s22+$0xFFFFFFD0];
	_ =	sdelay $0x4  }
0x101: {  	[tilespmem:v30+s20+$0x0] =	vst.idx.add.f32.msk vm2, v11  }
0x102: {  	v31 =	vadd.s32 v5, v28;
	v11 =	vld [tilespmem:s22+$0xFFFFFFE0];
	_ =	sdelay $0x4  }
0x103: {  	[tilespmem:v31+s20+$0x0] =	vst.idx.add.f32.msk vm2, v11  }
0x104: {  	v32 =	vadd.s32 v6, v28;
	s5 =	sadd.s32 $0x8, s11;
	s23 =	spop (v2sf);
	v11 =	vld [tilespmem:s22+$0xFFFFFFF0]  }
0x105: {  	p1 =	slt.s32 s5, s25;
	p2 =	slt.s32 s23, $0x27101;
	v12 =	vadd.s32 v7, v28  }
0x106: {  	p0 =	por !p1, !p2  }
0x107: {  	p3 =	sge.s32 s5, s24;
	p0 =	por !p0, !p0  }
0x108: {  	p0 =	por !p0, !p3  }
0x109: {  	p0 =	por !p0, !p0;
	vm1 =	vmmov vm0;
	[tilespmem:v32+s20+$0x0] =	vst.idx.add.f32.msk vm2, v11;
	v11 =	vbroadcast v9, $0x8  }
0x10a: {  	vm1 =	vmneg @p0 vm1;
	[tilespmem:v12+s20+$0x0] =	vst.idx.add.f32.msk vm2, v8  }
0x10b: {  	v12 =	vld [tilespmem:s22+$0x0];
	v33 =	vor.u32 v0, v11;
	_ =	sdelay $0x2  }
0x10c: {  	(v2sf) =	vpush v10, $0x9;
	_ =	sdelay $0x1  }
0x10d: {  	[tilespmem:v33+s20+$0x0] =	vst.idx.add.f32.msk vm1, v12  }
0x10e: {  	v34 =	vadd.s32 v4, v11;
	v12 =	vld [tilespmem:s22+$0x10];
	_ =	sdelay $0x4  }
0x10f: {  	[tilespmem:v34+s20+$0x0] =	vst.idx.add.f32.msk vm1, v12  }
0x110: {  	v35 =	vadd.s32 v5, v11;
	v12 =	vld [tilespmem:s22+$0x20];
	_ =	sdelay $0x4  }
0x111: {  	[tilespmem:v35+s20+$0x0] =	vst.idx.add.f32.msk vm1, v12  }
0x112: {  	s5 =	sadd.s32 $0x9, s11;
	s23 =	spop (v2sf);
	v36 =	vadd.s32 v6, v11;
	v12 =	vld [tilespmem:s22+$0x30]  }
0x113: {  	p4 =	slt.s32 s5, s25;
	p5 =	slt.s32 s23, $0x27101;
	v11 =	vadd.s32 v7, v11  }
0x114: {  	p0 =	por !p4, !p5  }
0x115: {  	p6 =	sge.s32 s5, s24;
	p0 =	por !p0, !p0  }
0x116: {  	p0 =	por !p0, !p6  }
0x117: {  	v37 =	vbroadcast v9, $0x9;
	p0 =	por !p0, !p0;
	vm2 =	vmmov vm0;
	[tilespmem:v36+s20+$0x0] =	vst.idx.add.f32.msk vm1, v12  }
0x118: {  	vm2 =	vmneg @p0 vm2;
	[tilespmem:v11+s20+$0x0] =	vst.idx.add.f32.msk vm1, v8  }
0x119: {  	v38 =	vor.u32 v0, v37;
	v11 =	vld [tilespmem:s22+$0x40];
	_ =	sdelay $0x2  }
0x11a: {  	(v2sf) =	vpush v10, $0xA;
	_ =	sdelay $0x1  }
0x11b: {  	[tilespmem:v38+s20+$0x0] =	vst.idx.add.f32.msk vm2, v11  }
0x11c: {  	v39 =	vadd.s32 v4, v37;
	v11 =	vld [tilespmem:s22+$0x50];
	_ =	sdelay $0x4  }
0x11d: {  	[tilespmem:v39+s20+$0x0] =	vst.idx.add.f32.msk vm2, v11  }
0x11e: {  	v40 =	vadd.s32 v5, v37;
	v11 =	vld [tilespmem:s22+$0x60];
	_ =	sdelay $0x4  }
0x11f: {  	[tilespmem:v40+s20+$0x0] =	vst.idx.add.f32.msk vm2, v11  }
0x120: {  	v41 =	vadd.s32 v6, v37;
	s5 =	sadd.s32 $0xA, s11;
	s23 =	spop (v2sf);
	v11 =	vld [tilespmem:s22+$0x70]  }
0x121: {  	p1 =	slt.s32 s5, s25;
	p2 =	slt.s32 s23, $0x27101;
	v12 =	vadd.s32 v7, v37  }
0x122: {  	p0 =	por !p1, !p2  }
0x123: {  	p3 =	sge.s32 s5, s24;
	p0 =	por !p0, !p0  }
0x124: {  	p0 =	por !p0, !p3  }
0x125: {  	p0 =	por !p0, !p0;
	vm1 =	vmmov vm0;
	[tilespmem:v41+s20+$0x0] =	vst.idx.add.f32.msk vm2, v11;
	v11 =	vbroadcast v9, $0xA  }
0x126: {  	vm1 =	vmneg @p0 vm1;
	[tilespmem:v12+s20+$0x0] =	vst.idx.add.f32.msk vm2, v8  }
0x127: {  	v12 =	vld [tilespmem:s22+$0x80];
	v42 =	vor.u32 v0, v11;
	_ =	sdelay $0x2  }
0x128: {  	(v2sf) =	vpush v10, $0xB;
	_ =	sdelay $0x1  }
0x129: {  	[tilespmem:v42+s20+$0x0] =	vst.idx.add.f32.msk vm1, v12  }
0x12a: {  	v43 =	vadd.s32 v4, v11;
	v12 =	vld [tilespmem:s22+$0x90];
	_ =	sdelay $0x4  }
0x12b: {  	[tilespmem:v43+s20+$0x0] =	vst.idx.add.f32.msk vm1, v12  }
0x12c: {  	v44 =	vadd.s32 v5, v11;
	v12 =	vld [tilespmem:s22+$0xA0];
	_ =	sdelay $0x4  }
0x12d: {  	[tilespmem:v44+s20+$0x0] =	vst.idx.add.f32.msk vm1, v12  }
0x12e: {  	s5 =	sadd.s32 $0xB, s11;
	s23 =	spop (v2sf);
	v45 =	vadd.s32 v6, v11;
	v12 =	vld [tilespmem:s22+$0xB0]  }
0x12f: {  	p4 =	slt.s32 s5, s25;
	p5 =	slt.s32 s23, $0x27101;
	v11 =	vadd.s32 v7, v11  }
0x130: {  	p0 =	por !p4, !p5  }
0x131: {  	p6 =	sge.s32 s5, s24;
	p0 =	por !p0, !p0  }
0x132: {  	p0 =	por !p0, !p6  }
0x133: {  	v46 =	vbroadcast v9, $0xB;
	p0 =	por !p0, !p0;
	vm2 =	vmmov vm0;
	[tilespmem:v45+s20+$0x0] =	vst.idx.add.f32.msk vm1, v12  }
0x134: {  	vm2 =	vmneg @p0 vm2;
	[tilespmem:v11+s20+$0x0] =	vst.idx.add.f32.msk vm1, v8  }
0x135: {  	v47 =	vor.u32 v0, v46;
	v11 =	vld [tilespmem:s22+$0xC0];
	_ =	sdelay $0x2  }
0x136: {  	(v2sf) =	vpush v10, $0xC;
	_ =	sdelay $0x1  }
0x137: {  	[tilespmem:v47+s20+$0x0] =	vst.idx.add.f32.msk vm2, v11  }
0x138: {  	v48 =	vadd.s32 v4, v46;
	v11 =	vld [tilespmem:s22+$0xD0];
	_ =	sdelay $0x4  }
0x139: {  	[tilespmem:v48+s20+$0x0] =	vst.idx.add.f32.msk vm2, v11  }
0x13a: {  	v49 =	vadd.s32 v5, v46;
	v11 =	vld [tilespmem:s22+$0xE0];
	_ =	sdelay $0x4  }
0x13b: {  	[tilespmem:v49+s20+$0x0] =	vst.idx.add.f32.msk vm2, v11  }
0x13c: {  	v50 =	vadd.s32 v6, v46;
	s23 =	spop (v2sf);
	s5 =	sadd.s32 $0xC, s11;
	v11 =	vld [tilespmem:s22+$0xF0]  }
0x13d: {  	p1 =	slt.s32 s5, s25;
	p2 =	slt.s32 s23, $0x27101;
	v12 =	vadd.s32 v7, v46  }
0x13e: {  	p0 =	por !p1, !p2  }
0x13f: {  	p3 =	sge.s32 s5, s24;
	p0 =	por !p0, !p0  }
0x140: {  	p0 =	por !p0, !p3  }
0x141: {  	p0 =	por !p0, !p0;
	vm1 =	vmmov vm0;
	[tilespmem:v50+s20+$0x0] =	vst.idx.add.f32.msk vm2, v11;
	v11 =	vbroadcast v9, $0xC  }
0x142: {  	vm1 =	vmneg @p0 vm1;
	[tilespmem:v12+s20+$0x0] =	vst.idx.add.f32.msk vm2, v8  }
0x143: {  	v12 =	vld [tilespmem:s22+$0x100];
	v51 =	vor.u32 v0, v11;
	_ =	sdelay $0x2  }
0x144: {  	(v2sf) =	vpush v10, $0xD;
	_ =	sdelay $0x1  }
0x145: {  	[tilespmem:v51+s20+$0x0] =	vst.idx.add.f32.msk vm1, v12  }
0x146: {  	v52 =	vadd.s32 v4, v11;
	v12 =	vld [tilespmem:s22+$0x110];
	_ =	sdelay $0x4  }
0x147: {  	[tilespmem:v52+s20+$0x0] =	vst.idx.add.f32.msk vm1, v12  }
0x148: {  	v53 =	vadd.s32 v5, v11;
	v12 =	vld [tilespmem:s22+$0x120];
	_ =	sdelay $0x4  }
0x149: {  	[tilespmem:v53+s20+$0x0] =	vst.idx.add.f32.msk vm1, v12  }
0x14a: {  	s23 =	spop (v2sf);
	s5 =	sadd.s32 $0xD, s11;
	v54 =	vadd.s32 v6, v11;
	v12 =	vld [tilespmem:s22+$0x130]  }
0x14b: {  	p4 =	slt.s32 s5, s25;
	p5 =	slt.s32 s23, $0x27101;
	v11 =	vadd.s32 v7, v11  }
0x14c: {  	p0 =	por !p4, !p5  }
0x14d: {  	p6 =	sge.s32 s5, s24;
	p0 =	por !p0, !p0  }
0x14e: {  	p0 =	por !p0, !p6  }
0x14f: {  	v55 =	vbroadcast v9, $0xD;
	p0 =	por !p0, !p0;
	vm2 =	vmmov vm0;
	[tilespmem:v54+s20+$0x0] =	vst.idx.add.f32.msk vm1, v12  }
0x150: {  	vm2 =	vmneg @p0 vm2;
	[tilespmem:v11+s20+$0x0] =	vst.idx.add.f32.msk vm1, v8  }
0x151: {  	v56 =	vor.u32 v0, v55;
	v11 =	vld [tilespmem:s22+$0x140];
	_ =	sdelay $0x2  }
0x152: {  	(v2sf) =	vpush v10, $0xE;
	_ =	sdelay $0x1  }
0x153: {  	[tilespmem:v56+s20+$0x0] =	vst.idx.add.f32.msk vm2, v11  }
0x154: {  	v57 =	vadd.s32 v4, v55;
	v11 =	vld [tilespmem:s22+$0x150];
	_ =	sdelay $0x4  }
0x155: {  	[tilespmem:v57+s20+$0x0] =	vst.idx.add.f32.msk vm2, v11  }
0x156: {  	v58 =	vadd.s32 v5, v55;
	v11 =	vld [tilespmem:s22+$0x160];
	_ =	sdelay $0x4  }
0x157: {  	[tilespmem:v58+s20+$0x0] =	vst.idx.add.f32.msk vm2, v11  }
0x158: {  	v59 =	vadd.s32 v6, v55;
	s23 =	spop (v2sf);
	s5 =	sadd.s32 $0xE, s11;
	v11 =	vld [tilespmem:s22+$0x170]  }
0x159: {  	p1 =	slt.s32 s23, $0x27101;
	p2 =	slt.s32 s5, s25;
	v12 =	vadd.s32 v7, v55  }
0x15a: {  	p0 =	por !p2, !p1  }
0x15b: {  	p3 =	sge.s32 s5, s24;
	p0 =	por !p0, !p0  }
0x15c: {  	p0 =	por !p0, !p3  }
0x15d: {  	p0 =	por !p0, !p0;
	vm1 =	vmmov vm0;
	[tilespmem:v59+s20+$0x0] =	vst.idx.add.f32.msk vm2, v11;
	v11 =	vbroadcast v9, $0xE  }
0x15e: {  	vm1 =	vmneg @p0 vm1;
	[tilespmem:v12+s20+$0x0] =	vst.idx.add.f32.msk vm2, v8  }
0x15f: {  	v12 =	vld [tilespmem:s22+$0x180];
	v60 =	vor.u32 v0, v11;
	_ =	sdelay $0x2  }
0x160: {  	(v2sf) =	vpush v10, $0xF;
	_ =	sdelay $0x1  }
0x161: {  	[tilespmem:v60+s20+$0x0] =	vst.idx.add.f32.msk vm1, v12  }
0x162: {  	v61 =	vadd.s32 v4, v11;
	v10 =	vld [tilespmem:s22+$0x190];
	_ =	sdelay $0x4  }
0x163: {  	[tilespmem:v61+s20+$0x0] =	vst.idx.add.f32.msk vm1, v10  }
0x164: {  	v62 =	vadd.s32 v5, v11;
	v10 =	vld [tilespmem:s22+$0x1A0];
	_ =	sdelay $0x4  }
0x165: {  	[tilespmem:v62+s20+$0x0] =	vst.idx.add.f32.msk vm1, v10  }
0x166: {  	s23 =	spop (v2sf);
	s5 =	sadd.s32 $0xF, s11;
	v63 =	vadd.s32 v6, v11;
	v10 =	vld [tilespmem:s22+$0x1B0]  }
0x167: {  	p4 =	slt.s32 s5, s25;
	p5 =	slt.s32 s23, $0x27101;
	v11 =	vadd.s32 v7, v11  }
0x168: {  	p0 =	por !p4, !p5  }
0x169: {  	p6 =	sge.s32 s5, s24;
	p0 =	por !p0, !p0  }
0x16a: {  	p0 =	por !p0, !p6  }
0x16b: {  	p0 =	por !p0, !p0;
	v9 =	vbroadcast v9, $0xF;
	vm2 =	vmmov vm0;
	[tilespmem:v63+s20+$0x0] =	vst.idx.add.f32.msk vm1, v10  }
0x16c: {  	vm2 =	vmneg @p0 vm2;
	[tilespmem:v11+s20+$0x0] =	vst.idx.add.f32.msk vm1, v8  }
0x16d: {  	v11 =	vor.u32 v0, v9;
	v10 =	vld [tilespmem:s22+$0x1C0];
	_ =	sdelay $0x4  }
0x16e: {  	[tilespmem:v11+s20+$0x0] =	vst.idx.add.f32.msk vm2, v10  }
0x16f: {  	v11 =	vadd.s32 v4, v9;
	v10 =	vld [tilespmem:s22+$0x1D0];
	_ =	sdelay $0x4  }
0x170: {  	[tilespmem:v11+s20+$0x0] =	vst.idx.add.f32.msk vm2, v10  }
0x171: {  	v11 =	vadd.s32 v5, v9;
	v10 =	vld [tilespmem:s22+$0x1E0];
	_ =	sdelay $0x4  }
0x172: {  	[tilespmem:v11+s20+$0x0] =	vst.idx.add.f32.msk vm2, v10  }
0x173: {  	v11 =	vadd.s32 v6, v9;
	v10 =	vld [tilespmem:s22+$0x1F0]  }
0x174: {  	p0 =	sne.s32 s9, $0xF0;
	v9 =	vadd.s32 v7, v9  }
.Ltmp4:
0x175: {  	_ = 	snop;
	(pc) =	sbr.rel @p0 .LBB2_6-.Ltmp4, $3  }
0x176: {  	_ =	sdelay $0x1  }
0x177: {  	s10 =	sadd.s32 $0x10, s10;
	[tilespmem:v11+s20+$0x0] =	vst.idx.add.f32.msk vm2, v10  }
0x178: {  	s8 =	sadd.s32 $0x10, s8;
	s9 =	sadd.s32 $0x10, s9;
	s22 =	sadd.s32 $0x400, s22;
	[tilespmem:v9+s20+$0x0] =	vst.idx.add.f32.msk vm2, v8  }
0x179: {  	s5 =	sadd.s32 $0x200, s2  }
0x17a: {  	s5 =	sshrl.u32 s5, $0x3  }
0x17b: {  	s10 =	simm.s32 $0x0;
	s8 =	sadd.s32 s0, s5  }
0x17c: {  	[tilespmem:s10], [sflag:$0x1] =	stream.linear.gather [hbm4b:s8+s10], $0x100, $0x38;
	[tilespmem:$0xE970] =	vst v63  }
0x17d: {  	s5 =	sadd.s32 s1, s5  }
0x17e: {  	[tilespmem:s13], [sflag:$0x1] =	stream.linear.gather [hbm4b:s5+s10], $0x100, $0x38;
	[tilespmem:$0xE970] =	vst v63  }
0x17f: {  	_ =	swait.ge [sflag:s12], $0x100  }
0x180: {  	[sflag:s12] =	ssyncset.done $0x0  }
0x181: {  	[sflag:s12] =	ssyncadd.s32 $0xFFFFFF00  }
0x182: {  	_ =	swait.ge [sflag:s12], $0x100  }
0x183: {  	[sflag:s12] =	ssyncset.done $0x0  }
0x184: {  	s22 =	simm.s32 $0x100;
	[sflag:s12] =	ssyncadd.s32 $0xFFFFFF00  }
0x185: {  	[tilespmem:s15], [sflag:$0x3] =	stream.indirect.gather [hbm4b:s7+s22], $0x40, s13, s22, $0xb8;
	[tilespmem:$0xE970] =	vst v63  }
0x186: {  	_ =	swait.ge [sflag:s21], $0x4000  }
0x187: {  	[sflag:s21] =	ssyncset.done $0x0  }
0x188: {  	s9 =	smov.u32 s29;
	s8 =	simm.s32 $0x300;
	[sflag:s21] =	ssyncadd.s32 $0xFFFFC000  }
.LBB2_8:
0x189: {  	v10 =	vld [tilespmem:s8+$0x0];
	_ =	sdelay $0x4  }
0x18a: {  	(v2sf) =	vpush v10, $0x0;
	_ =	sdelay $0x8  }
0x18b: {  	v9 =	vld [tilespmem:s22+$0x0];
	_ =	sdelay $0x4  }
0x18c: {  	v9 =	vsub.s32 v9, v2  }
0x18d: {  	s5 =	sadd.s32 $0xFFFFFFF1, s9;
	vm1 =	vgt.s32 v9, $0x0;
	s11 =	spop (v2sf)  }
0x18e: {  	p0 =	slt.s32 s5, s25;
	v9 =	vnsel vm1, $0x0, v9;
	p1 =	slt.s32 s11, $0x27101  }
0x18f: {  	v9 =	vmin.u32 v9, $0x13F;
	p0 =	por !p0, !p1  }
0x190: {  	p3 =	sge.s32 s5, s24;
	v9 =	vmul.u32 $0x50, v9;
	p0 =	por !p0, !p0  }
0x191: {  	p0 =	por !p0, !p3  }
0x192: {  	vm1 =	vmmov vm0;
	v11 =	vbroadcast v9, $0x0;
	p0 =	por !p0, !p0  }
0x193: {  	s11 =	sshra.s32 s10, $0x2;
	vm1 =	vmneg @p0 vm1  }
0x194: {  	v13 =	vor.u32 v0, v11;
	v12 =	vld [tilespmem:s11+$0x4570];
	_ =	sdelay $0x2  }
0x195: {  	(v2sf) =	vpush v10, $0x1;
	_ =	sdelay $0x1  }
0x196: {  	[tilespmem:v13+s20+$0x0] =	vst.idx.add.f32.msk vm1, v12  }
0x197: {  	v46 =	vadd.s32 v4, v11;
	v12 =	vld [tilespmem:s11+$0x4580];
	_ =	sdelay $0x4  }
0x198: {  	[tilespmem:v46+s20+$0x0] =	vst.idx.add.f32.msk vm1, v12  }
0x199: {  	v47 =	vadd.s32 v5, v11;
	v12 =	vld [tilespmem:s11+$0x4590];
	_ =	sdelay $0x4  }
0x19a: {  	[tilespmem:v47+s20+$0x0] =	vst.idx.add.f32.msk vm1, v12  }
0x19b: {  	s5 =	sadd.s32 $0xFFFFFFF2, s9;
	v48 =	vadd.s32 v6, v11;
	s23 =	spop (v2sf);
	v12 =	vld [tilespmem:s11+$0x45A0]  }
0x19c: {  	p4 =	slt.s32 s5, s25;
	v11 =	vadd.s32 v7, v11;
	p5 =	slt.s32 s23, $0x27101  }
0x19d: {  	p0 =	por !p4, !p5  }
0x19e: {  	p6 =	sge.s32 s5, s24;
	p0 =	por !p0, !p0  }
0x19f: {  	p0 =	por !p0, !p6  }
0x1a0: {  	vm2 =	vmmov vm0;
	v49 =	vbroadcast v9, $0x1;
	p0 =	por !p0, !p0;
	[tilespmem:v48+s20+$0x0] =	vst.idx.add.f32.msk vm1, v12  }
0x1a1: {  	vm2 =	vmneg @p0 vm2;
	[tilespmem:v11+s20+$0x0] =	vst.idx.add.f32.msk vm1, v8  }
0x1a2: {  	v50 =	vor.u32 v0, v49;
	v11 =	vld [tilespmem:s11+$0x45B0];
	_ =	sdelay $0x2  }
0x1a3: {  	(v2sf) =	vpush v10, $0x2;
	_ =	sdelay $0x1  }
0x1a4: {  	[tilespmem:v50+s20+$0x0] =	vst.idx.add.f32.msk vm2, v11  }
0x1a5: {  	v51 =	vadd.s32 v4, v49;
	v11 =	vld [tilespmem:s11+$0x45C0];
	_ =	sdelay $0x4  }
0x1a6: {  	[tilespmem:v51+s20+$0x0] =	vst.idx.add.f32.msk vm2, v11  }
0x1a7: {  	v52 =	vadd.s32 v5, v49;
	v11 =	vld [tilespmem:s11+$0x45D0];
	_ =	sdelay $0x4  }
0x1a8: {  	[tilespmem:v52+s20+$0x0] =	vst.idx.add.f32.msk vm2, v11  }
0x1a9: {  	s5 =	sadd.s32 $0xFFFFFFF3, s9;
	v53 =	vadd.s32 v6, v49;
	s23 =	spop (v2sf);
	v11 =	vld [tilespmem:s11+$0x45E0]  }
0x1aa: {  	p1 =	slt.s32 s5, s25;
	v12 =	vadd.s32 v7, v49;
	p2 =	slt.s32 s23, $0x27101  }
0x1ab: {  	p0 =	por !p1, !p2  }
0x1ac: {  	p3 =	sge.s32 s5, s24;
	p0 =	por !p0, !p0  }
0x1ad: {  	p0 =	por !p0, !p3  }
0x1ae: {  	vm1 =	vmmov vm0;
	p0 =	por !p0, !p0;
	[tilespmem:v53+s20+$0x0] =	vst.idx.add.f32.msk vm2, v11;
	v11 =	vbroadcast v9, $0x2  }
0x1af: {  	vm1 =	vmneg @p0 vm1;
	[tilespmem:v12+s20+$0x0] =	vst.idx.add.f32.msk vm2, v8  }
0x1b0: {  	v12 =	vld [tilespmem:s11+$0x45F0];
	v54 =	vor.u32 v0, v11;
	_ =	sdelay $0x2  }
0x1b1: {  	(v2sf) =	vpush v10, $0x3;
	_ =	sdelay $0x1  }
0x1b2: {  	[tilespmem:v54+s20+$0x0] =	vst.idx.add.f32.msk vm1, v12  }
0x1b3: {  	v55 =	vadd.s32 v4, v11;
	v12 =	vld [tilespmem:s11+$0x4600];
	_ =	sdelay $0x4  }
0x1b4: {  	[tilespmem:v55+s20+$0x0] =	vst.idx.add.f32.msk vm1, v12  }
0x1b5: {  	v56 =	vadd.s32 v5, v11;
	v12 =	vld [tilespmem:s11+$0x4610];
	_ =	sdelay $0x4  }
0x1b6: {  	[tilespmem:v56+s20+$0x0] =	vst.idx.add.f32.msk vm1, v12  }
0x1b7: {  	s5 =	sadd.s32 $0xFFFFFFF4, s9;
	s23 =	spop (v2sf);
	v57 =	vadd.s32 v6, v11;
	v12 =	vld [tilespmem:s11+$0x4620]  }
0x1b8: {  	p4 =	slt.s32 s5, s25;
	p5 =	slt.s32 s23, $0x27101;
	v11 =	vadd.s32 v7, v11  }
0x1b9: {  	p0 =	por !p4, !p5  }
0x1ba: {  	p6 =	sge.s32 s5, s24;
	p0 =	por !p0, !p0  }
0x1bb: {  	p0 =	por !p0, !p6  }
0x1bc: {  	v58 =	vbroadcast v9, $0x3;
	p0 =	por !p0, !p0;
	vm2 =	vmmov vm0;
	[tilespmem:v57+s20+$0x0] =	vst.idx.add.f32.msk vm1, v12  }
0x1bd: {  	vm2 =	vmneg @p0 vm2;
	[tilespmem:v11+s20+$0x0] =	vst.idx.add.f32.msk vm1, v8  }
0x1be: {  	v59 =	vor.u32 v0, v58;
	v11 =	vld [tilespmem:s11+$0x4630];
	_ =	sdelay $0x2  }
0x1bf: {  	(v2sf) =	vpush v10, $0x4;
	_ =	sdelay $0x1  }
0x1c0: {  	[tilespmem:v59+s20+$0x0] =	vst.idx.add.f32.msk vm2, v11  }
0x1c1: {  	v60 =	vadd.s32 v4, v58;
	v11 =	vld [tilespmem:s11+$0x4640];
	_ =	sdelay $0x4  }
0x1c2: {  	[tilespmem:v60+s20+$0x0] =	vst.idx.add.f32.msk vm2, v11  }
0x1c3: {  	v61 =	vadd.s32 v5, v58;
	v11 =	vld [tilespmem:s11+$0x4650];
	_ =	sdelay $0x4  }
0x1c4: {  	[tilespmem:v61+s20+$0x0] =	vst.idx.add.f32.msk vm2, v11  }
0x1c5: {  	v62 =	vadd.s32 v6, v58;
	s5 =	sadd.s32 $0xFFFFFFF5, s9;
	s23 =	spop (v2sf);
	v11 =	vld [tilespmem:s11+$0x4660]  }
0x1c6: {  	p1 =	slt.s32 s5, s25;
	p2 =	slt.s32 s23, $0x27101;
	v12 =	vadd.s32 v7, v58  }
0x1c7: {  	p0 =	por !p1, !p2  }
0x1c8: {  	p3 =	sge.s32 s5, s24;
	p0 =	por !p0, !p0  }
0x1c9: {  	p0 =	por !p0, !p3  }
0x1ca: {  	p0 =	por !p0, !p0;
	vm1 =	vmmov vm0;
	[tilespmem:v62+s20+$0x0] =	vst.idx.add.f32.msk vm2, v11;
	v11 =	vbroadcast v9, $0x4  }
0x1cb: {  	vm1 =	vmneg @p0 vm1;
	[tilespmem:v12+s20+$0x0] =	vst.idx.add.f32.msk vm2, v8  }
0x1cc: {  	v12 =	vld [tilespmem:s11+$0x4670];
	v63 =	vor.u32 v0, v11;
	_ =	sdelay $0x2  }
0x1cd: {  	(v2sf) =	vpush v10, $0x5;
	_ =	sdelay $0x1  }
0x1ce: {  	[tilespmem:v63+s20+$0x0] =	vst.idx.add.f32.msk vm1, v12  }
0x1cf: {  	v16 =	vadd.s32 v4, v11;
	v12 =	vld [tilespmem:s11+$0x4680];
	_ =	sdelay $0x4  }
0x1d0: {  	[tilespmem:v16+s20+$0x0] =	vst.idx.add.f32.msk vm1, v12  }
0x1d1: {  	v17 =	vadd.s32 v5, v11;
	v12 =	vld [tilespmem:s11+$0x4690];
	_ =	sdelay $0x4  }
0x1d2: {  	[tilespmem:v17+s20+$0x0] =	vst.idx.add.f32.msk vm1, v12  }
0x1d3: {  	s5 =	sadd.s32 $0xFFFFFFF6, s9;
	s23 =	spop (v2sf);
	v18 =	vadd.s32 v6, v11;
	v12 =	vld [tilespmem:s11+$0x46A0]  }
0x1d4: {  	p4 =	slt.s32 s5, s25;
	p5 =	slt.s32 s23, $0x27101;
	v11 =	vadd.s32 v7, v11  }
0x1d5: {  	p0 =	por !p4, !p5  }
0x1d6: {  	p6 =	sge.s32 s5, s24;
	p0 =	por !p0, !p0  }
0x1d7: {  	p0 =	por !p0, !p6  }
0x1d8: {  	v19 =	vbroadcast v9, $0x5;
	p0 =	por !p0, !p0;
	vm2 =	vmmov vm0;
	[tilespmem:v18+s20+$0x0] =	vst.idx.add.f32.msk vm1, v12  }
0x1d9: {  	vm2 =	vmneg @p0 vm2;
	[tilespmem:v11+s20+$0x0] =	vst.idx.add.f32.msk vm1, v8  }
0x1da: {  	v20 =	vor.u32 v0, v19;
	v11 =	vld [tilespmem:s11+$0x46B0];
	_ =	sdelay $0x2  }
0x1db: {  	(v2sf) =	vpush v10, $0x6;
	_ =	sdelay $0x1  }
0x1dc: {  	[tilespmem:v20+s20+$0x0] =	vst.idx.add.f32.msk vm2, v11  }
0x1dd: {  	v21 =	vadd.s32 v4, v19;
	v11 =	vld [tilespmem:s11+$0x46C0];
	_ =	sdelay $0x4  }
0x1de: {  	[tilespmem:v21+s20+$0x0] =	vst.idx.add.f32.msk vm2, v11  }
0x1df: {  	v22 =	vadd.s32 v5, v19;
	v11 =	vld [tilespmem:s11+$0x46D0];
	_ =	sdelay $0x4  }
0x1e0: {  	[tilespmem:v22+s20+$0x0] =	vst.idx.add.f32.msk vm2, v11  }
0x1e1: {  	v23 =	vadd.s32 v6, v19;
	s5 =	sadd.s32 $0xFFFFFFF7, s9;
	s23 =	spop (v2sf);
	v11 =	vld [tilespmem:s11+$0x46E0]  }
0x1e2: {  	p1 =	slt.s32 s5, s25;
	p2 =	slt.s32 s23, $0x27101;
	v12 =	vadd.s32 v7, v19  }
0x1e3: {  	p0 =	por !p1, !p2  }
0x1e4: {  	p3 =	sge.s32 s5, s24;
	p0 =	por !p0, !p0  }
0x1e5: {  	p0 =	por !p0, !p3  }
0x1e6: {  	p0 =	por !p0, !p0;
	vm1 =	vmmov vm0;
	[tilespmem:v23+s20+$0x0] =	vst.idx.add.f32.msk vm2, v11;
	v11 =	vbroadcast v9, $0x6  }
0x1e7: {  	vm1 =	vmneg @p0 vm1;
	[tilespmem:v12+s20+$0x0] =	vst.idx.add.f32.msk vm2, v8  }
0x1e8: {  	v12 =	vld [tilespmem:s11+$0x46F0];
	v24 =	vor.u32 v0, v11;
	_ =	sdelay $0x2  }
0x1e9: {  	(v2sf) =	vpush v10, $0x7;
	_ =	sdelay $0x1  }
0x1ea: {  	[tilespmem:v24+s20+$0x0] =	vst.idx.add.f32.msk vm1, v12  }
0x1eb: {  	v25 =	vadd.s32 v4, v11;
	v12 =	vld [tilespmem:s11+$0x4700];
	_ =	sdelay $0x4  }
0x1ec: {  	[tilespmem:v25+s20+$0x0] =	vst.idx.add.f32.msk vm1, v12  }
0x1ed: {  	v26 =	vadd.s32 v5, v11;
	v12 =	vld [tilespmem:s11+$0x4710];
	_ =	sdelay $0x4  }
0x1ee: {  	[tilespmem:v26+s20+$0x0] =	vst.idx.add.f32.msk vm1, v12  }
0x1ef: {  	s5 =	sadd.s32 $0xFFFFFFF8, s9;
	s23 =	spop (v2sf);
	v27 =	vadd.s32 v6, v11;
	v12 =	vld [tilespmem:s11+$0x4720]  }
0x1f0: {  	p4 =	slt.s32 s5, s25;
	p5 =	slt.s32 s23, $0x27101;
	v11 =	vadd.s32 v7, v11  }
0x1f1: {  	p0 =	por !p4, !p5  }
0x1f2: {  	p6 =	sge.s32 s5, s24;
	p0 =	por !p0, !p0  }
0x1f3: {  	p0 =	por !p0, !p6  }
0x1f4: {  	v28 =	vbroadcast v9, $0x7;
	p0 =	por !p0, !p0;
	vm2 =	vmmov vm0;
	[tilespmem:v27+s20+$0x0] =	vst.idx.add.f32.msk vm1, v12  }
0x1f5: {  	vm2 =	vmneg @p0 vm2;
	[tilespmem:v11+s20+$0x0] =	vst.idx.add.f32.msk vm1, v8  }
0x1f6: {  	v29 =	vor.u32 v0, v28;
	v11 =	vld [tilespmem:s11+$0x4730];
	_ =	sdelay $0x2  }
0x1f7: {  	(v2sf) =	vpush v10, $0x8;
	_ =	sdelay $0x1  }
0x1f8: {  	[tilespmem:v29+s20+$0x0] =	vst.idx.add.f32.msk vm2, v11  }
0x1f9: {  	v30 =	vadd.s32 v4, v28;
	v11 =	vld [tilespmem:s11+$0x4740];
	_ =	sdelay $0x4  }
0x1fa: {  	[tilespmem:v30+s20+$0x0] =	vst.idx.add.f32.msk vm2, v11  }
0x1fb: {  	v31 =	vadd.s32 v5, v28;
	v11 =	vld [tilespmem:s11+$0x4750];
	_ =	sdelay $0x4  }
0x1fc: {  	[tilespmem:v31+s20+$0x0] =	vst.idx.add.f32.msk vm2, v11  }
0x1fd: {  	v32 =	vadd.s32 v6, v28;
	s5 =	sadd.s32 $0xFFFFFFF9, s9;
	s23 =	spop (v2sf);
	v11 =	vld [tilespmem:s11+$0x4760]  }
0x1fe: {  	p1 =	slt.s32 s5, s25;
	p2 =	slt.s32 s23, $0x27101;
	v12 =	vadd.s32 v7, v28  }
0x1ff: {  	p0 =	por !p1, !p2  }
0x200: {  	p3 =	sge.s32 s5, s24;
	p0 =	por !p0, !p0  }
0x201: {  	p0 =	por !p0, !p3  }
0x202: {  	p0 =	por !p0, !p0;
	vm1 =	vmmov vm0;
	[tilespmem:v32+s20+$0x0] =	vst.idx.add.f32.msk vm2, v11;
	v11 =	vbroadcast v9, $0x8  }
0x203: {  	vm1 =	vmneg @p0 vm1;
	[tilespmem:v12+s20+$0x0] =	vst.idx.add.f32.msk vm2, v8  }
0x204: {  	v12 =	vld [tilespmem:s11+$0x4770];
	v33 =	vor.u32 v0, v11;
	_ =	sdelay $0x2  }
0x205: {  	(v2sf) =	vpush v10, $0x9;
	_ =	sdelay $0x1  }
0x206: {  	[tilespmem:v33+s20+$0x0] =	vst.idx.add.f32.msk vm1, v12  }
0x207: {  	v34 =	vadd.s32 v4, v11;
	v12 =	vld [tilespmem:s11+$0x4780];
	_ =	sdelay $0x4  }
0x208: {  	[tilespmem:v34+s20+$0x0] =	vst.idx.add.f32.msk vm1, v12  }
0x209: {  	v35 =	vadd.s32 v5, v11;
	v12 =	vld [tilespmem:s11+$0x4790];
	_ =	sdelay $0x4  }
0x20a: {  	[tilespmem:v35+s20+$0x0] =	vst.idx.add.f32.msk vm1, v12  }
0x20b: {  	s5 =	sadd.s32 $0xFFFFFFFA, s9;
	s23 =	spop (v2sf);
	v36 =	vadd.s32 v6, v11;
	v12 =	vld [tilespmem:s11+$0x47A0]  }
0x20c: {  	p4 =	slt.s32 s5, s25;
	p5 =	slt.s32 s23, $0x27101;
	v11 =	vadd.s32 v7, v11  }
0x20d: {  	p0 =	por !p4, !p5  }
0x20e: {  	p6 =	sge.s32 s5, s24;
	p0 =	por !p0, !p0  }
0x20f: {  	p0 =	por !p0, !p6  }
0x210: {  	v37 =	vbroadcast v9, $0x9;
	p0 =	por !p0, !p0;
	vm2 =	vmmov vm0;
	[tilespmem:v36+s20+$0x0] =	vst.idx.add.f32.msk vm1, v12  }
0x211: {  	vm2 =	vmneg @p0 vm2;
	[tilespmem:v11+s20+$0x0] =	vst.idx.add.f32.msk vm1, v8  }
0x212: {  	v38 =	vor.u32 v0, v37;
	v11 =	vld [tilespmem:s11+$0x47B0];
	_ =	sdelay $0x2  }
0x213: {  	(v2sf) =	vpush v10, $0xA;
	_ =	sdelay $0x1  }
0x214: {  	[tilespmem:v38+s20+$0x0] =	vst.idx.add.f32.msk vm2, v11  }
0x215: {  	v39 =	vadd.s32 v4, v37;
	v11 =	vld [tilespmem:s11+$0x47C0];
	_ =	sdelay $0x4  }
0x216: {  	[tilespmem:v39+s20+$0x0] =	vst.idx.add.f32.msk vm2, v11  }
0x217: {  	v40 =	vadd.s32 v5, v37;
	v11 =	vld [tilespmem:s11+$0x47D0];
	_ =	sdelay $0x4  }
0x218: {  	[tilespmem:v40+s20+$0x0] =	vst.idx.add.f32.msk vm2, v11  }
0x219: {  	v41 =	vadd.s32 v6, v37;
	s5 =	sadd.s32 $0xFFFFFFFB, s9;
	s23 =	spop (v2sf);
	v11 =	vld [tilespmem:s11+$0x47E0]  }
0x21a: {  	p1 =	slt.s32 s5, s25;
	p2 =	slt.s32 s23, $0x27101;
	v12 =	vadd.s32 v7, v37  }
0x21b: {  	p0 =	por !p1, !p2  }
0x21c: {  	p3 =	sge.s32 s5, s24;
	p0 =	por !p0, !p0  }
0x21d: {  	p0 =	por !p0, !p3  }
0x21e: {  	p0 =	por !p0, !p0;
	vm1 =	vmmov vm0;
	[tilespmem:v41+s20+$0x0] =	vst.idx.add.f32.msk vm2, v11;
	v11 =	vbroadcast v9, $0xA  }
0x21f: {  	vm1 =	vmneg @p0 vm1;
	[tilespmem:v12+s20+$0x0] =	vst.idx.add.f32.msk vm2, v8  }
0x220: {  	v12 =	vld [tilespmem:s11+$0x47F0];
	v42 =	vor.u32 v0, v11;
	_ =	sdelay $0x2  }
0x221: {  	(v2sf) =	vpush v10, $0xB;
	_ =	sdelay $0x1  }
0x222: {  	[tilespmem:v42+s20+$0x0] =	vst.idx.add.f32.msk vm1, v12  }
0x223: {  	v43 =	vadd.s32 v4, v11;
	v12 =	vld [tilespmem:s11+$0x4800];
	_ =	sdelay $0x4  }
0x224: {  	[tilespmem:v43+s20+$0x0] =	vst.idx.add.f32.msk vm1, v12  }
0x225: {  	v44 =	vadd.s32 v5, v11;
	v12 =	vld [tilespmem:s11+$0x4810];
	_ =	sdelay $0x4  }
0x226: {  	[tilespmem:v44+s20+$0x0] =	vst.idx.add.f32.msk vm1, v12  }
0x227: {  	s5 =	sadd.s32 $0xFFFFFFFC, s9;
	s23 =	spop (v2sf);
	v45 =	vadd.s32 v6, v11;
	v12 =	vld [tilespmem:s11+$0x4820]  }
0x228: {  	p4 =	slt.s32 s5, s25;
	p5 =	slt.s32 s23, $0x27101;
	v11 =	vadd.s32 v7, v11  }
0x229: {  	p0 =	por !p4, !p5  }
0x22a: {  	p6 =	sge.s32 s5, s24;
	p0 =	por !p0, !p0  }
0x22b: {  	p0 =	por !p0, !p6  }
0x22c: {  	v46 =	vbroadcast v9, $0xB;
	p0 =	por !p0, !p0;
	vm2 =	vmmov vm0;
	[tilespmem:v45+s20+$0x0] =	vst.idx.add.f32.msk vm1, v12  }
0x22d: {  	vm2 =	vmneg @p0 vm2;
	[tilespmem:v11+s20+$0x0] =	vst.idx.add.f32.msk vm1, v8  }
0x22e: {  	v47 =	vor.u32 v0, v46;
	v11 =	vld [tilespmem:s11+$0x4830];
	_ =	sdelay $0x2  }
0x22f: {  	(v2sf) =	vpush v10, $0xC;
	_ =	sdelay $0x1  }
0x230: {  	[tilespmem:v47+s20+$0x0] =	vst.idx.add.f32.msk vm2, v11  }
0x231: {  	v48 =	vadd.s32 v4, v46;
	v11 =	vld [tilespmem:s11+$0x4840];
	_ =	sdelay $0x4  }
0x232: {  	[tilespmem:v48+s20+$0x0] =	vst.idx.add.f32.msk vm2, v11  }
0x233: {  	v49 =	vadd.s32 v5, v46;
	v11 =	vld [tilespmem:s11+$0x4850];
	_ =	sdelay $0x4  }
0x234: {  	[tilespmem:v49+s20+$0x0] =	vst.idx.add.f32.msk vm2, v11  }
0x235: {  	v50 =	vadd.s32 v6, v46;
	s23 =	spop (v2sf);
	s5 =	sadd.s32 $0xFFFFFFFD, s9;
	v11 =	vld [tilespmem:s11+$0x4860]  }
0x236: {  	p1 =	slt.s32 s5, s25;
	p2 =	slt.s32 s23, $0x27101;
	v12 =	vadd.s32 v7, v46  }
0x237: {  	p0 =	por !p1, !p2  }
0x238: {  	p3 =	sge.s32 s5, s24;
	p0 =	por !p0, !p0  }
0x239: {  	p0 =	por !p0, !p3  }
0x23a: {  	p0 =	por !p0, !p0;
	vm1 =	vmmov vm0;
	[tilespmem:v50+s20+$0x0] =	vst.idx.add.f32.msk vm2, v11;
	v11 =	vbroadcast v9, $0xC  }
0x23b: {  	vm1 =	vmneg @p0 vm1;
	[tilespmem:v12+s20+$0x0] =	vst.idx.add.f32.msk vm2, v8  }
0x23c: {  	v12 =	vld [tilespmem:s11+$0x4870];
	v51 =	vor.u32 v0, v11;
	_ =	sdelay $0x2  }
0x23d: {  	(v2sf) =	vpush v10, $0xD;
	_ =	sdelay $0x1  }
0x23e: {  	[tilespmem:v51+s20+$0x0] =	vst.idx.add.f32.msk vm1, v12  }
0x23f: {  	v52 =	vadd.s32 v4, v11;
	v12 =	vld [tilespmem:s11+$0x4880];
	_ =	sdelay $0x4  }
0x240: {  	[tilespmem:v52+s20+$0x0] =	vst.idx.add.f32.msk vm1, v12  }
0x241: {  	v53 =	vadd.s32 v5, v11;
	v12 =	vld [tilespmem:s11+$0x4890];
	_ =	sdelay $0x4  }
0x242: {  	[tilespmem:v53+s20+$0x0] =	vst.idx.add.f32.msk vm1, v12  }
0x243: {  	s23 =	spop (v2sf);
	s5 =	sadd.s32 $0xFFFFFFFE, s9;
	v54 =	vadd.s32 v6, v11;
	v12 =	vld [tilespmem:s11+$0x48A0]  }
0x244: {  	p4 =	slt.s32 s5, s25;
	p5 =	slt.s32 s23, $0x27101;
	v11 =	vadd.s32 v7, v11  }
0x245: {  	p0 =	por !p4, !p5  }
0x246: {  	p6 =	sge.s32 s5, s24;
	p0 =	por !p0, !p0  }
0x247: {  	p0 =	por !p0, !p6  }
0x248: {  	v55 =	vbroadcast v9, $0xD;
	p0 =	por !p0, !p0;
	vm2 =	vmmov vm0;
	[tilespmem:v54+s20+$0x0] =	vst.idx.add.f32.msk vm1, v12  }
0x249: {  	vm2 =	vmneg @p0 vm2;
	[tilespmem:v11+s20+$0x0] =	vst.idx.add.f32.msk vm1, v8  }
0x24a: {  	v56 =	vor.u32 v0, v55;
	v11 =	vld [tilespmem:s11+$0x48B0];
	_ =	sdelay $0x2  }
0x24b: {  	(v2sf) =	vpush v10, $0xE;
	_ =	sdelay $0x1  }
0x24c: {  	[tilespmem:v56+s20+$0x0] =	vst.idx.add.f32.msk vm2, v11  }
0x24d: {  	v57 =	vadd.s32 v4, v55;
	v11 =	vld [tilespmem:s11+$0x48C0];
	_ =	sdelay $0x4  }
0x24e: {  	[tilespmem:v57+s20+$0x0] =	vst.idx.add.f32.msk vm2, v11  }
0x24f: {  	v58 =	vadd.s32 v5, v55;
	v11 =	vld [tilespmem:s11+$0x48D0];
	_ =	sdelay $0x4  }
0x250: {  	[tilespmem:v58+s20+$0x0] =	vst.idx.add.f32.msk vm2, v11  }
0x251: {  	v59 =	vadd.s32 v6, v55;
	s23 =	spop (v2sf);
	s5 =	sadd.s32 $0xFFFFFFFF, s9;
	v11 =	vld [tilespmem:s11+$0x48E0]  }
0x252: {  	p1 =	slt.s32 s23, $0x27101;
	p2 =	slt.s32 s5, s25;
	v12 =	vadd.s32 v7, v55  }
0x253: {  	p0 =	por !p2, !p1  }
0x254: {  	p3 =	sge.s32 s5, s24;
	p0 =	por !p0, !p0  }
0x255: {  	p0 =	por !p0, !p3  }
0x256: {  	p0 =	por !p0, !p0;
	vm1 =	vmmov vm0;
	[tilespmem:v59+s20+$0x0] =	vst.idx.add.f32.msk vm2, v11;
	v11 =	vbroadcast v9, $0xE  }
0x257: {  	vm1 =	vmneg @p0 vm1;
	[tilespmem:v12+s20+$0x0] =	vst.idx.add.f32.msk vm2, v8  }
0x258: {  	v12 =	vld [tilespmem:s11+$0x48F0];
	v60 =	vor.u32 v0, v11;
	_ =	sdelay $0x2  }
0x259: {  	(v2sf) =	vpush v10, $0xF;
	_ =	sdelay $0x1  }
0x25a: {  	[tilespmem:v60+s20+$0x0] =	vst.idx.add.f32.msk vm1, v12  }
0x25b: {  	v61 =	vadd.s32 v4, v11;
	v10 =	vld [tilespmem:s11+$0x4900];
	_ =	sdelay $0x4  }
0x25c: {  	[tilespmem:v61+s20+$0x0] =	vst.idx.add.f32.msk vm1, v10  }
0x25d: {  	v62 =	vadd.s32 v5, v11;
	v10 =	vld [tilespmem:s11+$0x4910];
	_ =	sdelay $0x4  }
0x25e: {  	[tilespmem:v62+s20+$0x0] =	vst.idx.add.f32.msk vm1, v10  }
0x25f: {  	s23 =	spop (v2sf);
	v63 =	vadd.s32 v6, v11;
	v10 =	vld [tilespmem:s11+$0x4920]  }
0x260: {  	p4 =	slt.s32 s9, s25;
	p5 =	slt.s32 s23, $0x27101;
	v11 =	vadd.s32 v7, v11  }
0x261: {  	p0 =	por !p4, !p5  }
0x262: {  	p6 =	sge.s32 s9, s24;
	p0 =	por !p0, !p0  }
0x263: {  	p0 =	por !p0, !p6  }
0x264: {  	p0 =	por !p0, !p0;
	v9 =	vbroadcast v9, $0xF;
	vm2 =	vmmov vm0;
	[tilespmem:v63+s20+$0x0] =	vst.idx.add.f32.msk vm1, v10  }
0x265: {  	vm2 =	vmneg @p0 vm2;
	[tilespmem:v11+s20+$0x0] =	vst.idx.add.f32.msk vm1, v8  }
0x266: {  	v11 =	vor.u32 v0, v9;
	v10 =	vld [tilespmem:s11+$0x4930];
	_ =	sdelay $0x4  }
0x267: {  	[tilespmem:v11+s20+$0x0] =	vst.idx.add.f32.msk vm2, v10  }
0x268: {  	v11 =	vadd.s32 v4, v9;
	v10 =	vld [tilespmem:s11+$0x4940];
	_ =	sdelay $0x4  }
0x269: {  	[tilespmem:v11+s20+$0x0] =	vst.idx.add.f32.msk vm2, v10  }
0x26a: {  	v11 =	vadd.s32 v5, v9;
	v10 =	vld [tilespmem:s11+$0x4950];
	_ =	sdelay $0x4  }
0x26b: {  	[tilespmem:v11+s20+$0x0] =	vst.idx.add.f32.msk vm2, v10  }
0x26c: {  	v11 =	vadd.s32 v6, v9;
	v10 =	vld [tilespmem:s11+$0x4960]  }
0x26d: {  	p0 =	sne.s32 s10, $0xF000;
	v9 =	vadd.s32 v7, v9  }
.Ltmp5:
0x26e: {  	_ = 	snop;
	(pc) =	sbr.rel @p0 .LBB2_8-.Ltmp5, $3  }
0x26f: {  	_ =	sdelay $0x1  }
0x270: {  	s8 =	sadd.s32 $0x10, s8;
	[tilespmem:v11+s20+$0x0] =	vst.idx.add.f32.msk vm2, v10  }
0x271: {  	s22 =	sadd.s32 $0x10, s22;
	s9 =	sadd.s32 $0x10, s9;
	s10 =	sadd.s32 $0x1000, s10;
	[tilespmem:v9+s20+$0x0] =	vst.idx.add.f32.msk vm2, v8  }
0x272: {  	s30 =	sadd.s32 $0x1, s30  }
0x273: {  	s2 =	sadd.s32 $0x300, s2;
	p0 =	sne.s32 s30, s28  }
.Ltmp6:
0x274: {  	s2 =	sshrl.u32 s2, $0x3;
	(pc) =	sbr.rel @p0 .LBB2_5-.Ltmp6, $4  }
.Ltmp7:
0x275: {  	s5 =	sadd.s32 s0, s2;
	(pc) =	sbr.rel @!p0 .LBB2_10-.Ltmp7, $4  }
0x276: {  	[tilespmem:s14], [sflag:$0x2] =	stream.linear.gather [hbm4b:s5+s6], $0x100, $0x38;
	[tilespmem:$0xE970] =	vst v63  }
0x277: {  	s26 =	sadd.s32 $0x200, s26;
	s29 =	sadd.s32 $0x200, s29;
	s2 =	sadd.s32 s1, s2  }
0x278: {  	[tilespmem:s16], [sflag:$0x2] =	stream.linear.gather [hbm4b:s2+s6], $0x100, $0x38;
	[tilespmem:$0xE970] =	vst v63  }
0x279: {  	_ = 	snop  }
.LBB2_11:
0x27a: {  	_ =	sfence.sel $0x180000  }
0x27b: {  	[bflag:$0x0] =	sbarrier.arrive $0xFFFF  }
0x27c: {  	_ =	strace $0x90000047  }
0x27d: {  	s0 =	stileid.u32;
	[bflag:$0x2] =	sbarrier.arrive $0xFFFF  }
0x27e: {  	p0 =	sne.s32 s0, $0x0;
	s0 =	rddreg [dreg:$0x5]  }
0x27f: {  	s0 =	sadd.s32 @!p0 $0x100000, s0  }
0x280: {  	[sflag:s0] =	ssyncadd.tile.s32 @!p0 $0x1;
	_ =	shalt  }
.Lfunc_end2:
_tile_overlayer_lowered:
.L_overlay_start_2:
0x281: {  	(tag) =	ssettag $0x2  }
0x282: {  	s0 =	rddreg [dreg:$0x0];
	s2 =	stileid.u32  }
0x283: {  	s1 =	rddreg [dreg:$0x1];
	p0 =	sne.s32 s2, $0x0  }
0x284: {  	s3 =	rddreg [dreg:$0x2];
	[bflag:$0x3] =	sbarrier.arrive $0xFFFF;
	s2 =	simm.s32 @!p0 $0x1C06  }
0x285: {  	[timem:s3], [sflag:s2] =	dma.local @!p0 [hbm:s0], s1  }
0x286: {  	s0 =	simm.s32 @!p0 $0x6  }
0x287: {  	_ =	swait.ge @!p0 [sflag:s0], s1  }
0x288: {  	s1 =	ssub.s32 @!p0 $0x0, s1;
	[sflag:s0] =	ssyncset.done @!p0 $0x0  }
0x289: {  	[sflag:s0] =	ssyncadd.s32 @!p0 s1  }
0x28a: {  	[bflag:$0x3] =	sbarrier.arrive $0xFFFF  }
0x28b: {  	_ =	shalt  }

</sc_bundles>
